<compile_context>
chip_gen: v7x
topology: tpu7x:2x2x1
jax: 0.10.2.dev20260603
libtpu: 0.0.44.dev20260713+nightly
codegen_flags: <defaults>
</compile_context>

<pallas_src>
import functools

import jax
import jax.numpy as jnp
from jax import lax
from jax.experimental import pallas as pl
from jax.experimental.pallas import tpu as pltpu
from jax.experimental.pallas import tpu_sc as plsc

N = 10000
F = 128
H = 128
D = 64
G = 64
E = 320000
EPS = 1e-5

NPAD = 10240
ROWS_PER_TILE = NPAD // 16
EPT = E // 32
CW = 64
CHUNKS = 320
EPAD = 16 * CHUNKS * CW


def _mesh():
    return plsc.VectorSubcoreMesh(core_axis_name="c", subcore_axis_name="s")



def _deg_body(dst_hbm, degp_out, idx_v, deg_v, tmp_v, acc_v, slab):
    c = lax.axis_index("c")
    s = lax.axis_index("s")
    wid = s * 2 + c
    zeros16 = jnp.zeros((16,), jnp.float32)
    ones16 = jnp.ones((16,), jnp.float32)

    def zero_deg(i, _):
        deg_v[pl.ds(i * 16, 16)] = zeros16
        return 0
    lax.fori_loop(0, NPAD // 16, zero_deg, 0)

    pltpu.sync_copy(dst_hbm.at[pl.ds(wid * EPT, EPT)], idx_v)

    def hist(i, _):
        idx = idx_v[pl.ds(i * 16, 16)]
        plsc.addupdate_scatter(deg_v, [idx], ones16)
        return 0
    lax.fori_loop(0, EPT // 16, hist, 0)

    pltpu.sync_copy(deg_v, slab.at[s])
    plsc.subcore_barrier()

    def zero_acc(i, _):
        acc_v[pl.ds(i * 16, 16)] = zeros16
        return 0
    lax.fori_loop(0, ROWS_PER_TILE // 16, zero_acc, 0)

    def reduce_row(r, _):
        pltpu.sync_copy(slab.at[r, pl.ds(s * ROWS_PER_TILE, ROWS_PER_TILE)], tmp_v)

        def add(i, _):
            acc_v[pl.ds(i * 16, 16)] = (
                acc_v[pl.ds(i * 16, 16)] + tmp_v[pl.ds(i * 16, 16)])
            return 0
        lax.fori_loop(0, ROWS_PER_TILE // 16, add, 0)
        return 0
    lax.fori_loop(0, 16, reduce_row, 0)

    pltpu.sync_copy(acc_v, degp_out.at[c, pl.ds(s * ROWS_PER_TILE, ROWS_PER_TILE)])


def _deg_call(dst):
    return pl.kernel(
        _deg_body,
        out_type=jax.ShapeDtypeStruct((2, NPAD), jnp.float32),
        mesh=_mesh(),
        compiler_params=pltpu.CompilerParams(needs_layout_passes=False, disable_bounds_checks=True, disable_semaphore_checks=True),
        scratch_types=[
            pltpu.VMEM((EPT,), jnp.int32),
            pltpu.VMEM((NPAD,), jnp.float32),
            pltpu.VMEM((ROWS_PER_TILE,), jnp.float32),
            pltpu.VMEM((ROWS_PER_TILE,), jnp.float32),
            pltpu.VMEM_SHARED((16, NPAD), jnp.float32),
        ],
    )(dst)



_R = 10
_LEAD = 6
_IBLK = 40
_NBLK = CHUNKS // _IBLK
_RINGS = _IBLK // _R


def _agg_body(hs, src2d, dst2d, out, sidx, didx, gbuf, table, acc, gsem, ssem):
    c = lax.axis_index("c")
    s = lax.axis_index("s")
    rows = pl.ds(s * ROWS_PER_TILE, ROWS_PER_TILE)
    tbl_hbm = hs.at[c]
    pltpu.sync_copy(tbl_hbm.at[rows], table.at[rows])
    pltpu.sync_copy(tbl_hbm.at[rows], acc.at[rows])
    plsc.subcore_barrier()

    def gather(j, slot, src):
        pltpu.async_copy(src.at[sidx.at[j]], gbuf.at[slot], gsem.at[slot])

    def wait_gather(j, slot, src):
        pltpu.make_async_copy(src.at[sidx.at[j]], gbuf.at[slot],
                              gsem.at[slot]).wait()

    def scatter(j, slot):
        pltpu.async_copy(gbuf.at[slot], acc.at[didx.at[j]], ssem.at[slot],
                         add=True)

    def wait_scatter(j, slot):
        pltpu.make_async_copy(gbuf.at[slot], acc.at[didx.at[j]],
                              ssem.at[slot]).wait()

    def block(blk, _):
        base_rows = s * CHUNKS + blk * _IBLK
        pltpu.sync_copy(src2d.at[pl.ds(base_rows, _IBLK)], sidx)
        pltpu.sync_copy(dst2d.at[pl.ds(base_rows, _IBLK)], didx)
        for r in range(_LEAD):
            gather(r, r, table)

        def ring(q, _):
            base = q * _R
            for r in range(_R):
                j = base + r
                wait_gather(j, r, table)
                scatter(j, r)

                @pl.when(j >= _R - _LEAD)
                def _():
                    wait_scatter(j - (_R - _LEAD), (r - (_R - _LEAD)) % _R)

                @pl.when(j + _LEAD < _IBLK)
                def _():
                    gather(j + _LEAD, (r + _LEAD) % _R, table)
            return 0
        lax.fori_loop(0, _RINGS, ring, 0)
        for t in range(_R - _LEAD):
            wait_scatter(_IBLK - (_R - _LEAD) + t, (_IBLK - (_R - _LEAD) + t) % _R)
        return 0
    lax.fori_loop(0, _NBLK, block, 0)

    plsc.subcore_barrier()
    pltpu.sync_copy(acc.at[rows], out.at[c, rows])


def _agg_call(hs, src2d, dst2d, w):
    return pl.kernel(
        _agg_body,
        out_type=jax.ShapeDtypeStruct((2, NPAD, w), jnp.float32),
        mesh=_mesh(),
        compiler_params=pltpu.CompilerParams(use_tc_tiling_on_sc=False, disable_bounds_checks=True, disable_semaphore_checks=True),
        scratch_types=[
            pltpu.VMEM((_IBLK, CW), jnp.int32),
            pltpu.VMEM((_IBLK, CW), jnp.int32),
            pltpu.VMEM((_R, CW, w), jnp.float32),
            pltpu.VMEM_SHARED((NPAD, w), jnp.float32),
            pltpu.VMEM_SHARED((NPAD, w), jnp.float32),
            pltpu.SemaphoreType.DMA((_R,)),
            pltpu.SemaphoreType.DMA((_R,)),
        ],
    )(hs, src2d, dst2d)



def _split_pad(h):
    half = h.shape[1] // 2
    hp = jnp.concatenate(
        [h, jnp.zeros((NPAD - N, h.shape[1]), jnp.float32)], axis=0)
    return jnp.stack([hp[:, :half], hp[:, half:]])


def _k1_body(x_ref, w_ref, degp_ref, hs_out, dinv_out):
    deg = degp_ref[0] + degp_ref[1] + 1.0
    dinv = lax.rsqrt(deg)
    dinv_out[...] = dinv
    h = jnp.dot(x_ref[...], w_ref[...], preferred_element_type=jnp.float32)
    hs_out[...] = _split_pad(h * dinv[:N, None])


def _k1_call(x, W1, degp):
    return pl.pallas_call(
        _k1_body,
        out_shape=(
            jax.ShapeDtypeStruct((2, NPAD, H // 2), jnp.float32),
            jax.ShapeDtypeStruct((NPAD,), jnp.float32),
        ),
    )(x, W1, degp)


def _bn_mm_body(aggs_ref, dinv_ref, b_ref, g_ref, be_ref, w_ref, hs_out):
    dinv = dinv_ref[...][:N, None]
    a = jnp.concatenate([aggs_ref[0], aggs_ref[1]], axis=1)[:N]
    a = a * dinv + b_ref[...]
    m = jnp.mean(a, axis=0)
    v = jnp.mean((a - m) ** 2, axis=0)
    y = g_ref[...] * (a - m) * lax.rsqrt(v + EPS) + be_ref[...]
    y = jnp.maximum(y, 0.0)
    h = jnp.dot(y, w_ref[...], preferred_element_type=jnp.float32)
    hs_out[...] = _split_pad(h * dinv)


def _bn_mm_call(aggs, dinv, b, g, be, W):
    w_out = W.shape[1]
    return pl.pallas_call(
        _bn_mm_body,
        out_shape=jax.ShapeDtypeStruct((2, NPAD, w_out // 2), jnp.float32),
    )(aggs, dinv, b, g, be, W)


def _final_body(aggs_ref, dinv_ref, b_ref, g_ref, be_ref, batch_ref, out_ref):
    a = jnp.concatenate([aggs_ref[0], aggs_ref[1]], axis=1)[:N]
    a = a * dinv_ref[...][:N, None] + b_ref[...]
    m = jnp.mean(a, axis=0)
    v = jnp.mean((a - m) ** 2, axis=0)
    y = g_ref[...] * (a - m) * lax.rsqrt(v + EPS) + be_ref[...]
    gids = lax.broadcasted_iota(jnp.int32, (G, N), 0)
    onehot = (gids == batch_ref[...][None, :]).astype(jnp.float32)
    sums = jnp.dot(onehot, y, preferred_element_type=jnp.float32)
    cnt = jnp.sum(onehot, axis=1, keepdims=True)
    mean = sums / jnp.maximum(cnt, 1.0)
    nrm = jnp.sqrt(jnp.sum(mean * mean, axis=1, keepdims=True))
    out_ref[...] = mean / jnp.maximum(nrm, 1e-12)


def _final_call(aggs, dinv, b, g, be, batch):
    return pl.pallas_call(
        _final_body,
        out_shape=jax.ShapeDtypeStruct((G, D), jnp.float32),
    )(aggs, dinv, b, g, be, batch)



def kernel(x, edge_index, batch, W1, b1, W2, b2, W3, b3,
           g1, be1, g2, be2, g3, be3):
    src = edge_index[0].astype(jnp.int32)
    dst = edge_index[1].astype(jnp.int32)
    pad = EPAD - E
    src2d = jnp.concatenate([src, jnp.zeros((pad,), jnp.int32)]).reshape(-1, CW)
    dst2d = jnp.concatenate([dst, jnp.full((pad,), N, jnp.int32)]).reshape(-1, CW)

    degp = _deg_call(dst)
    hs1, dinv = _k1_call(x, W1, degp)
    agg1 = _agg_call(hs1, src2d, dst2d, H // 2)
    hs2 = _bn_mm_call(agg1, dinv, b1, g1, be1, W2)
    agg2 = _agg_call(hs2, src2d, dst2d, H // 2)
    hs3 = _bn_mm_call(agg2, dinv, b2, g2, be2, W3)
    agg3 = _agg_call(hs3, src2d, dst2d, D // 2)
    return _final_call(agg3, dinv, b3, g3, be3, batch)

# --- scband reference (transcript-rebuilt; emitter-appended) ---
"""Pipeline reference for scband-molecular-gnn-45595372814708 (READ-ONLY COPY).

The authoritative reference and input builder live on the scoring server;
editing this copy changes nothing except your own understanding.
"""

import jax, jax.numpy as jnp
import numpy as np

N = 10000
E = 320000
F = 128
H = 128
D = 64
G = 64
EPS = 1e-5

def _gcn_conv(x, src, dst, W, b):
    h = x @ W
    deg = jnp.zeros((N,), h.dtype).at[dst].add(1.0)
    dinv = jax.lax.rsqrt(deg)
    norm = dinv[src] * dinv[dst]
    msg = h[src] * norm[:, None]
    out = jax.ops.segment_sum(msg, dst, num_segments=N)
    return out + b

def _batch_norm(x, g, b):
    m = jnp.mean(x, axis=0)
    v = jnp.mean((x - m) ** 2, axis=0)
    return g * (x - m) * jax.lax.rsqrt(v + EPS) + b

def setup_inputs(seed: int = 0):
    key = jax.random.key(seed)
    ks = jax.random.split(key, 10)
    x = jax.random.normal(ks[0], (N, F), dtype=jnp.float32)
    edge_index = jax.random.randint(ks[1], (2, E), 0, N)
    batch = jnp.sort(jax.random.randint(ks[2], (N,), 0, G))
    W1 = jax.random.normal(ks[3], (F, H), dtype=jnp.float32) / np.sqrt(F)
    b1 = jnp.zeros((H,), jnp.float32)
    W2 = jax.random.normal(ks[4], (H, H), dtype=jnp.float32) / np.sqrt(H)
    b2 = jnp.zeros((H,), jnp.float32)
    W3 = jax.random.normal(ks[5], (H, D), dtype=jnp.float32) / np.sqrt(H)
    b3 = jnp.zeros((D,), jnp.float32)
    g1 = jnp.ones((H,), jnp.float32); be1 = jnp.zeros((H,), jnp.float32)
    g2 = jnp.ones((H,), jnp.float32); be2 = jnp.zeros((H,), jnp.float32)
    g3 = jnp.ones((D,), jnp.float32); be3 = jnp.zeros((D,), jnp.float32)
    return {"x": x, "edge_index": edge_index, "batch": batch, "W1": W1, "b1": b1, "W2": W2, "b2": b2, "W3": W3, "b3": b3, "g1": g1, "be1": be1, "g2": g2, "be2": be2, "g3": g3, "be3": be3}

def reference(x, edge_index, batch, W1, b1, W2, b2, W3, b3, g1, be1, g2, be2, g3, be3):
    loop = jnp.arange(N, dtype=edge_index.dtype)
    src = jnp.concatenate([edge_index[0], loop])
    dst = jnp.concatenate([edge_index[1], loop])
    h = _gcn_conv(x, src, dst, W1, b1)
    h = _batch_norm(h, g1, be1)
    h = jax.nn.relu(h)
    h = _gcn_conv(h, src, dst, W2, b2)
    h = _batch_norm(h, g2, be2)
    h = jax.nn.relu(h)
    h = _gcn_conv(h, src, dst, W3, b3)
    h = _batch_norm(h, g3, be3)
    sums = jax.ops.segment_sum(h, batch, num_segments=G)
    cnt = jax.ops.segment_sum(jnp.ones((N,), h.dtype), batch, num_segments=G)
    mean = sums / jnp.maximum(cnt, 1.0)[:, None]
    nrm = jnp.sqrt(jnp.sum(mean * mean, axis=1, keepdims=True))
    return mean / jnp.maximum(nrm, 1e-12)

if __name__ == "__main__":
    import jax
    _d = setup_inputs()
    print(jax.jit(kernel)(*tuple(_d.values())))

</pallas_src>

<mosaic_0001>
#map = affine_map<(d0, d1) -> (0, 0, 0)>
#map1 = affine_map<(d0, d1) -> (0, 0)>
module attributes {stable_mosaic.version = 14 : i64} {
  func.func @_agg_body(%arg0: i32, %arg1: i32, %arg2: memref<2x10240x64xf32, #tpu.memory_space<hbm>>, %arg3: memref<5120x64xi32, #tpu.memory_space<hbm>>, %arg4: memref<5120x64xi32, #tpu.memory_space<hbm>>, %arg5: memref<2x10240x64xf32, #tpu.memory_space<hbm>>, %arg6: memref<40x64xi32, #tpu.memory_space<vmem>>, %arg7: memref<40x64xi32, #tpu.memory_space<vmem>>, %arg8: memref<10x64x64xf32, #tpu.memory_space<vmem>>, %arg9: memref<10240x64xf32, #tpu.memory_space<vmem_shared>>, %arg10: memref<10240x64xf32, #tpu.memory_space<vmem_shared>>, %arg11: memref<10x!tpu.dma_semaphore, #tpu.memory_space<semaphore_mem>>, %arg12: memref<10x!tpu.dma_semaphore, #tpu.memory_space<semaphore_mem>>) attributes {dimension_semantics = [#tpu.dimension_semantics<core_parallel>, #tpu.dimension_semantics<subcore_parallel>], iteration_bounds = array<i64: 2, 16>, scalar_prefetch = 0 : i64, scratch_operands = 7 : i64, tpu.core_type = #tpu.core_type<sc_vector_subcore>, window_params = [{transform_indices = #map}, {transform_indices = #map1}, {transform_indices = #map1}, {transform_indices = #map}]} {
    %mul3A = arith.constant 640 : i32
    %mul3A_0 = arith.muli %arg1, %mul3A : i32
    "tpu.region"() ({
      %run_scoped3A = tpu.sem_alloc : memref<!tpu.dma_semaphore, #tpu.memory_space<semaphore_mem>>
      %dma_start3A = arith.constant 0 : i32
      %dma_start3A_8 = tpu.memref_slice %arg9[%mul3A_0, %dma_start3A] : memref<10240x64xf32, #tpu.memory_space<vmem_shared>> -> memref<640x64xf32, #tpu.memory_space<vmem_shared>>
      %dma_start3A_9 = arith.constant 0 : i32
      %dma_start3A_10 = arith.constant 0 : i32
      %dma_start3A_11 = tpu.memref_slice %arg2[%arg0, %dma_start3A_9, %dma_start3A_10] : memref<2x10240x64xf32, #tpu.memory_space<hbm>> -> memref<1x10240x64xf32, #tpu.memory_space<hbm>>
      %dma_start3A_12 = tpu.memref_squeeze %dma_start3A_11 : memref<1x10240x64xf32, #tpu.memory_space<hbm>> -> memref<10240x64xf32, #tpu.memory_space<hbm>>
      %dma_start3A_13 = arith.constant 0 : i32
      %dma_start3A_14 = tpu.memref_slice %dma_start3A_12[%mul3A_0, %dma_start3A_13] : memref<10240x64xf32, #tpu.memory_space<hbm>> -> memref<640x64xf32, #tpu.memory_space<hbm>>
      tpu.enqueue_dma source(%dma_start3A_14 : memref<640x64xf32, #tpu.memory_space<hbm>>) target(%dma_start3A_8 : memref<640x64xf32, #tpu.memory_space<vmem_shared>>) target_semaphore(%run_scoped3A : memref<!tpu.dma_semaphore, #tpu.memory_space<semaphore_mem>>)
      %dma_wait3A = arith.constant 0 : i32
      %dma_wait3A_15 = tpu.memref_slice %arg9[%mul3A_0, %dma_wait3A] : memref<10240x64xf32, #tpu.memory_space<vmem_shared>> -> memref<640x64xf32, #tpu.memory_space<vmem_shared>>
      %dma_wait3A_16 = arith.constant 0 : i32
      %dma_wait3A_17 = arith.constant 0 : i32
      %dma_wait3A_18 = tpu.memref_slice %arg2[%arg0, %dma_wait3A_16, %dma_wait3A_17] : memref<2x10240x64xf32, #tpu.memory_space<hbm>> -> memref<1x10240x64xf32, #tpu.memory_space<hbm>>
      %dma_wait3A_19 = tpu.memref_squeeze %dma_wait3A_18 : memref<1x10240x64xf32, #tpu.memory_space<hbm>> -> memref<10240x64xf32, #tpu.memory_space<hbm>>
      %dma_wait3A_20 = arith.constant 0 : i32
      %dma_wait3A_21 = tpu.memref_slice %dma_wait3A_19[%mul3A_0, %dma_wait3A_20] : memref<10240x64xf32, #tpu.memory_space<hbm>> -> memref<640x64xf32, #tpu.memory_space<hbm>>
      tpu.wait_dma2 semaphore(%run_scoped3A : memref<!tpu.dma_semaphore, #tpu.memory_space<semaphore_mem>>) src(%dma_wait3A_21 : memref<640x64xf32, #tpu.memory_space<hbm>>) dst(%dma_wait3A_15 : memref<640x64xf32, #tpu.memory_space<vmem_shared>>)
      tpu.yield
    }) : () -> ()
    "tpu.region"() ({
      %run_scoped3A = tpu.sem_alloc : memref<!tpu.dma_semaphore, #tpu.memory_space<semaphore_mem>>
      %dma_start3A = arith.constant 0 : i32
      %dma_start3A_8 = tpu.memref_slice %arg10[%mul3A_0, %dma_start3A] : memref<10240x64xf32, #tpu.memory_space<vmem_shared>> -> memref<640x64xf32, #tpu.memory_space<vmem_shared>>
      %dma_start3A_9 = arith.constant 0 : i32
      %dma_start3A_10 = arith.constant 0 : i32
      %dma_start3A_11 = tpu.memref_slice %arg2[%arg0, %dma_start3A_9, %dma_start3A_10] : memref<2x10240x64xf32, #tpu.memory_space<hbm>> -> memref<1x10240x64xf32, #tpu.memory_space<hbm>>
      %dma_start3A_12 = tpu.memref_squeeze %dma_start3A_11 : memref<1x10240x64xf32, #tpu.memory_space<hbm>> -> memref<10240x64xf32, #tpu.memory_space<hbm>>
      %dma_start3A_13 = arith.constant 0 : i32
      %dma_start3A_14 = tpu.memref_slice %dma_start3A_12[%mul3A_0, %dma_start3A_13] : memref<10240x64xf32, #tpu.memory_space<hbm>> -> memref<640x64xf32, #tpu.memory_space<hbm>>
      tpu.enqueue_dma source(%dma_start3A_14 : memref<640x64xf32, #tpu.memory_space<hbm>>) target(%dma_start3A_8 : memref<640x64xf32, #tpu.memory_space<vmem_shared>>) target_semaphore(%run_scoped3A : memref<!tpu.dma_semaphore, #tpu.memory_space<semaphore_mem>>)
      %dma_wait3A = arith.constant 0 : i32
      %dma_wait3A_15 = tpu.memref_slice %arg10[%mul3A_0, %dma_wait3A] : memref<10240x64xf32, #tpu.memory_space<vmem_shared>> -> memref<640x64xf32, #tpu.memory_space<vmem_shared>>
      %dma_wait3A_16 = arith.constant 0 : i32
      %dma_wait3A_17 = arith.constant 0 : i32
      %dma_wait3A_18 = tpu.memref_slice %arg2[%arg0, %dma_wait3A_16, %dma_wait3A_17] : memref<2x10240x64xf32, #tpu.memory_space<hbm>> -> memref<1x10240x64xf32, #tpu.memory_space<hbm>>
      %dma_wait3A_19 = tpu.memref_squeeze %dma_wait3A_18 : memref<1x10240x64xf32, #tpu.memory_space<hbm>> -> memref<10240x64xf32, #tpu.memory_space<hbm>>
      %dma_wait3A_20 = arith.constant 0 : i32
      %dma_wait3A_21 = tpu.memref_slice %dma_wait3A_19[%mul3A_0, %dma_wait3A_20] : memref<10240x64xf32, #tpu.memory_space<hbm>> -> memref<640x64xf32, #tpu.memory_space<hbm>>
      tpu.wait_dma2 semaphore(%run_scoped3A : memref<!tpu.dma_semaphore, #tpu.memory_space<semaphore_mem>>) src(%dma_wait3A_21 : memref<640x64xf32, #tpu.memory_space<hbm>>) dst(%dma_wait3A_15 : memref<640x64xf32, #tpu.memory_space<vmem_shared>>)
      tpu.yield
    }) : () -> ()
    %barrier3A = arith.constant 0 : index
    tpu.barrier barrier_id(%barrier3A)
    %scan3A = arith.constant 0 : i32
    %scan3A_1 = arith.constant 0 : i32
    %scan3A_2 = arith.constant 8 : i32
    %scan3A_3 = arith.addi %scan3A_1, %scan3A_2 : i32
    %scan3A_4 = arith.constant 1 : i32
    %scan3A_5 = scf.for %scan3A_8 = %scan3A_1 to %scan3A_3 step %scan3A_4 iter_args(%scan3A_9 = %scan3A) -> (i32)  : i32 {
      %mul3A_10 = arith.constant 320 : i32
      %mul3A_11 = arith.muli %arg1, %mul3A_10 : i32
      %mul3A_12 = arith.constant 40 : i32
      %mul3A_13 = arith.muli %scan3A_8, %mul3A_12 : i32
      %add3A = arith.addi %mul3A_11, %mul3A_13 : i32
      "tpu.region"() ({
        %run_scoped3A = tpu.sem_alloc : memref<!tpu.dma_semaphore, #tpu.memory_space<semaphore_mem>>
        %dma_start3A_170 = arith.constant 0 : i32
        %dma_start3A_171 = tpu.memref_slice %arg3[%add3A, %dma_start3A_170] : memref<5120x64xi32, #tpu.memory_space<hbm>> -> memref<40x64xi32, #tpu.memory_space<hbm>>
        %dma_start3A_172 = arith.constant 0 : i32
        %dma_start3A_173 = tpu.memref_slice %arg3[%add3A, %dma_start3A_172] : memref<5120x64xi32, #tpu.memory_space<hbm>> -> memref<40x64xi32, #tpu.memory_space<hbm>>
        tpu.enqueue_dma source(%dma_start3A_173 : memref<40x64xi32, #tpu.memory_space<hbm>>) target(%arg6 : memref<40x64xi32, #tpu.memory_space<vmem>>) target_semaphore(%run_scoped3A : memref<!tpu.dma_semaphore, #tpu.memory_space<semaphore_mem>>)
        %dma_wait3A_174 = arith.constant 0 : i32
        %dma_wait3A_175 = tpu.memref_slice %arg3[%add3A, %dma_wait3A_174] : memref<5120x64xi32, #tpu.memory_space<hbm>> -> memref<40x64xi32, #tpu.memory_space<hbm>>
        %dma_wait3A_176 = arith.constant 0 : i32
        %dma_wait3A_177 = tpu.memref_slice %arg3[%add3A, %dma_wait3A_176] : memref<5120x64xi32, #tpu.memory_space<hbm>> -> memref<40x64xi32, #tpu.memory_space<hbm>>
        tpu.wait_dma2 semaphore(%run_scoped3A : memref<!tpu.dma_semaphore, #tpu.memory_space<semaphore_mem>>) src(%dma_wait3A_177 : memref<40x64xi32, #tpu.memory_space<hbm>>) dst(%arg6 : memref<40x64xi32, #tpu.memory_space<vmem>>)
        tpu.yield
      }) : () -> ()
      "tpu.region"() ({
        %run_scoped3A = tpu.sem_alloc : memref<!tpu.dma_semaphore, #tpu.memory_space<semaphore_mem>>
        %dma_start3A_170 = arith.constant 0 : i32
        %dma_start3A_171 = tpu.memref_slice %arg4[%add3A, %dma_start3A_170] : memref<5120x64xi32, #tpu.memory_space<hbm>> -> memref<40x64xi32, #tpu.memory_space<hbm>>
        %dma_start3A_172 = arith.constant 0 : i32
        %dma_start3A_173 = tpu.memref_slice %arg4[%add3A, %dma_start3A_172] : memref<5120x64xi32, #tpu.memory_space<hbm>> -> memref<40x64xi32, #tpu.memory_space<hbm>>
        tpu.enqueue_dma source(%dma_start3A_173 : memref<40x64xi32, #tpu.memory_space<hbm>>) target(%arg7 : memref<40x64xi32, #tpu.memory_space<vmem>>) target_semaphore(%run_scoped3A : memref<!tpu.dma_semaphore, #tpu.memory_space<semaphore_mem>>)
        %dma_wait3A_174 = arith.constant 0 : i32
        %dma_wait3A_175 = tpu.memref_slice %arg4[%add3A, %dma_wait3A_174] : memref<5120x64xi32, #tpu.memory_space<hbm>> -> memref<40x64xi32, #tpu.memory_space<hbm>>
        %dma_wait3A_176 = arith.constant 0 : i32
        %dma_wait3A_177 = tpu.memref_slice %arg4[%add3A, %dma_wait3A_176] : memref<5120x64xi32, #tpu.memory_space<hbm>> -> memref<40x64xi32, #tpu.memory_space<hbm>>
        tpu.wait_dma2 semaphore(%run_scoped3A : memref<!tpu.dma_semaphore, #tpu.memory_space<semaphore_mem>>) src(%dma_wait3A_177 : memref<40x64xi32, #tpu.memory_space<hbm>>) dst(%arg7 : memref<40x64xi32, #tpu.memory_space<vmem>>)
        tpu.yield
      }) : () -> ()
      %dma_start3A = arith.constant 0 : i32
      %dma_start3A_14 = arith.constant 0 : i32
      %dma_start3A_15 = arith.constant 0 : i32
      %dma_start3A_16 = arith.constant 0 : i32
      %dma_start3A_17 = arith.constant 0 : i32
      %dma_start3A_18 = tpu.memref_slice %arg8[%dma_start3A_14, %dma_start3A_16, %dma_start3A_17] : memref<10x64x64xf32, #tpu.memory_space<vmem>> -> memref<1x64x64xf32, #tpu.memory_space<vmem>>
      %dma_start3A_19 = tpu.memref_squeeze %dma_start3A_18 : memref<1x64x64xf32, #tpu.memory_space<vmem>> -> memref<64x64xf32, #tpu.memory_space<vmem>>
      %dma_start3A_20 = arith.constant 0 : i32
      %dma_start3A_21 = tpu.memref_slice %arg6[%dma_start3A, %dma_start3A_20] : memref<40x64xi32, #tpu.memory_space<vmem>> -> memref<1x64xi32, #tpu.memory_space<vmem>>
      %dma_start3A_22 = tpu.memref_squeeze %dma_start3A_21 : memref<1x64xi32, #tpu.memory_space<vmem>> -> memref<64xi32, #tpu.memory_space<vmem>>
      %dma_start3A_23 = arith.constant 0 : i32
      %dma_start3A_24 = arith.constant 0 : i32
      %dma_start3A_25 = tpu.memref_slice %arg9[%dma_start3A_23, %dma_start3A_24] : memref<10240x64xf32, #tpu.memory_space<vmem_shared>> -> memref<10240x64xf32, #tpu.memory_space<vmem_shared>>
      %dma_start3A_26 = tpu.memref_slice %arg11[%dma_start3A_15] : memref<10x!tpu.dma_semaphore, #tpu.memory_space<semaphore_mem>> -> memref<1x!tpu.dma_semaphore, #tpu.memory_space<semaphore_mem>>
      %dma_start3A_27 = tpu.memref_squeeze %dma_start3A_26 : memref<1x!tpu.dma_semaphore, #tpu.memory_space<semaphore_mem>> -> memref<!tpu.dma_semaphore, #tpu.memory_space<semaphore_mem>>
      tpu.enqueue_indirect_dma source(%dma_start3A_25 : memref<10240x64xf32, #tpu.memory_space<vmem_shared>>) target(%dma_start3A_19 : memref<64x64xf32, #tpu.memory_space<vmem>>) offsets(%dma_start3A_22 : memref<64xi32, #tpu.memory_space<vmem>>) semaphore(%dma_start3A_27 : memref<!tpu.dma_semaphore, #tpu.memory_space<semaphore_mem>>)
      %dma_start3A_28 = arith.constant 1 : i32
      %dma_start3A_29 = arith.constant 1 : i32
      %dma_start3A_30 = arith.constant 1 : i32
      %dma_start3A_31 = arith.constant 0 : i32
      %dma_start3A_32 = arith.constant 0 : i32
      %dma_start3A_33 = tpu.memref_slice %arg8[%dma_start3A_29, %dma_start3A_31, %dma_start3A_32] : memref<10x64x64xf32, #tpu.memory_space<vmem>> -> memref<1x64x64xf32, #tpu.memory_space<vmem>>
      %dma_start3A_34 = tpu.memref_squeeze %dma_start3A_33 : memref<1x64x64xf32, #tpu.memory_space<vmem>> -> memref<64x64xf32, #tpu.memory_space<vmem>>
      %dma_start3A_35 = arith.constant 0 : i32
      %dma_start3A_36 = tpu.memref_slice %arg6[%dma_start3A_28, %dma_start3A_35] : memref<40x64xi32, #tpu.memory_space<vmem>> -> memref<1x64xi32, #tpu.memory_space<vmem>>
      %dma_start3A_37 = tpu.memref_squeeze %dma_start3A_36 : memref<1x64xi32, #tpu.memory_space<vmem>> -> memref<64xi32, #tpu.memory_space<vmem>>
      %dma_start3A_38 = arith.constant 0 : i32
      %dma_start3A_39 = arith.constant 0 : i32
      %dma_start3A_40 = tpu.memref_slice %arg9[%dma_start3A_38, %dma_start3A_39] : memref<10240x64xf32, #tpu.memory_space<vmem_shared>> -> memref<10240x64xf32, #tpu.memory_space<vmem_shared>>
      %dma_start3A_41 = tpu.memref_slice %arg11[%dma_start3A_30] : memref<10x!tpu.dma_semaphore, #tpu.memory_space<semaphore_mem>> -> memref<1x!tpu.dma_semaphore, #tpu.memory_space<semaphore_mem>>
      %dma_start3A_42 = tpu.memref_squeeze %dma_start3A_41 : memref<1x!tpu.dma_semaphore, #tpu.memory_space<semaphore_mem>> -> memref<!tpu.dma_semaphore, #tpu.memory_space<semaphore_mem>>
      tpu.enqueue_indirect_dma source(%dma_start3A_40 : memref<10240x64xf32, #tpu.memory_space<vmem_shared>>) target(%dma_start3A_34 : memref<64x64xf32, #tpu.memory_space<vmem>>) offsets(%dma_start3A_37 : memref<64xi32, #tpu.memory_space<vmem>>) semaphore(%dma_start3A_42 : memref<!tpu.dma_semaphore, #tpu.memory_space<semaphore_mem>>)
      %dma_start3A_43 = arith.constant 2 : i32
      %dma_start3A_44 = arith.constant 2 : i32
      %dma_start3A_45 = arith.constant 2 : i32
      %dma_start3A_46 = arith.constant 0 : i32
      %dma_start3A_47 = arith.constant 0 : i32
      %dma_start3A_48 = tpu.memref_slice %arg8[%dma_start3A_44, %dma_start3A_46, %dma_start3A_47] : memref<10x64x64xf32, #tpu.memory_space<vmem>> -> memref<1x64x64xf32, #tpu.memory_space<vmem>>
      %dma_start3A_49 = tpu.memref_squeeze %dma_start3A_48 : memref<1x64x64xf32, #tpu.memory_space<vmem>> -> memref<64x64xf32, #tpu.memory_space<vmem>>
      %dma_start3A_50 = arith.constant 0 : i32
      %dma_start3A_51 = tpu.memref_slice %arg6[%dma_start3A_43, %dma_start3A_50] : memref<40x64xi32, #tpu.memory_space<vmem>> -> memref<1x64xi32, #tpu.memory_space<vmem>>
      %dma_start3A_52 = tpu.memref_squeeze %dma_start3A_51 : memref<1x64xi32, #tpu.memory_space<vmem>> -> memref<64xi32, #tpu.memory_space<vmem>>
      %dma_start3A_53 = arith.constant 0 : i32
      %dma_start3A_54 = arith.constant 0 : i32
      %dma_start3A_55 = tpu.memref_slice %arg9[%dma_start3A_53, %dma_start3A_54] : memref<10240x64xf32, #tpu.memory_space<vmem_shared>> -> memref<10240x64xf32, #tpu.memory_space<vmem_shared>>
      %dma_start3A_56 = tpu.memref_slice %arg11[%dma_start3A_45] : memref<10x!tpu.dma_semaphore, #tpu.memory_space<semaphore_mem>> -> memref<1x!tpu.dma_semaphore, #tpu.memory_space<semaphore_mem>>
      %dma_start3A_57 = tpu.memref_squeeze %dma_start3A_56 : memref<1x!tpu.dma_semaphore, #tpu.memory_space<semaphore_mem>> -> memref<!tpu.dma_semaphore, #tpu.memory_space<semaphore_mem>>
      tpu.enqueue_indirect_dma source(%dma_start3A_55 : memref<10240x64xf32, #tpu.memory_space<vmem_shared>>) target(%dma_start3A_49 : memref<64x64xf32, #tpu.memory_space<vmem>>) offsets(%dma_start3A_52 : memref<64xi32, #tpu.memory_space<vmem>>) semaphore(%dma_start3A_57 : memref<!tpu.dma_semaphore, #tpu.memory_space<semaphore_mem>>)
      %dma_start3A_58 = arith.constant 3 : i32
      %dma_start3A_59 = arith.constant 3 : i32
      %dma_start3A_60 = arith.constant 3 : i32
      %dma_start3A_61 = arith.constant 0 : i32
      %dma_start3A_62 = arith.constant 0 : i32
      %dma_start3A_63 = tpu.memref_slice %arg8[%dma_start3A_59, %dma_start3A_61, %dma_start3A_62] : memref<10x64x64xf32, #tpu.memory_space<vmem>> -> memref<1x64x64xf32, #tpu.memory_space<vmem>>
      %dma_start3A_64 = tpu.memref_squeeze %dma_start3A_63 : memref<1x64x64xf32, #tpu.memory_space<vmem>> -> memref<64x64xf32, #tpu.memory_space<vmem>>
      %dma_start3A_65 = arith.constant 0 : i32
      %dma_start3A_66 = tpu.memref_slice %arg6[%dma_start3A_58, %dma_start3A_65] : memref<40x64xi32, #tpu.memory_space<vmem>> -> memref<1x64xi32, #tpu.memory_space<vmem>>
      %dma_start3A_67 = tpu.memref_squeeze %dma_start3A_66 : memref<1x64xi32, #tpu.memory_space<vmem>> -> memref<64xi32, #tpu.memory_space<vmem>>
      %dma_start3A_68 = arith.constant 0 : i32
      %dma_start3A_69 = arith.constant 0 : i32
      %dma_start3A_70 = tpu.memref_slice %arg9[%dma_start3A_68, %dma_start3A_69] : memref<10240x64xf32, #tpu.memory_space<vmem_shared>> -> memref<10240x64xf32, #tpu.memory_space<vmem_shared>>
      %dma_start3A_71 = tpu.memref_slice %arg11[%dma_start3A_60] : memref<10x!tpu.dma_semaphore, #tpu.memory_space<semaphore_mem>> -> memref<1x!tpu.dma_semaphore, #tpu.memory_space<semaphore_mem>>
      %dma_start3A_72 = tpu.memref_squeeze %dma_start3A_71 : memref<1x!tpu.dma_semaphore, #tpu.memory_space<semaphore_mem>> -> memref<!tpu.dma_semaphore, #tpu.memory_space<semaphore_mem>>
      tpu.enqueue_indirect_dma source(%dma_start3A_70 : memref<10240x64xf32, #tpu.memory_space<vmem_shared>>) target(%dma_start3A_64 : memref<64x64xf32, #tpu.memory_space<vmem>>) offsets(%dma_start3A_67 : memref<64xi32, #tpu.memory_space<vmem>>) semaphore(%dma_start3A_72 : memref<!tpu.dma_semaphore, #tpu.memory_space<semaphore_mem>>)
      %dma_start3A_73 = arith.constant 4 : i32
      %dma_start3A_74 = arith.constant 4 : i32
      %dma_start3A_75 = arith.constant 4 : i32
      %dma_start3A_76 = arith.constant 0 : i32
      %dma_start3A_77 = arith.constant 0 : i32
      %dma_start3A_78 = tpu.memref_slice %arg8[%dma_start3A_74, %dma_start3A_76, %dma_start3A_77] : memref<10x64x64xf32, #tpu.memory_space<vmem>> -> memref<1x64x64xf32, #tpu.memory_space<vmem>>
      %dma_start3A_79 = tpu.memref_squeeze %dma_start3A_78 : memref<1x64x64xf32, #tpu.memory_space<vmem>> -> memref<64x64xf32, #tpu.memory_space<vmem>>
      %dma_start3A_80 = arith.constant 0 : i32
      %dma_start3A_81 = tpu.memref_slice %arg6[%dma_start3A_73, %dma_start3A_80] : memref<40x64xi32, #tpu.memory_space<vmem>> -> memref<1x64xi32, #tpu.memory_space<vmem>>
      %dma_start3A_82 = tpu.memref_squeeze %dma_start3A_81 : memref<1x64xi32, #tpu.memory_space<vmem>> -> memref<64xi32, #tpu.memory_space<vmem>>
      %dma_start3A_83 = arith.constant 0 : i32
      %dma_start3A_84 = arith.constant 0 : i32
      %dma_start3A_85 = tpu.memref_slice %arg9[%dma_start3A_83, %dma_start3A_84] : memref<10240x64xf32, #tpu.memory_space<vmem_shared>> -> memref<10240x64xf32, #tpu.memory_space<vmem_shared>>
      %dma_start3A_86 = tpu.memref_slice %arg11[%dma_start3A_75] : memref<10x!tpu.dma_semaphore, #tpu.memory_space<semaphore_mem>> -> memref<1x!tpu.dma_semaphore, #tpu.memory_space<semaphore_mem>>
      %dma_start3A_87 = tpu.memref_squeeze %dma_start3A_86 : memref<1x!tpu.dma_semaphore, #tpu.memory_space<semaphore_mem>> -> memref<!tpu.dma_semaphore, #tpu.memory_space<semaphore_mem>>
      tpu.enqueue_indirect_dma source(%dma_start3A_85 : memref<10240x64xf32, #tpu.memory_space<vmem_shared>>) target(%dma_start3A_79 : memref<64x64xf32, #tpu.memory_space<vmem>>) offsets(%dma_start3A_82 : memref<64xi32, #tpu.memory_space<vmem>>) semaphore(%dma_start3A_87 : memref<!tpu.dma_semaphore, #tpu.memory_space<semaphore_mem>>)
      %dma_start3A_88 = arith.constant 5 : i32
      %dma_start3A_89 = arith.constant 5 : i32
      %dma_start3A_90 = arith.constant 5 : i32
      %dma_start3A_91 = arith.constant 0 : i32
      %dma_start3A_92 = arith.constant 0 : i32
      %dma_start3A_93 = tpu.memref_slice %arg8[%dma_start3A_89, %dma_start3A_91, %dma_start3A_92] : memref<10x64x64xf32, #tpu.memory_space<vmem>> -> memref<1x64x64xf32, #tpu.memory_space<vmem>>
      %dma_start3A_94 = tpu.memref_squeeze %dma_start3A_93 : memref<1x64x64xf32, #tpu.memory_space<vmem>> -> memref<64x64xf32, #tpu.memory_space<vmem>>
      %dma_start3A_95 = arith.constant 0 : i32
      %dma_start3A_96 = tpu.memref_slice %arg6[%dma_start3A_88, %dma_start3A_95] : memref<40x64xi32, #tpu.memory_space<vmem>> -> memref<1x64xi32, #tpu.memory_space<vmem>>
      %dma_start3A_97 = tpu.memref_squeeze %dma_start3A_96 : memref<1x64xi32, #tpu.memory_space<vmem>> -> memref<64xi32, #tpu.memory_space<vmem>>
      %dma_start3A_98 = arith.constant 0 : i32
      %dma_start3A_99 = arith.constant 0 : i32
      %dma_start3A_100 = tpu.memref_slice %arg9[%dma_start3A_98, %dma_start3A_99] : memref<10240x64xf32, #tpu.memory_space<vmem_shared>> -> memref<10240x64xf32, #tpu.memory_space<vmem_shared>>
      %dma_start3A_101 = tpu.memref_slice %arg11[%dma_start3A_90] : memref<10x!tpu.dma_semaphore, #tpu.memory_space<semaphore_mem>> -> memref<1x!tpu.dma_semaphore, #tpu.memory_space<semaphore_mem>>
      %dma_start3A_102 = tpu.memref_squeeze %dma_start3A_101 : memref<1x!tpu.dma_semaphore, #tpu.memory_space<semaphore_mem>> -> memref<!tpu.dma_semaphore, #tpu.memory_space<semaphore_mem>>
      tpu.enqueue_indirect_dma source(%dma_start3A_100 : memref<10240x64xf32, #tpu.memory_space<vmem_shared>>) target(%dma_start3A_94 : memref<64x64xf32, #tpu.memory_space<vmem>>) offsets(%dma_start3A_97 : memref<64xi32, #tpu.memory_space<vmem>>) semaphore(%dma_start3A_102 : memref<!tpu.dma_semaphore, #tpu.memory_space<semaphore_mem>>)
      %scan3A_103 = arith.constant 0 : i32
      %scan3A_104 = arith.constant 0 : i32
      %scan3A_105 = arith.constant 4 : i32
      %scan3A_106 = arith.addi %scan3A_104, %scan3A_105 : i32
      %scan3A_107 = arith.constant 1 : i32
      %scan3A_108 = scf.for %scan3A_170 = %scan3A_104 to %scan3A_106 step %scan3A_107 iter_args(%scan3A_171 = %scan3A_103) -> (i32)  : i32 {
        %mul3A_172 = arith.constant 10 : i32
        %mul3A_173 = arith.muli %scan3A_170, %mul3A_172 : i32
        %add3A_174 = arith.constant 0 : i32
        %add3A_175 = arith.addi %mul3A_173, %add3A_174 : i32
        %dma_wait3A_176 = arith.constant 0 : i32
        %dma_wait3A_177 = arith.constant 0 : i32
        %dma_wait3A_178 = arith.constant 0 : i32
        %dma_wait3A_179 = arith.constant 0 : i32
        %dma_wait3A_180 = tpu.memref_slice %arg8[%dma_wait3A_176, %dma_wait3A_178, %dma_wait3A_179] : memref<10x64x64xf32, #tpu.memory_space<vmem>> -> memref<1x64x64xf32, #tpu.memory_space<vmem>>
        %dma_wait3A_181 = tpu.memref_squeeze %dma_wait3A_180 : memref<1x64x64xf32, #tpu.memory_space<vmem>> -> memref<64x64xf32, #tpu.memory_space<vmem>>
        %dma_wait3A_182 = arith.constant 0 : i32
        %dma_wait3A_183 = tpu.memref_slice %arg6[%add3A_175, %dma_wait3A_182] : memref<40x64xi32, #tpu.memory_space<vmem>> -> memref<1x64xi32, #tpu.memory_space<vmem>>
        %dma_wait3A_184 = tpu.memref_squeeze %dma_wait3A_183 : memref<1x64xi32, #tpu.memory_space<vmem>> -> memref<64xi32, #tpu.memory_space<vmem>>
        %dma_wait3A_185 = arith.constant 0 : i32
        %dma_wait3A_186 = arith.constant 0 : i32
        %dma_wait3A_187 = tpu.memref_slice %arg9[%dma_wait3A_185, %dma_wait3A_186] : memref<10240x64xf32, #tpu.memory_space<vmem_shared>> -> memref<10240x64xf32, #tpu.memory_space<vmem_shared>>
        %dma_wait3A_188 = tpu.memref_slice %arg11[%dma_wait3A_177] : memref<10x!tpu.dma_semaphore, #tpu.memory_space<semaphore_mem>> -> memref<1x!tpu.dma_semaphore, #tpu.memory_space<semaphore_mem>>
        %dma_wait3A_189 = tpu.memref_squeeze %dma_wait3A_188 : memref<1x!tpu.dma_semaphore, #tpu.memory_space<semaphore_mem>> -> memref<!tpu.dma_semaphore, #tpu.memory_space<semaphore_mem>>
        tpu.wait_indirect_dma semaphore(%dma_wait3A_189 : memref<!tpu.dma_semaphore, #tpu.memory_space<semaphore_mem>>) src(%dma_wait3A_187 : memref<10240x64xf32, #tpu.memory_space<vmem_shared>>) dst(%dma_wait3A_181 : memref<64x64xf32, #tpu.memory_space<vmem>>)
        %dma_start3A_190 = arith.constant 0 : i32
        %dma_start3A_191 = arith.constant 0 : i32
        %dma_start3A_192 = arith.constant 0 : i32
        %dma_start3A_193 = arith.constant 0 : i32
        %dma_start3A_194 = tpu.memref_slice %arg8[%dma_start3A_190, %dma_start3A_192, %dma_start3A_193] : memref<10x64x64xf32, #tpu.memory_space<vmem>> -> memref<1x64x64xf32, #tpu.memory_space<vmem>>
        %dma_start3A_195 = tpu.memref_squeeze %dma_start3A_194 : memref<1x64x64xf32, #tpu.memory_space<vmem>> -> memref<64x64xf32, #tpu.memory_space<vmem>>
        %dma_start3A_196 = arith.constant 0 : i32
        %dma_start3A_197 = tpu.memref_slice %arg7[%add3A_175, %dma_start3A_196] : memref<40x64xi32, #tpu.memory_space<vmem>> -> memref<1x64xi32, #tpu.memory_space<vmem>>
        %dma_start3A_198 = tpu.memref_squeeze %dma_start3A_197 : memref<1x64xi32, #tpu.memory_space<vmem>> -> memref<64xi32, #tpu.memory_space<vmem>>
        %dma_start3A_199 = arith.constant 0 : i32
        %dma_start3A_200 = arith.constant 0 : i32
        %dma_start3A_201 = tpu.memref_slice %arg10[%dma_start3A_199, %dma_start3A_200] : memref<10240x64xf32, #tpu.memory_space<vmem_shared>> -> memref<10240x64xf32, #tpu.memory_space<vmem_shared>>
        %dma_start3A_202 = tpu.memref_slice %arg12[%dma_start3A_191] : memref<10x!tpu.dma_semaphore, #tpu.memory_space<semaphore_mem>> -> memref<1x!tpu.dma_semaphore, #tpu.memory_space<semaphore_mem>>
        %dma_start3A_203 = tpu.memref_squeeze %dma_start3A_202 : memref<1x!tpu.dma_semaphore, #tpu.memory_space<semaphore_mem>> -> memref<!tpu.dma_semaphore, #tpu.memory_space<semaphore_mem>>
        tpu.enqueue_indirect_dma source(%dma_start3A_195 : memref<64x64xf32, #tpu.memory_space<vmem>>) target(%dma_start3A_201 : memref<10240x64xf32, #tpu.memory_space<vmem_shared>>) offsets(%dma_start3A_198 : memref<64xi32, #tpu.memory_space<vmem>>) semaphore(%dma_start3A_203 : memref<!tpu.dma_semaphore, #tpu.memory_space<semaphore_mem>>) {add = true}
        %ge3A = arith.constant 4 : i32
        %ge3A_204 = arith.cmpi sge, %add3A_175, %ge3A : i32
        %convert_element_type3A = arith.extui %ge3A_204 : i1 to i32
        %cond3A = arith.constant 0 : i32
        %cond3A_205 = arith.cmpi ne, %convert_element_type3A, %cond3A : i32
        scf.if %cond3A_205 {
          %sub3A = arith.constant 4 : i32
          %sub3A_591 = arith.subi %add3A_175, %sub3A : i32
          %dma_wait3A_592 = arith.constant 6 : i32
          %dma_wait3A_593 = arith.constant 6 : i32
          %dma_wait3A_594 = arith.constant 0 : i32
          %dma_wait3A_595 = arith.constant 0 : i32
          %dma_wait3A_596 = tpu.memref_slice %arg8[%dma_wait3A_592, %dma_wait3A_594, %dma_wait3A_595] : memref<10x64x64xf32, #tpu.memory_space<vmem>> -> memref<1x64x64xf32, #tpu.memory_space<vmem>>
          %dma_wait3A_597 = tpu.memref_squeeze %dma_wait3A_596 : memref<1x64x64xf32, #tpu.memory_space<vmem>> -> memref<64x64xf32, #tpu.memory_space<vmem>>
          %dma_wait3A_598 = arith.constant 0 : i32
          %dma_wait3A_599 = tpu.memref_slice %arg7[%sub3A_591, %dma_wait3A_598] : memref<40x64xi32, #tpu.memory_space<vmem>> -> memref<1x64xi32, #tpu.memory_space<vmem>>
          %dma_wait3A_600 = tpu.memref_squeeze %dma_wait3A_599 : memref<1x64xi32, #tpu.memory_space<vmem>> -> memref<64xi32, #tpu.memory_space<vmem>>
          %dma_wait3A_601 = arith.constant 0 : i32
          %dma_wait3A_602 = arith.constant 0 : i32
          %dma_wait3A_603 = tpu.memref_slice %arg10[%dma_wait3A_601, %dma_wait3A_602] : memref<10240x64xf32, #tpu.memory_space<vmem_shared>> -> memref<10240x64xf32, #tpu.memory_space<vmem_shared>>
          %dma_wait3A_604 = tpu.memref_slice %arg12[%dma_wait3A_593] : memref<10x!tpu.dma_semaphore, #tpu.memory_space<semaphore_mem>> -> memref<1x!tpu.dma_semaphore, #tpu.memory_space<semaphore_mem>>
          %dma_wait3A_605 = tpu.memref_squeeze %dma_wait3A_604 : memref<1x!tpu.dma_semaphore, #tpu.memory_space<semaphore_mem>> -> memref<!tpu.dma_semaphore, #tpu.memory_space<semaphore_mem>>
          tpu.wait_indirect_dma semaphore(%dma_wait3A_605 : memref<!tpu.dma_semaphore, #tpu.memory_space<semaphore_mem>>) src(%dma_wait3A_597 : memref<64x64xf32, #tpu.memory_space<vmem>>) dst(%dma_wait3A_603 : memref<10240x64xf32, #tpu.memory_space<vmem_shared>>)
        } else {
        }
        %add3A_206 = arith.constant 6 : i32
        %add3A_207 = arith.addi %add3A_175, %add3A_206 : i32
        %lt3A = arith.constant 40 : i32
        %lt3A_208 = arith.cmpi slt, %add3A_207, %lt3A : i32
        %convert_element_type3A_209 = arith.extui %lt3A_208 : i1 to i32
        %cond3A_210 = arith.constant 0 : i32
        %cond3A_211 = arith.cmpi ne, %convert_element_type3A_209, %cond3A_210 : i32
        scf.if %cond3A_211 {
          %add3A_591 = arith.constant 6 : i32
          %add3A_592 = arith.addi %add3A_175, %add3A_591 : i32
          %dma_start3A_593 = arith.constant 6 : i32
          %dma_start3A_594 = arith.constant 6 : i32
          %dma_start3A_595 = arith.constant 0 : i32
          %dma_start3A_596 = arith.constant 0 : i32
          %dma_start3A_597 = tpu.memref_slice %arg8[%dma_start3A_593, %dma_start3A_595, %dma_start3A_596] : memref<10x64x64xf32, #tpu.memory_space<vmem>> -> memref<1x64x64xf32, #tpu.memory_space<vmem>>
          %dma_start3A_598 = tpu.memref_squeeze %dma_start3A_597 : memref<1x64x64xf32, #tpu.memory_space<vmem>> -> memref<64x64xf32, #tpu.memory_space<vmem>>
          %dma_start3A_599 = arith.constant 0 : i32
          %dma_start3A_600 = tpu.memref_slice %arg6[%add3A_592, %dma_start3A_599] : memref<40x64xi32, #tpu.memory_space<vmem>> -> memref<1x64xi32, #tpu.memory_space<vmem>>
          %dma_start3A_601 = tpu.memref_squeeze %dma_start3A_600 : memref<1x64xi32, #tpu.memory_space<vmem>> -> memref<64xi32, #tpu.memory_space<vmem>>
          %dma_start3A_602 = arith.constant 0 : i32
          %dma_start3A_603 = arith.constant 0 : i32
          %dma_start3A_604 = tpu.memref_slice %arg9[%dma_start3A_602, %dma_start3A_603] : memref<10240x64xf32, #tpu.memory_space<vmem_shared>> -> memref<10240x64xf32, #tpu.memory_space<vmem_shared>>
          %dma_start3A_605 = tpu.memref_slice %arg11[%dma_start3A_594] : memref<10x!tpu.dma_semaphore, #tpu.memory_space<semaphore_mem>> -> memref<1x!tpu.dma_semaphore, #tpu.memory_space<semaphore_mem>>
          %dma_start3A_606 = tpu.memref_squeeze %dma_start3A_605 : memref<1x!tpu.dma_semaphore, #tpu.memory_space<semaphore_mem>> -> memref<!tpu.dma_semaphore, #tpu.memory_space<semaphore_mem>>
          tpu.enqueue_indirect_dma source(%dma_start3A_604 : memref<10240x64xf32, #tpu.memory_space<vmem_shared>>) target(%dma_start3A_598 : memref<64x64xf32, #tpu.memory_space<vmem>>) offsets(%dma_start3A_601 : memref<64xi32, #tpu.memory_space<vmem>>) semaphore(%dma_start3A_606 : memref<!tpu.dma_semaphore, #tpu.memory_space<semaphore_mem>>)
        } else {
        }
        %add3A_212 = arith.constant 1 : i32
        %add3A_213 = arith.addi %mul3A_173, %add3A_212 : i32
        %dma_wait3A_214 = arith.constant 1 : i32
        %dma_wait3A_215 = arith.constant 1 : i32
        %dma_wait3A_216 = arith.constant 0 : i32
        %dma_wait3A_217 = arith.constant 0 : i32
        %dma_wait3A_218 = tpu.memref_slice %arg8[%dma_wait3A_214, %dma_wait3A_216, %dma_wait3A_217] : memref<10x64x64xf32, #tpu.memory_space<vmem>> -> memref<1x64x64xf32, #tpu.memory_space<vmem>>
        %dma_wait3A_219 = tpu.memref_squeeze %dma_wait3A_218 : memref<1x64x64xf32, #tpu.memory_space<vmem>> -> memref<64x64xf32, #tpu.memory_space<vmem>>
        %dma_wait3A_220 = arith.constant 0 : i32
        %dma_wait3A_221 = tpu.memref_slice %arg6[%add3A_213, %dma_wait3A_220] : memref<40x64xi32, #tpu.memory_space<vmem>> -> memref<1x64xi32, #tpu.memory_space<vmem>>
        %dma_wait3A_222 = tpu.memref_squeeze %dma_wait3A_221 : memref<1x64xi32, #tpu.memory_space<vmem>> -> memref<64xi32, #tpu.memory_space<vmem>>
        %dma_wait3A_223 = arith.constant 0 : i32
        %dma_wait3A_224 = arith.constant 0 : i32
        %dma_wait3A_225 = tpu.memref_slice %arg9[%dma_wait3A_223, %dma_wait3A_224] : memref<10240x64xf32, #tpu.memory_space<vmem_shared>> -> memref<10240x64xf32, #tpu.memory_space<vmem_shared>>
        %dma_wait3A_226 = tpu.memref_slice %arg11[%dma_wait3A_215] : memref<10x!tpu.dma_semaphore, #tpu.memory_space<semaphore_mem>> -> memref<1x!tpu.dma_semaphore, #tpu.memory_space<semaphore_mem>>
        %dma_wait3A_227 = tpu.memref_squeeze %dma_wait3A_226 : memref<1x!tpu.dma_semaphore, #tpu.memory_space<semaphore_mem>> -> memref<!tpu.dma_semaphore, #tpu.memory_space<semaphore_mem>>
        tpu.wait_indirect_dma semaphore(%dma_wait3A_227 : memref<!tpu.dma_semaphore, #tpu.memory_space<semaphore_mem>>) src(%dma_wait3A_225 : memref<10240x64xf32, #tpu.memory_space<vmem_shared>>) dst(%dma_wait3A_219 : memref<64x64xf32, #tpu.memory_space<vmem>>)
        %dma_start3A_228 = arith.constant 1 : i32
        %dma_start3A_229 = arith.constant 1 : i32
        %dma_start3A_230 = arith.constant 0 : i32
        %dma_start3A_231 = arith.constant 0 : i32
        %dma_start3A_232 = tpu.memref_slice %arg8[%dma_start3A_228, %dma_start3A_230, %dma_start3A_231] : memref<10x64x64xf32, #tpu.memory_space<vmem>> -> memref<1x64x64xf32, #tpu.memory_space<vmem>>
        %dma_start3A_233 = tpu.memref_squeeze %dma_start3A_232 : memref<1x64x64xf32, #tpu.memory_space<vmem>> -> memref<64x64xf32, #tpu.memory_space<vmem>>
        %dma_start3A_234 = arith.constant 0 : i32
        %dma_start3A_235 = tpu.memref_slice %arg7[%add3A_213, %dma_start3A_234] : memref<40x64xi32, #tpu.memory_space<vmem>> -> memref<1x64xi32, #tpu.memory_space<vmem>>
        %dma_start3A_236 = tpu.memref_squeeze %dma_start3A_235 : memref<1x64xi32, #tpu.memory_space<vmem>> -> memref<64xi32, #tpu.memory_space<vmem>>
        %dma_start3A_237 = arith.constant 0 : i32
        %dma_start3A_238 = arith.constant 0 : i32
        %dma_start3A_239 = tpu.memref_slice %arg10[%dma_start3A_237, %dma_start3A_238] : memref<10240x64xf32, #tpu.memory_space<vmem_shared>> -> memref<10240x64xf32, #tpu.memory_space<vmem_shared>>
        %dma_start3A_240 = tpu.memref_slice %arg12[%dma_start3A_229] : memref<10x!tpu.dma_semaphore, #tpu.memory_space<semaphore_mem>> -> memref<1x!tpu.dma_semaphore, #tpu.memory_space<semaphore_mem>>
        %dma_start3A_241 = tpu.memref_squeeze %dma_start3A_240 : memref<1x!tpu.dma_semaphore, #tpu.memory_space<semaphore_mem>> -> memref<!tpu.dma_semaphore, #tpu.memory_space<semaphore_mem>>
        tpu.enqueue_indirect_dma source(%dma_start3A_233 : memref<64x64xf32, #tpu.memory_space<vmem>>) target(%dma_start3A_239 : memref<10240x64xf32, #tpu.memory_space<vmem_shared>>) offsets(%dma_start3A_236 : memref<64xi32, #tpu.memory_space<vmem>>) semaphore(%dma_start3A_241 : memref<!tpu.dma_semaphore, #tpu.memory_space<semaphore_mem>>) {add = true}
        %ge3A_242 = arith.constant 4 : i32
        %ge3A_243 = arith.cmpi sge, %add3A_213, %ge3A_242 : i32
        %convert_element_type3A_244 = arith.extui %ge3A_243 : i1 to i32
        %cond3A_245 = arith.constant 0 : i32
        %cond3A_246 = arith.cmpi ne, %convert_element_type3A_244, %cond3A_245 : i32
        scf.if %cond3A_246 {
          %sub3A = arith.constant 4 : i32
          %sub3A_591 = arith.subi %add3A_213, %sub3A : i32
          %dma_wait3A_592 = arith.constant 7 : i32
          %dma_wait3A_593 = arith.constant 7 : i32
          %dma_wait3A_594 = arith.constant 0 : i32
          %dma_wait3A_595 = arith.constant 0 : i32
          %dma_wait3A_596 = tpu.memref_slice %arg8[%dma_wait3A_592, %dma_wait3A_594, %dma_wait3A_595] : memref<10x64x64xf32, #tpu.memory_space<vmem>> -> memref<1x64x64xf32, #tpu.memory_space<vmem>>
          %dma_wait3A_597 = tpu.memref_squeeze %dma_wait3A_596 : memref<1x64x64xf32, #tpu.memory_space<vmem>> -> memref<64x64xf32, #tpu.memory_space<vmem>>
          %dma_wait3A_598 = arith.constant 0 : i32
          %dma_wait3A_599 = tpu.memref_slice %arg7[%sub3A_591, %dma_wait3A_598] : memref<40x64xi32, #tpu.memory_space<vmem>> -> memref<1x64xi32, #tpu.memory_space<vmem>>
          %dma_wait3A_600 = tpu.memref_squeeze %dma_wait3A_599 : memref<1x64xi32, #tpu.memory_space<vmem>> -> memref<64xi32, #tpu.memory_space<vmem>>
          %dma_wait3A_601 = arith.constant 0 : i32
          %dma_wait3A_602 = arith.constant 0 : i32
          %dma_wait3A_603 = tpu.memref_slice %arg10[%dma_wait3A_601, %dma_wait3A_602] : memref<10240x64xf32, #tpu.memory_space<vmem_shared>> -> memref<10240x64xf32, #tpu.memory_space<vmem_shared>>
          %dma_wait3A_604 = tpu.memref_slice %arg12[%dma_wait3A_593] : memref<10x!tpu.dma_semaphore, #tpu.memory_space<semaphore_mem>> -> memref<1x!tpu.dma_semaphore, #tpu.memory_space<semaphore_mem>>
          %dma_wait3A_605 = tpu.memref_squeeze %dma_wait3A_604 : memref<1x!tpu.dma_semaphore, #tpu.memory_space<semaphore_mem>> -> memref<!tpu.dma_semaphore, #tpu.memory_space<semaphore_mem>>
          tpu.wait_indirect_dma semaphore(%dma_wait3A_605 : memref<!tpu.dma_semaphore, #tpu.memory_space<semaphore_mem>>) src(%dma_wait3A_597 : memref<64x64xf32, #tpu.memory_space<vmem>>) dst(%dma_wait3A_603 : memref<10240x64xf32, #tpu.memory_space<vmem_shared>>)
        } else {
        }
        %add3A_247 = arith.constant 6 : i32
        %add3A_248 = arith.addi %add3A_213, %add3A_247 : i32
        %lt3A_249 = arith.constant 40 : i32
        %lt3A_250 = arith.cmpi slt, %add3A_248, %lt3A_249 : i32
        %convert_element_type3A_251 = arith.extui %lt3A_250 : i1 to i32
        %cond3A_252 = arith.constant 0 : i32
        %cond3A_253 = arith.cmpi ne, %convert_element_type3A_251, %cond3A_252 : i32
        scf.if %cond3A_253 {
          %add3A_591 = arith.constant 6 : i32
          %add3A_592 = arith.addi %add3A_213, %add3A_591 : i32
          %dma_start3A_593 = arith.constant 7 : i32
          %dma_start3A_594 = arith.constant 7 : i32
          %dma_start3A_595 = arith.constant 0 : i32
          %dma_start3A_596 = arith.constant 0 : i32
          %dma_start3A_597 = tpu.memref_slice %arg8[%dma_start3A_593, %dma_start3A_595, %dma_start3A_596] : memref<10x64x64xf32, #tpu.memory_space<vmem>> -> memref<1x64x64xf32, #tpu.memory_space<vmem>>
          %dma_start3A_598 = tpu.memref_squeeze %dma_start3A_597 : memref<1x64x64xf32, #tpu.memory_space<vmem>> -> memref<64x64xf32, #tpu.memory_space<vmem>>
          %dma_start3A_599 = arith.constant 0 : i32
          %dma_start3A_600 = tpu.memref_slice %arg6[%add3A_592, %dma_start3A_599] : memref<40x64xi32, #tpu.memory_space<vmem>> -> memref<1x64xi32, #tpu.memory_space<vmem>>
          %dma_start3A_601 = tpu.memref_squeeze %dma_start3A_600 : memref<1x64xi32, #tpu.memory_space<vmem>> -> memref<64xi32, #tpu.memory_space<vmem>>
          %dma_start3A_602 = arith.constant 0 : i32
          %dma_start3A_603 = arith.constant 0 : i32
          %dma_start3A_604 = tpu.memref_slice %arg9[%dma_start3A_602, %dma_start3A_603] : memref<10240x64xf32, #tpu.memory_space<vmem_shared>> -> memref<10240x64xf32, #tpu.memory_space<vmem_shared>>
          %dma_start3A_605 = tpu.memref_slice %arg11[%dma_start3A_594] : memref<10x!tpu.dma_semaphore, #tpu.memory_space<semaphore_mem>> -> memref<1x!tpu.dma_semaphore, #tpu.memory_space<semaphore_mem>>
          %dma_start3A_606 = tpu.memref_squeeze %dma_start3A_605 : memref<1x!tpu.dma_semaphore, #tpu.memory_space<semaphore_mem>> -> memref<!tpu.dma_semaphore, #tpu.memory_space<semaphore_mem>>
          tpu.enqueue_indirect_dma source(%dma_start3A_604 : memref<10240x64xf32, #tpu.memory_space<vmem_shared>>) target(%dma_start3A_598 : memref<64x64xf32, #tpu.memory_space<vmem>>) offsets(%dma_start3A_601 : memref<64xi32, #tpu.memory_space<vmem>>) semaphore(%dma_start3A_606 : memref<!tpu.dma_semaphore, #tpu.memory_space<semaphore_mem>>)
        } else {
        }
        %add3A_254 = arith.constant 2 : i32
        %add3A_255 = arith.addi %mul3A_173, %add3A_254 : i32
        %dma_wait3A_256 = arith.constant 2 : i32
        %dma_wait3A_257 = arith.constant 2 : i32
        %dma_wait3A_258 = arith.constant 0 : i32
        %dma_wait3A_259 = arith.constant 0 : i32
        %dma_wait3A_260 = tpu.memref_slice %arg8[%dma_wait3A_256, %dma_wait3A_258, %dma_wait3A_259] : memref<10x64x64xf32, #tpu.memory_space<vmem>> -> memref<1x64x64xf32, #tpu.memory_space<vmem>>
        %dma_wait3A_261 = tpu.memref_squeeze %dma_wait3A_260 : memref<1x64x64xf32, #tpu.memory_space<vmem>> -> memref<64x64xf32, #tpu.memory_space<vmem>>
        %dma_wait3A_262 = arith.constant 0 : i32
        %dma_wait3A_263 = tpu.memref_slice %arg6[%add3A_255, %dma_wait3A_262] : memref<40x64xi32, #tpu.memory_space<vmem>> -> memref<1x64xi32, #tpu.memory_space<vmem>>
        %dma_wait3A_264 = tpu.memref_squeeze %dma_wait3A_263 : memref<1x64xi32, #tpu.memory_space<vmem>> -> memref<64xi32, #tpu.memory_space<vmem>>
        %dma_wait3A_265 = arith.constant 0 : i32
        %dma_wait3A_266 = arith.constant 0 : i32
        %dma_wait3A_267 = tpu.memref_slice %arg9[%dma_wait3A_265, %dma_wait3A_266] : memref<10240x64xf32, #tpu.memory_space<vmem_shared>> -> memref<10240x64xf32, #tpu.memory_space<vmem_shared>>
        %dma_wait3A_268 = tpu.memref_slice %arg11[%dma_wait3A_257] : memref<10x!tpu.dma_semaphore, #tpu.memory_space<semaphore_mem>> -> memref<1x!tpu.dma_semaphore, #tpu.memory_space<semaphore_mem>>
        %dma_wait3A_269 = tpu.memref_squeeze %dma_wait3A_268 : memref<1x!tpu.dma_semaphore, #tpu.memory_space<semaphore_mem>> -> memref<!tpu.dma_semaphore, #tpu.memory_space<semaphore_mem>>
        tpu.wait_indirect_dma semaphore(%dma_wait3A_269 : memref<!tpu.dma_semaphore, #tpu.memory_space<semaphore_mem>>) src(%dma_wait3A_267 : memref<10240x64xf32, #tpu.memory_space<vmem_shared>>) dst(%dma_wait3A_261 : memref<64x64xf32, #tpu.memory_space<vmem>>)
        %dma_start3A_270 = arith.constant 2 : i32
        %dma_start3A_271 = arith.constant 2 : i32
        %dma_start3A_272 = arith.constant 0 : i32
        %dma_start3A_273 = arith.constant 0 : i32
        %dma_start3A_274 = tpu.memref_slice %arg8[%dma_start3A_270, %dma_start3A_272, %dma_start3A_273] : memref<10x64x64xf32, #tpu.memory_space<vmem>> -> memref<1x64x64xf32, #tpu.memory_space<vmem>>
        %dma_start3A_275 = tpu.memref_squeeze %dma_start3A_274 : memref<1x64x64xf32, #tpu.memory_space<vmem>> -> memref<64x64xf32, #tpu.memory_space<vmem>>
        %dma_start3A_276 = arith.constant 0 : i32
        %dma_start3A_277 = tpu.memref_slice %arg7[%add3A_255, %dma_start3A_276] : memref<40x64xi32, #tpu.memory_space<vmem>> -> memref<1x64xi32, #tpu.memory_space<vmem>>
        %dma_start3A_278 = tpu.memref_squeeze %dma_start3A_277 : memref<1x64xi32, #tpu.memory_space<vmem>> -> memref<64xi32, #tpu.memory_space<vmem>>
        %dma_start3A_279 = arith.constant 0 : i32
        %dma_start3A_280 = arith.constant 0 : i32
        %dma_start3A_281 = tpu.memref_slice %arg10[%dma_start3A_279, %dma_start3A_280] : memref<10240x64xf32, #tpu.memory_space<vmem_shared>> -> memref<10240x64xf32, #tpu.memory_space<vmem_shared>>
        %dma_start3A_282 = tpu.memref_slice %arg12[%dma_start3A_271] : memref<10x!tpu.dma_semaphore, #tpu.memory_space<semaphore_mem>> -> memref<1x!tpu.dma_semaphore, #tpu.memory_space<semaphore_mem>>
        %dma_start3A_283 = tpu.memref_squeeze %dma_start3A_282 : memref<1x!tpu.dma_semaphore, #tpu.memory_space<semaphore_mem>> -> memref<!tpu.dma_semaphore, #tpu.memory_space<semaphore_mem>>
        tpu.enqueue_indirect_dma source(%dma_start3A_275 : memref<64x64xf32, #tpu.memory_space<vmem>>) target(%dma_start3A_281 : memref<10240x64xf32, #tpu.memory_space<vmem_shared>>) offsets(%dma_start3A_278 : memref<64xi32, #tpu.memory_space<vmem>>) semaphore(%dma_start3A_283 : memref<!tpu.dma_semaphore, #tpu.memory_space<semaphore_mem>>) {add = true}
        %ge3A_284 = arith.constant 4 : i32
        %ge3A_285 = arith.cmpi sge, %add3A_255, %ge3A_284 : i32
        %convert_element_type3A_286 = arith.extui %ge3A_285 : i1 to i32
        %cond3A_287 = arith.constant 0 : i32
        %cond3A_288 = arith.cmpi ne, %convert_element_type3A_286, %cond3A_287 : i32
        scf.if %cond3A_288 {
          %sub3A = arith.constant 4 : i32
          %sub3A_591 = arith.subi %add3A_255, %sub3A : i32
          %dma_wait3A_592 = arith.constant 8 : i32
          %dma_wait3A_593 = arith.constant 8 : i32
          %dma_wait3A_594 = arith.constant 0 : i32
          %dma_wait3A_595 = arith.constant 0 : i32
          %dma_wait3A_596 = tpu.memref_slice %arg8[%dma_wait3A_592, %dma_wait3A_594, %dma_wait3A_595] : memref<10x64x64xf32, #tpu.memory_space<vmem>> -> memref<1x64x64xf32, #tpu.memory_space<vmem>>
          %dma_wait3A_597 = tpu.memref_squeeze %dma_wait3A_596 : memref<1x64x64xf32, #tpu.memory_space<vmem>> -> memref<64x64xf32, #tpu.memory_space<vmem>>
          %dma_wait3A_598 = arith.constant 0 : i32
          %dma_wait3A_599 = tpu.memref_slice %arg7[%sub3A_591, %dma_wait3A_598] : memref<40x64xi32, #tpu.memory_space<vmem>> -> memref<1x64xi32, #tpu.memory_space<vmem>>
          %dma_wait3A_600 = tpu.memref_squeeze %dma_wait3A_599 : memref<1x64xi32, #tpu.memory_space<vmem>> -> memref<64xi32, #tpu.memory_space<vmem>>
          %dma_wait3A_601 = arith.constant 0 : i32
          %dma_wait3A_602 = arith.constant 0 : i32
          %dma_wait3A_603 = tpu.memref_slice %arg10[%dma_wait3A_601, %dma_wait3A_602] : memref<10240x64xf32, #tpu.memory_space<vmem_shared>> -> memref<10240x64xf32, #tpu.memory_space<vmem_shared>>
          %dma_wait3A_604 = tpu.memref_slice %arg12[%dma_wait3A_593] : memref<10x!tpu.dma_semaphore, #tpu.memory_space<semaphore_mem>> -> memref<1x!tpu.dma_semaphore, #tpu.memory_space<semaphore_mem>>
          %dma_wait3A_605 = tpu.memref_squeeze %dma_wait3A_604 : memref<1x!tpu.dma_semaphore, #tpu.memory_space<semaphore_mem>> -> memref<!tpu.dma_semaphore, #tpu.memory_space<semaphore_mem>>
          tpu.wait_indirect_dma semaphore(%dma_wait3A_605 : memref<!tpu.dma_semaphore, #tpu.memory_space<semaphore_mem>>) src(%dma_wait3A_597 : memref<64x64xf32, #tpu.memory_space<vmem>>) dst(%dma_wait3A_603 : memref<10240x64xf32, #tpu.memory_space<vmem_shared>>)
        } else {
        }
        %add3A_289 = arith.constant 6 : i32
        %add3A_290 = arith.addi %add3A_255, %add3A_289 : i32
        %lt3A_291 = arith.constant 40 : i32
        %lt3A_292 = arith.cmpi slt, %add3A_290, %lt3A_291 : i32
        %convert_element_type3A_293 = arith.extui %lt3A_292 : i1 to i32
        %cond3A_294 = arith.constant 0 : i32
        %cond3A_295 = arith.cmpi ne, %convert_element_type3A_293, %cond3A_294 : i32
        scf.if %cond3A_295 {
          %add3A_591 = arith.constant 6 : i32
          %add3A_592 = arith.addi %add3A_255, %add3A_591 : i32
          %dma_start3A_593 = arith.constant 8 : i32
          %dma_start3A_594 = arith.constant 8 : i32
          %dma_start3A_595 = arith.constant 0 : i32
          %dma_start3A_596 = arith.constant 0 : i32
          %dma_start3A_597 = tpu.memref_slice %arg8[%dma_start3A_593, %dma_start3A_595, %dma_start3A_596] : memref<10x64x64xf32, #tpu.memory_space<vmem>> -> memref<1x64x64xf32, #tpu.memory_space<vmem>>
          %dma_start3A_598 = tpu.memref_squeeze %dma_start3A_597 : memref<1x64x64xf32, #tpu.memory_space<vmem>> -> memref<64x64xf32, #tpu.memory_space<vmem>>
          %dma_start3A_599 = arith.constant 0 : i32
          %dma_start3A_600 = tpu.memref_slice %arg6[%add3A_592, %dma_start3A_599] : memref<40x64xi32, #tpu.memory_space<vmem>> -> memref<1x64xi32, #tpu.memory_space<vmem>>
          %dma_start3A_601 = tpu.memref_squeeze %dma_start3A_600 : memref<1x64xi32, #tpu.memory_space<vmem>> -> memref<64xi32, #tpu.memory_space<vmem>>
          %dma_start3A_602 = arith.constant 0 : i32
          %dma_start3A_603 = arith.constant 0 : i32
          %dma_start3A_604 = tpu.memref_slice %arg9[%dma_start3A_602, %dma_start3A_603] : memref<10240x64xf32, #tpu.memory_space<vmem_shared>> -> memref<10240x64xf32, #tpu.memory_space<vmem_shared>>
          %dma_start3A_605 = tpu.memref_slice %arg11[%dma_start3A_594] : memref<10x!tpu.dma_semaphore, #tpu.memory_space<semaphore_mem>> -> memref<1x!tpu.dma_semaphore, #tpu.memory_space<semaphore_mem>>
          %dma_start3A_606 = tpu.memref_squeeze %dma_start3A_605 : memref<1x!tpu.dma_semaphore, #tpu.memory_space<semaphore_mem>> -> memref<!tpu.dma_semaphore, #tpu.memory_space<semaphore_mem>>
          tpu.enqueue_indirect_dma source(%dma_start3A_604 : memref<10240x64xf32, #tpu.memory_space<vmem_shared>>) target(%dma_start3A_598 : memref<64x64xf32, #tpu.memory_space<vmem>>) offsets(%dma_start3A_601 : memref<64xi32, #tpu.memory_space<vmem>>) semaphore(%dma_start3A_606 : memref<!tpu.dma_semaphore, #tpu.memory_space<semaphore_mem>>)
        } else {
        }
        %add3A_296 = arith.constant 3 : i32
        %add3A_297 = arith.addi %mul3A_173, %add3A_296 : i32
        %dma_wait3A_298 = arith.constant 3 : i32
        %dma_wait3A_299 = arith.constant 3 : i32
        %dma_wait3A_300 = arith.constant 0 : i32
        %dma_wait3A_301 = arith.constant 0 : i32
        %dma_wait3A_302 = tpu.memref_slice %arg8[%dma_wait3A_298, %dma_wait3A_300, %dma_wait3A_301] : memref<10x64x64xf32, #tpu.memory_space<vmem>> -> memref<1x64x64xf32, #tpu.memory_space<vmem>>
        %dma_wait3A_303 = tpu.memref_squeeze %dma_wait3A_302 : memref<1x64x64xf32, #tpu.memory_space<vmem>> -> memref<64x64xf32, #tpu.memory_space<vmem>>
        %dma_wait3A_304 = arith.constant 0 : i32
        %dma_wait3A_305 = tpu.memref_slice %arg6[%add3A_297, %dma_wait3A_304] : memref<40x64xi32, #tpu.memory_space<vmem>> -> memref<1x64xi32, #tpu.memory_space<vmem>>
        %dma_wait3A_306 = tpu.memref_squeeze %dma_wait3A_305 : memref<1x64xi32, #tpu.memory_space<vmem>> -> memref<64xi32, #tpu.memory_space<vmem>>
        %dma_wait3A_307 = arith.constant 0 : i32
        %dma_wait3A_308 = arith.constant 0 : i32
        %dma_wait3A_309 = tpu.memref_slice %arg9[%dma_wait3A_307, %dma_wait3A_308] : memref<10240x64xf32, #tpu.memory_space<vmem_shared>> -> memref<10240x64xf32, #tpu.memory_space<vmem_shared>>
        %dma_wait3A_310 = tpu.memref_slice %arg11[%dma_wait3A_299] : memref<10x!tpu.dma_semaphore, #tpu.memory_space<semaphore_mem>> -> memref<1x!tpu.dma_semaphore, #tpu.memory_space<semaphore_mem>>
        %dma_wait3A_311 = tpu.memref_squeeze %dma_wait3A_310 : memref<1x!tpu.dma_semaphore, #tpu.memory_space<semaphore_mem>> -> memref<!tpu.dma_semaphore, #tpu.memory_space<semaphore_mem>>
        tpu.wait_indirect_dma semaphore(%dma_wait3A_311 : memref<!tpu.dma_semaphore, #tpu.memory_space<semaphore_mem>>) src(%dma_wait3A_309 : memref<10240x64xf32, #tpu.memory_space<vmem_shared>>) dst(%dma_wait3A_303 : memref<64x64xf32, #tpu.memory_space<vmem>>)
        %dma_start3A_312 = arith.constant 3 : i32
        %dma_start3A_313 = arith.constant 3 : i32
        %dma_start3A_314 = arith.constant 0 : i32
        %dma_start3A_315 = arith.constant 0 : i32
        %dma_start3A_316 = tpu.memref_slice %arg8[%dma_start3A_312, %dma_start3A_314, %dma_start3A_315] : memref<10x64x64xf32, #tpu.memory_space<vmem>> -> memref<1x64x64xf32, #tpu.memory_space<vmem>>
        %dma_start3A_317 = tpu.memref_squeeze %dma_start3A_316 : memref<1x64x64xf32, #tpu.memory_space<vmem>> -> memref<64x64xf32, #tpu.memory_space<vmem>>
        %dma_start3A_318 = arith.constant 0 : i32
        %dma_start3A_319 = tpu.memref_slice %arg7[%add3A_297, %dma_start3A_318] : memref<40x64xi32, #tpu.memory_space<vmem>> -> memref<1x64xi32, #tpu.memory_space<vmem>>
        %dma_start3A_320 = tpu.memref_squeeze %dma_start3A_319 : memref<1x64xi32, #tpu.memory_space<vmem>> -> memref<64xi32, #tpu.memory_space<vmem>>
        %dma_start3A_321 = arith.constant 0 : i32
        %dma_start3A_322 = arith.constant 0 : i32
        %dma_start3A_323 = tpu.memref_slice %arg10[%dma_start3A_321, %dma_start3A_322] : memref<10240x64xf32, #tpu.memory_space<vmem_shared>> -> memref<10240x64xf32, #tpu.memory_space<vmem_shared>>
        %dma_start3A_324 = tpu.memref_slice %arg12[%dma_start3A_313] : memref<10x!tpu.dma_semaphore, #tpu.memory_space<semaphore_mem>> -> memref<1x!tpu.dma_semaphore, #tpu.memory_space<semaphore_mem>>
        %dma_start3A_325 = tpu.memref_squeeze %dma_start3A_324 : memref<1x!tpu.dma_semaphore, #tpu.memory_space<semaphore_mem>> -> memref<!tpu.dma_semaphore, #tpu.memory_space<semaphore_mem>>
        tpu.enqueue_indirect_dma source(%dma_start3A_317 : memref<64x64xf32, #tpu.memory_space<vmem>>) target(%dma_start3A_323 : memref<10240x64xf32, #tpu.memory_space<vmem_shared>>) offsets(%dma_start3A_320 : memref<64xi32, #tpu.memory_space<vmem>>) semaphore(%dma_start3A_325 : memref<!tpu.dma_semaphore, #tpu.memory_space<semaphore_mem>>) {add = true}
        %ge3A_326 = arith.constant 4 : i32
        %ge3A_327 = arith.cmpi sge, %add3A_297, %ge3A_326 : i32
        %convert_element_type3A_328 = arith.extui %ge3A_327 : i1 to i32
        %cond3A_329 = arith.constant 0 : i32
        %cond3A_330 = arith.cmpi ne, %convert_element_type3A_328, %cond3A_329 : i32
        scf.if %cond3A_330 {
          %sub3A = arith.constant 4 : i32
          %sub3A_591 = arith.subi %add3A_297, %sub3A : i32
          %dma_wait3A_592 = arith.constant 9 : i32
          %dma_wait3A_593 = arith.constant 9 : i32
          %dma_wait3A_594 = arith.constant 0 : i32
          %dma_wait3A_595 = arith.constant 0 : i32
          %dma_wait3A_596 = tpu.memref_slice %arg8[%dma_wait3A_592, %dma_wait3A_594, %dma_wait3A_595] : memref<10x64x64xf32, #tpu.memory_space<vmem>> -> memref<1x64x64xf32, #tpu.memory_space<vmem>>
          %dma_wait3A_597 = tpu.memref_squeeze %dma_wait3A_596 : memref<1x64x64xf32, #tpu.memory_space<vmem>> -> memref<64x64xf32, #tpu.memory_space<vmem>>
          %dma_wait3A_598 = arith.constant 0 : i32
          %dma_wait3A_599 = tpu.memref_slice %arg7[%sub3A_591, %dma_wait3A_598] : memref<40x64xi32, #tpu.memory_space<vmem>> -> memref<1x64xi32, #tpu.memory_space<vmem>>
          %dma_wait3A_600 = tpu.memref_squeeze %dma_wait3A_599 : memref<1x64xi32, #tpu.memory_space<vmem>> -> memref<64xi32, #tpu.memory_space<vmem>>
          %dma_wait3A_601 = arith.constant 0 : i32
          %dma_wait3A_602 = arith.constant 0 : i32
          %dma_wait3A_603 = tpu.memref_slice %arg10[%dma_wait3A_601, %dma_wait3A_602] : memref<10240x64xf32, #tpu.memory_space<vmem_shared>> -> memref<10240x64xf32, #tpu.memory_space<vmem_shared>>
          %dma_wait3A_604 = tpu.memref_slice %arg12[%dma_wait3A_593] : memref<10x!tpu.dma_semaphore, #tpu.memory_space<semaphore_mem>> -> memref<1x!tpu.dma_semaphore, #tpu.memory_space<semaphore_mem>>
          %dma_wait3A_605 = tpu.memref_squeeze %dma_wait3A_604 : memref<1x!tpu.dma_semaphore, #tpu.memory_space<semaphore_mem>> -> memref<!tpu.dma_semaphore, #tpu.memory_space<semaphore_mem>>
          tpu.wait_indirect_dma semaphore(%dma_wait3A_605 : memref<!tpu.dma_semaphore, #tpu.memory_space<semaphore_mem>>) src(%dma_wait3A_597 : memref<64x64xf32, #tpu.memory_space<vmem>>) dst(%dma_wait3A_603 : memref<10240x64xf32, #tpu.memory_space<vmem_shared>>)
        } else {
        }
        %add3A_331 = arith.constant 6 : i32
        %add3A_332 = arith.addi %add3A_297, %add3A_331 : i32
        %lt3A_333 = arith.constant 40 : i32
        %lt3A_334 = arith.cmpi slt, %add3A_332, %lt3A_333 : i32
        %convert_element_type3A_335 = arith.extui %lt3A_334 : i1 to i32
        %cond3A_336 = arith.constant 0 : i32
        %cond3A_337 = arith.cmpi ne, %convert_element_type3A_335, %cond3A_336 : i32
        scf.if %cond3A_337 {
          %add3A_591 = arith.constant 6 : i32
          %add3A_592 = arith.addi %add3A_297, %add3A_591 : i32
          %dma_start3A_593 = arith.constant 9 : i32
          %dma_start3A_594 = arith.constant 9 : i32
          %dma_start3A_595 = arith.constant 0 : i32
          %dma_start3A_596 = arith.constant 0 : i32
          %dma_start3A_597 = tpu.memref_slice %arg8[%dma_start3A_593, %dma_start3A_595, %dma_start3A_596] : memref<10x64x64xf32, #tpu.memory_space<vmem>> -> memref<1x64x64xf32, #tpu.memory_space<vmem>>
          %dma_start3A_598 = tpu.memref_squeeze %dma_start3A_597 : memref<1x64x64xf32, #tpu.memory_space<vmem>> -> memref<64x64xf32, #tpu.memory_space<vmem>>
          %dma_start3A_599 = arith.constant 0 : i32
          %dma_start3A_600 = tpu.memref_slice %arg6[%add3A_592, %dma_start3A_599] : memref<40x64xi32, #tpu.memory_space<vmem>> -> memref<1x64xi32, #tpu.memory_space<vmem>>
          %dma_start3A_601 = tpu.memref_squeeze %dma_start3A_600 : memref<1x64xi32, #tpu.memory_space<vmem>> -> memref<64xi32, #tpu.memory_space<vmem>>
          %dma_start3A_602 = arith.constant 0 : i32
          %dma_start3A_603 = arith.constant 0 : i32
          %dma_start3A_604 = tpu.memref_slice %arg9[%dma_start3A_602, %dma_start3A_603] : memref<10240x64xf32, #tpu.memory_space<vmem_shared>> -> memref<10240x64xf32, #tpu.memory_space<vmem_shared>>
          %dma_start3A_605 = tpu.memref_slice %arg11[%dma_start3A_594] : memref<10x!tpu.dma_semaphore, #tpu.memory_space<semaphore_mem>> -> memref<1x!tpu.dma_semaphore, #tpu.memory_space<semaphore_mem>>
          %dma_start3A_606 = tpu.memref_squeeze %dma_start3A_605 : memref<1x!tpu.dma_semaphore, #tpu.memory_space<semaphore_mem>> -> memref<!tpu.dma_semaphore, #tpu.memory_space<semaphore_mem>>
          tpu.enqueue_indirect_dma source(%dma_start3A_604 : memref<10240x64xf32, #tpu.memory_space<vmem_shared>>) target(%dma_start3A_598 : memref<64x64xf32, #tpu.memory_space<vmem>>) offsets(%dma_start3A_601 : memref<64xi32, #tpu.memory_space<vmem>>) semaphore(%dma_start3A_606 : memref<!tpu.dma_semaphore, #tpu.memory_space<semaphore_mem>>)
        } else {
        }
        %add3A_338 = arith.constant 4 : i32
        %add3A_339 = arith.addi %mul3A_173, %add3A_338 : i32
        %dma_wait3A_340 = arith.constant 4 : i32
        %dma_wait3A_341 = arith.constant 4 : i32
        %dma_wait3A_342 = arith.constant 0 : i32
        %dma_wait3A_343 = arith.constant 0 : i32
        %dma_wait3A_344 = tpu.memref_slice %arg8[%dma_wait3A_340, %dma_wait3A_342, %dma_wait3A_343] : memref<10x64x64xf32, #tpu.memory_space<vmem>> -> memref<1x64x64xf32, #tpu.memory_space<vmem>>
        %dma_wait3A_345 = tpu.memref_squeeze %dma_wait3A_344 : memref<1x64x64xf32, #tpu.memory_space<vmem>> -> memref<64x64xf32, #tpu.memory_space<vmem>>
        %dma_wait3A_346 = arith.constant 0 : i32
        %dma_wait3A_347 = tpu.memref_slice %arg6[%add3A_339, %dma_wait3A_346] : memref<40x64xi32, #tpu.memory_space<vmem>> -> memref<1x64xi32, #tpu.memory_space<vmem>>
        %dma_wait3A_348 = tpu.memref_squeeze %dma_wait3A_347 : memref<1x64xi32, #tpu.memory_space<vmem>> -> memref<64xi32, #tpu.memory_space<vmem>>
        %dma_wait3A_349 = arith.constant 0 : i32
        %dma_wait3A_350 = arith.constant 0 : i32
        %dma_wait3A_351 = tpu.memref_slice %arg9[%dma_wait3A_349, %dma_wait3A_350] : memref<10240x64xf32, #tpu.memory_space<vmem_shared>> -> memref<10240x64xf32, #tpu.memory_space<vmem_shared>>
        %dma_wait3A_352 = tpu.memref_slice %arg11[%dma_wait3A_341] : memref<10x!tpu.dma_semaphore, #tpu.memory_space<semaphore_mem>> -> memref<1x!tpu.dma_semaphore, #tpu.memory_space<semaphore_mem>>
        %dma_wait3A_353 = tpu.memref_squeeze %dma_wait3A_352 : memref<1x!tpu.dma_semaphore, #tpu.memory_space<semaphore_mem>> -> memref<!tpu.dma_semaphore, #tpu.memory_space<semaphore_mem>>
        tpu.wait_indirect_dma semaphore(%dma_wait3A_353 : memref<!tpu.dma_semaphore, #tpu.memory_space<semaphore_mem>>) src(%dma_wait3A_351 : memref<10240x64xf32, #tpu.memory_space<vmem_shared>>) dst(%dma_wait3A_345 : memref<64x64xf32, #tpu.memory_space<vmem>>)
        %dma_start3A_354 = arith.constant 4 : i32
        %dma_start3A_355 = arith.constant 4 : i32
        %dma_start3A_356 = arith.constant 0 : i32
        %dma_start3A_357 = arith.constant 0 : i32
        %dma_start3A_358 = tpu.memref_slice %arg8[%dma_start3A_354, %dma_start3A_356, %dma_start3A_357] : memref<10x64x64xf32, #tpu.memory_space<vmem>> -> memref<1x64x64xf32, #tpu.memory_space<vmem>>
        %dma_start3A_359 = tpu.memref_squeeze %dma_start3A_358 : memref<1x64x64xf32, #tpu.memory_space<vmem>> -> memref<64x64xf32, #tpu.memory_space<vmem>>
        %dma_start3A_360 = arith.constant 0 : i32
        %dma_start3A_361 = tpu.memref_slice %arg7[%add3A_339, %dma_start3A_360] : memref<40x64xi32, #tpu.memory_space<vmem>> -> memref<1x64xi32, #tpu.memory_space<vmem>>
        %dma_start3A_362 = tpu.memref_squeeze %dma_start3A_361 : memref<1x64xi32, #tpu.memory_space<vmem>> -> memref<64xi32, #tpu.memory_space<vmem>>
        %dma_start3A_363 = arith.constant 0 : i32
        %dma_start3A_364 = arith.constant 0 : i32
        %dma_start3A_365 = tpu.memref_slice %arg10[%dma_start3A_363, %dma_start3A_364] : memref<10240x64xf32, #tpu.memory_space<vmem_shared>> -> memref<10240x64xf32, #tpu.memory_space<vmem_shared>>
        %dma_start3A_366 = tpu.memref_slice %arg12[%dma_start3A_355] : memref<10x!tpu.dma_semaphore, #tpu.memory_space<semaphore_mem>> -> memref<1x!tpu.dma_semaphore, #tpu.memory_space<semaphore_mem>>
        %dma_start3A_367 = tpu.memref_squeeze %dma_start3A_366 : memref<1x!tpu.dma_semaphore, #tpu.memory_space<semaphore_mem>> -> memref<!tpu.dma_semaphore, #tpu.memory_space<semaphore_mem>>
        tpu.enqueue_indirect_dma source(%dma_start3A_359 : memref<64x64xf32, #tpu.memory_space<vmem>>) target(%dma_start3A_365 : memref<10240x64xf32, #tpu.memory_space<vmem_shared>>) offsets(%dma_start3A_362 : memref<64xi32, #tpu.memory_space<vmem>>) semaphore(%dma_start3A_367 : memref<!tpu.dma_semaphore, #tpu.memory_space<semaphore_mem>>) {add = true}
        %ge3A_368 = arith.constant 4 : i32
        %ge3A_369 = arith.cmpi sge, %add3A_339, %ge3A_368 : i32
        %convert_element_type3A_370 = arith.extui %ge3A_369 : i1 to i32
        %cond3A_371 = arith.constant 0 : i32
        %cond3A_372 = arith.cmpi ne, %convert_element_type3A_370, %cond3A_371 : i32
        scf.if %cond3A_372 {
          %sub3A = arith.constant 4 : i32
          %sub3A_591 = arith.subi %add3A_339, %sub3A : i32
          %dma_wait3A_592 = arith.constant 0 : i32
          %dma_wait3A_593 = arith.constant 0 : i32
          %dma_wait3A_594 = arith.constant 0 : i32
          %dma_wait3A_595 = arith.constant 0 : i32
          %dma_wait3A_596 = tpu.memref_slice %arg8[%dma_wait3A_592, %dma_wait3A_594, %dma_wait3A_595] : memref<10x64x64xf32, #tpu.memory_space<vmem>> -> memref<1x64x64xf32, #tpu.memory_space<vmem>>
          %dma_wait3A_597 = tpu.memref_squeeze %dma_wait3A_596 : memref<1x64x64xf32, #tpu.memory_space<vmem>> -> memref<64x64xf32, #tpu.memory_space<vmem>>
          %dma_wait3A_598 = arith.constant 0 : i32
          %dma_wait3A_599 = tpu.memref_slice %arg7[%sub3A_591, %dma_wait3A_598] : memref<40x64xi32, #tpu.memory_space<vmem>> -> memref<1x64xi32, #tpu.memory_space<vmem>>
          %dma_wait3A_600 = tpu.memref_squeeze %dma_wait3A_599 : memref<1x64xi32, #tpu.memory_space<vmem>> -> memref<64xi32, #tpu.memory_space<vmem>>
          %dma_wait3A_601 = arith.constant 0 : i32
          %dma_wait3A_602 = arith.constant 0 : i32
          %dma_wait3A_603 = tpu.memref_slice %arg10[%dma_wait3A_601, %dma_wait3A_602] : memref<10240x64xf32, #tpu.memory_space<vmem_shared>> -> memref<10240x64xf32, #tpu.memory_space<vmem_shared>>
          %dma_wait3A_604 = tpu.memref_slice %arg12[%dma_wait3A_593] : memref<10x!tpu.dma_semaphore, #tpu.memory_space<semaphore_mem>> -> memref<1x!tpu.dma_semaphore, #tpu.memory_space<semaphore_mem>>
          %dma_wait3A_605 = tpu.memref_squeeze %dma_wait3A_604 : memref<1x!tpu.dma_semaphore, #tpu.memory_space<semaphore_mem>> -> memref<!tpu.dma_semaphore, #tpu.memory_space<semaphore_mem>>
          tpu.wait_indirect_dma semaphore(%dma_wait3A_605 : memref<!tpu.dma_semaphore, #tpu.memory_space<semaphore_mem>>) src(%dma_wait3A_597 : memref<64x64xf32, #tpu.memory_space<vmem>>) dst(%dma_wait3A_603 : memref<10240x64xf32, #tpu.memory_space<vmem_shared>>)
        } else {
        }
        %add3A_373 = arith.constant 6 : i32
        %add3A_374 = arith.addi %add3A_339, %add3A_373 : i32
        %lt3A_375 = arith.constant 40 : i32
        %lt3A_376 = arith.cmpi slt, %add3A_374, %lt3A_375 : i32
        %convert_element_type3A_377 = arith.extui %lt3A_376 : i1 to i32
        %cond3A_378 = arith.constant 0 : i32
        %cond3A_379 = arith.cmpi ne, %convert_element_type3A_377, %cond3A_378 : i32
        scf.if %cond3A_379 {
          %add3A_591 = arith.constant 6 : i32
          %add3A_592 = arith.addi %add3A_339, %add3A_591 : i32
          %dma_start3A_593 = arith.constant 0 : i32
          %dma_start3A_594 = arith.constant 0 : i32
          %dma_start3A_595 = arith.constant 0 : i32
          %dma_start3A_596 = arith.constant 0 : i32
          %dma_start3A_597 = tpu.memref_slice %arg8[%dma_start3A_593, %dma_start3A_595, %dma_start3A_596] : memref<10x64x64xf32, #tpu.memory_space<vmem>> -> memref<1x64x64xf32, #tpu.memory_space<vmem>>
          %dma_start3A_598 = tpu.memref_squeeze %dma_start3A_597 : memref<1x64x64xf32, #tpu.memory_space<vmem>> -> memref<64x64xf32, #tpu.memory_space<vmem>>
          %dma_start3A_599 = arith.constant 0 : i32
          %dma_start3A_600 = tpu.memref_slice %arg6[%add3A_592, %dma_start3A_599] : memref<40x64xi32, #tpu.memory_space<vmem>> -> memref<1x64xi32, #tpu.memory_space<vmem>>
          %dma_start3A_601 = tpu.memref_squeeze %dma_start3A_600 : memref<1x64xi32, #tpu.memory_space<vmem>> -> memref<64xi32, #tpu.memory_space<vmem>>
          %dma_start3A_602 = arith.constant 0 : i32
          %dma_start3A_603 = arith.constant 0 : i32
          %dma_start3A_604 = tpu.memref_slice %arg9[%dma_start3A_602, %dma_start3A_603] : memref<10240x64xf32, #tpu.memory_space<vmem_shared>> -> memref<10240x64xf32, #tpu.memory_space<vmem_shared>>
          %dma_start3A_605 = tpu.memref_slice %arg11[%dma_start3A_594] : memref<10x!tpu.dma_semaphore, #tpu.memory_space<semaphore_mem>> -> memref<1x!tpu.dma_semaphore, #tpu.memory_space<semaphore_mem>>
          %dma_start3A_606 = tpu.memref_squeeze %dma_start3A_605 : memref<1x!tpu.dma_semaphore, #tpu.memory_space<semaphore_mem>> -> memref<!tpu.dma_semaphore, #tpu.memory_space<semaphore_mem>>
          tpu.enqueue_indirect_dma source(%dma_start3A_604 : memref<10240x64xf32, #tpu.memory_space<vmem_shared>>) target(%dma_start3A_598 : memref<64x64xf32, #tpu.memory_space<vmem>>) offsets(%dma_start3A_601 : memref<64xi32, #tpu.memory_space<vmem>>) semaphore(%dma_start3A_606 : memref<!tpu.dma_semaphore, #tpu.memory_space<semaphore_mem>>)
        } else {
        }
        %add3A_380 = arith.constant 5 : i32
        %add3A_381 = arith.addi %mul3A_173, %add3A_380 : i32
        %dma_wait3A_382 = arith.constant 5 : i32
        %dma_wait3A_383 = arith.constant 5 : i32
        %dma_wait3A_384 = arith.constant 0 : i32
        %dma_wait3A_385 = arith.constant 0 : i32
        %dma_wait3A_386 = tpu.memref_slice %arg8[%dma_wait3A_382, %dma_wait3A_384, %dma_wait3A_385] : memref<10x64x64xf32, #tpu.memory_space<vmem>> -> memref<1x64x64xf32, #tpu.memory_space<vmem>>
        %dma_wait3A_387 = tpu.memref_squeeze %dma_wait3A_386 : memref<1x64x64xf32, #tpu.memory_space<vmem>> -> memref<64x64xf32, #tpu.memory_space<vmem>>
        %dma_wait3A_388 = arith.constant 0 : i32
        %dma_wait3A_389 = tpu.memref_slice %arg6[%add3A_381, %dma_wait3A_388] : memref<40x64xi32, #tpu.memory_space<vmem>> -> memref<1x64xi32, #tpu.memory_space<vmem>>
        %dma_wait3A_390 = tpu.memref_squeeze %dma_wait3A_389 : memref<1x64xi32, #tpu.memory_space<vmem>> -> memref<64xi32, #tpu.memory_space<vmem>>
        %dma_wait3A_391 = arith.constant 0 : i32
        %dma_wait3A_392 = arith.constant 0 : i32
        %dma_wait3A_393 = tpu.memref_slice %arg9[%dma_wait3A_391, %dma_wait3A_392] : memref<10240x64xf32, #tpu.memory_space<vmem_shared>> -> memref<10240x64xf32, #tpu.memory_space<vmem_shared>>
        %dma_wait3A_394 = tpu.memref_slice %arg11[%dma_wait3A_383] : memref<10x!tpu.dma_semaphore, #tpu.memory_space<semaphore_mem>> -> memref<1x!tpu.dma_semaphore, #tpu.memory_space<semaphore_mem>>
        %dma_wait3A_395 = tpu.memref_squeeze %dma_wait3A_394 : memref<1x!tpu.dma_semaphore, #tpu.memory_space<semaphore_mem>> -> memref<!tpu.dma_semaphore, #tpu.memory_space<semaphore_mem>>
        tpu.wait_indirect_dma semaphore(%dma_wait3A_395 : memref<!tpu.dma_semaphore, #tpu.memory_space<semaphore_mem>>) src(%dma_wait3A_393 : memref<10240x64xf32, #tpu.memory_space<vmem_shared>>) dst(%dma_wait3A_387 : memref<64x64xf32, #tpu.memory_space<vmem>>)
        %dma_start3A_396 = arith.constant 5 : i32
        %dma_start3A_397 = arith.constant 5 : i32
        %dma_start3A_398 = arith.constant 0 : i32
        %dma_start3A_399 = arith.constant 0 : i32
        %dma_start3A_400 = tpu.memref_slice %arg8[%dma_start3A_396, %dma_start3A_398, %dma_start3A_399] : memref<10x64x64xf32, #tpu.memory_space<vmem>> -> memref<1x64x64xf32, #tpu.memory_space<vmem>>
        %dma_start3A_401 = tpu.memref_squeeze %dma_start3A_400 : memref<1x64x64xf32, #tpu.memory_space<vmem>> -> memref<64x64xf32, #tpu.memory_space<vmem>>
        %dma_start3A_402 = arith.constant 0 : i32
        %dma_start3A_403 = tpu.memref_slice %arg7[%add3A_381, %dma_start3A_402] : memref<40x64xi32, #tpu.memory_space<vmem>> -> memref<1x64xi32, #tpu.memory_space<vmem>>
        %dma_start3A_404 = tpu.memref_squeeze %dma_start3A_403 : memref<1x64xi32, #tpu.memory_space<vmem>> -> memref<64xi32, #tpu.memory_space<vmem>>
        %dma_start3A_405 = arith.constant 0 : i32
        %dma_start3A_406 = arith.constant 0 : i32
        %dma_start3A_407 = tpu.memref_slice %arg10[%dma_start3A_405, %dma_start3A_406] : memref<10240x64xf32, #tpu.memory_space<vmem_shared>> -> memref<10240x64xf32, #tpu.memory_space<vmem_shared>>
        %dma_start3A_408 = tpu.memref_slice %arg12[%dma_start3A_397] : memref<10x!tpu.dma_semaphore, #tpu.memory_space<semaphore_mem>> -> memref<1x!tpu.dma_semaphore, #tpu.memory_space<semaphore_mem>>
        %dma_start3A_409 = tpu.memref_squeeze %dma_start3A_408 : memref<1x!tpu.dma_semaphore, #tpu.memory_space<semaphore_mem>> -> memref<!tpu.dma_semaphore, #tpu.memory_space<semaphore_mem>>
        tpu.enqueue_indirect_dma source(%dma_start3A_401 : memref<64x64xf32, #tpu.memory_space<vmem>>) target(%dma_start3A_407 : memref<10240x64xf32, #tpu.memory_space<vmem_shared>>) offsets(%dma_start3A_404 : memref<64xi32, #tpu.memory_space<vmem>>) semaphore(%dma_start3A_409 : memref<!tpu.dma_semaphore, #tpu.memory_space<semaphore_mem>>) {add = true}
        %ge3A_410 = arith.constant 4 : i32
        %ge3A_411 = arith.cmpi sge, %add3A_381, %ge3A_410 : i32
        %convert_element_type3A_412 = arith.extui %ge3A_411 : i1 to i32
        %cond3A_413 = arith.constant 0 : i32
        %cond3A_414 = arith.cmpi ne, %convert_element_type3A_412, %cond3A_413 : i32
        scf.if %cond3A_414 {
          %sub3A = arith.constant 4 : i32
          %sub3A_591 = arith.subi %add3A_381, %sub3A : i32
          %dma_wait3A_592 = arith.constant 1 : i32
          %dma_wait3A_593 = arith.constant 1 : i32
          %dma_wait3A_594 = arith.constant 0 : i32
          %dma_wait3A_595 = arith.constant 0 : i32
          %dma_wait3A_596 = tpu.memref_slice %arg8[%dma_wait3A_592, %dma_wait3A_594, %dma_wait3A_595] : memref<10x64x64xf32, #tpu.memory_space<vmem>> -> memref<1x64x64xf32, #tpu.memory_space<vmem>>
          %dma_wait3A_597 = tpu.memref_squeeze %dma_wait3A_596 : memref<1x64x64xf32, #tpu.memory_space<vmem>> -> memref<64x64xf32, #tpu.memory_space<vmem>>
          %dma_wait3A_598 = arith.constant 0 : i32
          %dma_wait3A_599 = tpu.memref_slice %arg7[%sub3A_591, %dma_wait3A_598] : memref<40x64xi32, #tpu.memory_space<vmem>> -> memref<1x64xi32, #tpu.memory_space<vmem>>
          %dma_wait3A_600 = tpu.memref_squeeze %dma_wait3A_599 : memref<1x64xi32, #tpu.memory_space<vmem>> -> memref<64xi32, #tpu.memory_space<vmem>>
          %dma_wait3A_601 = arith.constant 0 : i32
          %dma_wait3A_602 = arith.constant 0 : i32
          %dma_wait3A_603 = tpu.memref_slice %arg10[%dma_wait3A_601, %dma_wait3A_602] : memref<10240x64xf32, #tpu.memory_space<vmem_shared>> -> memref<10240x64xf32, #tpu.memory_space<vmem_shared>>
          %dma_wait3A_604 = tpu.memref_slice %arg12[%dma_wait3A_593] : memref<10x!tpu.dma_semaphore, #tpu.memory_space<semaphore_mem>> -> memref<1x!tpu.dma_semaphore, #tpu.memory_space<semaphore_mem>>
          %dma_wait3A_605 = tpu.memref_squeeze %dma_wait3A_604 : memref<1x!tpu.dma_semaphore, #tpu.memory_space<semaphore_mem>> -> memref<!tpu.dma_semaphore, #tpu.memory_space<semaphore_mem>>
          tpu.wait_indirect_dma semaphore(%dma_wait3A_605 : memref<!tpu.dma_semaphore, #tpu.memory_space<semaphore_mem>>) src(%dma_wait3A_597 : memref<64x64xf32, #tpu.memory_space<vmem>>) dst(%dma_wait3A_603 : memref<10240x64xf32, #tpu.memory_space<vmem_shared>>)
        } else {
        }
        %add3A_415 = arith.constant 6 : i32
        %add3A_416 = arith.addi %add3A_381, %add3A_415 : i32
        %lt3A_417 = arith.constant 40 : i32
        %lt3A_418 = arith.cmpi slt, %add3A_416, %lt3A_417 : i32
        %convert_element_type3A_419 = arith.extui %lt3A_418 : i1 to i32
        %cond3A_420 = arith.constant 0 : i32
        %cond3A_421 = arith.cmpi ne, %convert_element_type3A_419, %cond3A_420 : i32
        scf.if %cond3A_421 {
          %add3A_591 = arith.constant 6 : i32
          %add3A_592 = arith.addi %add3A_381, %add3A_591 : i32
          %dma_start3A_593 = arith.constant 1 : i32
          %dma_start3A_594 = arith.constant 1 : i32
          %dma_start3A_595 = arith.constant 0 : i32
          %dma_start3A_596 = arith.constant 0 : i32
          %dma_start3A_597 = tpu.memref_slice %arg8[%dma_start3A_593, %dma_start3A_595, %dma_start3A_596] : memref<10x64x64xf32, #tpu.memory_space<vmem>> -> memref<1x64x64xf32, #tpu.memory_space<vmem>>
          %dma_start3A_598 = tpu.memref_squeeze %dma_start3A_597 : memref<1x64x64xf32, #tpu.memory_space<vmem>> -> memref<64x64xf32, #tpu.memory_space<vmem>>
          %dma_start3A_599 = arith.constant 0 : i32
          %dma_start3A_600 = tpu.memref_slice %arg6[%add3A_592, %dma_start3A_599] : memref<40x64xi32, #tpu.memory_space<vmem>> -> memref<1x64xi32, #tpu.memory_space<vmem>>
          %dma_start3A_601 = tpu.memref_squeeze %dma_start3A_600 : memref<1x64xi32, #tpu.memory_space<vmem>> -> memref<64xi32, #tpu.memory_space<vmem>>
          %dma_start3A_602 = arith.constant 0 : i32
          %dma_start3A_603 = arith.constant 0 : i32
          %dma_start3A_604 = tpu.memref_slice %arg9[%dma_start3A_602, %dma_start3A_603] : memref<10240x64xf32, #tpu.memory_space<vmem_shared>> -> memref<10240x64xf32, #tpu.memory_space<vmem_shared>>
          %dma_start3A_605 = tpu.memref_slice %arg11[%dma_start3A_594] : memref<10x!tpu.dma_semaphore, #tpu.memory_space<semaphore_mem>> -> memref<1x!tpu.dma_semaphore, #tpu.memory_space<semaphore_mem>>
          %dma_start3A_606 = tpu.memref_squeeze %dma_start3A_605 : memref<1x!tpu.dma_semaphore, #tpu.memory_space<semaphore_mem>> -> memref<!tpu.dma_semaphore, #tpu.memory_space<semaphore_mem>>
          tpu.enqueue_indirect_dma source(%dma_start3A_604 : memref<10240x64xf32, #tpu.memory_space<vmem_shared>>) target(%dma_start3A_598 : memref<64x64xf32, #tpu.memory_space<vmem>>) offsets(%dma_start3A_601 : memref<64xi32, #tpu.memory_space<vmem>>) semaphore(%dma_start3A_606 : memref<!tpu.dma_semaphore, #tpu.memory_space<semaphore_mem>>)
        } else {
        }
        %add3A_422 = arith.constant 6 : i32
        %add3A_423 = arith.addi %mul3A_173, %add3A_422 : i32
        %dma_wait3A_424 = arith.constant 6 : i32
        %dma_wait3A_425 = arith.constant 6 : i32
        %dma_wait3A_426 = arith.constant 0 : i32
        %dma_wait3A_427 = arith.constant 0 : i32
        %dma_wait3A_428 = tpu.memref_slice %arg8[%dma_wait3A_424, %dma_wait3A_426, %dma_wait3A_427] : memref<10x64x64xf32, #tpu.memory_space<vmem>> -> memref<1x64x64xf32, #tpu.memory_space<vmem>>
        %dma_wait3A_429 = tpu.memref_squeeze %dma_wait3A_428 : memref<1x64x64xf32, #tpu.memory_space<vmem>> -> memref<64x64xf32, #tpu.memory_space<vmem>>
        %dma_wait3A_430 = arith.constant 0 : i32
        %dma_wait3A_431 = tpu.memref_slice %arg6[%add3A_423, %dma_wait3A_430] : memref<40x64xi32, #tpu.memory_space<vmem>> -> memref<1x64xi32, #tpu.memory_space<vmem>>
        %dma_wait3A_432 = tpu.memref_squeeze %dma_wait3A_431 : memref<1x64xi32, #tpu.memory_space<vmem>> -> memref<64xi32, #tpu.memory_space<vmem>>
        %dma_wait3A_433 = arith.constant 0 : i32
        %dma_wait3A_434 = arith.constant 0 : i32
        %dma_wait3A_435 = tpu.memref_slice %arg9[%dma_wait3A_433, %dma_wait3A_434] : memref<10240x64xf32, #tpu.memory_space<vmem_shared>> -> memref<10240x64xf32, #tpu.memory_space<vmem_shared>>
        %dma_wait3A_436 = tpu.memref_slice %arg11[%dma_wait3A_425] : memref<10x!tpu.dma_semaphore, #tpu.memory_space<semaphore_mem>> -> memref<1x!tpu.dma_semaphore, #tpu.memory_space<semaphore_mem>>
        %dma_wait3A_437 = tpu.memref_squeeze %dma_wait3A_436 : memref<1x!tpu.dma_semaphore, #tpu.memory_space<semaphore_mem>> -> memref<!tpu.dma_semaphore, #tpu.memory_space<semaphore_mem>>
        tpu.wait_indirect_dma semaphore(%dma_wait3A_437 : memref<!tpu.dma_semaphore, #tpu.memory_space<semaphore_mem>>) src(%dma_wait3A_435 : memref<10240x64xf32, #tpu.memory_space<vmem_shared>>) dst(%dma_wait3A_429 : memref<64x64xf32, #tpu.memory_space<vmem>>)
        %dma_start3A_438 = arith.constant 6 : i32
        %dma_start3A_439 = arith.constant 6 : i32
        %dma_start3A_440 = arith.constant 0 : i32
        %dma_start3A_441 = arith.constant 0 : i32
        %dma_start3A_442 = tpu.memref_slice %arg8[%dma_start3A_438, %dma_start3A_440, %dma_start3A_441] : memref<10x64x64xf32, #tpu.memory_space<vmem>> -> memref<1x64x64xf32, #tpu.memory_space<vmem>>
        %dma_start3A_443 = tpu.memref_squeeze %dma_start3A_442 : memref<1x64x64xf32, #tpu.memory_space<vmem>> -> memref<64x64xf32, #tpu.memory_space<vmem>>
        %dma_start3A_444 = arith.constant 0 : i32
        %dma_start3A_445 = tpu.memref_slice %arg7[%add3A_423, %dma_start3A_444] : memref<40x64xi32, #tpu.memory_space<vmem>> -> memref<1x64xi32, #tpu.memory_space<vmem>>
        %dma_start3A_446 = tpu.memref_squeeze %dma_start3A_445 : memref<1x64xi32, #tpu.memory_space<vmem>> -> memref<64xi32, #tpu.memory_space<vmem>>
        %dma_start3A_447 = arith.constant 0 : i32
        %dma_start3A_448 = arith.constant 0 : i32
        %dma_start3A_449 = tpu.memref_slice %arg10[%dma_start3A_447, %dma_start3A_448] : memref<10240x64xf32, #tpu.memory_space<vmem_shared>> -> memref<10240x64xf32, #tpu.memory_space<vmem_shared>>
        %dma_start3A_450 = tpu.memref_slice %arg12[%dma_start3A_439] : memref<10x!tpu.dma_semaphore, #tpu.memory_space<semaphore_mem>> -> memref<1x!tpu.dma_semaphore, #tpu.memory_space<semaphore_mem>>
        %dma_start3A_451 = tpu.memref_squeeze %dma_start3A_450 : memref<1x!tpu.dma_semaphore, #tpu.memory_space<semaphore_mem>> -> memref<!tpu.dma_semaphore, #tpu.memory_space<semaphore_mem>>
        tpu.enqueue_indirect_dma source(%dma_start3A_443 : memref<64x64xf32, #tpu.memory_space<vmem>>) target(%dma_start3A_449 : memref<10240x64xf32, #tpu.memory_space<vmem_shared>>) offsets(%dma_start3A_446 : memref<64xi32, #tpu.memory_space<vmem>>) semaphore(%dma_start3A_451 : memref<!tpu.dma_semaphore, #tpu.memory_space<semaphore_mem>>) {add = true}
        %ge3A_452 = arith.constant 4 : i32
        %ge3A_453 = arith.cmpi sge, %add3A_423, %ge3A_452 : i32
        %convert_element_type3A_454 = arith.extui %ge3A_453 : i1 to i32
        %cond3A_455 = arith.constant 0 : i32
        %cond3A_456 = arith.cmpi ne, %convert_element_type3A_454, %cond3A_455 : i32
        scf.if %cond3A_456 {
          %sub3A = arith.constant 4 : i32
          %sub3A_591 = arith.subi %add3A_423, %sub3A : i32
          %dma_wait3A_592 = arith.constant 2 : i32
          %dma_wait3A_593 = arith.constant 2 : i32
          %dma_wait3A_594 = arith.constant 0 : i32
          %dma_wait3A_595 = arith.constant 0 : i32
          %dma_wait3A_596 = tpu.memref_slice %arg8[%dma_wait3A_592, %dma_wait3A_594, %dma_wait3A_595] : memref<10x64x64xf32, #tpu.memory_space<vmem>> -> memref<1x64x64xf32, #tpu.memory_space<vmem>>
          %dma_wait3A_597 = tpu.memref_squeeze %dma_wait3A_596 : memref<1x64x64xf32, #tpu.memory_space<vmem>> -> memref<64x64xf32, #tpu.memory_space<vmem>>
          %dma_wait3A_598 = arith.constant 0 : i32
          %dma_wait3A_599 = tpu.memref_slice %arg7[%sub3A_591, %dma_wait3A_598] : memref<40x64xi32, #tpu.memory_space<vmem>> -> memref<1x64xi32, #tpu.memory_space<vmem>>
          %dma_wait3A_600 = tpu.memref_squeeze %dma_wait3A_599 : memref<1x64xi32, #tpu.memory_space<vmem>> -> memref<64xi32, #tpu.memory_space<vmem>>
          %dma_wait3A_601 = arith.constant 0 : i32
          %dma_wait3A_602 = arith.constant 0 : i32
          %dma_wait3A_603 = tpu.memref_slice %arg10[%dma_wait3A_601, %dma_wait3A_602] : memref<10240x64xf32, #tpu.memory_space<vmem_shared>> -> memref<10240x64xf32, #tpu.memory_space<vmem_shared>>
          %dma_wait3A_604 = tpu.memref_slice %arg12[%dma_wait3A_593] : memref<10x!tpu.dma_semaphore, #tpu.memory_space<semaphore_mem>> -> memref<1x!tpu.dma_semaphore, #tpu.memory_space<semaphore_mem>>
          %dma_wait3A_605 = tpu.memref_squeeze %dma_wait3A_604 : memref<1x!tpu.dma_semaphore, #tpu.memory_space<semaphore_mem>> -> memref<!tpu.dma_semaphore, #tpu.memory_space<semaphore_mem>>
          tpu.wait_indirect_dma semaphore(%dma_wait3A_605 : memref<!tpu.dma_semaphore, #tpu.memory_space<semaphore_mem>>) src(%dma_wait3A_597 : memref<64x64xf32, #tpu.memory_space<vmem>>) dst(%dma_wait3A_603 : memref<10240x64xf32, #tpu.memory_space<vmem_shared>>)
        } else {
        }
        %add3A_457 = arith.constant 6 : i32
        %add3A_458 = arith.addi %add3A_423, %add3A_457 : i32
        %lt3A_459 = arith.constant 40 : i32
        %lt3A_460 = arith.cmpi slt, %add3A_458, %lt3A_459 : i32
        %convert_element_type3A_461 = arith.extui %lt3A_460 : i1 to i32
        %cond3A_462 = arith.constant 0 : i32
        %cond3A_463 = arith.cmpi ne, %convert_element_type3A_461, %cond3A_462 : i32
        scf.if %cond3A_463 {
          %add3A_591 = arith.constant 6 : i32
          %add3A_592 = arith.addi %add3A_423, %add3A_591 : i32
          %dma_start3A_593 = arith.constant 2 : i32
          %dma_start3A_594 = arith.constant 2 : i32
          %dma_start3A_595 = arith.constant 0 : i32
          %dma_start3A_596 = arith.constant 0 : i32
          %dma_start3A_597 = tpu.memref_slice %arg8[%dma_start3A_593, %dma_start3A_595, %dma_start3A_596] : memref<10x64x64xf32, #tpu.memory_space<vmem>> -> memref<1x64x64xf32, #tpu.memory_space<vmem>>
          %dma_start3A_598 = tpu.memref_squeeze %dma_start3A_597 : memref<1x64x64xf32, #tpu.memory_space<vmem>> -> memref<64x64xf32, #tpu.memory_space<vmem>>
          %dma_start3A_599 = arith.constant 0 : i32
          %dma_start3A_600 = tpu.memref_slice %arg6[%add3A_592, %dma_start3A_599] : memref<40x64xi32, #tpu.memory_space<vmem>> -> memref<1x64xi32, #tpu.memory_space<vmem>>
          %dma_start3A_601 = tpu.memref_squeeze %dma_start3A_600 : memref<1x64xi32, #tpu.memory_space<vmem>> -> memref<64xi32, #tpu.memory_space<vmem>>
          %dma_start3A_602 = arith.constant 0 : i32
          %dma_start3A_603 = arith.constant 0 : i32
          %dma_start3A_604 = tpu.memref_slice %arg9[%dma_start3A_602, %dma_start3A_603] : memref<10240x64xf32, #tpu.memory_space<vmem_shared>> -> memref<10240x64xf32, #tpu.memory_space<vmem_shared>>
          %dma_start3A_605 = tpu.memref_slice %arg11[%dma_start3A_594] : memref<10x!tpu.dma_semaphore, #tpu.memory_space<semaphore_mem>> -> memref<1x!tpu.dma_semaphore, #tpu.memory_space<semaphore_mem>>
          %dma_start3A_606 = tpu.memref_squeeze %dma_start3A_605 : memref<1x!tpu.dma_semaphore, #tpu.memory_space<semaphore_mem>> -> memref<!tpu.dma_semaphore, #tpu.memory_space<semaphore_mem>>
          tpu.enqueue_indirect_dma source(%dma_start3A_604 : memref<10240x64xf32, #tpu.memory_space<vmem_shared>>) target(%dma_start3A_598 : memref<64x64xf32, #tpu.memory_space<vmem>>) offsets(%dma_start3A_601 : memref<64xi32, #tpu.memory_space<vmem>>) semaphore(%dma_start3A_606 : memref<!tpu.dma_semaphore, #tpu.memory_space<semaphore_mem>>)
        } else {
        }
        %add3A_464 = arith.constant 7 : i32
        %add3A_465 = arith.addi %mul3A_173, %add3A_464 : i32
        %dma_wait3A_466 = arith.constant 7 : i32
        %dma_wait3A_467 = arith.constant 7 : i32
        %dma_wait3A_468 = arith.constant 0 : i32
        %dma_wait3A_469 = arith.constant 0 : i32
        %dma_wait3A_470 = tpu.memref_slice %arg8[%dma_wait3A_466, %dma_wait3A_468, %dma_wait3A_469] : memref<10x64x64xf32, #tpu.memory_space<vmem>> -> memref<1x64x64xf32, #tpu.memory_space<vmem>>
        %dma_wait3A_471 = tpu.memref_squeeze %dma_wait3A_470 : memref<1x64x64xf32, #tpu.memory_space<vmem>> -> memref<64x64xf32, #tpu.memory_space<vmem>>
        %dma_wait3A_472 = arith.constant 0 : i32
        %dma_wait3A_473 = tpu.memref_slice %arg6[%add3A_465, %dma_wait3A_472] : memref<40x64xi32, #tpu.memory_space<vmem>> -> memref<1x64xi32, #tpu.memory_space<vmem>>
        %dma_wait3A_474 = tpu.memref_squeeze %dma_wait3A_473 : memref<1x64xi32, #tpu.memory_space<vmem>> -> memref<64xi32, #tpu.memory_space<vmem>>
        %dma_wait3A_475 = arith.constant 0 : i32
        %dma_wait3A_476 = arith.constant 0 : i32
        %dma_wait3A_477 = tpu.memref_slice %arg9[%dma_wait3A_475, %dma_wait3A_476] : memref<10240x64xf32, #tpu.memory_space<vmem_shared>> -> memref<10240x64xf32, #tpu.memory_space<vmem_shared>>
        %dma_wait3A_478 = tpu.memref_slice %arg11[%dma_wait3A_467] : memref<10x!tpu.dma_semaphore, #tpu.memory_space<semaphore_mem>> -> memref<1x!tpu.dma_semaphore, #tpu.memory_space<semaphore_mem>>
        %dma_wait3A_479 = tpu.memref_squeeze %dma_wait3A_478 : memref<1x!tpu.dma_semaphore, #tpu.memory_space<semaphore_mem>> -> memref<!tpu.dma_semaphore, #tpu.memory_space<semaphore_mem>>
        tpu.wait_indirect_dma semaphore(%dma_wait3A_479 : memref<!tpu.dma_semaphore, #tpu.memory_space<semaphore_mem>>) src(%dma_wait3A_477 : memref<10240x64xf32, #tpu.memory_space<vmem_shared>>) dst(%dma_wait3A_471 : memref<64x64xf32, #tpu.memory_space<vmem>>)
        %dma_start3A_480 = arith.constant 7 : i32
        %dma_start3A_481 = arith.constant 7 : i32
        %dma_start3A_482 = arith.constant 0 : i32
        %dma_start3A_483 = arith.constant 0 : i32
        %dma_start3A_484 = tpu.memref_slice %arg8[%dma_start3A_480, %dma_start3A_482, %dma_start3A_483] : memref<10x64x64xf32, #tpu.memory_space<vmem>> -> memref<1x64x64xf32, #tpu.memory_space<vmem>>
        %dma_start3A_485 = tpu.memref_squeeze %dma_start3A_484 : memref<1x64x64xf32, #tpu.memory_space<vmem>> -> memref<64x64xf32, #tpu.memory_space<vmem>>
        %dma_start3A_486 = arith.constant 0 : i32
        %dma_start3A_487 = tpu.memref_slice %arg7[%add3A_465, %dma_start3A_486] : memref<40x64xi32, #tpu.memory_space<vmem>> -> memref<1x64xi32, #tpu.memory_space<vmem>>
        %dma_start3A_488 = tpu.memref_squeeze %dma_start3A_487 : memref<1x64xi32, #tpu.memory_space<vmem>> -> memref<64xi32, #tpu.memory_space<vmem>>
        %dma_start3A_489 = arith.constant 0 : i32
        %dma_start3A_490 = arith.constant 0 : i32
        %dma_start3A_491 = tpu.memref_slice %arg10[%dma_start3A_489, %dma_start3A_490] : memref<10240x64xf32, #tpu.memory_space<vmem_shared>> -> memref<10240x64xf32, #tpu.memory_space<vmem_shared>>
        %dma_start3A_492 = tpu.memref_slice %arg12[%dma_start3A_481] : memref<10x!tpu.dma_semaphore, #tpu.memory_space<semaphore_mem>> -> memref<1x!tpu.dma_semaphore, #tpu.memory_space<semaphore_mem>>
        %dma_start3A_493 = tpu.memref_squeeze %dma_start3A_492 : memref<1x!tpu.dma_semaphore, #tpu.memory_space<semaphore_mem>> -> memref<!tpu.dma_semaphore, #tpu.memory_space<semaphore_mem>>
        tpu.enqueue_indirect_dma source(%dma_start3A_485 : memref<64x64xf32, #tpu.memory_space<vmem>>) target(%dma_start3A_491 : memref<10240x64xf32, #tpu.memory_space<vmem_shared>>) offsets(%dma_start3A_488 : memref<64xi32, #tpu.memory_space<vmem>>) semaphore(%dma_start3A_493 : memref<!tpu.dma_semaphore, #tpu.memory_space<semaphore_mem>>) {add = true}
        %ge3A_494 = arith.constant 4 : i32
        %ge3A_495 = arith.cmpi sge, %add3A_465, %ge3A_494 : i32
        %convert_element_type3A_496 = arith.extui %ge3A_495 : i1 to i32
        %cond3A_497 = arith.constant 0 : i32
        %cond3A_498 = arith.cmpi ne, %convert_element_type3A_496, %cond3A_497 : i32
        scf.if %cond3A_498 {
          %sub3A = arith.constant 4 : i32
          %sub3A_591 = arith.subi %add3A_465, %sub3A : i32
          %dma_wait3A_592 = arith.constant 3 : i32
          %dma_wait3A_593 = arith.constant 3 : i32
          %dma_wait3A_594 = arith.constant 0 : i32
          %dma_wait3A_595 = arith.constant 0 : i32
          %dma_wait3A_596 = tpu.memref_slice %arg8[%dma_wait3A_592, %dma_wait3A_594, %dma_wait3A_595] : memref<10x64x64xf32, #tpu.memory_space<vmem>> -> memref<1x64x64xf32, #tpu.memory_space<vmem>>
          %dma_wait3A_597 = tpu.memref_squeeze %dma_wait3A_596 : memref<1x64x64xf32, #tpu.memory_space<vmem>> -> memref<64x64xf32, #tpu.memory_space<vmem>>
          %dma_wait3A_598 = arith.constant 0 : i32
          %dma_wait3A_599 = tpu.memref_slice %arg7[%sub3A_591, %dma_wait3A_598] : memref<40x64xi32, #tpu.memory_space<vmem>> -> memref<1x64xi32, #tpu.memory_space<vmem>>
          %dma_wait3A_600 = tpu.memref_squeeze %dma_wait3A_599 : memref<1x64xi32, #tpu.memory_space<vmem>> -> memref<64xi32, #tpu.memory_space<vmem>>
          %dma_wait3A_601 = arith.constant 0 : i32
          %dma_wait3A_602 = arith.constant 0 : i32
          %dma_wait3A_603 = tpu.memref_slice %arg10[%dma_wait3A_601, %dma_wait3A_602] : memref<10240x64xf32, #tpu.memory_space<vmem_shared>> -> memref<10240x64xf32, #tpu.memory_space<vmem_shared>>
          %dma_wait3A_604 = tpu.memref_slice %arg12[%dma_wait3A_593] : memref<10x!tpu.dma_semaphore, #tpu.memory_space<semaphore_mem>> -> memref<1x!tpu.dma_semaphore, #tpu.memory_space<semaphore_mem>>
          %dma_wait3A_605 = tpu.memref_squeeze %dma_wait3A_604 : memref<1x!tpu.dma_semaphore, #tpu.memory_space<semaphore_mem>> -> memref<!tpu.dma_semaphore, #tpu.memory_space<semaphore_mem>>
          tpu.wait_indirect_dma semaphore(%dma_wait3A_605 : memref<!tpu.dma_semaphore, #tpu.memory_space<semaphore_mem>>) src(%dma_wait3A_597 : memref<64x64xf32, #tpu.memory_space<vmem>>) dst(%dma_wait3A_603 : memref<10240x64xf32, #tpu.memory_space<vmem_shared>>)
        } else {
        }
        %add3A_499 = arith.constant 6 : i32
        %add3A_500 = arith.addi %add3A_465, %add3A_499 : i32
        %lt3A_501 = arith.constant 40 : i32
        %lt3A_502 = arith.cmpi slt, %add3A_500, %lt3A_501 : i32
        %convert_element_type3A_503 = arith.extui %lt3A_502 : i1 to i32
        %cond3A_504 = arith.constant 0 : i32
        %cond3A_505 = arith.cmpi ne, %convert_element_type3A_503, %cond3A_504 : i32
        scf.if %cond3A_505 {
          %add3A_591 = arith.constant 6 : i32
          %add3A_592 = arith.addi %add3A_465, %add3A_591 : i32
          %dma_start3A_593 = arith.constant 3 : i32
          %dma_start3A_594 = arith.constant 3 : i32
          %dma_start3A_595 = arith.constant 0 : i32
          %dma_start3A_596 = arith.constant 0 : i32
          %dma_start3A_597 = tpu.memref_slice %arg8[%dma_start3A_593, %dma_start3A_595, %dma_start3A_596] : memref<10x64x64xf32, #tpu.memory_space<vmem>> -> memref<1x64x64xf32, #tpu.memory_space<vmem>>
          %dma_start3A_598 = tpu.memref_squeeze %dma_start3A_597 : memref<1x64x64xf32, #tpu.memory_space<vmem>> -> memref<64x64xf32, #tpu.memory_space<vmem>>
          %dma_start3A_599 = arith.constant 0 : i32
          %dma_start3A_600 = tpu.memref_slice %arg6[%add3A_592, %dma_start3A_599] : memref<40x64xi32, #tpu.memory_space<vmem>> -> memref<1x64xi32, #tpu.memory_space<vmem>>
          %dma_start3A_601 = tpu.memref_squeeze %dma_start3A_600 : memref<1x64xi32, #tpu.memory_space<vmem>> -> memref<64xi32, #tpu.memory_space<vmem>>
          %dma_start3A_602 = arith.constant 0 : i32
          %dma_start3A_603 = arith.constant 0 : i32
          %dma_start3A_604 = tpu.memref_slice %arg9[%dma_start3A_602, %dma_start3A_603] : memref<10240x64xf32, #tpu.memory_space<vmem_shared>> -> memref<10240x64xf32, #tpu.memory_space<vmem_shared>>
          %dma_start3A_605 = tpu.memref_slice %arg11[%dma_start3A_594] : memref<10x!tpu.dma_semaphore, #tpu.memory_space<semaphore_mem>> -> memref<1x!tpu.dma_semaphore, #tpu.memory_space<semaphore_mem>>
          %dma_start3A_606 = tpu.memref_squeeze %dma_start3A_605 : memref<1x!tpu.dma_semaphore, #tpu.memory_space<semaphore_mem>> -> memref<!tpu.dma_semaphore, #tpu.memory_space<semaphore_mem>>
          tpu.enqueue_indirect_dma source(%dma_start3A_604 : memref<10240x64xf32, #tpu.memory_space<vmem_shared>>) target(%dma_start3A_598 : memref<64x64xf32, #tpu.memory_space<vmem>>) offsets(%dma_start3A_601 : memref<64xi32, #tpu.memory_space<vmem>>) semaphore(%dma_start3A_606 : memref<!tpu.dma_semaphore, #tpu.memory_space<semaphore_mem>>)
        } else {
        }
        %add3A_506 = arith.constant 8 : i32
        %add3A_507 = arith.addi %mul3A_173, %add3A_506 : i32
        %dma_wait3A_508 = arith.constant 8 : i32
        %dma_wait3A_509 = arith.constant 8 : i32
        %dma_wait3A_510 = arith.constant 0 : i32
        %dma_wait3A_511 = arith.constant 0 : i32
        %dma_wait3A_512 = tpu.memref_slice %arg8[%dma_wait3A_508, %dma_wait3A_510, %dma_wait3A_511] : memref<10x64x64xf32, #tpu.memory_space<vmem>> -> memref<1x64x64xf32, #tpu.memory_space<vmem>>
        %dma_wait3A_513 = tpu.memref_squeeze %dma_wait3A_512 : memref<1x64x64xf32, #tpu.memory_space<vmem>> -> memref<64x64xf32, #tpu.memory_space<vmem>>
        %dma_wait3A_514 = arith.constant 0 : i32
        %dma_wait3A_515 = tpu.memref_slice %arg6[%add3A_507, %dma_wait3A_514] : memref<40x64xi32, #tpu.memory_space<vmem>> -> memref<1x64xi32, #tpu.memory_space<vmem>>
        %dma_wait3A_516 = tpu.memref_squeeze %dma_wait3A_515 : memref<1x64xi32, #tpu.memory_space<vmem>> -> memref<64xi32, #tpu.memory_space<vmem>>
        %dma_wait3A_517 = arith.constant 0 : i32
        %dma_wait3A_518 = arith.constant 0 : i32
        %dma_wait3A_519 = tpu.memref_slice %arg9[%dma_wait3A_517, %dma_wait3A_518] : memref<10240x64xf32, #tpu.memory_space<vmem_shared>> -> memref<10240x64xf32, #tpu.memory_space<vmem_shared>>
        %dma_wait3A_520 = tpu.memref_slice %arg11[%dma_wait3A_509] : memref<10x!tpu.dma_semaphore, #tpu.memory_space<semaphore_mem>> -> memref<1x!tpu.dma_semaphore, #tpu.memory_space<semaphore_mem>>
        %dma_wait3A_521 = tpu.memref_squeeze %dma_wait3A_520 : memref<1x!tpu.dma_semaphore, #tpu.memory_space<semaphore_mem>> -> memref<!tpu.dma_semaphore, #tpu.memory_space<semaphore_mem>>
        tpu.wait_indirect_dma semaphore(%dma_wait3A_521 : memref<!tpu.dma_semaphore, #tpu.memory_space<semaphore_mem>>) src(%dma_wait3A_519 : memref<10240x64xf32, #tpu.memory_space<vmem_shared>>) dst(%dma_wait3A_513 : memref<64x64xf32, #tpu.memory_space<vmem>>)
        %dma_start3A_522 = arith.constant 8 : i32
        %dma_start3A_523 = arith.constant 8 : i32
        %dma_start3A_524 = arith.constant 0 : i32
        %dma_start3A_525 = arith.constant 0 : i32
        %dma_start3A_526 = tpu.memref_slice %arg8[%dma_start3A_522, %dma_start3A_524, %dma_start3A_525] : memref<10x64x64xf32, #tpu.memory_space<vmem>> -> memref<1x64x64xf32, #tpu.memory_space<vmem>>
        %dma_start3A_527 = tpu.memref_squeeze %dma_start3A_526 : memref<1x64x64xf32, #tpu.memory_space<vmem>> -> memref<64x64xf32, #tpu.memory_space<vmem>>
        %dma_start3A_528 = arith.constant 0 : i32
        %dma_start3A_529 = tpu.memref_slice %arg7[%add3A_507, %dma_start3A_528] : memref<40x64xi32, #tpu.memory_space<vmem>> -> memref<1x64xi32, #tpu.memory_space<vmem>>
        %dma_start3A_530 = tpu.memref_squeeze %dma_start3A_529 : memref<1x64xi32, #tpu.memory_space<vmem>> -> memref<64xi32, #tpu.memory_space<vmem>>
        %dma_start3A_531 = arith.constant 0 : i32
        %dma_start3A_532 = arith.constant 0 : i32
        %dma_start3A_533 = tpu.memref_slice %arg10[%dma_start3A_531, %dma_start3A_532] : memref<10240x64xf32, #tpu.memory_space<vmem_shared>> -> memref<10240x64xf32, #tpu.memory_space<vmem_shared>>
        %dma_start3A_534 = tpu.memref_slice %arg12[%dma_start3A_523] : memref<10x!tpu.dma_semaphore, #tpu.memory_space<semaphore_mem>> -> memref<1x!tpu.dma_semaphore, #tpu.memory_space<semaphore_mem>>
        %dma_start3A_535 = tpu.memref_squeeze %dma_start3A_534 : memref<1x!tpu.dma_semaphore, #tpu.memory_space<semaphore_mem>> -> memref<!tpu.dma_semaphore, #tpu.memory_space<semaphore_mem>>
        tpu.enqueue_indirect_dma source(%dma_start3A_527 : memref<64x64xf32, #tpu.memory_space<vmem>>) target(%dma_start3A_533 : memref<10240x64xf32, #tpu.memory_space<vmem_shared>>) offsets(%dma_start3A_530 : memref<64xi32, #tpu.memory_space<vmem>>) semaphore(%dma_start3A_535 : memref<!tpu.dma_semaphore, #tpu.memory_space<semaphore_mem>>) {add = true}
        %ge3A_536 = arith.constant 4 : i32
        %ge3A_537 = arith.cmpi sge, %add3A_507, %ge3A_536 : i32
        %convert_element_type3A_538 = arith.extui %ge3A_537 : i1 to i32
        %cond3A_539 = arith.constant 0 : i32
        %cond3A_540 = arith.cmpi ne, %convert_element_type3A_538, %cond3A_539 : i32
        scf.if %cond3A_540 {
          %sub3A = arith.constant 4 : i32
          %sub3A_591 = arith.subi %add3A_507, %sub3A : i32
          %dma_wait3A_592 = arith.constant 4 : i32
          %dma_wait3A_593 = arith.constant 4 : i32
          %dma_wait3A_594 = arith.constant 0 : i32
          %dma_wait3A_595 = arith.constant 0 : i32
          %dma_wait3A_596 = tpu.memref_slice %arg8[%dma_wait3A_592, %dma_wait3A_594, %dma_wait3A_595] : memref<10x64x64xf32, #tpu.memory_space<vmem>> -> memref<1x64x64xf32, #tpu.memory_space<vmem>>
          %dma_wait3A_597 = tpu.memref_squeeze %dma_wait3A_596 : memref<1x64x64xf32, #tpu.memory_space<vmem>> -> memref<64x64xf32, #tpu.memory_space<vmem>>
          %dma_wait3A_598 = arith.constant 0 : i32
          %dma_wait3A_599 = tpu.memref_slice %arg7[%sub3A_591, %dma_wait3A_598] : memref<40x64xi32, #tpu.memory_space<vmem>> -> memref<1x64xi32, #tpu.memory_space<vmem>>
          %dma_wait3A_600 = tpu.memref_squeeze %dma_wait3A_599 : memref<1x64xi32, #tpu.memory_space<vmem>> -> memref<64xi32, #tpu.memory_space<vmem>>
          %dma_wait3A_601 = arith.constant 0 : i32
          %dma_wait3A_602 = arith.constant 0 : i32
          %dma_wait3A_603 = tpu.memref_slice %arg10[%dma_wait3A_601, %dma_wait3A_602] : memref<10240x64xf32, #tpu.memory_space<vmem_shared>> -> memref<10240x64xf32, #tpu.memory_space<vmem_shared>>
          %dma_wait3A_604 = tpu.memref_slice %arg12[%dma_wait3A_593] : memref<10x!tpu.dma_semaphore, #tpu.memory_space<semaphore_mem>> -> memref<1x!tpu.dma_semaphore, #tpu.memory_space<semaphore_mem>>
          %dma_wait3A_605 = tpu.memref_squeeze %dma_wait3A_604 : memref<1x!tpu.dma_semaphore, #tpu.memory_space<semaphore_mem>> -> memref<!tpu.dma_semaphore, #tpu.memory_space<semaphore_mem>>
          tpu.wait_indirect_dma semaphore(%dma_wait3A_605 : memref<!tpu.dma_semaphore, #tpu.memory_space<semaphore_mem>>) src(%dma_wait3A_597 : memref<64x64xf32, #tpu.memory_space<vmem>>) dst(%dma_wait3A_603 : memref<10240x64xf32, #tpu.memory_space<vmem_shared>>)
        } else {
        }
        %add3A_541 = arith.constant 6 : i32
        %add3A_542 = arith.addi %add3A_507, %add3A_541 : i32
        %lt3A_543 = arith.constant 40 : i32
        %lt3A_544 = arith.cmpi slt, %add3A_542, %lt3A_543 : i32
        %convert_element_type3A_545 = arith.extui %lt3A_544 : i1 to i32
        %cond3A_546 = arith.constant 0 : i32
        %cond3A_547 = arith.cmpi ne, %convert_element_type3A_545, %cond3A_546 : i32
        scf.if %cond3A_547 {
          %add3A_591 = arith.constant 6 : i32
          %add3A_592 = arith.addi %add3A_507, %add3A_591 : i32
          %dma_start3A_593 = arith.constant 4 : i32
          %dma_start3A_594 = arith.constant 4 : i32
          %dma_start3A_595 = arith.constant 0 : i32
          %dma_start3A_596 = arith.constant 0 : i32
          %dma_start3A_597 = tpu.memref_slice %arg8[%dma_start3A_593, %dma_start3A_595, %dma_start3A_596] : memref<10x64x64xf32, #tpu.memory_space<vmem>> -> memref<1x64x64xf32, #tpu.memory_space<vmem>>
          %dma_start3A_598 = tpu.memref_squeeze %dma_start3A_597 : memref<1x64x64xf32, #tpu.memory_space<vmem>> -> memref<64x64xf32, #tpu.memory_space<vmem>>
          %dma_start3A_599 = arith.constant 0 : i32
          %dma_start3A_600 = tpu.memref_slice %arg6[%add3A_592, %dma_start3A_599] : memref<40x64xi32, #tpu.memory_space<vmem>> -> memref<1x64xi32, #tpu.memory_space<vmem>>
          %dma_start3A_601 = tpu.memref_squeeze %dma_start3A_600 : memref<1x64xi32, #tpu.memory_space<vmem>> -> memref<64xi32, #tpu.memory_space<vmem>>
          %dma_start3A_602 = arith.constant 0 : i32
          %dma_start3A_603 = arith.constant 0 : i32
          %dma_start3A_604 = tpu.memref_slice %arg9[%dma_start3A_602, %dma_start3A_603] : memref<10240x64xf32, #tpu.memory_space<vmem_shared>> -> memref<10240x64xf32, #tpu.memory_space<vmem_shared>>
          %dma_start3A_605 = tpu.memref_slice %arg11[%dma_start3A_594] : memref<10x!tpu.dma_semaphore, #tpu.memory_space<semaphore_mem>> -> memref<1x!tpu.dma_semaphore, #tpu.memory_space<semaphore_mem>>
          %dma_start3A_606 = tpu.memref_squeeze %dma_start3A_605 : memref<1x!tpu.dma_semaphore, #tpu.memory_space<semaphore_mem>> -> memref<!tpu.dma_semaphore, #tpu.memory_space<semaphore_mem>>
          tpu.enqueue_indirect_dma source(%dma_start3A_604 : memref<10240x64xf32, #tpu.memory_space<vmem_shared>>) target(%dma_start3A_598 : memref<64x64xf32, #tpu.memory_space<vmem>>) offsets(%dma_start3A_601 : memref<64xi32, #tpu.memory_space<vmem>>) semaphore(%dma_start3A_606 : memref<!tpu.dma_semaphore, #tpu.memory_space<semaphore_mem>>)
        } else {
        }
        %add3A_548 = arith.constant 9 : i32
        %add3A_549 = arith.addi %mul3A_173, %add3A_548 : i32
        %dma_wait3A_550 = arith.constant 9 : i32
        %dma_wait3A_551 = arith.constant 9 : i32
        %dma_wait3A_552 = arith.constant 0 : i32
        %dma_wait3A_553 = arith.constant 0 : i32
        %dma_wait3A_554 = tpu.memref_slice %arg8[%dma_wait3A_550, %dma_wait3A_552, %dma_wait3A_553] : memref<10x64x64xf32, #tpu.memory_space<vmem>> -> memref<1x64x64xf32, #tpu.memory_space<vmem>>
        %dma_wait3A_555 = tpu.memref_squeeze %dma_wait3A_554 : memref<1x64x64xf32, #tpu.memory_space<vmem>> -> memref<64x64xf32, #tpu.memory_space<vmem>>
        %dma_wait3A_556 = arith.constant 0 : i32
        %dma_wait3A_557 = tpu.memref_slice %arg6[%add3A_549, %dma_wait3A_556] : memref<40x64xi32, #tpu.memory_space<vmem>> -> memref<1x64xi32, #tpu.memory_space<vmem>>
        %dma_wait3A_558 = tpu.memref_squeeze %dma_wait3A_557 : memref<1x64xi32, #tpu.memory_space<vmem>> -> memref<64xi32, #tpu.memory_space<vmem>>
        %dma_wait3A_559 = arith.constant 0 : i32
        %dma_wait3A_560 = arith.constant 0 : i32
        %dma_wait3A_561 = tpu.memref_slice %arg9[%dma_wait3A_559, %dma_wait3A_560] : memref<10240x64xf32, #tpu.memory_space<vmem_shared>> -> memref<10240x64xf32, #tpu.memory_space<vmem_shared>>
        %dma_wait3A_562 = tpu.memref_slice %arg11[%dma_wait3A_551] : memref<10x!tpu.dma_semaphore, #tpu.memory_space<semaphore_mem>> -> memref<1x!tpu.dma_semaphore, #tpu.memory_space<semaphore_mem>>
        %dma_wait3A_563 = tpu.memref_squeeze %dma_wait3A_562 : memref<1x!tpu.dma_semaphore, #tpu.memory_space<semaphore_mem>> -> memref<!tpu.dma_semaphore, #tpu.memory_space<semaphore_mem>>
        tpu.wait_indirect_dma semaphore(%dma_wait3A_563 : memref<!tpu.dma_semaphore, #tpu.memory_space<semaphore_mem>>) src(%dma_wait3A_561 : memref<10240x64xf32, #tpu.memory_space<vmem_shared>>) dst(%dma_wait3A_555 : memref<64x64xf32, #tpu.memory_space<vmem>>)
        %dma_start3A_564 = arith.constant 9 : i32
        %dma_start3A_565 = arith.constant 9 : i32
        %dma_start3A_566 = arith.constant 0 : i32
        %dma_start3A_567 = arith.constant 0 : i32
        %dma_start3A_568 = tpu.memref_slice %arg8[%dma_start3A_564, %dma_start3A_566, %dma_start3A_567] : memref<10x64x64xf32, #tpu.memory_space<vmem>> -> memref<1x64x64xf32, #tpu.memory_space<vmem>>
        %dma_start3A_569 = tpu.memref_squeeze %dma_start3A_568 : memref<1x64x64xf32, #tpu.memory_space<vmem>> -> memref<64x64xf32, #tpu.memory_space<vmem>>
        %dma_start3A_570 = arith.constant 0 : i32
        %dma_start3A_571 = tpu.memref_slice %arg7[%add3A_549, %dma_start3A_570] : memref<40x64xi32, #tpu.memory_space<vmem>> -> memref<1x64xi32, #tpu.memory_space<vmem>>
        %dma_start3A_572 = tpu.memref_squeeze %dma_start3A_571 : memref<1x64xi32, #tpu.memory_space<vmem>> -> memref<64xi32, #tpu.memory_space<vmem>>
        %dma_start3A_573 = arith.constant 0 : i32
        %dma_start3A_574 = arith.constant 0 : i32
        %dma_start3A_575 = tpu.memref_slice %arg10[%dma_start3A_573, %dma_start3A_574] : memref<10240x64xf32, #tpu.memory_space<vmem_shared>> -> memref<10240x64xf32, #tpu.memory_space<vmem_shared>>
        %dma_start3A_576 = tpu.memref_slice %arg12[%dma_start3A_565] : memref<10x!tpu.dma_semaphore, #tpu.memory_space<semaphore_mem>> -> memref<1x!tpu.dma_semaphore, #tpu.memory_space<semaphore_mem>>
        %dma_start3A_577 = tpu.memref_squeeze %dma_start3A_576 : memref<1x!tpu.dma_semaphore, #tpu.memory_space<semaphore_mem>> -> memref<!tpu.dma_semaphore, #tpu.memory_space<semaphore_mem>>
        tpu.enqueue_indirect_dma source(%dma_start3A_569 : memref<64x64xf32, #tpu.memory_space<vmem>>) target(%dma_start3A_575 : memref<10240x64xf32, #tpu.memory_space<vmem_shared>>) offsets(%dma_start3A_572 : memref<64xi32, #tpu.memory_space<vmem>>) semaphore(%dma_start3A_577 : memref<!tpu.dma_semaphore, #tpu.memory_space<semaphore_mem>>) {add = true}
        %ge3A_578 = arith.constant 4 : i32
        %ge3A_579 = arith.cmpi sge, %add3A_549, %ge3A_578 : i32
        %convert_element_type3A_580 = arith.extui %ge3A_579 : i1 to i32
        %cond3A_581 = arith.constant 0 : i32
        %cond3A_582 = arith.cmpi ne, %convert_element_type3A_580, %cond3A_581 : i32
        scf.if %cond3A_582 {
          %sub3A = arith.constant 4 : i32
          %sub3A_591 = arith.subi %add3A_549, %sub3A : i32
          %dma_wait3A_592 = arith.constant 5 : i32
          %dma_wait3A_593 = arith.constant 5 : i32
          %dma_wait3A_594 = arith.constant 0 : i32
          %dma_wait3A_595 = arith.constant 0 : i32
          %dma_wait3A_596 = tpu.memref_slice %arg8[%dma_wait3A_592, %dma_wait3A_594, %dma_wait3A_595] : memref<10x64x64xf32, #tpu.memory_space<vmem>> -> memref<1x64x64xf32, #tpu.memory_space<vmem>>
          %dma_wait3A_597 = tpu.memref_squeeze %dma_wait3A_596 : memref<1x64x64xf32, #tpu.memory_space<vmem>> -> memref<64x64xf32, #tpu.memory_space<vmem>>
          %dma_wait3A_598 = arith.constant 0 : i32
          %dma_wait3A_599 = tpu.memref_slice %arg7[%sub3A_591, %dma_wait3A_598] : memref<40x64xi32, #tpu.memory_space<vmem>> -> memref<1x64xi32, #tpu.memory_space<vmem>>
          %dma_wait3A_600 = tpu.memref_squeeze %dma_wait3A_599 : memref<1x64xi32, #tpu.memory_space<vmem>> -> memref<64xi32, #tpu.memory_space<vmem>>
          %dma_wait3A_601 = arith.constant 0 : i32
          %dma_wait3A_602 = arith.constant 0 : i32
          %dma_wait3A_603 = tpu.memref_slice %arg10[%dma_wait3A_601, %dma_wait3A_602] : memref<10240x64xf32, #tpu.memory_space<vmem_shared>> -> memref<10240x64xf32, #tpu.memory_space<vmem_shared>>
          %dma_wait3A_604 = tpu.memref_slice %arg12[%dma_wait3A_593] : memref<10x!tpu.dma_semaphore, #tpu.memory_space<semaphore_mem>> -> memref<1x!tpu.dma_semaphore, #tpu.memory_space<semaphore_mem>>
          %dma_wait3A_605 = tpu.memref_squeeze %dma_wait3A_604 : memref<1x!tpu.dma_semaphore, #tpu.memory_space<semaphore_mem>> -> memref<!tpu.dma_semaphore, #tpu.memory_space<semaphore_mem>>
          tpu.wait_indirect_dma semaphore(%dma_wait3A_605 : memref<!tpu.dma_semaphore, #tpu.memory_space<semaphore_mem>>) src(%dma_wait3A_597 : memref<64x64xf32, #tpu.memory_space<vmem>>) dst(%dma_wait3A_603 : memref<10240x64xf32, #tpu.memory_space<vmem_shared>>)
        } else {
        }
        %add3A_583 = arith.constant 6 : i32
        %add3A_584 = arith.addi %add3A_549, %add3A_583 : i32
        %lt3A_585 = arith.constant 40 : i32
        %lt3A_586 = arith.cmpi slt, %add3A_584, %lt3A_585 : i32
        %convert_element_type3A_587 = arith.extui %lt3A_586 : i1 to i32
        %cond3A_588 = arith.constant 0 : i32
        %cond3A_589 = arith.cmpi ne, %convert_element_type3A_587, %cond3A_588 : i32
        scf.if %cond3A_589 {
          %add3A_591 = arith.constant 6 : i32
          %add3A_592 = arith.addi %add3A_549, %add3A_591 : i32
          %dma_start3A_593 = arith.constant 5 : i32
          %dma_start3A_594 = arith.constant 5 : i32
          %dma_start3A_595 = arith.constant 0 : i32
          %dma_start3A_596 = arith.constant 0 : i32
          %dma_start3A_597 = tpu.memref_slice %arg8[%dma_start3A_593, %dma_start3A_595, %dma_start3A_596] : memref<10x64x64xf32, #tpu.memory_space<vmem>> -> memref<1x64x64xf32, #tpu.memory_space<vmem>>
          %dma_start3A_598 = tpu.memref_squeeze %dma_start3A_597 : memref<1x64x64xf32, #tpu.memory_space<vmem>> -> memref<64x64xf32, #tpu.memory_space<vmem>>
          %dma_start3A_599 = arith.constant 0 : i32
          %dma_start3A_600 = tpu.memref_slice %arg6[%add3A_592, %dma_start3A_599] : memref<40x64xi32, #tpu.memory_space<vmem>> -> memref<1x64xi32, #tpu.memory_space<vmem>>
          %dma_start3A_601 = tpu.memref_squeeze %dma_start3A_600 : memref<1x64xi32, #tpu.memory_space<vmem>> -> memref<64xi32, #tpu.memory_space<vmem>>
          %dma_start3A_602 = arith.constant 0 : i32
          %dma_start3A_603 = arith.constant 0 : i32
          %dma_start3A_604 = tpu.memref_slice %arg9[%dma_start3A_602, %dma_start3A_603] : memref<10240x64xf32, #tpu.memory_space<vmem_shared>> -> memref<10240x64xf32, #tpu.memory_space<vmem_shared>>
          %dma_start3A_605 = tpu.memref_slice %arg11[%dma_start3A_594] : memref<10x!tpu.dma_semaphore, #tpu.memory_space<semaphore_mem>> -> memref<1x!tpu.dma_semaphore, #tpu.memory_space<semaphore_mem>>
          %dma_start3A_606 = tpu.memref_squeeze %dma_start3A_605 : memref<1x!tpu.dma_semaphore, #tpu.memory_space<semaphore_mem>> -> memref<!tpu.dma_semaphore, #tpu.memory_space<semaphore_mem>>
          tpu.enqueue_indirect_dma source(%dma_start3A_604 : memref<10240x64xf32, #tpu.memory_space<vmem_shared>>) target(%dma_start3A_598 : memref<64x64xf32, #tpu.memory_space<vmem>>) offsets(%dma_start3A_601 : memref<64xi32, #tpu.memory_space<vmem>>) semaphore(%dma_start3A_606 : memref<!tpu.dma_semaphore, #tpu.memory_space<semaphore_mem>>)
        } else {
        }
        %scan3A_590 = arith.constant 0 : i32
        scf.yield %scan3A_590 : i32
      }
      %scan3A_109 = arith.constant 4 : i32
      %dma_wait3A = arith.constant 6 : i32
      %dma_wait3A_110 = arith.constant 36 : i32
      %dma_wait3A_111 = arith.constant 6 : i32
      %dma_wait3A_112 = arith.constant 0 : i32
      %dma_wait3A_113 = arith.constant 0 : i32
      %dma_wait3A_114 = tpu.memref_slice %arg8[%dma_wait3A, %dma_wait3A_112, %dma_wait3A_113] : memref<10x64x64xf32, #tpu.memory_space<vmem>> -> memref<1x64x64xf32, #tpu.memory_space<vmem>>
      %dma_wait3A_115 = tpu.memref_squeeze %dma_wait3A_114 : memref<1x64x64xf32, #tpu.memory_space<vmem>> -> memref<64x64xf32, #tpu.memory_space<vmem>>
      %dma_wait3A_116 = arith.constant 0 : i32
      %dma_wait3A_117 = tpu.memref_slice %arg7[%dma_wait3A_110, %dma_wait3A_116] : memref<40x64xi32, #tpu.memory_space<vmem>> -> memref<1x64xi32, #tpu.memory_space<vmem>>
      %dma_wait3A_118 = tpu.memref_squeeze %dma_wait3A_117 : memref<1x64xi32, #tpu.memory_space<vmem>> -> memref<64xi32, #tpu.memory_space<vmem>>
      %dma_wait3A_119 = arith.constant 0 : i32
      %dma_wait3A_120 = arith.constant 0 : i32
      %dma_wait3A_121 = tpu.memref_slice %arg10[%dma_wait3A_119, %dma_wait3A_120] : memref<10240x64xf32, #tpu.memory_space<vmem_shared>> -> memref<10240x64xf32, #tpu.memory_space<vmem_shared>>
      %dma_wait3A_122 = tpu.memref_slice %arg12[%dma_wait3A_111] : memref<10x!tpu.dma_semaphore, #tpu.memory_space<semaphore_mem>> -> memref<1x!tpu.dma_semaphore, #tpu.memory_space<semaphore_mem>>
      %dma_wait3A_123 = tpu.memref_squeeze %dma_wait3A_122 : memref<1x!tpu.dma_semaphore, #tpu.memory_space<semaphore_mem>> -> memref<!tpu.dma_semaphore, #tpu.memory_space<semaphore_mem>>
      tpu.wait_indirect_dma semaphore(%dma_wait3A_123 : memref<!tpu.dma_semaphore, #tpu.memory_space<semaphore_mem>>) src(%dma_wait3A_115 : memref<64x64xf32, #tpu.memory_space<vmem>>) dst(%dma_wait3A_121 : memref<10240x64xf32, #tpu.memory_space<vmem_shared>>)
      %dma_wait3A_124 = arith.constant 7 : i32
      %dma_wait3A_125 = arith.constant 37 : i32
      %dma_wait3A_126 = arith.constant 7 : i32
      %dma_wait3A_127 = arith.constant 0 : i32
      %dma_wait3A_128 = arith.constant 0 : i32
      %dma_wait3A_129 = tpu.memref_slice %arg8[%dma_wait3A_124, %dma_wait3A_127, %dma_wait3A_128] : memref<10x64x64xf32, #tpu.memory_space<vmem>> -> memref<1x64x64xf32, #tpu.memory_space<vmem>>
      %dma_wait3A_130 = tpu.memref_squeeze %dma_wait3A_129 : memref<1x64x64xf32, #tpu.memory_space<vmem>> -> memref<64x64xf32, #tpu.memory_space<vmem>>
      %dma_wait3A_131 = arith.constant 0 : i32
      %dma_wait3A_132 = tpu.memref_slice %arg7[%dma_wait3A_125, %dma_wait3A_131] : memref<40x64xi32, #tpu.memory_space<vmem>> -> memref<1x64xi32, #tpu.memory_space<vmem>>
      %dma_wait3A_133 = tpu.memref_squeeze %dma_wait3A_132 : memref<1x64xi32, #tpu.memory_space<vmem>> -> memref<64xi32, #tpu.memory_space<vmem>>
      %dma_wait3A_134 = arith.constant 0 : i32
      %dma_wait3A_135 = arith.constant 0 : i32
      %dma_wait3A_136 = tpu.memref_slice %arg10[%dma_wait3A_134, %dma_wait3A_135] : memref<10240x64xf32, #tpu.memory_space<vmem_shared>> -> memref<10240x64xf32, #tpu.memory_space<vmem_shared>>
      %dma_wait3A_137 = tpu.memref_slice %arg12[%dma_wait3A_126] : memref<10x!tpu.dma_semaphore, #tpu.memory_space<semaphore_mem>> -> memref<1x!tpu.dma_semaphore, #tpu.memory_space<semaphore_mem>>
      %dma_wait3A_138 = tpu.memref_squeeze %dma_wait3A_137 : memref<1x!tpu.dma_semaphore, #tpu.memory_space<semaphore_mem>> -> memref<!tpu.dma_semaphore, #tpu.memory_space<semaphore_mem>>
      tpu.wait_indirect_dma semaphore(%dma_wait3A_138 : memref<!tpu.dma_semaphore, #tpu.memory_space<semaphore_mem>>) src(%dma_wait3A_130 : memref<64x64xf32, #tpu.memory_space<vmem>>) dst(%dma_wait3A_136 : memref<10240x64xf32, #tpu.memory_space<vmem_shared>>)
      %dma_wait3A_139 = arith.constant 8 : i32
      %dma_wait3A_140 = arith.constant 38 : i32
      %dma_wait3A_141 = arith.constant 8 : i32
      %dma_wait3A_142 = arith.constant 0 : i32
      %dma_wait3A_143 = arith.constant 0 : i32
      %dma_wait3A_144 = tpu.memref_slice %arg8[%dma_wait3A_139, %dma_wait3A_142, %dma_wait3A_143] : memref<10x64x64xf32, #tpu.memory_space<vmem>> -> memref<1x64x64xf32, #tpu.memory_space<vmem>>
      %dma_wait3A_145 = tpu.memref_squeeze %dma_wait3A_144 : memref<1x64x64xf32, #tpu.memory_space<vmem>> -> memref<64x64xf32, #tpu.memory_space<vmem>>
      %dma_wait3A_146 = arith.constant 0 : i32
      %dma_wait3A_147 = tpu.memref_slice %arg7[%dma_wait3A_140, %dma_wait3A_146] : memref<40x64xi32, #tpu.memory_space<vmem>> -> memref<1x64xi32, #tpu.memory_space<vmem>>
      %dma_wait3A_148 = tpu.memref_squeeze %dma_wait3A_147 : memref<1x64xi32, #tpu.memory_space<vmem>> -> memref<64xi32, #tpu.memory_space<vmem>>
      %dma_wait3A_149 = arith.constant 0 : i32
      %dma_wait3A_150 = arith.constant 0 : i32
      %dma_wait3A_151 = tpu.memref_slice %arg10[%dma_wait3A_149, %dma_wait3A_150] : memref<10240x64xf32, #tpu.memory_space<vmem_shared>> -> memref<10240x64xf32, #tpu.memory_space<vmem_shared>>
      %dma_wait3A_152 = tpu.memref_slice %arg12[%dma_wait3A_141] : memref<10x!tpu.dma_semaphore, #tpu.memory_space<semaphore_mem>> -> memref<1x!tpu.dma_semaphore, #tpu.memory_space<semaphore_mem>>
      %dma_wait3A_153 = tpu.memref_squeeze %dma_wait3A_152 : memref<1x!tpu.dma_semaphore, #tpu.memory_space<semaphore_mem>> -> memref<!tpu.dma_semaphore, #tpu.memory_space<semaphore_mem>>
      tpu.wait_indirect_dma semaphore(%dma_wait3A_153 : memref<!tpu.dma_semaphore, #tpu.memory_space<semaphore_mem>>) src(%dma_wait3A_145 : memref<64x64xf32, #tpu.memory_space<vmem>>) dst(%dma_wait3A_151 : memref<10240x64xf32, #tpu.memory_space<vmem_shared>>)
      %dma_wait3A_154 = arith.constant 9 : i32
      %dma_wait3A_155 = arith.constant 39 : i32
      %dma_wait3A_156 = arith.constant 9 : i32
      %dma_wait3A_157 = arith.constant 0 : i32
      %dma_wait3A_158 = arith.constant 0 : i32
      %dma_wait3A_159 = tpu.memref_slice %arg8[%dma_wait3A_154, %dma_wait3A_157, %dma_wait3A_158] : memref<10x64x64xf32, #tpu.memory_space<vmem>> -> memref<1x64x64xf32, #tpu.memory_space<vmem>>
      %dma_wait3A_160 = tpu.memref_squeeze %dma_wait3A_159 : memref<1x64x64xf32, #tpu.memory_space<vmem>> -> memref<64x64xf32, #tpu.memory_space<vmem>>
      %dma_wait3A_161 = arith.constant 0 : i32
      %dma_wait3A_162 = tpu.memref_slice %arg7[%dma_wait3A_155, %dma_wait3A_161] : memref<40x64xi32, #tpu.memory_space<vmem>> -> memref<1x64xi32, #tpu.memory_space<vmem>>
      %dma_wait3A_163 = tpu.memref_squeeze %dma_wait3A_162 : memref<1x64xi32, #tpu.memory_space<vmem>> -> memref<64xi32, #tpu.memory_space<vmem>>
      %dma_wait3A_164 = arith.constant 0 : i32
      %dma_wait3A_165 = arith.constant 0 : i32
      %dma_wait3A_166 = tpu.memref_slice %arg10[%dma_wait3A_164, %dma_wait3A_165] : memref<10240x64xf32, #tpu.memory_space<vmem_shared>> -> memref<10240x64xf32, #tpu.memory_space<vmem_shared>>
      %dma_wait3A_167 = tpu.memref_slice %arg12[%dma_wait3A_156] : memref<10x!tpu.dma_semaphore, #tpu.memory_space<semaphore_mem>> -> memref<1x!tpu.dma_semaphore, #tpu.memory_space<semaphore_mem>>
      %dma_wait3A_168 = tpu.memref_squeeze %dma_wait3A_167 : memref<1x!tpu.dma_semaphore, #tpu.memory_space<semaphore_mem>> -> memref<!tpu.dma_semaphore, #tpu.memory_space<semaphore_mem>>
      tpu.wait_indirect_dma semaphore(%dma_wait3A_168 : memref<!tpu.dma_semaphore, #tpu.memory_space<semaphore_mem>>) src(%dma_wait3A_160 : memref<64x64xf32, #tpu.memory_space<vmem>>) dst(%dma_wait3A_166 : memref<10240x64xf32, #tpu.memory_space<vmem_shared>>)
      %scan3A_169 = arith.constant 0 : i32
      scf.yield %scan3A_169 : i32
    }
    %scan3A_6 = arith.constant 8 : i32
    %barrier3A_7 = arith.constant 0 : index
    tpu.barrier barrier_id(%barrier3A_7)
    "tpu.region"() ({
      %run_scoped3A = tpu.sem_alloc : memref<!tpu.dma_semaphore, #tpu.memory_space<semaphore_mem>>
      %dma_start3A = arith.constant 0 : i32
      %dma_start3A_8 = tpu.memref_slice %arg5[%arg0, %mul3A_0, %dma_start3A] : memref<2x10240x64xf32, #tpu.memory_space<hbm>> -> memref<1x640x64xf32, #tpu.memory_space<hbm>>
      %dma_start3A_9 = tpu.memref_squeeze %dma_start3A_8 : memref<1x640x64xf32, #tpu.memory_space<hbm>> -> memref<640x64xf32, #tpu.memory_space<hbm>>
      %dma_start3A_10 = arith.constant 0 : i32
      %dma_start3A_11 = tpu.memref_slice %arg10[%mul3A_0, %dma_start3A_10] : memref<10240x64xf32, #tpu.memory_space<vmem_shared>> -> memref<640x64xf32, #tpu.memory_space<vmem_shared>>
      tpu.enqueue_dma source(%dma_start3A_11 : memref<640x64xf32, #tpu.memory_space<vmem_shared>>) target(%dma_start3A_9 : memref<640x64xf32, #tpu.memory_space<hbm>>) target_semaphore(%run_scoped3A : memref<!tpu.dma_semaphore, #tpu.memory_space<semaphore_mem>>)
      %dma_wait3A = arith.constant 0 : i32
      %dma_wait3A_12 = tpu.memref_slice %arg5[%arg0, %mul3A_0, %dma_wait3A] : memref<2x10240x64xf32, #tpu.memory_space<hbm>> -> memref<1x640x64xf32, #tpu.memory_space<hbm>>
      %dma_wait3A_13 = tpu.memref_squeeze %dma_wait3A_12 : memref<1x640x64xf32, #tpu.memory_space<hbm>> -> memref<640x64xf32, #tpu.memory_space<hbm>>
      %dma_wait3A_14 = arith.constant 0 : i32
      %dma_wait3A_15 = tpu.memref_slice %arg10[%mul3A_0, %dma_wait3A_14] : memref<10240x64xf32, #tpu.memory_space<vmem_shared>> -> memref<640x64xf32, #tpu.memory_space<vmem_shared>>
      tpu.wait_dma2 semaphore(%run_scoped3A : memref<!tpu.dma_semaphore, #tpu.memory_space<semaphore_mem>>) src(%dma_wait3A_15 : memref<640x64xf32, #tpu.memory_space<vmem_shared>>) dst(%dma_wait3A_13 : memref<640x64xf32, #tpu.memory_space<hbm>>)
      tpu.yield
    }) : () -> ()
    return
  }
}

#map = affine_map<(d0, d1) -> (0, 0, 0)>
#map1 = affine_map<(d0, d1) -> (0, 0)>
module attributes {stable_mosaic.version = 14 : i64} {
  func.func @_agg_body(%arg0: i32, %arg1: i32, %arg2: memref<2x10240x64xf32, #tpu.memory_space<hbm>>, %arg3: memref<5120x64xi32, #tpu.memory_space<hbm>>, %arg4: memref<5120x64xi32, #tpu.memory_space<hbm>>, %arg5: memref<2x10240x64xf32, #tpu.memory_space<hbm>>, %arg6: memref<40x64xi32, #tpu.memory_space<vmem>>, %arg7: memref<40x64xi32, #tpu.memory_space<vmem>>, %arg8: memref<10x64x64xf32, #tpu.memory_space<vmem>>, %arg9: memref<10240x64xf32, #tpu.memory_space<vmem_shared>>, %arg10: memref<10240x64xf32, #tpu.memory_space<vmem_shared>>, %arg11: memref<10x!tpu.dma_semaphore, #tpu.memory_space<semaphore_mem>>, %arg12: memref<10x!tpu.dma_semaphore, #tpu.memory_space<semaphore_mem>>) attributes {dimension_semantics = [#tpu.dimension_semantics<core_parallel>, #tpu.dimension_semantics<subcore_parallel>], iteration_bounds = array<i64: 2, 16>, scalar_prefetch = 0 : i64, scratch_operands = 7 : i64, tpu.core_type = #tpu.core_type<sc_vector_subcore>, window_params = [{transform_indices = #map}, {transform_indices = #map1}, {transform_indices = #map1}, {transform_indices = #map}]} {
    %mul3A = arith.constant 640 : i32
    %mul3A_0 = arith.muli %arg1, %mul3A : i32
    "tpu.region"() ({
      %run_scoped3A = tpu.sem_alloc : memref<!tpu.dma_semaphore, #tpu.memory_space<semaphore_mem>>
      %dma_start3A = arith.constant 0 : i32
      %dma_start3A_8 = tpu.memref_slice %arg9[%mul3A_0, %dma_start3A] : memref<10240x64xf32, #tpu.memory_space<vmem_shared>> -> memref<640x64xf32, #tpu.memory_space<vmem_shared>>
      %dma_start3A_9 = arith.constant 0 : i32
      %dma_start3A_10 = arith.constant 0 : i32
      %dma_start3A_11 = tpu.memref_slice %arg2[%arg0, %dma_start3A_9, %dma_start3A_10] : memref<2x10240x64xf32, #tpu.memory_space<hbm>> -> memref<1x10240x64xf32, #tpu.memory_space<hbm>>
      %dma_start3A_12 = tpu.memref_squeeze %dma_start3A_11 : memref<1x10240x64xf32, #tpu.memory_space<hbm>> -> memref<10240x64xf32, #tpu.memory_space<hbm>>
      %dma_start3A_13 = arith.constant 0 : i32
      %dma_start3A_14 = tpu.memref_slice %dma_start3A_12[%mul3A_0, %dma_start3A_13] : memref<10240x64xf32, #tpu.memory_space<hbm>> -> memref<640x64xf32, #tpu.memory_space<hbm>>
      tpu.enqueue_dma source(%dma_start3A_14 : memref<640x64xf32, #tpu.memory_space<hbm>>) target(%dma_start3A_8 : memref<640x64xf32, #tpu.memory_space<vmem_shared>>) target_semaphore(%run_scoped3A : memref<!tpu.dma_semaphore, #tpu.memory_space<semaphore_mem>>)
      %dma_wait3A = arith.constant 0 : i32
      %dma_wait3A_15 = tpu.memref_slice %arg9[%mul3A_0, %dma_wait3A] : memref<10240x64xf32, #tpu.memory_space<vmem_shared>> -> memref<640x64xf32, #tpu.memory_space<vmem_shared>>
      %dma_wait3A_16 = arith.constant 0 : i32
      %dma_wait3A_17 = arith.constant 0 : i32
      %dma_wait3A_18 = tpu.memref_slice %arg2[%arg0, %dma_wait3A_16, %dma_wait3A_17] : memref<2x10240x64xf32, #tpu.memory_space<hbm>> -> memref<1x10240x64xf32, #tpu.memory_space<hbm>>
      %dma_wait3A_19 = tpu.memref_squeeze %dma_wait3A_18 : memref<1x10240x64xf32, #tpu.memory_space<hbm>> -> memref<10240x64xf32, #tpu.memory_space<hbm>>
      %dma_wait3A_20 = arith.constant 0 : i32
      %dma_wait3A_21 = tpu.memref_slice %dma_wait3A_19[%mul3A_0, %dma_wait3A_20] : memref<10240x64xf32, #tpu.memory_space<hbm>> -> memref<640x64xf32, #tpu.memory_space<hbm>>
      tpu.wait_dma2 semaphore(%run_scoped3A : memref<!tpu.dma_semaphore, #tpu.memory_space<semaphore_mem>>) src(%dma_wait3A_21 : memref<640x64xf32, #tpu.memory_space<hbm>>) dst(%dma_wait3A_15 : memref<640x64xf32, #tpu.memory_space<vmem_shared>>)
      tpu.yield
    }) : () -> ()
    "tpu.region"() ({
      %run_scoped3A = tpu.sem_alloc : memref<!tpu.dma_semaphore, #tpu.memory_space<semaphore_mem>>
      %dma_start3A = arith.constant 0 : i32
      %dma_start3A_8 = tpu.memref_slice %arg10[%mul3A_0, %dma_start3A] : memref<10240x64xf32, #tpu.memory_space<vmem_shared>> -> memref<640x64xf32, #tpu.memory_space<vmem_shared>>
      %dma_start3A_9 = arith.constant 0 : i32
      %dma_start3A_10 = arith.constant 0 : i32
      %dma_start3A_11 = tpu.memref_slice %arg2[%arg0, %dma_start3A_9, %dma_start3A_10] : memref<2x10240x64xf32, #tpu.memory_space<hbm>> -> memref<1x10240x64xf32, #tpu.memory_space<hbm>>
      %dma_start3A_12 = tpu.memref_squeeze %dma_start3A_11 : memref<1x10240x64xf32, #tpu.memory_space<hbm>> -> memref<10240x64xf32, #tpu.memory_space<hbm>>
      %dma_start3A_13 = arith.constant 0 : i32
      %dma_start3A_14 = tpu.memref_slice %dma_start3A_12[%mul3A_0, %dma_start3A_13] : memref<10240x64xf32, #tpu.memory_space<hbm>> -> memref<640x64xf32, #tpu.memory_space<hbm>>
      tpu.enqueue_dma source(%dma_start3A_14 : memref<640x64xf32, #tpu.memory_space<hbm>>) target(%dma_start3A_8 : memref<640x64xf32, #tpu.memory_space<vmem_shared>>) target_semaphore(%run_scoped3A : memref<!tpu.dma_semaphore, #tpu.memory_space<semaphore_mem>>)
      %dma_wait3A = arith.constant 0 : i32
      %dma_wait3A_15 = tpu.memref_slice %arg10[%mul3A_0, %dma_wait3A] : memref<10240x64xf32, #tpu.memory_space<vmem_shared>> -> memref<640x64xf32, #tpu.memory_space<vmem_shared>>
      %dma_wait3A_16 = arith.constant 0 : i32
      %dma_wait3A_17 = arith.constant 0 : i32
      %dma_wait3A_18 = tpu.memref_slice %arg2[%arg0, %dma_wait3A_16, %dma_wait3A_17] : memref<2x10240x64xf32, #tpu.memory_space<hbm>> -> memref<1x10240x64xf32, #tpu.memory_space<hbm>>
      %dma_wait3A_19 = tpu.memref_squeeze %dma_wait3A_18 : memref<1x10240x64xf32, #tpu.memory_space<hbm>> -> memref<10240x64xf32, #tpu.memory_space<hbm>>
      %dma_wait3A_20 = arith.constant 0 : i32
      %dma_wait3A_21 = tpu.memref_slice %dma_wait3A_19[%mul3A_0, %dma_wait3A_20] : memref<10240x64xf32, #tpu.memory_space<hbm>> -> memref<640x64xf32, #tpu.memory_space<hbm>>
      tpu.wait_dma2 semaphore(%run_scoped3A : memref<!tpu.dma_semaphore, #tpu.memory_space<semaphore_mem>>) src(%dma_wait3A_21 : memref<640x64xf32, #tpu.memory_space<hbm>>) dst(%dma_wait3A_15 : memref<640x64xf32, #tpu.memory_space<vmem_shared>>)
      tpu.yield
    }) : () -> ()
    %barrier3A = arith.constant 0 : index
    tpu.barrier barrier_id(%barrier3A)
    %scan3A = arith.constant 0 : i32
    %scan3A_1 = arith.constant 0 : i32
    %scan3A_2 = arith.constant 8 : i32
    %scan3A_3 = arith.addi %scan3A_1, %scan3A_2 : i32
    %scan3A_4 = arith.constant 1 : i32
    %scan3A_5 = scf.for %scan3A_8 = %scan3A_1 to %scan3A_3 step %scan3A_4 iter_args(%scan3A_9 = %scan3A) -> (i32)  : i32 {
      %mul3A_10 = arith.constant 320 : i32
      %mul3A_11 = arith.muli %arg1, %mul3A_10 : i32
      %mul3A_12 = arith.constant 40 : i32
      %mul3A_13 = arith.muli %scan3A_8, %mul3A_12 : i32
      %add3A = arith.addi %mul3A_11, %mul3A_13 : i32
      "tpu.region"() ({
        %run_scoped3A = tpu.sem_alloc : memref<!tpu.dma_semaphore, #tpu.memory_space<semaphore_mem>>
        %dma_start3A_170 = arith.constant 0 : i32
        %dma_start3A_171 = tpu.memref_slice %arg3[%add3A, %dma_start3A_170] : memref<5120x64xi32, #tpu.memory_space<hbm>> -> memref<40x64xi32, #tpu.memory_space<hbm>>
        %dma_start3A_172 = arith.constant 0 : i32
        %dma_start3A_173 = tpu.memref_slice %arg3[%add3A, %dma_start3A_172] : memref<5120x64xi32, #tpu.memory_space<hbm>> -> memref<40x64xi32, #tpu.memory_space<hbm>>
        tpu.enqueue_dma source(%dma_start3A_173 : memref<40x64xi32, #tpu.memory_space<hbm>>) target(%arg6 : memref<40x64xi32, #tpu.memory_space<vmem>>) target_semaphore(%run_scoped3A : memref<!tpu.dma_semaphore, #tpu.memory_space<semaphore_mem>>)
        %dma_wait3A_174 = arith.constant 0 : i32
        %dma_wait3A_175 = tpu.memref_slice %arg3[%add3A, %dma_wait3A_174] : memref<5120x64xi32, #tpu.memory_space<hbm>> -> memref<40x64xi32, #tpu.memory_space<hbm>>
        %dma_wait3A_176 = arith.constant 0 : i32
        %dma_wait3A_177 = tpu.memref_slice %arg3[%add3A, %dma_wait3A_176] : memref<5120x64xi32, #tpu.memory_space<hbm>> -> memref<40x64xi32, #tpu.memory_space<hbm>>
        tpu.wait_dma2 semaphore(%run_scoped3A : memref<!tpu.dma_semaphore, #tpu.memory_space<semaphore_mem>>) src(%dma_wait3A_177 : memref<40x64xi32, #tpu.memory_space<hbm>>) dst(%arg6 : memref<40x64xi32, #tpu.memory_space<vmem>>)
        tpu.yield
      }) : () -> ()
      "tpu.region"() ({
        %run_scoped3A = tpu.sem_alloc : memref<!tpu.dma_semaphore, #tpu.memory_space<semaphore_mem>>
        %dma_start3A_170 = arith.constant 0 : i32
        %dma_start3A_171 = tpu.memref_slice %arg4[%add3A, %dma_start3A_170] : memref<5120x64xi32, #tpu.memory_space<hbm>> -> memref<40x64xi32, #tpu.memory_space<hbm>>
        %dma_start3A_172 = arith.constant 0 : i32
        %dma_start3A_173 = tpu.memref_slice %arg4[%add3A, %dma_start3A_172] : memref<5120x64xi32, #tpu.memory_space<hbm>> -> memref<40x64xi32, #tpu.memory_space<hbm>>
        tpu.enqueue_dma source(%dma_start3A_173 : memref<40x64xi32, #tpu.memory_space<hbm>>) target(%arg7 : memref<40x64xi32, #tpu.memory_space<vmem>>) target_semaphore(%run_scoped3A : memref<!tpu.dma_semaphore, #tpu.memory_space<semaphore_mem>>)
        %dma_wait3A_174 = arith.constant 0 : i32
        %dma_wait3A_175 = tpu.memref_slice %arg4[%add3A, %dma_wait3A_174] : memref<5120x64xi32, #tpu.memory_space<hbm>> -> memref<40x64xi32, #tpu.memory_space<hbm>>
        %dma_wait3A_176 = arith.constant 0 : i32
        %dma_wait3A_177 = tpu.memref_slice %arg4[%add3A, %dma_wait3A_176] : memref<5120x64xi32, #tpu.memory_space<hbm>> -> memref<40x64xi32, #tpu.memory_space<hbm>>
        tpu.wait_dma2 semaphore(%run_scoped3A : memref<!tpu.dma_semaphore, #tpu.memory_space<semaphore_mem>>) src(%dma_wait3A_177 : memref<40x64xi32, #tpu.memory_space<hbm>>) dst(%arg7 : memref<40x64xi32, #tpu.memory_space<vmem>>)
        tpu.yield
      }) : () -> ()
      %dma_start3A = arith.constant 0 : i32
      %dma_start3A_14 = arith.constant 0 : i32
      %dma_start3A_15 = arith.constant 0 : i32
      %dma_start3A_16 = arith.constant 0 : i32
      %dma_start3A_17 = arith.constant 0 : i32
      %dma_start3A_18 = tpu.memref_slice %arg8[%dma_start3A_14, %dma_start3A_16, %dma_start3A_17] : memref<10x64x64xf32, #tpu.memory_space<vmem>> -> memref<1x64x64xf32, #tpu.memory_space<vmem>>
      %dma_start3A_19 = tpu.memref_squeeze %dma_start3A_18 : memref<1x64x64xf32, #tpu.memory_space<vmem>> -> memref<64x64xf32, #tpu.memory_space<vmem>>
      %dma_start3A_20 = arith.constant 0 : i32
      %dma_start3A_21 = tpu.memref_slice %arg6[%dma_start3A, %dma_start3A_20] : memref<40x64xi32, #tpu.memory_space<vmem>> -> memref<1x64xi32, #tpu.memory_space<vmem>>
      %dma_start3A_22 = tpu.memref_squeeze %dma_start3A_21 : memref<1x64xi32, #tpu.memory_space<vmem>> -> memref<64xi32, #tpu.memory_space<vmem>>
      %dma_start3A_23 = arith.constant 0 : i32
      %dma_start3A_24 = arith.constant 0 : i32
      %dma_start3A_25 = tpu.memref_slice %arg9[%dma_start3A_23, %dma_start3A_24] : memref<10240x64xf32, #tpu.memory_space<vmem_shared>> -> memref<10240x64xf32, #tpu.memory_space<vmem_shared>>
      %dma_start3A_26 = tpu.memref_slice %arg11[%dma_start3A_15] : memref<10x!tpu.dma_semaphore, #tpu.memory_space<semaphore_mem>> -> memref<1x!tpu.dma_semaphore, #tpu.memory_space<semaphore_mem>>
      %dma_start3A_27 = tpu.memref_squeeze %dma_start3A_26 : memref<1x!tpu.dma_semaphore, #tpu.memory_space<semaphore_mem>> -> memref<!tpu.dma_semaphore, #tpu.memory_space<semaphore_mem>>
      tpu.enqueue_indirect_dma source(%dma_start3A_25 : memref<10240x64xf32, #tpu.memory_space<vmem_shared>>) target(%dma_start3A_19 : memref<64x64xf32, #tpu.memory_space<vmem>>) offsets(%dma_start3A_22 : memref<64xi32, #tpu.memory_space<vmem>>) semaphore(%dma_start3A_27 : memref<!tpu.dma_semaphore, #tpu.memory_space<semaphore_mem>>)
      %dma_start3A_28 = arith.constant 1 : i32
      %dma_start3A_29 = arith.constant 1 : i32
      %dma_start3A_30 = arith.constant 1 : i32
      %dma_start3A_31 = arith.constant 0 : i32
      %dma_start3A_32 = arith.constant 0 : i32
      %dma_start3A_33 = tpu.memref_slice %arg8[%dma_start3A_29, %dma_start3A_31, %dma_start3A_32] : memref<10x64x64xf32, #tpu.memory_space<vmem>> -> memref<1x64x64xf32, #tpu.memory_space<vmem>>
      %dma_start3A_34 = tpu.memref_squeeze %dma_start3A_33 : memref<1x64x64xf32, #tpu.memory_space<vmem>> -> memref<64x64xf32, #tpu.memory_space<vmem>>
      %dma_start3A_35 = arith.constant 0 : i32
      %dma_start3A_36 = tpu.memref_slice %arg6[%dma_start3A_28, %dma_start3A_35] : memref<40x64xi32, #tpu.memory_space<vmem>> -> memref<1x64xi32, #tpu.memory_space<vmem>>
      %dma_start3A_37 = tpu.memref_squeeze %dma_start3A_36 : memref<1x64xi32, #tpu.memory_space<vmem>> -> memref<64xi32, #tpu.memory_space<vmem>>
      %dma_start3A_38 = arith.constant 0 : i32
      %dma_start3A_39 = arith.constant 0 : i32
      %dma_start3A_40 = tpu.memref_slice %arg9[%dma_start3A_38, %dma_start3A_39] : memref<10240x64xf32, #tpu.memory_space<vmem_shared>> -> memref<10240x64xf32, #tpu.memory_space<vmem_shared>>
      %dma_start3A_41 = tpu.memref_slice %arg11[%dma_start3A_30] : memref<10x!tpu.dma_semaphore, #tpu.memory_space<semaphore_mem>> -> memref<1x!tpu.dma_semaphore, #tpu.memory_space<semaphore_mem>>
      %dma_start3A_42 = tpu.memref_squeeze %dma_start3A_41 : memref<1x!tpu.dma_semaphore, #tpu.memory_space<semaphore_mem>> -> memref<!tpu.dma_semaphore, #tpu.memory_space<semaphore_mem>>
      tpu.enqueue_indirect_dma source(%dma_start3A_40 : memref<10240x64xf32, #tpu.memory_space<vmem_shared>>) target(%dma_start3A_34 : memref<64x64xf32, #tpu.memory_space<vmem>>) offsets(%dma_start3A_37 : memref<64xi32, #tpu.memory_space<vmem>>) semaphore(%dma_start3A_42 : memref<!tpu.dma_semaphore, #tpu.memory_space<semaphore_mem>>)
      %dma_start3A_43 = arith.constant 2 : i32
      %dma_start3A_44 = arith.constant 2 : i32
      %dma_start3A_45 = arith.constant 2 : i32
      %dma_start3A_46 = arith.constant 0 : i32
      %dma_start3A_47 = arith.constant 0 : i32
      %dma_start3A_48 = tpu.memref_slice %arg8[%dma_start3A_44, %dma_start3A_46, %dma_start3A_47] : memref<10x64x64xf32, #tpu.memory_space<vmem>> -> memref<1x64x64xf32, #tpu.memory_space<vmem>>
      %dma_start3A_49 = tpu.memref_squeeze %dma_start3A_48 : memref<1x64x64xf32, #tpu.memory_space<vmem>> -> memref<64x64xf32, #tpu.memory_space<vmem>>
      %dma_start3A_50 = arith.constant 0 : i32
      %dma_start3A_51 = tpu.memref_slice %arg6[%dma_start3A_43, %dma_start3A_50] : memref<40x64xi32, #tpu.memory_space<vmem>> -> memref<1x64xi32, #tpu.memory_space<vmem>>
      %dma_start3A_52 = tpu.memref_squeeze %dma_start3A_51 : memref<1x64xi32, #tpu.memory_space<vmem>> -> memref<64xi32, #tpu.memory_space<vmem>>
      %dma_start3A_53 = arith.constant 0 : i32
      %dma_start3A_54 = arith.constant 0 : i32
      %dma_start3A_55 = tpu.memref_slice %arg9[%dma_start3A_53, %dma_start3A_54] : memref<10240x64xf32, #tpu.memory_space<vmem_shared>> -> memref<10240x64xf32, #tpu.memory_space<vmem_shared>>
      %dma_start3A_56 = tpu.memref_slice %arg11[%dma_start3A_45] : memref<10x!tpu.dma_semaphore, #tpu.memory_space<semaphore_mem>> -> memref<1x!tpu.dma_semaphore, #tpu.memory_space<semaphore_mem>>
      %dma_start3A_57 = tpu.memref_squeeze %dma_start3A_56 : memref<1x!tpu.dma_semaphore, #tpu.memory_space<semaphore_mem>> -> memref<!tpu.dma_semaphore, #tpu.memory_space<semaphore_mem>>
      tpu.enqueue_indirect_dma source(%dma_start3A_55 : memref<10240x64xf32, #tpu.memory_space<vmem_shared>>) target(%dma_start3A_49 : memref<64x64xf32, #tpu.memory_space<vmem>>) offsets(%dma_start3A_52 : memref<64xi32, #tpu.memory_space<vmem>>) semaphore(%dma_start3A_57 : memref<!tpu.dma_semaphore, #tpu.memory_space<semaphore_mem>>)
      %dma_start3A_58 = arith.constant 3 : i32
      %dma_start3A_59 = arith.constant 3 : i32
      %dma_start3A_60 = arith.constant 3 : i32
      %dma_start3A_61 = arith.constant 0 : i32
      %dma_start3A_62 = arith.constant 0 : i32
      %dma_start3A_63 = tpu.memref_slice %arg8[%dma_start3A_59, %dma_start3A_61, %dma_start3A_62] : memref<10x64x64xf32, #tpu.memory_space<vmem>> -> memref<1x64x64xf32, #tpu.memory_space<vmem>>
      %dma_start3A_64 = tpu.memref_squeeze %dma_start3A_63 : memref<1x64x64xf32, #tpu.memory_space<vmem>> -> memref<64x64xf32, #tpu.memory_space<vmem>>
      %dma_start3A_65 = arith.constant 0 : i32
      %dma_start3A_66 = tpu.memref_slice %arg6[%dma_start3A_58, %dma_start3A_65] : memref<40x64xi32, #tpu.memory_space<vmem>> -> memref<1x64xi32, #tpu.memory_space<vmem>>
      %dma_start3A_67 = tpu.memref_squeeze %dma_start3A_66 : memref<1x64xi32, #tpu.memory_space<vmem>> -> memref<64xi32, #tpu.memory_space<vmem>>
      %dma_start3A_68 = arith.constant 0 : i32
      %dma_start3A_69 = arith.constant 0 : i32
      %dma_start3A_70 = tpu.memref_slice %arg9[%dma_start3A_68, %dma_start3A_69] : memref<10240x64xf32, #tpu.memory_space<vmem_shared>> -> memref<10240x64xf32, #tpu.memory_space<vmem_shared>>
      %dma_start3A_71 = tpu.memref_slice %arg11[%dma_start3A_60] : memref<10x!tpu.dma_semaphore, #tpu.memory_space<semaphore_mem>> -> memref<1x!tpu.dma_semaphore, #tpu.memory_space<semaphore_mem>>
      %dma_start3A_72 = tpu.memref_squeeze %dma_start3A_71 : memref<1x!tpu.dma_semaphore, #tpu.memory_space<semaphore_mem>> -> memref<!tpu.dma_semaphore, #tpu.memory_space<semaphore_mem>>
      tpu.enqueue_indirect_dma source(%dma_start3A_70 : memref<10240x64xf32, #tpu.memory_space<vmem_shared>>) target(%dma_start3A_64 : memref<64x64xf32, #tpu.memory_space<vmem>>) offsets(%dma_start3A_67 : memref<64xi32, #tpu.memory_space<vmem>>) semaphore(%dma_start3A_72 : memref<!tpu.dma_semaphore, #tpu.memory_space<semaphore_mem>>)
      %dma_start3A_73 = arith.constant 4 : i32
      %dma_start3A_74 = arith.constant 4 : i32
      %dma_start3A_75 = arith.constant 4 : i32
      %dma_start3A_76 = arith.constant 0 : i32
      %dma_start3A_77 = arith.constant 0 : i32
      %dma_start3A_78 = tpu.memref_slice %arg8[%dma_start3A_74, %dma_start3A_76, %dma_start3A_77] : memref<10x64x64xf32, #tpu.memory_space<vmem>> -> memref<1x64x64xf32, #tpu.memory_space<vmem>>
      %dma_start3A_79 = tpu.memref_squeeze %dma_start3A_78 : memref<1x64x64xf32, #tpu.memory_space<vmem>> -> memref<64x64xf32, #tpu.memory_space<vmem>>
      %dma_start3A_80 = arith.constant 0 : i32
      %dma_start3A_81 = tpu.memref_slice %arg6[%dma_start3A_73, %dma_start3A_80] : memref<40x64xi32, #tpu.memory_space<vmem>> -> memref<1x64xi32, #tpu.memory_space<vmem>>
      %dma_start3A_82 = tpu.memref_squeeze %dma_start3A_81 : memref<1x64xi32, #tpu.memory_space<vmem>> -> memref<64xi32, #tpu.memory_space<vmem>>
      %dma_start3A_83 = arith.constant 0 : i32
      %dma_start3A_84 = arith.constant 0 : i32
      %dma_start3A_85 = tpu.memref_slice %arg9[%dma_start3A_83, %dma_start3A_84] : memref<10240x64xf32, #tpu.memory_space<vmem_shared>> -> memref<10240x64xf32, #tpu.memory_space<vmem_shared>>
      %dma_start3A_86 = tpu.memref_slice %arg11[%dma_start3A_75] : memref<10x!tpu.dma_semaphore, #tpu.memory_space<semaphore_mem>> -> memref<1x!tpu.dma_semaphore, #tpu.memory_space<semaphore_mem>>
      %dma_start3A_87 = tpu.memref_squeeze %dma_start3A_86 : memref<1x!tpu.dma_semaphore, #tpu.memory_space<semaphore_mem>> -> memref<!tpu.dma_semaphore, #tpu.memory_space<semaphore_mem>>
      tpu.enqueue_indirect_dma source(%dma_start3A_85 : memref<10240x64xf32, #tpu.memory_space<vmem_shared>>) target(%dma_start3A_79 : memref<64x64xf32, #tpu.memory_space<vmem>>) offsets(%dma_start3A_82 : memref<64xi32, #tpu.memory_space<vmem>>) semaphore(%dma_start3A_87 : memref<!tpu.dma_semaphore, #tpu.memory_space<semaphore_mem>>)
      %dma_start3A_88 = arith.constant 5 : i32
      %dma_start3A_89 = arith.constant 5 : i32
      %dma_start3A_90 = arith.constant 5 : i32
      %dma_start3A_91 = arith.constant 0 : i32
      %dma_start3A_92 = arith.constant 0 : i32
      %dma_start3A_93 = tpu.memref_slice %arg8[%dma_start3A_89, %dma_start3A_91, %dma_start3A_92] : memref<10x64x64xf32, #tpu.memory_space<vmem>> -> memref<1x64x64xf32, #tpu.memory_space<vmem>>
      %dma_start3A_94 = tpu.memref_squeeze %dma_start3A_93 : memref<1x64x64xf32, #tpu.memory_space<vmem>> -> memref<64x64xf32, #tpu.memory_space<vmem>>
      %dma_start3A_95 = arith.constant 0 : i32
      %dma_start3A_96 = tpu.memref_slice %arg6[%dma_start3A_88, %dma_start3A_95] : memref<40x64xi32, #tpu.memory_space<vmem>> -> memref<1x64xi32, #tpu.memory_space<vmem>>
      %dma_start3A_97 = tpu.memref_squeeze %dma_start3A_96 : memref<1x64xi32, #tpu.memory_space<vmem>> -> memref<64xi32, #tpu.memory_space<vmem>>
      %dma_start3A_98 = arith.constant 0 : i32
      %dma_start3A_99 = arith.constant 0 : i32
      %dma_start3A_100 = tpu.memref_slice %arg9[%dma_start3A_98, %dma_start3A_99] : memref<10240x64xf32, #tpu.memory_space<vmem_shared>> -> memref<10240x64xf32, #tpu.memory_space<vmem_shared>>
      %dma_start3A_101 = tpu.memref_slice %arg11[%dma_start3A_90] : memref<10x!tpu.dma_semaphore, #tpu.memory_space<semaphore_mem>> -> memref<1x!tpu.dma_semaphore, #tpu.memory_space<semaphore_mem>>
      %dma_start3A_102 = tpu.memref_squeeze %dma_start3A_101 : memref<1x!tpu.dma_semaphore, #tpu.memory_space<semaphore_mem>> -> memref<!tpu.dma_semaphore, #tpu.memory_space<semaphore_mem>>
      tpu.enqueue_indirect_dma source(%dma_start3A_100 : memref<10240x64xf32, #tpu.memory_space<vmem_shared>>) target(%dma_start3A_94 : memref<64x64xf32, #tpu.memory_space<vmem>>) offsets(%dma_start3A_97 : memref<64xi32, #tpu.memory_space<vmem>>) semaphore(%dma_start3A_102 : memref<!tpu.dma_semaphore, #tpu.memory_space<semaphore_mem>>)
      %scan3A_103 = arith.constant 0 : i32
      %scan3A_104 = arith.constant 0 : i32
      %scan3A_105 = arith.constant 4 : i32
      %scan3A_106 = arith.addi %scan3A_104, %scan3A_105 : i32
      %scan3A_107 = arith.constant 1 : i32
      %scan3A_108 = scf.for %scan3A_170 = %scan3A_104 to %scan3A_106 step %scan3A_107 iter_args(%scan3A_171 = %scan3A_103) -> (i32)  : i32 {
        %mul3A_172 = arith.constant 10 : i32
        %mul3A_173 = arith.muli %scan3A_170, %mul3A_172 : i32
        %add3A_174 = arith.constant 0 : i32
        %add3A_175 = arith.addi %mul3A_173, %add3A_174 : i32
        %dma_wait3A_176 = arith.constant 0 : i32
        %dma_wait3A_177 = arith.constant 0 : i32
        %dma_wait3A_178 = arith.constant 0 : i32
        %dma_wait3A_179 = arith.constant 0 : i32
        %dma_wait3A_180 = tpu.memref_slice %arg8[%dma_wait3A_176, %dma_wait3A_178, %dma_wait3A_179] : memref<10x64x64xf32, #tpu.memory_space<vmem>> -> memref<1x64x64xf32, #tpu.memory_space<vmem>>
        %dma_wait3A_181 = tpu.memref_squeeze %dma_wait3A_180 : memref<1x64x64xf32, #tpu.memory_space<vmem>> -> memref<64x64xf32, #tpu.memory_space<vmem>>
        %dma_wait3A_182 = arith.constant 0 : i32
        %dma_wait3A_183 = tpu.memref_slice %arg6[%add3A_175, %dma_wait3A_182] : memref<40x64xi32, #tpu.memory_space<vmem>> -> memref<1x64xi32, #tpu.memory_space<vmem>>
        %dma_wait3A_184 = tpu.memref_squeeze %dma_wait3A_183 : memref<1x64xi32, #tpu.memory_space<vmem>> -> memref<64xi32, #tpu.memory_space<vmem>>
        %dma_wait3A_185 = arith.constant 0 : i32
        %dma_wait3A_186 = arith.constant 0 : i32
        %dma_wait3A_187 = tpu.memref_slice %arg9[%dma_wait3A_185, %dma_wait3A_186] : memref<10240x64xf32, #tpu.memory_space<vmem_shared>> -> memref<10240x64xf32, #tpu.memory_space<vmem_shared>>
        %dma_wait3A_188 = tpu.memref_slice %arg11[%dma_wait3A_177] : memref<10x!tpu.dma_semaphore, #tpu.memory_space<semaphore_mem>> -> memref<1x!tpu.dma_semaphore, #tpu.memory_space<semaphore_mem>>
        %dma_wait3A_189 = tpu.memref_squeeze %dma_wait3A_188 : memref<1x!tpu.dma_semaphore, #tpu.memory_space<semaphore_mem>> -> memref<!tpu.dma_semaphore, #tpu.memory_space<semaphore_mem>>
        tpu.wait_indirect_dma semaphore(%dma_wait3A_189 : memref<!tpu.dma_semaphore, #tpu.memory_space<semaphore_mem>>) src(%dma_wait3A_187 : memref<10240x64xf32, #tpu.memory_space<vmem_shared>>) dst(%dma_wait3A_181 : memref<64x64xf32, #tpu.memory_space<vmem>>)
        %dma_start3A_190 = arith.constant 0 : i32
        %dma_start3A_191 = arith.constant 0 : i32
        %dma_start3A_192 = arith.constant 0 : i32
        %dma_start3A_193 = arith.constant 0 : i32
        %dma_start3A_194 = tpu.memref_slice %arg8[%dma_start3A_190, %dma_start3A_192, %dma_start3A_193] : memref<10x64x64xf32, #tpu.memory_space<vmem>> -> memref<1x64x64xf32, #tpu.memory_space<vmem>>
        %dma_start3A_195 = tpu.memref_squeeze %dma_start3A_194 : memref<1x64x64xf32, #tpu.memory_space<vmem>> -> memref<64x64xf32, #tpu.memory_space<vmem>>
        %dma_start3A_196 = arith.constant 0 : i32
        %dma_start3A_197 = tpu.memref_slice %arg7[%add3A_175, %dma_start3A_196] : memref<40x64xi32, #tpu.memory_space<vmem>> -> memref<1x64xi32, #tpu.memory_space<vmem>>
        %dma_start3A_198 = tpu.memref_squeeze %dma_start3A_197 : memref<1x64xi32, #tpu.memory_space<vmem>> -> memref<64xi32, #tpu.memory_space<vmem>>
        %dma_start3A_199 = arith.constant 0 : i32
        %dma_start3A_200 = arith.constant 0 : i32
        %dma_start3A_201 = tpu.memref_slice %arg10[%dma_start3A_199, %dma_start3A_200] : memref<10240x64xf32, #tpu.memory_space<vmem_shared>> -> memref<10240x64xf32, #tpu.memory_space<vmem_shared>>
        %dma_start3A_202 = tpu.memref_slice %arg12[%dma_start3A_191] : memref<10x!tpu.dma_semaphore, #tpu.memory_space<semaphore_mem>> -> memref<1x!tpu.dma_semaphore, #tpu.memory_space<semaphore_mem>>
        %dma_start3A_203 = tpu.memref_squeeze %dma_start3A_202 : memref<1x!tpu.dma_semaphore, #tpu.memory_space<semaphore_mem>> -> memref<!tpu.dma_semaphore, #tpu.memory_space<semaphore_mem>>
        tpu.enqueue_indirect_dma source(%dma_start3A_195 : memref<64x64xf32, #tpu.memory_space<vmem>>) target(%dma_start3A_201 : memref<10240x64xf32, #tpu.memory_space<vmem_shared>>) offsets(%dma_start3A_198 : memref<64xi32, #tpu.memory_space<vmem>>) semaphore(%dma_start3A_203 : memref<!tpu.dma_semaphore, #tpu.memory_space<semaphore_mem>>) {add = true}
        %ge3A = arith.constant 4 : i32
        %ge3A_204 = arith.cmpi sge, %add3A_175, %ge3A : i32
        %convert_element_type3A = arith.extui %ge3A_204 : i1 to i32
        %cond3A = arith.constant 0 : i32
        %cond3A_205 = arith.cmpi ne, %convert_element_type3A, %cond3A : i32
        scf.if %cond3A_205 {
          %sub3A = arith.constant 4 : i32
          %sub3A_591 = arith.subi %add3A_175, %sub3A : i32
          %dma_wait3A_592 = arith.constant 6 : i32
          %dma_wait3A_593 = arith.constant 6 : i32
          %dma_wait3A_594 = arith.constant 0 : i32
          %dma_wait3A_595 = arith.constant 0 : i32
          %dma_wait3A_596 = tpu.memref_slice %arg8[%dma_wait3A_592, %dma_wait3A_594, %dma_wait3A_595] : memref<10x64x64xf32, #tpu.memory_space<vmem>> -> memref<1x64x64xf32, #tpu.memory_space<vmem>>
          %dma_wait3A_597 = tpu.memref_squeeze %dma_wait3A_596 : memref<1x64x64xf32, #tpu.memory_space<vmem>> -> memref<64x64xf32, #tpu.memory_space<vmem>>
          %dma_wait3A_598 = arith.constant 0 : i32
          %dma_wait3A_599 = tpu.memref_slice %arg7[%sub3A_591, %dma_wait3A_598] : memref<40x64xi32, #tpu.memory_space<vmem>> -> memref<1x64xi32, #tpu.memory_space<vmem>>
          %dma_wait3A_600 = tpu.memref_squeeze %dma_wait3A_599 : memref<1x64xi32, #tpu.memory_space<vmem>> -> memref<64xi32, #tpu.memory_space<vmem>>
          %dma_wait3A_601 = arith.constant 0 : i32
          %dma_wait3A_602 = arith.constant 0 : i32
          %dma_wait3A_603 = tpu.memref_slice %arg10[%dma_wait3A_601, %dma_wait3A_602] : memref<10240x64xf32, #tpu.memory_space<vmem_shared>> -> memref<10240x64xf32, #tpu.memory_space<vmem_shared>>
          %dma_wait3A_604 = tpu.memref_slice %arg12[%dma_wait3A_593] : memref<10x!tpu.dma_semaphore, #tpu.memory_space<semaphore_mem>> -> memref<1x!tpu.dma_semaphore, #tpu.memory_space<semaphore_mem>>
          %dma_wait3A_605 = tpu.memref_squeeze %dma_wait3A_604 : memref<1x!tpu.dma_semaphore, #tpu.memory_space<semaphore_mem>> -> memref<!tpu.dma_semaphore, #tpu.memory_space<semaphore_mem>>
          tpu.wait_indirect_dma semaphore(%dma_wait3A_605 : memref<!tpu.dma_semaphore, #tpu.memory_space<semaphore_mem>>) src(%dma_wait3A_597 : memref<64x64xf32, #tpu.memory_space<vmem>>) dst(%dma_wait3A_603 : memref<10240x64xf32, #tpu.memory_space<vmem_shared>>)
        } else {
        }
        %add3A_206 = arith.constant 6 : i32
        %add3A_207 = arith.addi %add3A_175, %add3A_206 : i32
        %lt3A = arith.constant 40 : i32
        %lt3A_208 = arith.cmpi slt, %add3A_207, %lt3A : i32
        %convert_element_type3A_209 = arith.extui %lt3A_208 : i1 to i32
        %cond3A_210 = arith.constant 0 : i32
        %cond3A_211 = arith.cmpi ne, %convert_element_type3A_209, %cond3A_210 : i32
        scf.if %cond3A_211 {
          %add3A_591 = arith.constant 6 : i32
          %add3A_592 = arith.addi %add3A_175, %add3A_591 : i32
          %dma_start3A_593 = arith.constant 6 : i32
          %dma_start3A_594 = arith.constant 6 : i32
          %dma_start3A_595 = arith.constant 0 : i32
          %dma_start3A_596 = arith.constant 0 : i32
          %dma_start3A_597 = tpu.memref_slice %arg8[%dma_start3A_593, %dma_start3A_595, %dma_start3A_596] : memref<10x64x64xf32, #tpu.memory_space<vmem>> -> memref<1x64x64xf32, #tpu.memory_space<vmem>>
          %dma_start3A_598 = tpu.memref_squeeze %dma_start3A_597 : memref<1x64x64xf32, #tpu.memory_space<vmem>> -> memref<64x64xf32, #tpu.memory_space<vmem>>
          %dma_start3A_599 = arith.constant 0 : i32
          %dma_start3A_600 = tpu.memref_slice %arg6[%add3A_592, %dma_start3A_599] : memref<40x64xi32, #tpu.memory_space<vmem>> -> memref<1x64xi32, #tpu.memory_space<vmem>>
          %dma_start3A_601 = tpu.memref_squeeze %dma_start3A_600 : memref<1x64xi32, #tpu.memory_space<vmem>> -> memref<64xi32, #tpu.memory_space<vmem>>
          %dma_start3A_602 = arith.constant 0 : i32
          %dma_start3A_603 = arith.constant 0 : i32
          %dma_start3A_604 = tpu.memref_slice %arg9[%dma_start3A_602, %dma_start3A_603] : memref<10240x64xf32, #tpu.memory_space<vmem_shared>> -> memref<10240x64xf32, #tpu.memory_space<vmem_shared>>
          %dma_start3A_605 = tpu.memref_slice %arg11[%dma_start3A_594] : memref<10x!tpu.dma_semaphore, #tpu.memory_space<semaphore_mem>> -> memref<1x!tpu.dma_semaphore, #tpu.memory_space<semaphore_mem>>
          %dma_start3A_606 = tpu.memref_squeeze %dma_start3A_605 : memref<1x!tpu.dma_semaphore, #tpu.memory_space<semaphore_mem>> -> memref<!tpu.dma_semaphore, #tpu.memory_space<semaphore_mem>>
          tpu.enqueue_indirect_dma source(%dma_start3A_604 : memref<10240x64xf32, #tpu.memory_space<vmem_shared>>) target(%dma_start3A_598 : memref<64x64xf32, #tpu.memory_space<vmem>>) offsets(%dma_start3A_601 : memref<64xi32, #tpu.memory_space<vmem>>) semaphore(%dma_start3A_606 : memref<!tpu.dma_semaphore, #tpu.memory_space<semaphore_mem>>)
        } else {
        }
        %add3A_212 = arith.constant 1 : i32
        %add3A_213 = arith.addi %mul3A_173, %add3A_212 : i32
        %dma_wait3A_214 = arith.constant 1 : i32
        %dma_wait3A_215 = arith.constant 1 : i32
        %dma_wait3A_216 = arith.constant 0 : i32
        %dma_wait3A_217 = arith.constant 0 : i32
        %dma_wait3A_218 = tpu.memref_slice %arg8[%dma_wait3A_214, %dma_wait3A_216, %dma_wait3A_217] : memref<10x64x64xf32, #tpu.memory_space<vmem>> -> memref<1x64x64xf32, #tpu.memory_space<vmem>>
        %dma_wait3A_219 = tpu.memref_squeeze %dma_wait3A_218 : memref<1x64x64xf32, #tpu.memory_space<vmem>> -> memref<64x64xf32, #tpu.memory_space<vmem>>
        %dma_wait3A_220 = arith.constant 0 : i32
        %dma_wait3A_221 = tpu.memref_slice %arg6[%add3A_213, %dma_wait3A_220] : memref<40x64xi32, #tpu.memory_space<vmem>> -> memref<1x64xi32, #tpu.memory_space<vmem>>
        %dma_wait3A_222 = tpu.memref_squeeze %dma_wait3A_221 : memref<1x64xi32, #tpu.memory_space<vmem>> -> memref<64xi32, #tpu.memory_space<vmem>>
        %dma_wait3A_223 = arith.constant 0 : i32
        %dma_wait3A_224 = arith.constant 0 : i32
        %dma_wait3A_225 = tpu.memref_slice %arg9[%dma_wait3A_223, %dma_wait3A_224] : memref<10240x64xf32, #tpu.memory_space<vmem_shared>> -> memref<10240x64xf32, #tpu.memory_space<vmem_shared>>
        %dma_wait3A_226 = tpu.memref_slice %arg11[%dma_wait3A_215] : memref<10x!tpu.dma_semaphore, #tpu.memory_space<semaphore_mem>> -> memref<1x!tpu.dma_semaphore, #tpu.memory_space<semaphore_mem>>
        %dma_wait3A_227 = tpu.memref_squeeze %dma_wait3A_226 : memref<1x!tpu.dma_semaphore, #tpu.memory_space<semaphore_mem>> -> memref<!tpu.dma_semaphore, #tpu.memory_space<semaphore_mem>>
        tpu.wait_indirect_dma semaphore(%dma_wait3A_227 : memref<!tpu.dma_semaphore, #tpu.memory_space<semaphore_mem>>) src(%dma_wait3A_225 : memref<10240x64xf32, #tpu.memory_space<vmem_shared>>) dst(%dma_wait3A_219 : memref<64x64xf32, #tpu.memory_space<vmem>>)
        %dma_start3A_228 = arith.constant 1 : i32
        %dma_start3A_229 = arith.constant 1 : i32
        %dma_start3A_230 = arith.constant 0 : i32
        %dma_start3A_231 = arith.constant 0 : i32
        %dma_start3A_232 = tpu.memref_slice %arg8[%dma_start3A_228, %dma_start3A_230, %dma_start3A_231] : memref<10x64x64xf32, #tpu.memory_space<vmem>> -> memref<1x64x64xf32, #tpu.memory_space<vmem>>
        %dma_start3A_233 = tpu.memref_squeeze %dma_start3A_232 : memref<1x64x64xf32, #tpu.memory_space<vmem>> -> memref<64x64xf32, #tpu.memory_space<vmem>>
        %dma_start3A_234 = arith.constant 0 : i32
        %dma_start3A_235 = tpu.memref_slice %arg7[%add3A_213, %dma_start3A_234] : memref<40x64xi32, #tpu.memory_space<vmem>> -> memref<1x64xi32, #tpu.memory_space<vmem>>
        %dma_start3A_236 = tpu.memref_squeeze %dma_start3A_235 : memref<1x64xi32, #tpu.memory_space<vmem>> -> memref<64xi32, #tpu.memory_space<vmem>>
        %dma_start3A_237 = arith.constant 0 : i32
        %dma_start3A_238 = arith.constant 0 : i32
        %dma_start3A_239 = tpu.memref_slice %arg10[%dma_start3A_237, %dma_start3A_238] : memref<10240x64xf32, #tpu.memory_space<vmem_shared>> -> memref<10240x64xf32, #tpu.memory_space<vmem_shared>>
        %dma_start3A_240 = tpu.memref_slice %arg12[%dma_start3A_229] : memref<10x!tpu.dma_semaphore, #tpu.memory_space<semaphore_mem>> -> memref<1x!tpu.dma_semaphore, #tpu.memory_space<semaphore_mem>>
        %dma_start3A_241 = tpu.memref_squeeze %dma_start3A_240 : memref<1x!tpu.dma_semaphore, #tpu.memory_space<semaphore_mem>> -> memref<!tpu.dma_semaphore, #tpu.memory_space<semaphore_mem>>
        tpu.enqueue_indirect_dma source(%dma_start3A_233 : memref<64x64xf32, #tpu.memory_space<vmem>>) target(%dma_start3A_239 : memref<10240x64xf32, #tpu.memory_space<vmem_shared>>) offsets(%dma_start3A_236 : memref<64xi32, #tpu.memory_space<vmem>>) semaphore(%dma_start3A_241 : memref<!tpu.dma_semaphore, #tpu.memory_space<semaphore_mem>>) {add = true}
        %ge3A_242 = arith.constant 4 : i32
        %ge3A_243 = arith.cmpi sge, %add3A_213, %ge3A_242 : i32
        %convert_element_type3A_244 = arith.extui %ge3A_243 : i1 to i32
        %cond3A_245 = arith.constant 0 : i32
        %cond3A_246 = arith.cmpi ne, %convert_element_type3A_244, %cond3A_245 : i32
        scf.if %cond3A_246 {
          %sub3A = arith.constant 4 : i32
          %sub3A_591 = arith.subi %add3A_213, %sub3A : i32
          %dma_wait3A_592 = arith.constant 7 : i32
          %dma_wait3A_593 = arith.constant 7 : i32
          %dma_wait3A_594 = arith.constant 0 : i32
          %dma_wait3A_595 = arith.constant 0 : i32
          %dma_wait3A_596 = tpu.memref_slice %arg8[%dma_wait3A_592, %dma_wait3A_594, %dma_wait3A_595] : memref<10x64x64xf32, #tpu.memory_space<vmem>> -> memref<1x64x64xf32, #tpu.memory_space<vmem>>
          %dma_wait3A_597 = tpu.memref_squeeze %dma_wait3A_596 : memref<1x64x64xf32, #tpu.memory_space<vmem>> -> memref<64x64xf32, #tpu.memory_space<vmem>>
          %dma_wait3A_598 = arith.constant 0 : i32
          %dma_wait3A_599 = tpu.memref_slice %arg7[%sub3A_591, %dma_wait3A_598] : memref<40x64xi32, #tpu.memory_space<vmem>> -> memref<1x64xi32, #tpu.memory_space<vmem>>
          %dma_wait3A_600 = tpu.memref_squeeze %dma_wait3A_599 : memref<1x64xi32, #tpu.memory_space<vmem>> -> memref<64xi32, #tpu.memory_space<vmem>>
          %dma_wait3A_601 = arith.constant 0 : i32
          %dma_wait3A_602 = arith.constant 0 : i32
          %dma_wait3A_603 = tpu.memref_slice %arg10[%dma_wait3A_601, %dma_wait3A_602] : memref<10240x64xf32, #tpu.memory_space<vmem_shared>> -> memref<10240x64xf32, #tpu.memory_space<vmem_shared>>
          %dma_wait3A_604 = tpu.memref_slice %arg12[%dma_wait3A_593] : memref<10x!tpu.dma_semaphore, #tpu.memory_space<semaphore_mem>> -> memref<1x!tpu.dma_semaphore, #tpu.memory_space<semaphore_mem>>
          %dma_wait3A_605 = tpu.memref_squeeze %dma_wait3A_604 : memref<1x!tpu.dma_semaphore, #tpu.memory_space<semaphore_mem>> -> memref<!tpu.dma_semaphore, #tpu.memory_space<semaphore_mem>>
          tpu.wait_indirect_dma semaphore(%dma_wait3A_605 : memref<!tpu.dma_semaphore, #tpu.memory_space<semaphore_mem>>) src(%dma_wait3A_597 : memref<64x64xf32, #tpu.memory_space<vmem>>) dst(%dma_wait3A_603 : memref<10240x64xf32, #tpu.memory_space<vmem_shared>>)
        } else {
        }
        %add3A_247 = arith.constant 6 : i32
        %add3A_248 = arith.addi %add3A_213, %add3A_247 : i32
        %lt3A_249 = arith.constant 40 : i32
        %lt3A_250 = arith.cmpi slt, %add3A_248, %lt3A_249 : i32
        %convert_element_type3A_251 = arith.extui %lt3A_250 : i1 to i32
        %cond3A_252 = arith.constant 0 : i32
        %cond3A_253 = arith.cmpi ne, %convert_element_type3A_251, %cond3A_252 : i32
        scf.if %cond3A_253 {
          %add3A_591 = arith.constant 6 : i32
          %add3A_592 = arith.addi %add3A_213, %add3A_591 : i32
          %dma_start3A_593 = arith.constant 7 : i32
          %dma_start3A_594 = arith.constant 7 : i32
          %dma_start3A_595 = arith.constant 0 : i32
          %dma_start3A_596 = arith.constant 0 : i32
          %dma_start3A_597 = tpu.memref_slice %arg8[%dma_start3A_593, %dma_start3A_595, %dma_start3A_596] : memref<10x64x64xf32, #tpu.memory_space<vmem>> -> memref<1x64x64xf32, #tpu.memory_space<vmem>>
          %dma_start3A_598 = tpu.memref_squeeze %dma_start3A_597 : memref<1x64x64xf32, #tpu.memory_space<vmem>> -> memref<64x64xf32, #tpu.memory_space<vmem>>
          %dma_start3A_599 = arith.constant 0 : i32
          %dma_start3A_600 = tpu.memref_slice %arg6[%add3A_592, %dma_start3A_599] : memref<40x64xi32, #tpu.memory_space<vmem>> -> memref<1x64xi32, #tpu.memory_space<vmem>>
          %dma_start3A_601 = tpu.memref_squeeze %dma_start3A_600 : memref<1x64xi32, #tpu.memory_space<vmem>> -> memref<64xi32, #tpu.memory_space<vmem>>
          %dma_start3A_602 = arith.constant 0 : i32
          %dma_start3A_603 = arith.constant 0 : i32
          %dma_start3A_604 = tpu.memref_slice %arg9[%dma_start3A_602, %dma_start3A_603] : memref<10240x64xf32, #tpu.memory_space<vmem_shared>> -> memref<10240x64xf32, #tpu.memory_space<vmem_shared>>
          %dma_start3A_605 = tpu.memref_slice %arg11[%dma_start3A_594] : memref<10x!tpu.dma_semaphore, #tpu.memory_space<semaphore_mem>> -> memref<1x!tpu.dma_semaphore, #tpu.memory_space<semaphore_mem>>
          %dma_start3A_606 = tpu.memref_squeeze %dma_start3A_605 : memref<1x!tpu.dma_semaphore, #tpu.memory_space<semaphore_mem>> -> memref<!tpu.dma_semaphore, #tpu.memory_space<semaphore_mem>>
          tpu.enqueue_indirect_dma source(%dma_start3A_604 : memref<10240x64xf32, #tpu.memory_space<vmem_shared>>) target(%dma_start3A_598 : memref<64x64xf32, #tpu.memory_space<vmem>>) offsets(%dma_start3A_601 : memref<64xi32, #tpu.memory_space<vmem>>) semaphore(%dma_start3A_606 : memref<!tpu.dma_semaphore, #tpu.memory_space<semaphore_mem>>)
        } else {
        }
        %add3A_254 = arith.constant 2 : i32
        %add3A_255 = arith.addi %mul3A_173, %add3A_254 : i32
        %dma_wait3A_256 = arith.constant 2 : i32
        %dma_wait3A_257 = arith.constant 2 : i32
        %dma_wait3A_258 = arith.constant 0 : i32
        %dma_wait3A_259 = arith.constant 0 : i32
        %dma_wait3A_260 = tpu.memref_slice %arg8[%dma_wait3A_256, %dma_wait3A_258, %dma_wait3A_259] : memref<10x64x64xf32, #tpu.memory_space<vmem>> -> memref<1x64x64xf32, #tpu.memory_space<vmem>>
        %dma_wait3A_261 = tpu.memref_squeeze %dma_wait3A_260 : memref<1x64x64xf32, #tpu.memory_space<vmem>> -> memref<64x64xf32, #tpu.memory_space<vmem>>
        %dma_wait3A_262 = arith.constant 0 : i32
        %dma_wait3A_263 = tpu.memref_slice %arg6[%add3A_255, %dma_wait3A_262] : memref<40x64xi32, #tpu.memory_space<vmem>> -> memref<1x64xi32, #tpu.memory_space<vmem>>
        %dma_wait3A_264 = tpu.memref_squeeze %dma_wait3A_263 : memref<1x64xi32, #tpu.memory_space<vmem>> -> memref<64xi32, #tpu.memory_space<vmem>>
        %dma_wait3A_265 = arith.constant 0 : i32
        %dma_wait3A_266 = arith.constant 0 : i32
        %dma_wait3A_267 = tpu.memref_slice %arg9[%dma_wait3A_265, %dma_wait3A_266] : memref<10240x64xf32, #tpu.memory_space<vmem_shared>> -> memref<10240x64xf32, #tpu.memory_space<vmem_shared>>
        %dma_wait3A_268 = tpu.memref_slice %arg11[%dma_wait3A_257] : memref<10x!tpu.dma_semaphore, #tpu.memory_space<semaphore_mem>> -> memref<1x!tpu.dma_semaphore, #tpu.memory_space<semaphore_mem>>
        %dma_wait3A_269 = tpu.memref_squeeze %dma_wait3A_268 : memref<1x!tpu.dma_semaphore, #tpu.memory_space<semaphore_mem>> -> memref<!tpu.dma_semaphore, #tpu.memory_space<semaphore_mem>>
        tpu.wait_indirect_dma semaphore(%dma_wait3A_269 : memref<!tpu.dma_semaphore, #tpu.memory_space<semaphore_mem>>) src(%dma_wait3A_267 : memref<10240x64xf32, #tpu.memory_space<vmem_shared>>) dst(%dma_wait3A_261 : memref<64x64xf32, #tpu.memory_space<vmem>>)
        %dma_start3A_270 = arith.constant 2 : i32
        %dma_start3A_271 = arith.constant 2 : i32
        %dma_start3A_272 = arith.constant 0 : i32
        %dma_start3A_273 = arith.constant 0 : i32
        %dma_start3A_274 = tpu.memref_slice %arg8[%dma_start3A_270, %dma_start3A_272, %dma_start3A_273] : memref<10x64x64xf32, #tpu.memory_space<vmem>> -> memref<1x64x64xf32, #tpu.memory_space<vmem>>
        %dma_start3A_275 = tpu.memref_squeeze %dma_start3A_274 : memref<1x64x64xf32, #tpu.memory_space<vmem>> -> memref<64x64xf32, #tpu.memory_space<vmem>>
        %dma_start3A_276 = arith.constant 0 : i32
        %dma_start3A_277 = tpu.memref_slice %arg7[%add3A_255, %dma_start3A_276] : memref<40x64xi32, #tpu.memory_space<vmem>> -> memref<1x64xi32, #tpu.memory_space<vmem>>
        %dma_start3A_278 = tpu.memref_squeeze %dma_start3A_277 : memref<1x64xi32, #tpu.memory_space<vmem>> -> memref<64xi32, #tpu.memory_space<vmem>>
        %dma_start3A_279 = arith.constant 0 : i32
        %dma_start3A_280 = arith.constant 0 : i32
        %dma_start3A_281 = tpu.memref_slice %arg10[%dma_start3A_279, %dma_start3A_280] : memref<10240x64xf32, #tpu.memory_space<vmem_shared>> -> memref<10240x64xf32, #tpu.memory_space<vmem_shared>>
        %dma_start3A_282 = tpu.memref_slice %arg12[%dma_start3A_271] : memref<10x!tpu.dma_semaphore, #tpu.memory_space<semaphore_mem>> -> memref<1x!tpu.dma_semaphore, #tpu.memory_space<semaphore_mem>>
        %dma_start3A_283 = tpu.memref_squeeze %dma_start3A_282 : memref<1x!tpu.dma_semaphore, #tpu.memory_space<semaphore_mem>> -> memref<!tpu.dma_semaphore, #tpu.memory_space<semaphore_mem>>
        tpu.enqueue_indirect_dma source(%dma_start3A_275 : memref<64x64xf32, #tpu.memory_space<vmem>>) target(%dma_start3A_281 : memref<10240x64xf32, #tpu.memory_space<vmem_shared>>) offsets(%dma_start3A_278 : memref<64xi32, #tpu.memory_space<vmem>>) semaphore(%dma_start3A_283 : memref<!tpu.dma_semaphore, #tpu.memory_space<semaphore_mem>>) {add = true}
        %ge3A_284 = arith.constant 4 : i32
        %ge3A_285 = arith.cmpi sge, %add3A_255, %ge3A_284 : i32
        %convert_element_type3A_286 = arith.extui %ge3A_285 : i1 to i32
        %cond3A_287 = arith.constant 0 : i32
        %cond3A_288 = arith.cmpi ne, %convert_element_type3A_286, %cond3A_287 : i32
        scf.if %cond3A_288 {
          %sub3A = arith.constant 4 : i32
          %sub3A_591 = arith.subi %add3A_255, %sub3A : i32
          %dma_wait3A_592 = arith.constant 8 : i32
          %dma_wait3A_593 = arith.constant 8 : i32
          %dma_wait3A_594 = arith.constant 0 : i32
          %dma_wait3A_595 = arith.constant 0 : i32
          %dma_wait3A_596 = tpu.memref_slice %arg8[%dma_wait3A_592, %dma_wait3A_594, %dma_wait3A_595] : memref<10x64x64xf32, #tpu.memory_space<vmem>> -> memref<1x64x64xf32, #tpu.memory_space<vmem>>
          %dma_wait3A_597 = tpu.memref_squeeze %dma_wait3A_596 : memref<1x64x64xf32, #tpu.memory_space<vmem>> -> memref<64x64xf32, #tpu.memory_space<vmem>>
          %dma_wait3A_598 = arith.constant 0 : i32
          %dma_wait3A_599 = tpu.memref_slice %arg7[%sub3A_591, %dma_wait3A_598] : memref<40x64xi32, #tpu.memory_space<vmem>> -> memref<1x64xi32, #tpu.memory_space<vmem>>
          %dma_wait3A_600 = tpu.memref_squeeze %dma_wait3A_599 : memref<1x64xi32, #tpu.memory_space<vmem>> -> memref<64xi32, #tpu.memory_space<vmem>>
          %dma_wait3A_601 = arith.constant 0 : i32
          %dma_wait3A_602 = arith.constant 0 : i32
          %dma_wait3A_603 = tpu.memref_slice %arg10[%dma_wait3A_601, %dma_wait3A_602] : memref<10240x64xf32, #tpu.memory_space<vmem_shared>> -> memref<10240x64xf32, #tpu.memory_space<vmem_shared>>
          %dma_wait3A_604 = tpu.memref_slice %arg12[%dma_wait3A_593] : memref<10x!tpu.dma_semaphore, #tpu.memory_space<semaphore_mem>> -> memref<1x!tpu.dma_semaphore, #tpu.memory_space<semaphore_mem>>
          %dma_wait3A_605 = tpu.memref_squeeze %dma_wait3A_604 : memref<1x!tpu.dma_semaphore, #tpu.memory_space<semaphore_mem>> -> memref<!tpu.dma_semaphore, #tpu.memory_space<semaphore_mem>>
          tpu.wait_indirect_dma semaphore(%dma_wait3A_605 : memref<!tpu.dma_semaphore, #tpu.memory_space<semaphore_mem>>) src(%dma_wait3A_597 : memref<64x64xf32, #tpu.memory_space<vmem>>) dst(%dma_wait3A_603 : memref<10240x64xf32, #tpu.memory_space<vmem_shared>>)
        } else {
        }
        %add3A_289 = arith.constant 6 : i32
        %add3A_290 = arith.addi %add3A_255, %add3A_289 : i32
        %lt3A_291 = arith.constant 40 : i32
        %lt3A_292 = arith.cmpi slt, %add3A_290, %lt3A_291 : i32
        %convert_element_type3A_293 = arith.extui %lt3A_292 : i1 to i32
        %cond3A_294 = arith.constant 0 : i32
        %cond3A_295 = arith.cmpi ne, %convert_element_type3A_293, %cond3A_294 : i32
        scf.if %cond3A_295 {
          %add3A_591 = arith.constant 6 : i32
          %add3A_592 = arith.addi %add3A_255, %add3A_591 : i32
          %dma_start3A_593 = arith.constant 8 : i32
          %dma_start3A_594 = arith.constant 8 : i32
          %dma_start3A_595 = arith.constant 0 : i32
          %dma_start3A_596 = arith.constant 0 : i32
          %dma_start3A_597 = tpu.memref_slice %arg8[%dma_start3A_593, %dma_start3A_595, %dma_start3A_596] : memref<10x64x64xf32, #tpu.memory_space<vmem>> -> memref<1x64x64xf32, #tpu.memory_space<vmem>>
          %dma_start3A_598 = tpu.memref_squeeze %dma_start3A_597 : memref<1x64x64xf32, #tpu.memory_space<vmem>> -> memref<64x64xf32, #tpu.memory_space<vmem>>
          %dma_start3A_599 = arith.constant 0 : i32
          %dma_start3A_600 = tpu.memref_slice %arg6[%add3A_592, %dma_start3A_599] : memref<40x64xi32, #tpu.memory_space<vmem>> -> memref<1x64xi32, #tpu.memory_space<vmem>>
          %dma_start3A_601 = tpu.memref_squeeze %dma_start3A_600 : memref<1x64xi32, #tpu.memory_space<vmem>> -> memref<64xi32, #tpu.memory_space<vmem>>
          %dma_start3A_602 = arith.constant 0 : i32
          %dma_start3A_603 = arith.constant 0 : i32
          %dma_start3A_604 = tpu.memref_slice %arg9[%dma_start3A_602, %dma_start3A_603] : memref<10240x64xf32, #tpu.memory_space<vmem_shared>> -> memref<10240x64xf32, #tpu.memory_space<vmem_shared>>
          %dma_start3A_605 = tpu.memref_slice %arg11[%dma_start3A_594] : memref<10x!tpu.dma_semaphore, #tpu.memory_space<semaphore_mem>> -> memref<1x!tpu.dma_semaphore, #tpu.memory_space<semaphore_mem>>
          %dma_start3A_606 = tpu.memref_squeeze %dma_start3A_605 : memref<1x!tpu.dma_semaphore, #tpu.memory_space<semaphore_mem>> -> memref<!tpu.dma_semaphore, #tpu.memory_space<semaphore_mem>>
          tpu.enqueue_indirect_dma source(%dma_start3A_604 : memref<10240x64xf32, #tpu.memory_space<vmem_shared>>) target(%dma_start3A_598 : memref<64x64xf32, #tpu.memory_space<vmem>>) offsets(%dma_start3A_601 : memref<64xi32, #tpu.memory_space<vmem>>) semaphore(%dma_start3A_606 : memref<!tpu.dma_semaphore, #tpu.memory_space<semaphore_mem>>)
        } else {
        }
        %add3A_296 = arith.constant 3 : i32
        %add3A_297 = arith.addi %mul3A_173, %add3A_296 : i32
        %dma_wait3A_298 = arith.constant 3 : i32
        %dma_wait3A_299 = arith.constant 3 : i32
        %dma_wait3A_300 = arith.constant 0 : i32
        %dma_wait3A_301 = arith.constant 0 : i32
        %dma_wait3A_302 = tpu.memref_slice %arg8[%dma_wait3A_298, %dma_wait3A_300, %dma_wait3A_301] : memref<10x64x64xf32, #tpu.memory_space<vmem>> -> memref<1x64x64xf32, #tpu.memory_space<vmem>>
        %dma_wait3A_303 = tpu.memref_squeeze %dma_wait3A_302 : memref<1x64x64xf32, #tpu.memory_space<vmem>> -> memref<64x64xf32, #tpu.memory_space<vmem>>
        %dma_wait3A_304 = arith.constant 0 : i32
        %dma_wait3A_305 = tpu.memref_slice %arg6[%add3A_297, %dma_wait3A_304] : memref<40x64xi32, #tpu.memory_space<vmem>> -> memref<1x64xi32, #tpu.memory_space<vmem>>
        %dma_wait3A_306 = tpu.memref_squeeze %dma_wait3A_305 : memref<1x64xi32, #tpu.memory_space<vmem>> -> memref<64xi32, #tpu.memory_space<vmem>>
        %dma_wait3A_307 = arith.constant 0 : i32
        %dma_wait3A_308 = arith.constant 0 : i32
        %dma_wait3A_309 = tpu.memref_slice %arg9[%dma_wait3A_307, %dma_wait3A_308] : memref<10240x64xf32, #tpu.memory_space<vmem_shared>> -> memref<10240x64xf32, #tpu.memory_space<vmem_shared>>
        %dma_wait3A_310 = tpu.memref_slice %arg11[%dma_wait3A_299] : memref<10x!tpu.dma_semaphore, #tpu.memory_space<semaphore_mem>> -> memref<1x!tpu.dma_semaphore, #tpu.memory_space<semaphore_mem>>
        %dma_wait3A_311 = tpu.memref_squeeze %dma_wait3A_310 : memref<1x!tpu.dma_semaphore, #tpu.memory_space<semaphore_mem>> -> memref<!tpu.dma_semaphore, #tpu.memory_space<semaphore_mem>>
        tpu.wait_indirect_dma semaphore(%dma_wait3A_311 : memref<!tpu.dma_semaphore, #tpu.memory_space<semaphore_mem>>) src(%dma_wait3A_309 : memref<10240x64xf32, #tpu.memory_space<vmem_shared>>) dst(%dma_wait3A_303 : memref<64x64xf32, #tpu.memory_space<vmem>>)
        %dma_start3A_312 = arith.constant 3 : i32
        %dma_start3A_313 = arith.constant 3 : i32
        %dma_start3A_314 = arith.constant 0 : i32
        %dma_start3A_315 = arith.constant 0 : i32
        %dma_start3A_316 = tpu.memref_slice %arg8[%dma_start3A_312, %dma_start3A_314, %dma_start3A_315] : memref<10x64x64xf32, #tpu.memory_space<vmem>> -> memref<1x64x64xf32, #tpu.memory_space<vmem>>
        %dma_start3A_317 = tpu.memref_squeeze %dma_start3A_316 : memref<1x64x64xf32, #tpu.memory_space<vmem>> -> memref<64x64xf32, #tpu.memory_space<vmem>>
        %dma_start3A_318 = arith.constant 0 : i32
        %dma_start3A_319 = tpu.memref_slice %arg7[%add3A_297, %dma_start3A_318] : memref<40x64xi32, #tpu.memory_space<vmem>> -> memref<1x64xi32, #tpu.memory_space<vmem>>
        %dma_start3A_320 = tpu.memref_squeeze %dma_start3A_319 : memref<1x64xi32, #tpu.memory_space<vmem>> -> memref<64xi32, #tpu.memory_space<vmem>>
        %dma_start3A_321 = arith.constant 0 : i32
        %dma_start3A_322 = arith.constant 0 : i32
        %dma_start3A_323 = tpu.memref_slice %arg10[%dma_start3A_321, %dma_start3A_322] : memref<10240x64xf32, #tpu.memory_space<vmem_shared>> -> memref<10240x64xf32, #tpu.memory_space<vmem_shared>>
        %dma_start3A_324 = tpu.memref_slice %arg12[%dma_start3A_313] : memref<10x!tpu.dma_semaphore, #tpu.memory_space<semaphore_mem>> -> memref<1x!tpu.dma_semaphore, #tpu.memory_space<semaphore_mem>>
        %dma_start3A_325 = tpu.memref_squeeze %dma_start3A_324 : memref<1x!tpu.dma_semaphore, #tpu.memory_space<semaphore_mem>> -> memref<!tpu.dma_semaphore, #tpu.memory_space<semaphore_mem>>
        tpu.enqueue_indirect_dma source(%dma_start3A_317 : memref<64x64xf32, #tpu.memory_space<vmem>>) target(%dma_start3A_323 : memref<10240x64xf32, #tpu.memory_space<vmem_shared>>) offsets(%dma_start3A_320 : memref<64xi32, #tpu.memory_space<vmem>>) semaphore(%dma_start3A_325 : memref<!tpu.dma_semaphore, #tpu.memory_space<semaphore_mem>>) {add = true}
        %ge3A_326 = arith.constant 4 : i32
        %ge3A_327 = arith.cmpi sge, %add3A_297, %ge3A_326 : i32
        %convert_element_type3A_328 = arith.extui %ge3A_327 : i1 to i32
        %cond3A_329 = arith.constant 0 : i32
        %cond3A_330 = arith.cmpi ne, %convert_element_type3A_328, %cond3A_329 : i32
        scf.if %cond3A_330 {
          %sub3A = arith.constant 4 : i32
          %sub3A_591 = arith.subi %add3A_297, %sub3A : i32
          %dma_wait3A_592 = arith.constant 9 : i32
          %dma_wait3A_593 = arith.constant 9 : i32
          %dma_wait3A_594 = arith.constant 0 : i32
          %dma_wait3A_595 = arith.constant 0 : i32
          %dma_wait3A_596 = tpu.memref_slice %arg8[%dma_wait3A_592, %dma_wait3A_594, %dma_wait3A_595] : memref<10x64x64xf32, #tpu.memory_space<vmem>> -> memref<1x64x64xf32, #tpu.memory_space<vmem>>
          %dma_wait3A_597 = tpu.memref_squeeze %dma_wait3A_596 : memref<1x64x64xf32, #tpu.memory_space<vmem>> -> memref<64x64xf32, #tpu.memory_space<vmem>>
          %dma_wait3A_598 = arith.constant 0 : i32
          %dma_wait3A_599 = tpu.memref_slice %arg7[%sub3A_591, %dma_wait3A_598] : memref<40x64xi32, #tpu.memory_space<vmem>> -> memref<1x64xi32, #tpu.memory_space<vmem>>
          %dma_wait3A_600 = tpu.memref_squeeze %dma_wait3A_599 : memref<1x64xi32, #tpu.memory_space<vmem>> -> memref<64xi32, #tpu.memory_space<vmem>>
          %dma_wait3A_601 = arith.constant 0 : i32
          %dma_wait3A_602 = arith.constant 0 : i32
          %dma_wait3A_603 = tpu.memref_slice %arg10[%dma_wait3A_601, %dma_wait3A_602] : memref<10240x64xf32, #tpu.memory_space<vmem_shared>> -> memref<10240x64xf32, #tpu.memory_space<vmem_shared>>
          %dma_wait3A_604 = tpu.memref_slice %arg12[%dma_wait3A_593] : memref<10x!tpu.dma_semaphore, #tpu.memory_space<semaphore_mem>> -> memref<1x!tpu.dma_semaphore, #tpu.memory_space<semaphore_mem>>
          %dma_wait3A_605 = tpu.memref_squeeze %dma_wait3A_604 : memref<1x!tpu.dma_semaphore, #tpu.memory_space<semaphore_mem>> -> memref<!tpu.dma_semaphore, #tpu.memory_space<semaphore_mem>>
          tpu.wait_indirect_dma semaphore(%dma_wait3A_605 : memref<!tpu.dma_semaphore, #tpu.memory_space<semaphore_mem>>) src(%dma_wait3A_597 : memref<64x64xf32, #tpu.memory_space<vmem>>) dst(%dma_wait3A_603 : memref<10240x64xf32, #tpu.memory_space<vmem_shared>>)
        } else {
        }
        %add3A_331 = arith.constant 6 : i32
        %add3A_332 = arith.addi %add3A_297, %add3A_331 : i32
        %lt3A_333 = arith.constant 40 : i32
        %lt3A_334 = arith.cmpi slt, %add3A_332, %lt3A_333 : i32
        %convert_element_type3A_335 = arith.extui %lt3A_334 : i1 to i32
        %cond3A_336 = arith.constant 0 : i32
        %cond3A_337 = arith.cmpi ne, %convert_element_type3A_335, %cond3A_336 : i32
        scf.if %cond3A_337 {
          %add3A_591 = arith.constant 6 : i32
          %add3A_592 = arith.addi %add3A_297, %add3A_591 : i32
          %dma_start3A_593 = arith.constant 9 : i32
          %dma_start3A_594 = arith.constant 9 : i32
          %dma_start3A_595 = arith.constant 0 : i32
          %dma_start3A_596 = arith.constant 0 : i32
          %dma_start3A_597 = tpu.memref_slice %arg8[%dma_start3A_593, %dma_start3A_595, %dma_start3A_596] : memref<10x64x64xf32, #tpu.memory_space<vmem>> -> memref<1x64x64xf32, #tpu.memory_space<vmem>>
          %dma_start3A_598 = tpu.memref_squeeze %dma_start3A_597 : memref<1x64x64xf32, #tpu.memory_space<vmem>> -> memref<64x64xf32, #tpu.memory_space<vmem>>
          %dma_start3A_599 = arith.constant 0 : i32
          %dma_start3A_600 = tpu.memref_slice %arg6[%add3A_592, %dma_start3A_599] : memref<40x64xi32, #tpu.memory_space<vmem>> -> memref<1x64xi32, #tpu.memory_space<vmem>>
          %dma_start3A_601 = tpu.memref_squeeze %dma_start3A_600 : memref<1x64xi32, #tpu.memory_space<vmem>> -> memref<64xi32, #tpu.memory_space<vmem>>
          %dma_start3A_602 = arith.constant 0 : i32
          %dma_start3A_603 = arith.constant 0 : i32
          %dma_start3A_604 = tpu.memref_slice %arg9[%dma_start3A_602, %dma_start3A_603] : memref<10240x64xf32, #tpu.memory_space<vmem_shared>> -> memref<10240x64xf32, #tpu.memory_space<vmem_shared>>
          %dma_start3A_605 = tpu.memref_slice %arg11[%dma_start3A_594] : memref<10x!tpu.dma_semaphore, #tpu.memory_space<semaphore_mem>> -> memref<1x!tpu.dma_semaphore, #tpu.memory_space<semaphore_mem>>
          %dma_start3A_606 = tpu.memref_squeeze %dma_start3A_605 : memref<1x!tpu.dma_semaphore, #tpu.memory_space<semaphore_mem>> -> memref<!tpu.dma_semaphore, #tpu.memory_space<semaphore_mem>>
          tpu.enqueue_indirect_dma source(%dma_start3A_604 : memref<10240x64xf32, #tpu.memory_space<vmem_shared>>) target(%dma_start3A_598 : memref<64x64xf32, #tpu.memory_space<vmem>>) offsets(%dma_start3A_601 : memref<64xi32, #tpu.memory_space<vmem>>) semaphore(%dma_start3A_606 : memref<!tpu.dma_semaphore, #tpu.memory_space<semaphore_mem>>)
        } else {
        }
        %add3A_338 = arith.constant 4 : i32
        %add3A_339 = arith.addi %mul3A_173, %add3A_338 : i32
        %dma_wait3A_340 = arith.constant 4 : i32
        %dma_wait3A_341 = arith.constant 4 : i32
        %dma_wait3A_342 = arith.constant 0 : i32
        %dma_wait3A_343 = arith.constant 0 : i32
        %dma_wait3A_344 = tpu.memref_slice %arg8[%dma_wait3A_340, %dma_wait3A_342, %dma_wait3A_343] : memref<10x64x64xf32, #tpu.memory_space<vmem>> -> memref<1x64x64xf32, #tpu.memory_space<vmem>>
        %dma_wait3A_345 = tpu.memref_squeeze %dma_wait3A_344 : memref<1x64x64xf32, #tpu.memory_space<vmem>> -> memref<64x64xf32, #tpu.memory_space<vmem>>
        %dma_wait3A_346 = arith.constant 0 : i32
        %dma_wait3A_347 = tpu.memref_slice %arg6[%add3A_339, %dma_wait3A_346] : memref<40x64xi32, #tpu.memory_space<vmem>> -> memref<1x64xi32, #tpu.memory_space<vmem>>
        %dma_wait3A_348 = tpu.memref_squeeze %dma_wait3A_347 : memref<1x64xi32, #tpu.memory_space<vmem>> -> memref<64xi32, #tpu.memory_space<vmem>>
        %dma_wait3A_349 = arith.constant 0 : i32
        %dma_wait3A_350 = arith.constant 0 : i32
        %dma_wait3A_351 = tpu.memref_slice %arg9[%dma_wait3A_349, %dma_wait3A_350] : memref<10240x64xf32, #tpu.memory_space<vmem_shared>> -> memref<10240x64xf32, #tpu.memory_space<vmem_shared>>
        %dma_wait3A_352 = tpu.memref_slice %arg11[%dma_wait3A_341] : memref<10x!tpu.dma_semaphore, #tpu.memory_space<semaphore_mem>> -> memref<1x!tpu.dma_semaphore, #tpu.memory_space<semaphore_mem>>
        %dma_wait3A_353 = tpu.memref_squeeze %dma_wait3A_352 : memref<1x!tpu.dma_semaphore, #tpu.memory_space<semaphore_mem>> -> memref<!tpu.dma_semaphore, #tpu.memory_space<semaphore_mem>>
        tpu.wait_indirect_dma semaphore(%dma_wait3A_353 : memref<!tpu.dma_semaphore, #tpu.memory_space<semaphore_mem>>) src(%dma_wait3A_351 : memref<10240x64xf32, #tpu.memory_space<vmem_shared>>) dst(%dma_wait3A_345 : memref<64x64xf32, #tpu.memory_space<vmem>>)
        %dma_start3A_354 = arith.constant 4 : i32
        %dma_start3A_355 = arith.constant 4 : i32
        %dma_start3A_356 = arith.constant 0 : i32
        %dma_start3A_357 = arith.constant 0 : i32
        %dma_start3A_358 = tpu.memref_slice %arg8[%dma_start3A_354, %dma_start3A_356, %dma_start3A_357] : memref<10x64x64xf32, #tpu.memory_space<vmem>> -> memref<1x64x64xf32, #tpu.memory_space<vmem>>
        %dma_start3A_359 = tpu.memref_squeeze %dma_start3A_358 : memref<1x64x64xf32, #tpu.memory_space<vmem>> -> memref<64x64xf32, #tpu.memory_space<vmem>>
        %dma_start3A_360 = arith.constant 0 : i32
        %dma_start3A_361 = tpu.memref_slice %arg7[%add3A_339, %dma_start3A_360] : memref<40x64xi32, #tpu.memory_space<vmem>> -> memref<1x64xi32, #tpu.memory_space<vmem>>
        %dma_start3A_362 = tpu.memref_squeeze %dma_start3A_361 : memref<1x64xi32, #tpu.memory_space<vmem>> -> memref<64xi32, #tpu.memory_space<vmem>>
        %dma_start3A_363 = arith.constant 0 : i32
        %dma_start3A_364 = arith.constant 0 : i32
        %dma_start3A_365 = tpu.memref_slice %arg10[%dma_start3A_363, %dma_start3A_364] : memref<10240x64xf32, #tpu.memory_space<vmem_shared>> -> memref<10240x64xf32, #tpu.memory_space<vmem_shared>>
        %dma_start3A_366 = tpu.memref_slice %arg12[%dma_start3A_355] : memref<10x!tpu.dma_semaphore, #tpu.memory_space<semaphore_mem>> -> memref<1x!tpu.dma_semaphore, #tpu.memory_space<semaphore_mem>>
        %dma_start3A_367 = tpu.memref_squeeze %dma_start3A_366 : memref<1x!tpu.dma_semaphore, #tpu.memory_space<semaphore_mem>> -> memref<!tpu.dma_semaphore, #tpu.memory_space<semaphore_mem>>
        tpu.enqueue_indirect_dma source(%dma_start3A_359 : memref<64x64xf32, #tpu.memory_space<vmem>>) target(%dma_start3A_365 : memref<10240x64xf32, #tpu.memory_space<vmem_shared>>) offsets(%dma_start3A_362 : memref<64xi32, #tpu.memory_space<vmem>>) semaphore(%dma_start3A_367 : memref<!tpu.dma_semaphore, #tpu.memory_space<semaphore_mem>>) {add = true}
        %ge3A_368 = arith.constant 4 : i32
        %ge3A_369 = arith.cmpi sge, %add3A_339, %ge3A_368 : i32
        %convert_element_type3A_370 = arith.extui %ge3A_369 : i1 to i32
        %cond3A_371 = arith.constant 0 : i32
        %cond3A_372 = arith.cmpi ne, %convert_element_type3A_370, %cond3A_371 : i32
        scf.if %cond3A_372 {
          %sub3A = arith.constant 4 : i32
          %sub3A_591 = arith.subi %add3A_339, %sub3A : i32
          %dma_wait3A_592 = arith.constant 0 : i32
          %dma_wait3A_593 = arith.constant 0 : i32
          %dma_wait3A_594 = arith.constant 0 : i32
          %dma_wait3A_595 = arith.constant 0 : i32
          %dma_wait3A_596 = tpu.memref_slice %arg8[%dma_wait3A_592, %dma_wait3A_594, %dma_wait3A_595] : memref<10x64x64xf32, #tpu.memory_space<vmem>> -> memref<1x64x64xf32, #tpu.memory_space<vmem>>
          %dma_wait3A_597 = tpu.memref_squeeze %dma_wait3A_596 : memref<1x64x64xf32, #tpu.memory_space<vmem>> -> memref<64x64xf32, #tpu.memory_space<vmem>>
          %dma_wait3A_598 = arith.constant 0 : i32
          %dma_wait3A_599 = tpu.memref_slice %arg7[%sub3A_591, %dma_wait3A_598] : memref<40x64xi32, #tpu.memory_space<vmem>> -> memref<1x64xi32, #tpu.memory_space<vmem>>
          %dma_wait3A_600 = tpu.memref_squeeze %dma_wait3A_599 : memref<1x64xi32, #tpu.memory_space<vmem>> -> memref<64xi32, #tpu.memory_space<vmem>>
          %dma_wait3A_601 = arith.constant 0 : i32
          %dma_wait3A_602 = arith.constant 0 : i32
          %dma_wait3A_603 = tpu.memref_slice %arg10[%dma_wait3A_601, %dma_wait3A_602] : memref<10240x64xf32, #tpu.memory_space<vmem_shared>> -> memref<10240x64xf32, #tpu.memory_space<vmem_shared>>
          %dma_wait3A_604 = tpu.memref_slice %arg12[%dma_wait3A_593] : memref<10x!tpu.dma_semaphore, #tpu.memory_space<semaphore_mem>> -> memref<1x!tpu.dma_semaphore, #tpu.memory_space<semaphore_mem>>
          %dma_wait3A_605 = tpu.memref_squeeze %dma_wait3A_604 : memref<1x!tpu.dma_semaphore, #tpu.memory_space<semaphore_mem>> -> memref<!tpu.dma_semaphore, #tpu.memory_space<semaphore_mem>>
          tpu.wait_indirect_dma semaphore(%dma_wait3A_605 : memref<!tpu.dma_semaphore, #tpu.memory_space<semaphore_mem>>) src(%dma_wait3A_597 : memref<64x64xf32, #tpu.memory_space<vmem>>) dst(%dma_wait3A_603 : memref<10240x64xf32, #tpu.memory_space<vmem_shared>>)
        } else {
        }
        %add3A_373 = arith.constant 6 : i32
        %add3A_374 = arith.addi %add3A_339, %add3A_373 : i32
        %lt3A_375 = arith.constant 40 : i32
        %lt3A_376 = arith.cmpi slt, %add3A_374, %lt3A_375 : i32
        %convert_element_type3A_377 = arith.extui %lt3A_376 : i1 to i32
        %cond3A_378 = arith.constant 0 : i32
        %cond3A_379 = arith.cmpi ne, %convert_element_type3A_377, %cond3A_378 : i32
        scf.if %cond3A_379 {
          %add3A_591 = arith.constant 6 : i32
          %add3A_592 = arith.addi %add3A_339, %add3A_591 : i32
          %dma_start3A_593 = arith.constant 0 : i32
          %dma_start3A_594 = arith.constant 0 : i32
          %dma_start3A_595 = arith.constant 0 : i32
          %dma_start3A_596 = arith.constant 0 : i32
          %dma_start3A_597 = tpu.memref_slice %arg8[%dma_start3A_593, %dma_start3A_595, %dma_start3A_596] : memref<10x64x64xf32, #tpu.memory_space<vmem>> -> memref<1x64x64xf32, #tpu.memory_space<vmem>>
          %dma_start3A_598 = tpu.memref_squeeze %dma_start3A_597 : memref<1x64x64xf32, #tpu.memory_space<vmem>> -> memref<64x64xf32, #tpu.memory_space<vmem>>
          %dma_start3A_599 = arith.constant 0 : i32
          %dma_start3A_600 = tpu.memref_slice %arg6[%add3A_592, %dma_start3A_599] : memref<40x64xi32, #tpu.memory_space<vmem>> -> memref<1x64xi32, #tpu.memory_space<vmem>>
          %dma_start3A_601 = tpu.memref_squeeze %dma_start3A_600 : memref<1x64xi32, #tpu.memory_space<vmem>> -> memref<64xi32, #tpu.memory_space<vmem>>
          %dma_start3A_602 = arith.constant 0 : i32
          %dma_start3A_603 = arith.constant 0 : i32
          %dma_start3A_604 = tpu.memref_slice %arg9[%dma_start3A_602, %dma_start3A_603] : memref<10240x64xf32, #tpu.memory_space<vmem_shared>> -> memref<10240x64xf32, #tpu.memory_space<vmem_shared>>
          %dma_start3A_605 = tpu.memref_slice %arg11[%dma_start3A_594] : memref<10x!tpu.dma_semaphore, #tpu.memory_space<semaphore_mem>> -> memref<1x!tpu.dma_semaphore, #tpu.memory_space<semaphore_mem>>
          %dma_start3A_606 = tpu.memref_squeeze %dma_start3A_605 : memref<1x!tpu.dma_semaphore, #tpu.memory_space<semaphore_mem>> -> memref<!tpu.dma_semaphore, #tpu.memory_space<semaphore_mem>>
          tpu.enqueue_indirect_dma source(%dma_start3A_604 : memref<10240x64xf32, #tpu.memory_space<vmem_shared>>) target(%dma_start3A_598 : memref<64x64xf32, #tpu.memory_space<vmem>>) offsets(%dma_start3A_601 : memref<64xi32, #tpu.memory_space<vmem>>) semaphore(%dma_start3A_606 : memref<!tpu.dma_semaphore, #tpu.memory_space<semaphore_mem>>)
        } else {
        }
        %add3A_380 = arith.constant 5 : i32
        %add3A_381 = arith.addi %mul3A_173, %add3A_380 : i32
        %dma_wait3A_382 = arith.constant 5 : i32
        %dma_wait3A_383 = arith.constant 5 : i32
        %dma_wait3A_384 = arith.constant 0 : i32
        %dma_wait3A_385 = arith.constant 0 : i32
        %dma_wait3A_386 = tpu.memref_slice %arg8[%dma_wait3A_382, %dma_wait3A_384, %dma_wait3A_385] : memref<10x64x64xf32, #tpu.memory_space<vmem>> -> memref<1x64x64xf32, #tpu.memory_space<vmem>>
        %dma_wait3A_387 = tpu.memref_squeeze %dma_wait3A_386 : memref<1x64x64xf32, #tpu.memory_space<vmem>> -> memref<64x64xf32, #tpu.memory_space<vmem>>
        %dma_wait3A_388 = arith.constant 0 : i32
        %dma_wait3A_389 = tpu.memref_slice %arg6[%add3A_381, %dma_wait3A_388] : memref<40x64xi32, #tpu.memory_space<vmem>> -> memref<1x64xi32, #tpu.memory_space<vmem>>
        %dma_wait3A_390 = tpu.memref_squeeze %dma_wait3A_389 : memref<1x64xi32, #tpu.memory_space<vmem>> -> memref<64xi32, #tpu.memory_space<vmem>>
        %dma_wait3A_391 = arith.constant 0 : i32
        %dma_wait3A_392 = arith.constant 0 : i32
        %dma_wait3A_393 = tpu.memref_slice %arg9[%dma_wait3A_391, %dma_wait3A_392] : memref<10240x64xf32, #tpu.memory_space<vmem_shared>> -> memref<10240x64xf32, #tpu.memory_space<vmem_shared>>
        %dma_wait3A_394 = tpu.memref_slice %arg11[%dma_wait3A_383] : memref<10x!tpu.dma_semaphore, #tpu.memory_space<semaphore_mem>> -> memref<1x!tpu.dma_semaphore, #tpu.memory_space<semaphore_mem>>
        %dma_wait3A_395 = tpu.memref_squeeze %dma_wait3A_394 : memref<1x!tpu.dma_semaphore, #tpu.memory_space<semaphore_mem>> -> memref<!tpu.dma_semaphore, #tpu.memory_space<semaphore_mem>>
        tpu.wait_indirect_dma semaphore(%dma_wait3A_395 : memref<!tpu.dma_semaphore, #tpu.memory_space<semaphore_mem>>) src(%dma_wait3A_393 : memref<10240x64xf32, #tpu.memory_space<vmem_shared>>) dst(%dma_wait3A_387 : memref<64x64xf32, #tpu.memory_space<vmem>>)
        %dma_start3A_396 = arith.constant 5 : i32
        %dma_start3A_397 = arith.constant 5 : i32
        %dma_start3A_398 = arith.constant 0 : i32
        %dma_start3A_399 = arith.constant 0 : i32
        %dma_start3A_400 = tpu.memref_slice %arg8[%dma_start3A_396, %dma_start3A_398, %dma_start3A_399] : memref<10x64x64xf32, #tpu.memory_space<vmem>> -> memref<1x64x64xf32, #tpu.memory_space<vmem>>
        %dma_start3A_401 = tpu.memref_squeeze %dma_start3A_400 : memref<1x64x64xf32, #tpu.memory_space<vmem>> -> memref<64x64xf32, #tpu.memory_space<vmem>>
        %dma_start3A_402 = arith.constant 0 : i32
        %dma_start3A_403 = tpu.memref_slice %arg7[%add3A_381, %dma_start3A_402] : memref<40x64xi32, #tpu.memory_space<vmem>> -> memref<1x64xi32, #tpu.memory_space<vmem>>
        %dma_start3A_404 = tpu.memref_squeeze %dma_start3A_403 : memref<1x64xi32, #tpu.memory_space<vmem>> -> memref<64xi32, #tpu.memory_space<vmem>>
        %dma_start3A_405 = arith.constant 0 : i32
        %dma_start3A_406 = arith.constant 0 : i32
        %dma_start3A_407 = tpu.memref_slice %arg10[%dma_start3A_405, %dma_start3A_406] : memref<10240x64xf32, #tpu.memory_space<vmem_shared>> -> memref<10240x64xf32, #tpu.memory_space<vmem_shared>>
        %dma_start3A_408 = tpu.memref_slice %arg12[%dma_start3A_397] : memref<10x!tpu.dma_semaphore, #tpu.memory_space<semaphore_mem>> -> memref<1x!tpu.dma_semaphore, #tpu.memory_space<semaphore_mem>>
        %dma_start3A_409 = tpu.memref_squeeze %dma_start3A_408 : memref<1x!tpu.dma_semaphore, #tpu.memory_space<semaphore_mem>> -> memref<!tpu.dma_semaphore, #tpu.memory_space<semaphore_mem>>
        tpu.enqueue_indirect_dma source(%dma_start3A_401 : memref<64x64xf32, #tpu.memory_space<vmem>>) target(%dma_start3A_407 : memref<10240x64xf32, #tpu.memory_space<vmem_shared>>) offsets(%dma_start3A_404 : memref<64xi32, #tpu.memory_space<vmem>>) semaphore(%dma_start3A_409 : memref<!tpu.dma_semaphore, #tpu.memory_space<semaphore_mem>>) {add = true}
        %ge3A_410 = arith.constant 4 : i32
        %ge3A_411 = arith.cmpi sge, %add3A_381, %ge3A_410 : i32
        %convert_element_type3A_412 = arith.extui %ge3A_411 : i1 to i32
        %cond3A_413 = arith.constant 0 : i32
        %cond3A_414 = arith.cmpi ne, %convert_element_type3A_412, %cond3A_413 : i32
        scf.if %cond3A_414 {
          %sub3A = arith.constant 4 : i32
          %sub3A_591 = arith.subi %add3A_381, %sub3A : i32
          %dma_wait3A_592 = arith.constant 1 : i32
          %dma_wait3A_593 = arith.constant 1 : i32
          %dma_wait3A_594 = arith.constant 0 : i32
          %dma_wait3A_595 = arith.constant 0 : i32
          %dma_wait3A_596 = tpu.memref_slice %arg8[%dma_wait3A_592, %dma_wait3A_594, %dma_wait3A_595] : memref<10x64x64xf32, #tpu.memory_space<vmem>> -> memref<1x64x64xf32, #tpu.memory_space<vmem>>
          %dma_wait3A_597 = tpu.memref_squeeze %dma_wait3A_596 : memref<1x64x64xf32, #tpu.memory_space<vmem>> -> memref<64x64xf32, #tpu.memory_space<vmem>>
          %dma_wait3A_598 = arith.constant 0 : i32
          %dma_wait3A_599 = tpu.memref_slice %arg7[%sub3A_591, %dma_wait3A_598] : memref<40x64xi32, #tpu.memory_space<vmem>> -> memref<1x64xi32, #tpu.memory_space<vmem>>
          %dma_wait3A_600 = tpu.memref_squeeze %dma_wait3A_599 : memref<1x64xi32, #tpu.memory_space<vmem>> -> memref<64xi32, #tpu.memory_space<vmem>>
          %dma_wait3A_601 = arith.constant 0 : i32
          %dma_wait3A_602 = arith.constant 0 : i32
          %dma_wait3A_603 = tpu.memref_slice %arg10[%dma_wait3A_601, %dma_wait3A_602] : memref<10240x64xf32, #tpu.memory_space<vmem_shared>> -> memref<10240x64xf32, #tpu.memory_space<vmem_shared>>
          %dma_wait3A_604 = tpu.memref_slice %arg12[%dma_wait3A_593] : memref<10x!tpu.dma_semaphore, #tpu.memory_space<semaphore_mem>> -> memref<1x!tpu.dma_semaphore, #tpu.memory_space<semaphore_mem>>
          %dma_wait3A_605 = tpu.memref_squeeze %dma_wait3A_604 : memref<1x!tpu.dma_semaphore, #tpu.memory_space<semaphore_mem>> -> memref<!tpu.dma_semaphore, #tpu.memory_space<semaphore_mem>>
          tpu.wait_indirect_dma semaphore(%dma_wait3A_605 : memref<!tpu.dma_semaphore, #tpu.memory_space<semaphore_mem>>) src(%dma_wait3A_597 : memref<64x64xf32, #tpu.memory_space<vmem>>) dst(%dma_wait3A_603 : memref<10240x64xf32, #tpu.memory_space<vmem_shared>>)
        } else {
        }
        %add3A_415 = arith.constant 6 : i32
        %add3A_416 = arith.addi %add3A_381, %add3A_415 : i32
        %lt3A_417 = arith.constant 40 : i32
        %lt3A_418 = arith.cmpi slt, %add3A_416, %lt3A_417 : i32
        %convert_element_type3A_419 = arith.extui %lt3A_418 : i1 to i32
        %cond3A_420 = arith.constant 0 : i32
        %cond3A_421 = arith.cmpi ne, %convert_element_type3A_419, %cond3A_420 : i32
        scf.if %cond3A_421 {
          %add3A_591 = arith.constant 6 : i32
          %add3A_592 = arith.addi %add3A_381, %add3A_591 : i32
          %dma_start3A_593 = arith.constant 1 : i32
          %dma_start3A_594 = arith.constant 1 : i32
          %dma_start3A_595 = arith.constant 0 : i32
          %dma_start3A_596 = arith.constant 0 : i32
          %dma_start3A_597 = tpu.memref_slice %arg8[%dma_start3A_593, %dma_start3A_595, %dma_start3A_596] : memref<10x64x64xf32, #tpu.memory_space<vmem>> -> memref<1x64x64xf32, #tpu.memory_space<vmem>>
          %dma_start3A_598 = tpu.memref_squeeze %dma_start3A_597 : memref<1x64x64xf32, #tpu.memory_space<vmem>> -> memref<64x64xf32, #tpu.memory_space<vmem>>
          %dma_start3A_599 = arith.constant 0 : i32
          %dma_start3A_600 = tpu.memref_slice %arg6[%add3A_592, %dma_start3A_599] : memref<40x64xi32, #tpu.memory_space<vmem>> -> memref<1x64xi32, #tpu.memory_space<vmem>>
          %dma_start3A_601 = tpu.memref_squeeze %dma_start3A_600 : memref<1x64xi32, #tpu.memory_space<vmem>> -> memref<64xi32, #tpu.memory_space<vmem>>
          %dma_start3A_602 = arith.constant 0 : i32
          %dma_start3A_603 = arith.constant 0 : i32
          %dma_start3A_604 = tpu.memref_slice %arg9[%dma_start3A_602, %dma_start3A_603] : memref<10240x64xf32, #tpu.memory_space<vmem_shared>> -> memref<10240x64xf32, #tpu.memory_space<vmem_shared>>
          %dma_start3A_605 = tpu.memref_slice %arg11[%dma_start3A_594] : memref<10x!tpu.dma_semaphore, #tpu.memory_space<semaphore_mem>> -> memref<1x!tpu.dma_semaphore, #tpu.memory_space<semaphore_mem>>
          %dma_start3A_606 = tpu.memref_squeeze %dma_start3A_605 : memref<1x!tpu.dma_semaphore, #tpu.memory_space<semaphore_mem>> -> memref<!tpu.dma_semaphore, #tpu.memory_space<semaphore_mem>>
          tpu.enqueue_indirect_dma source(%dma_start3A_604 : memref<10240x64xf32, #tpu.memory_space<vmem_shared>>) target(%dma_start3A_598 : memref<64x64xf32, #tpu.memory_space<vmem>>) offsets(%dma_start3A_601 : memref<64xi32, #tpu.memory_space<vmem>>) semaphore(%dma_start3A_606 : memref<!tpu.dma_semaphore, #tpu.memory_space<semaphore_mem>>)
        } else {
        }
        %add3A_422 = arith.constant 6 : i32
        %add3A_423 = arith.addi %mul3A_173, %add3A_422 : i32
        %dma_wait3A_424 = arith.constant 6 : i32
        %dma_wait3A_425 = arith.constant 6 : i32
        %dma_wait3A_426 = arith.constant 0 : i32
        %dma_wait3A_427 = arith.constant 0 : i32
        %dma_wait3A_428 = tpu.memref_slice %arg8[%dma_wait3A_424, %dma_wait3A_426, %dma_wait3A_427] : memref<10x64x64xf32, #tpu.memory_space<vmem>> -> memref<1x64x64xf32, #tpu.memory_space<vmem>>
        %dma_wait3A_429 = tpu.memref_squeeze %dma_wait3A_428 : memref<1x64x64xf32, #tpu.memory_space<vmem>> -> memref<64x64xf32, #tpu.memory_space<vmem>>
        %dma_wait3A_430 = arith.constant 0 : i32
        %dma_wait3A_431 = tpu.memref_slice %arg6[%add3A_423, %dma_wait3A_430] : memref<40x64xi32, #tpu.memory_space<vmem>> -> memref<1x64xi32, #tpu.memory_space<vmem>>
        %dma_wait3A_432 = tpu.memref_squeeze %dma_wait3A_431 : memref<1x64xi32, #tpu.memory_space<vmem>> -> memref<64xi32, #tpu.memory_space<vmem>>
        %dma_wait3A_433 = arith.constant 0 : i32
        %dma_wait3A_434 = arith.constant 0 : i32
        %dma_wait3A_435 = tpu.memref_slice %arg9[%dma_wait3A_433, %dma_wait3A_434] : memref<10240x64xf32, #tpu.memory_space<vmem_shared>> -> memref<10240x64xf32, #tpu.memory_space<vmem_shared>>
        %dma_wait3A_436 = tpu.memref_slice %arg11[%dma_wait3A_425] : memref<10x!tpu.dma_semaphore, #tpu.memory_space<semaphore_mem>> -> memref<1x!tpu.dma_semaphore, #tpu.memory_space<semaphore_mem>>
        %dma_wait3A_437 = tpu.memref_squeeze %dma_wait3A_436 : memref<1x!tpu.dma_semaphore, #tpu.memory_space<semaphore_mem>> -> memref<!tpu.dma_semaphore, #tpu.memory_space<semaphore_mem>>
        tpu.wait_indirect_dma semaphore(%dma_wait3A_437 : memref<!tpu.dma_semaphore, #tpu.memory_space<semaphore_mem>>) src(%dma_wait3A_435 : memref<10240x64xf32, #tpu.memory_space<vmem_shared>>) dst(%dma_wait3A_429 : memref<64x64xf32, #tpu.memory_space<vmem>>)
        %dma_start3A_438 = arith.constant 6 : i32
        %dma_start3A_439 = arith.constant 6 : i32
        %dma_start3A_440 = arith.constant 0 : i32
        %dma_start3A_441 = arith.constant 0 : i32
        %dma_start3A_442 = tpu.memref_slice %arg8[%dma_start3A_438, %dma_start3A_440, %dma_start3A_441] : memref<10x64x64xf32, #tpu.memory_space<vmem>> -> memref<1x64x64xf32, #tpu.memory_space<vmem>>
        %dma_start3A_443 = tpu.memref_squeeze %dma_start3A_442 : memref<1x64x64xf32, #tpu.memory_space<vmem>> -> memref<64x64xf32, #tpu.memory_space<vmem>>
        %dma_start3A_444 = arith.constant 0 : i32
        %dma_start3A_445 = tpu.memref_slice %arg7[%add3A_423, %dma_start3A_444] : memref<40x64xi32, #tpu.memory_space<vmem>> -> memref<1x64xi32, #tpu.memory_space<vmem>>
        %dma_start3A_446 = tpu.memref_squeeze %dma_start3A_445 : memref<1x64xi32, #tpu.memory_space<vmem>> -> memref<64xi32, #tpu.memory_space<vmem>>
        %dma_start3A_447 = arith.constant 0 : i32
        %dma_start3A_448 = arith.constant 0 : i32
        %dma_start3A_449 = tpu.memref_slice %arg10[%dma_start3A_447, %dma_start3A_448] : memref<10240x64xf32, #tpu.memory_space<vmem_shared>> -> memref<10240x64xf32, #tpu.memory_space<vmem_shared>>
        %dma_start3A_450 = tpu.memref_slice %arg12[%dma_start3A_439] : memref<10x!tpu.dma_semaphore, #tpu.memory_space<semaphore_mem>> -> memref<1x!tpu.dma_semaphore, #tpu.memory_space<semaphore_mem>>
        %dma_start3A_451 = tpu.memref_squeeze %dma_start3A_450 : memref<1x!tpu.dma_semaphore, #tpu.memory_space<semaphore_mem>> -> memref<!tpu.dma_semaphore, #tpu.memory_space<semaphore_mem>>
        tpu.enqueue_indirect_dma source(%dma_start3A_443 : memref<64x64xf32, #tpu.memory_space<vmem>>) target(%dma_start3A_449 : memref<10240x64xf32, #tpu.memory_space<vmem_shared>>) offsets(%dma_start3A_446 : memref<64xi32, #tpu.memory_space<vmem>>) semaphore(%dma_start3A_451 : memref<!tpu.dma_semaphore, #tpu.memory_space<semaphore_mem>>) {add = true}
        %ge3A_452 = arith.constant 4 : i32
        %ge3A_453 = arith.cmpi sge, %add3A_423, %ge3A_452 : i32
        %convert_element_type3A_454 = arith.extui %ge3A_453 : i1 to i32
        %cond3A_455 = arith.constant 0 : i32
        %cond3A_456 = arith.cmpi ne, %convert_element_type3A_454, %cond3A_455 : i32
        scf.if %cond3A_456 {
          %sub3A = arith.constant 4 : i32
          %sub3A_591 = arith.subi %add3A_423, %sub3A : i32
          %dma_wait3A_592 = arith.constant 2 : i32
          %dma_wait3A_593 = arith.constant 2 : i32
          %dma_wait3A_594 = arith.constant 0 : i32
          %dma_wait3A_595 = arith.constant 0 : i32
          %dma_wait3A_596 = tpu.memref_slice %arg8[%dma_wait3A_592, %dma_wait3A_594, %dma_wait3A_595] : memref<10x64x64xf32, #tpu.memory_space<vmem>> -> memref<1x64x64xf32, #tpu.memory_space<vmem>>
          %dma_wait3A_597 = tpu.memref_squeeze %dma_wait3A_596 : memref<1x64x64xf32, #tpu.memory_space<vmem>> -> memref<64x64xf32, #tpu.memory_space<vmem>>
          %dma_wait3A_598 = arith.constant 0 : i32
          %dma_wait3A_599 = tpu.memref_slice %arg7[%sub3A_591, %dma_wait3A_598] : memref<40x64xi32, #tpu.memory_space<vmem>> -> memref<1x64xi32, #tpu.memory_space<vmem>>
          %dma_wait3A_600 = tpu.memref_squeeze %dma_wait3A_599 : memref<1x64xi32, #tpu.memory_space<vmem>> -> memref<64xi32, #tpu.memory_space<vmem>>
          %dma_wait3A_601 = arith.constant 0 : i32
          %dma_wait3A_602 = arith.constant 0 : i32
          %dma_wait3A_603 = tpu.memref_slice %arg10[%dma_wait3A_601, %dma_wait3A_602] : memref<10240x64xf32, #tpu.memory_space<vmem_shared>> -> memref<10240x64xf32, #tpu.memory_space<vmem_shared>>
          %dma_wait3A_604 = tpu.memref_slice %arg12[%dma_wait3A_593] : memref<10x!tpu.dma_semaphore, #tpu.memory_space<semaphore_mem>> -> memref<1x!tpu.dma_semaphore, #tpu.memory_space<semaphore_mem>>
          %dma_wait3A_605 = tpu.memref_squeeze %dma_wait3A_604 : memref<1x!tpu.dma_semaphore, #tpu.memory_space<semaphore_mem>> -> memref<!tpu.dma_semaphore, #tpu.memory_space<semaphore_mem>>
          tpu.wait_indirect_dma semaphore(%dma_wait3A_605 : memref<!tpu.dma_semaphore, #tpu.memory_space<semaphore_mem>>) src(%dma_wait3A_597 : memref<64x64xf32, #tpu.memory_space<vmem>>) dst(%dma_wait3A_603 : memref<10240x64xf32, #tpu.memory_space<vmem_shared>>)
        } else {
        }
        %add3A_457 = arith.constant 6 : i32
        %add3A_458 = arith.addi %add3A_423, %add3A_457 : i32
        %lt3A_459 = arith.constant 40 : i32
        %lt3A_460 = arith.cmpi slt, %add3A_458, %lt3A_459 : i32
        %convert_element_type3A_461 = arith.extui %lt3A_460 : i1 to i32
        %cond3A_462 = arith.constant 0 : i32
        %cond3A_463 = arith.cmpi ne, %convert_element_type3A_461, %cond3A_462 : i32
        scf.if %cond3A_463 {
          %add3A_591 = arith.constant 6 : i32
          %add3A_592 = arith.addi %add3A_423, %add3A_591 : i32
          %dma_start3A_593 = arith.constant 2 : i32
          %dma_start3A_594 = arith.constant 2 : i32
          %dma_start3A_595 = arith.constant 0 : i32
          %dma_start3A_596 = arith.constant 0 : i32
          %dma_start3A_597 = tpu.memref_slice %arg8[%dma_start3A_593, %dma_start3A_595, %dma_start3A_596] : memref<10x64x64xf32, #tpu.memory_space<vmem>> -> memref<1x64x64xf32, #tpu.memory_space<vmem>>
          %dma_start3A_598 = tpu.memref_squeeze %dma_start3A_597 : memref<1x64x64xf32, #tpu.memory_space<vmem>> -> memref<64x64xf32, #tpu.memory_space<vmem>>
          %dma_start3A_599 = arith.constant 0 : i32
          %dma_start3A_600 = tpu.memref_slice %arg6[%add3A_592, %dma_start3A_599] : memref<40x64xi32, #tpu.memory_space<vmem>> -> memref<1x64xi32, #tpu.memory_space<vmem>>
          %dma_start3A_601 = tpu.memref_squeeze %dma_start3A_600 : memref<1x64xi32, #tpu.memory_space<vmem>> -> memref<64xi32, #tpu.memory_space<vmem>>
          %dma_start3A_602 = arith.constant 0 : i32
          %dma_start3A_603 = arith.constant 0 : i32
          %dma_start3A_604 = tpu.memref_slice %arg9[%dma_start3A_602, %dma_start3A_603] : memref<10240x64xf32, #tpu.memory_space<vmem_shared>> -> memref<10240x64xf32, #tpu.memory_space<vmem_shared>>
          %dma_start3A_605 = tpu.memref_slice %arg11[%dma_start3A_594] : memref<10x!tpu.dma_semaphore, #tpu.memory_space<semaphore_mem>> -> memref<1x!tpu.dma_semaphore, #tpu.memory_space<semaphore_mem>>
          %dma_start3A_606 = tpu.memref_squeeze %dma_start3A_605 : memref<1x!tpu.dma_semaphore, #tpu.memory_space<semaphore_mem>> -> memref<!tpu.dma_semaphore, #tpu.memory_space<semaphore_mem>>
          tpu.enqueue_indirect_dma source(%dma_start3A_604 : memref<10240x64xf32, #tpu.memory_space<vmem_shared>>) target(%dma_start3A_598 : memref<64x64xf32, #tpu.memory_space<vmem>>) offsets(%dma_start3A_601 : memref<64xi32, #tpu.memory_space<vmem>>) semaphore(%dma_start3A_606 : memref<!tpu.dma_semaphore, #tpu.memory_space<semaphore_mem>>)
        } else {
        }
        %add3A_464 = arith.constant 7 : i32
        %add3A_465 = arith.addi %mul3A_173, %add3A_464 : i32
        %dma_wait3A_466 = arith.constant 7 : i32
        %dma_wait3A_467 = arith.constant 7 : i32
        %dma_wait3A_468 = arith.constant 0 : i32
        %dma_wait3A_469 = arith.constant 0 : i32
        %dma_wait3A_470 = tpu.memref_slice %arg8[%dma_wait3A_466, %dma_wait3A_468, %dma_wait3A_469] : memref<10x64x64xf32, #tpu.memory_space<vmem>> -> memref<1x64x64xf32, #tpu.memory_space<vmem>>
        %dma_wait3A_471 = tpu.memref_squeeze %dma_wait3A_470 : memref<1x64x64xf32, #tpu.memory_space<vmem>> -> memref<64x64xf32, #tpu.memory_space<vmem>>
        %dma_wait3A_472 = arith.constant 0 : i32
        %dma_wait3A_473 = tpu.memref_slice %arg6[%add3A_465, %dma_wait3A_472] : memref<40x64xi32, #tpu.memory_space<vmem>> -> memref<1x64xi32, #tpu.memory_space<vmem>>
        %dma_wait3A_474 = tpu.memref_squeeze %dma_wait3A_473 : memref<1x64xi32, #tpu.memory_space<vmem>> -> memref<64xi32, #tpu.memory_space<vmem>>
        %dma_wait3A_475 = arith.constant 0 : i32
        %dma_wait3A_476 = arith.constant 0 : i32
        %dma_wait3A_477 = tpu.memref_slice %arg9[%dma_wait3A_475, %dma_wait3A_476] : memref<10240x64xf32, #tpu.memory_space<vmem_shared>> -> memref<10240x64xf32, #tpu.memory_space<vmem_shared>>
        %dma_wait3A_478 = tpu.memref_slice %arg11[%dma_wait3A_467] : memref<10x!tpu.dma_semaphore, #tpu.memory_space<semaphore_mem>> -> memref<1x!tpu.dma_semaphore, #tpu.memory_space<semaphore_mem>>
        %dma_wait3A_479 = tpu.memref_squeeze %dma_wait3A_478 : memref<1x!tpu.dma_semaphore, #tpu.memory_space<semaphore_mem>> -> memref<!tpu.dma_semaphore, #tpu.memory_space<semaphore_mem>>
        tpu.wait_indirect_dma semaphore(%dma_wait3A_479 : memref<!tpu.dma_semaphore, #tpu.memory_space<semaphore_mem>>) src(%dma_wait3A_477 : memref<10240x64xf32, #tpu.memory_space<vmem_shared>>) dst(%dma_wait3A_471 : memref<64x64xf32, #tpu.memory_space<vmem>>)
        %dma_start3A_480 = arith.constant 7 : i32
        %dma_start3A_481 = arith.constant 7 : i32
        %dma_start3A_482 = arith.constant 0 : i32
        %dma_start3A_483 = arith.constant 0 : i32
        %dma_start3A_484 = tpu.memref_slice %arg8[%dma_start3A_480, %dma_start3A_482, %dma_start3A_483] : memref<10x64x64xf32, #tpu.memory_space<vmem>> -> memref<1x64x64xf32, #tpu.memory_space<vmem>>
        %dma_start3A_485 = tpu.memref_squeeze %dma_start3A_484 : memref<1x64x64xf32, #tpu.memory_space<vmem>> -> memref<64x64xf32, #tpu.memory_space<vmem>>
        %dma_start3A_486 = arith.constant 0 : i32
        %dma_start3A_487 = tpu.memref_slice %arg7[%add3A_465, %dma_start3A_486] : memref<40x64xi32, #tpu.memory_space<vmem>> -> memref<1x64xi32, #tpu.memory_space<vmem>>
        %dma_start3A_488 = tpu.memref_squeeze %dma_start3A_487 : memref<1x64xi32, #tpu.memory_space<vmem>> -> memref<64xi32, #tpu.memory_space<vmem>>
        %dma_start3A_489 = arith.constant 0 : i32
        %dma_start3A_490 = arith.constant 0 : i32
        %dma_start3A_491 = tpu.memref_slice %arg10[%dma_start3A_489, %dma_start3A_490] : memref<10240x64xf32, #tpu.memory_space<vmem_shared>> -> memref<10240x64xf32, #tpu.memory_space<vmem_shared>>
        %dma_start3A_492 = tpu.memref_slice %arg12[%dma_start3A_481] : memref<10x!tpu.dma_semaphore, #tpu.memory_space<semaphore_mem>> -> memref<1x!tpu.dma_semaphore, #tpu.memory_space<semaphore_mem>>
        %dma_start3A_493 = tpu.memref_squeeze %dma_start3A_492 : memref<1x!tpu.dma_semaphore, #tpu.memory_space<semaphore_mem>> -> memref<!tpu.dma_semaphore, #tpu.memory_space<semaphore_mem>>
        tpu.enqueue_indirect_dma source(%dma_start3A_485 : memref<64x64xf32, #tpu.memory_space<vmem>>) target(%dma_start3A_491 : memref<10240x64xf32, #tpu.memory_space<vmem_shared>>) offsets(%dma_start3A_488 : memref<64xi32, #tpu.memory_space<vmem>>) semaphore(%dma_start3A_493 : memref<!tpu.dma_semaphore, #tpu.memory_space<semaphore_mem>>) {add = true}
        %ge3A_494 = arith.constant 4 : i32
        %ge3A_495 = arith.cmpi sge, %add3A_465, %ge3A_494 : i32
        %convert_element_type3A_496 = arith.extui %ge3A_495 : i1 to i32
        %cond3A_497 = arith.constant 0 : i32
        %cond3A_498 = arith.cmpi ne, %convert_element_type3A_496, %cond3A_497 : i32
        scf.if %cond3A_498 {
          %sub3A = arith.constant 4 : i32
          %sub3A_591 = arith.subi %add3A_465, %sub3A : i32
          %dma_wait3A_592 = arith.constant 3 : i32
          %dma_wait3A_593 = arith.constant 3 : i32
          %dma_wait3A_594 = arith.constant 0 : i32
          %dma_wait3A_595 = arith.constant 0 : i32
          %dma_wait3A_596 = tpu.memref_slice %arg8[%dma_wait3A_592, %dma_wait3A_594, %dma_wait3A_595] : memref<10x64x64xf32, #tpu.memory_space<vmem>> -> memref<1x64x64xf32, #tpu.memory_space<vmem>>
          %dma_wait3A_597 = tpu.memref_squeeze %dma_wait3A_596 : memref<1x64x64xf32, #tpu.memory_space<vmem>> -> memref<64x64xf32, #tpu.memory_space<vmem>>
          %dma_wait3A_598 = arith.constant 0 : i32
          %dma_wait3A_599 = tpu.memref_slice %arg7[%sub3A_591, %dma_wait3A_598] : memref<40x64xi32, #tpu.memory_space<vmem>> -> memref<1x64xi32, #tpu.memory_space<vmem>>
          %dma_wait3A_600 = tpu.memref_squeeze %dma_wait3A_599 : memref<1x64xi32, #tpu.memory_space<vmem>> -> memref<64xi32, #tpu.memory_space<vmem>>
          %dma_wait3A_601 = arith.constant 0 : i32
          %dma_wait3A_602 = arith.constant 0 : i32
          %dma_wait3A_603 = tpu.memref_slice %arg10[%dma_wait3A_601, %dma_wait3A_602] : memref<10240x64xf32, #tpu.memory_space<vmem_shared>> -> memref<10240x64xf32, #tpu.memory_space<vmem_shared>>
          %dma_wait3A_604 = tpu.memref_slice %arg12[%dma_wait3A_593] : memref<10x!tpu.dma_semaphore, #tpu.memory_space<semaphore_mem>> -> memref<1x!tpu.dma_semaphore, #tpu.memory_space<semaphore_mem>>
          %dma_wait3A_605 = tpu.memref_squeeze %dma_wait3A_604 : memref<1x!tpu.dma_semaphore, #tpu.memory_space<semaphore_mem>> -> memref<!tpu.dma_semaphore, #tpu.memory_space<semaphore_mem>>
          tpu.wait_indirect_dma semaphore(%dma_wait3A_605 : memref<!tpu.dma_semaphore, #tpu.memory_space<semaphore_mem>>) src(%dma_wait3A_597 : memref<64x64xf32, #tpu.memory_space<vmem>>) dst(%dma_wait3A_603 : memref<10240x64xf32, #tpu.memory_space<vmem_shared>>)
        } else {
        }
        %add3A_499 = arith.constant 6 : i32
        %add3A_500 = arith.addi %add3A_465, %add3A_499 : i32
        %lt3A_501 = arith.constant 40 : i32
        %lt3A_502 = arith.cmpi slt, %add3A_500, %lt3A_501 : i32
        %convert_element_type3A_503 = arith.extui %lt3A_502 : i1 to i32
        %cond3A_504 = arith.constant 0 : i32
        %cond3A_505 = arith.cmpi ne, %convert_element_type3A_503, %cond3A_504 : i32
        scf.if %cond3A_505 {
          %add3A_591 = arith.constant 6 : i32
          %add3A_592 = arith.addi %add3A_465, %add3A_591 : i32
          %dma_start3A_593 = arith.constant 3 : i32
          %dma_start3A_594 = arith.constant 3 : i32
          %dma_start3A_595 = arith.constant 0 : i32
          %dma_start3A_596 = arith.constant 0 : i32
          %dma_start3A_597 = tpu.memref_slice %arg8[%dma_start3A_593, %dma_start3A_595, %dma_start3A_596] : memref<10x64x64xf32, #tpu.memory_space<vmem>> -> memref<1x64x64xf32, #tpu.memory_space<vmem>>
          %dma_start3A_598 = tpu.memref_squeeze %dma_start3A_597 : memref<1x64x64xf32, #tpu.memory_space<vmem>> -> memref<64x64xf32, #tpu.memory_space<vmem>>
          %dma_start3A_599 = arith.constant 0 : i32
          %dma_start3A_600 = tpu.memref_slice %arg6[%add3A_592, %dma_start3A_599] : memref<40x64xi32, #tpu.memory_space<vmem>> -> memref<1x64xi32, #tpu.memory_space<vmem>>
          %dma_start3A_601 = tpu.memref_squeeze %dma_start3A_600 : memref<1x64xi32, #tpu.memory_space<vmem>> -> memref<64xi32, #tpu.memory_space<vmem>>
          %dma_start3A_602 = arith.constant 0 : i32
          %dma_start3A_603 = arith.constant 0 : i32
          %dma_start3A_604 = tpu.memref_slice %arg9[%dma_start3A_602, %dma_start3A_603] : memref<10240x64xf32, #tpu.memory_space<vmem_shared>> -> memref<10240x64xf32, #tpu.memory_space<vmem_shared>>
          %dma_start3A_605 = tpu.memref_slice %arg11[%dma_start3A_594] : memref<10x!tpu.dma_semaphore, #tpu.memory_space<semaphore_mem>> -> memref<1x!tpu.dma_semaphore, #tpu.memory_space<semaphore_mem>>
          %dma_start3A_606 = tpu.memref_squeeze %dma_start3A_605 : memref<1x!tpu.dma_semaphore, #tpu.memory_space<semaphore_mem>> -> memref<!tpu.dma_semaphore, #tpu.memory_space<semaphore_mem>>
          tpu.enqueue_indirect_dma source(%dma_start3A_604 : memref<10240x64xf32, #tpu.memory_space<vmem_shared>>) target(%dma_start3A_598 : memref<64x64xf32, #tpu.memory_space<vmem>>) offsets(%dma_start3A_601 : memref<64xi32, #tpu.memory_space<vmem>>) semaphore(%dma_start3A_606 : memref<!tpu.dma_semaphore, #tpu.memory_space<semaphore_mem>>)
        } else {
        }
        %add3A_506 = arith.constant 8 : i32
        %add3A_507 = arith.addi %mul3A_173, %add3A_506 : i32
        %dma_wait3A_508 = arith.constant 8 : i32
        %dma_wait3A_509 = arith.constant 8 : i32
        %dma_wait3A_510 = arith.constant 0 : i32
        %dma_wait3A_511 = arith.constant 0 : i32
        %dma_wait3A_512 = tpu.memref_slice %arg8[%dma_wait3A_508, %dma_wait3A_510, %dma_wait3A_511] : memref<10x64x64xf32, #tpu.memory_space<vmem>> -> memref<1x64x64xf32, #tpu.memory_space<vmem>>
        %dma_wait3A_513 = tpu.memref_squeeze %dma_wait3A_512 : memref<1x64x64xf32, #tpu.memory_space<vmem>> -> memref<64x64xf32, #tpu.memory_space<vmem>>
        %dma_wait3A_514 = arith.constant 0 : i32
        %dma_wait3A_515 = tpu.memref_slice %arg6[%add3A_507, %dma_wait3A_514] : memref<40x64xi32, #tpu.memory_space<vmem>> -> memref<1x64xi32, #tpu.memory_space<vmem>>
        %dma_wait3A_516 = tpu.memref_squeeze %dma_wait3A_515 : memref<1x64xi32, #tpu.memory_space<vmem>> -> memref<64xi32, #tpu.memory_space<vmem>>
        %dma_wait3A_517 = arith.constant 0 : i32
        %dma_wait3A_518 = arith.constant 0 : i32
        %dma_wait3A_519 = tpu.memref_slice %arg9[%dma_wait3A_517, %dma_wait3A_518] : memref<10240x64xf32, #tpu.memory_space<vmem_shared>> -> memref<10240x64xf32, #tpu.memory_space<vmem_shared>>
        %dma_wait3A_520 = tpu.memref_slice %arg11[%dma_wait3A_509] : memref<10x!tpu.dma_semaphore, #tpu.memory_space<semaphore_mem>> -> memref<1x!tpu.dma_semaphore, #tpu.memory_space<semaphore_mem>>
        %dma_wait3A_521 = tpu.memref_squeeze %dma_wait3A_520 : memref<1x!tpu.dma_semaphore, #tpu.memory_space<semaphore_mem>> -> memref<!tpu.dma_semaphore, #tpu.memory_space<semaphore_mem>>
        tpu.wait_indirect_dma semaphore(%dma_wait3A_521 : memref<!tpu.dma_semaphore, #tpu.memory_space<semaphore_mem>>) src(%dma_wait3A_519 : memref<10240x64xf32, #tpu.memory_space<vmem_shared>>) dst(%dma_wait3A_513 : memref<64x64xf32, #tpu.memory_space<vmem>>)
        %dma_start3A_522 = arith.constant 8 : i32
        %dma_start3A_523 = arith.constant 8 : i32
        %dma_start3A_524 = arith.constant 0 : i32
        %dma_start3A_525 = arith.constant 0 : i32
        %dma_start3A_526 = tpu.memref_slice %arg8[%dma_start3A_522, %dma_start3A_524, %dma_start3A_525] : memref<10x64x64xf32, #tpu.memory_space<vmem>> -> memref<1x64x64xf32, #tpu.memory_space<vmem>>
        %dma_start3A_527 = tpu.memref_squeeze %dma_start3A_526 : memref<1x64x64xf32, #tpu.memory_space<vmem>> -> memref<64x64xf32, #tpu.memory_space<vmem>>
        %dma_start3A_528 = arith.constant 0 : i32
        %dma_start3A_529 = tpu.memref_slice %arg7[%add3A_507, %dma_start3A_528] : memref<40x64xi32, #tpu.memory_space<vmem>> -> memref<1x64xi32, #tpu.memory_space<vmem>>
        %dma_start3A_530 = tpu.memref_squeeze %dma_start3A_529 : memref<1x64xi32, #tpu.memory_space<vmem>> -> memref<64xi32, #tpu.memory_space<vmem>>
        %dma_start3A_531 = arith.constant 0 : i32
        %dma_start3A_532 = arith.constant 0 : i32
        %dma_start3A_533 = tpu.memref_slice %arg10[%dma_start3A_531, %dma_start3A_532] : memref<10240x64xf32, #tpu.memory_space<vmem_shared>> -> memref<10240x64xf32, #tpu.memory_space<vmem_shared>>
        %dma_start3A_534 = tpu.memref_slice %arg12[%dma_start3A_523] : memref<10x!tpu.dma_semaphore, #tpu.memory_space<semaphore_mem>> -> memref<1x!tpu.dma_semaphore, #tpu.memory_space<semaphore_mem>>
        %dma_start3A_535 = tpu.memref_squeeze %dma_start3A_534 : memref<1x!tpu.dma_semaphore, #tpu.memory_space<semaphore_mem>> -> memref<!tpu.dma_semaphore, #tpu.memory_space<semaphore_mem>>
        tpu.enqueue_indirect_dma source(%dma_start3A_527 : memref<64x64xf32, #tpu.memory_space<vmem>>) target(%dma_start3A_533 : memref<10240x64xf32, #tpu.memory_space<vmem_shared>>) offsets(%dma_start3A_530 : memref<64xi32, #tpu.memory_space<vmem>>) semaphore(%dma_start3A_535 : memref<!tpu.dma_semaphore, #tpu.memory_space<semaphore_mem>>) {add = true}
        %ge3A_536 = arith.constant 4 : i32
        %ge3A_537 = arith.cmpi sge, %add3A_507, %ge3A_536 : i32
        %convert_element_type3A_538 = arith.extui %ge3A_537 : i1 to i32
        %cond3A_539 = arith.constant 0 : i32
        %cond3A_540 = arith.cmpi ne, %convert_element_type3A_538, %cond3A_539 : i32
        scf.if %cond3A_540 {
          %sub3A = arith.constant 4 : i32
          %sub3A_591 = arith.subi %add3A_507, %sub3A : i32
          %dma_wait3A_592 = arith.constant 4 : i32
          %dma_wait3A_593 = arith.constant 4 : i32
          %dma_wait3A_594 = arith.constant 0 : i32
          %dma_wait3A_595 = arith.constant 0 : i32
          %dma_wait3A_596 = tpu.memref_slice %arg8[%dma_wait3A_592, %dma_wait3A_594, %dma_wait3A_595] : memref<10x64x64xf32, #tpu.memory_space<vmem>> -> memref<1x64x64xf32, #tpu.memory_space<vmem>>
          %dma_wait3A_597 = tpu.memref_squeeze %dma_wait3A_596 : memref<1x64x64xf32, #tpu.memory_space<vmem>> -> memref<64x64xf32, #tpu.memory_space<vmem>>
          %dma_wait3A_598 = arith.constant 0 : i32
          %dma_wait3A_599 = tpu.memref_slice %arg7[%sub3A_591, %dma_wait3A_598] : memref<40x64xi32, #tpu.memory_space<vmem>> -> memref<1x64xi32, #tpu.memory_space<vmem>>
          %dma_wait3A_600 = tpu.memref_squeeze %dma_wait3A_599 : memref<1x64xi32, #tpu.memory_space<vmem>> -> memref<64xi32, #tpu.memory_space<vmem>>
          %dma_wait3A_601 = arith.constant 0 : i32
          %dma_wait3A_602 = arith.constant 0 : i32
          %dma_wait3A_603 = tpu.memref_slice %arg10[%dma_wait3A_601, %dma_wait3A_602] : memref<10240x64xf32, #tpu.memory_space<vmem_shared>> -> memref<10240x64xf32, #tpu.memory_space<vmem_shared>>
          %dma_wait3A_604 = tpu.memref_slice %arg12[%dma_wait3A_593] : memref<10x!tpu.dma_semaphore, #tpu.memory_space<semaphore_mem>> -> memref<1x!tpu.dma_semaphore, #tpu.memory_space<semaphore_mem>>
          %dma_wait3A_605 = tpu.memref_squeeze %dma_wait3A_604 : memref<1x!tpu.dma_semaphore, #tpu.memory_space<semaphore_mem>> -> memref<!tpu.dma_semaphore, #tpu.memory_space<semaphore_mem>>
          tpu.wait_indirect_dma semaphore(%dma_wait3A_605 : memref<!tpu.dma_semaphore, #tpu.memory_space<semaphore_mem>>) src(%dma_wait3A_597 : memref<64x64xf32, #tpu.memory_space<vmem>>) dst(%dma_wait3A_603 : memref<10240x64xf32, #tpu.memory_space<vmem_shared>>)
        } else {
        }
        %add3A_541 = arith.constant 6 : i32
        %add3A_542 = arith.addi %add3A_507, %add3A_541 : i32
        %lt3A_543 = arith.constant 40 : i32
        %lt3A_544 = arith.cmpi slt, %add3A_542, %lt3A_543 : i32
        %convert_element_type3A_545 = arith.extui %lt3A_544 : i1 to i32
        %cond3A_546 = arith.constant 0 : i32
        %cond3A_547 = arith.cmpi ne, %convert_element_type3A_545, %cond3A_546 : i32
        scf.if %cond3A_547 {
          %add3A_591 = arith.constant 6 : i32
          %add3A_592 = arith.addi %add3A_507, %add3A_591 : i32
          %dma_start3A_593 = arith.constant 4 : i32
          %dma_start3A_594 = arith.constant 4 : i32
          %dma_start3A_595 = arith.constant 0 : i32
          %dma_start3A_596 = arith.constant 0 : i32
          %dma_start3A_597 = tpu.memref_slice %arg8[%dma_start3A_593, %dma_start3A_595, %dma_start3A_596] : memref<10x64x64xf32, #tpu.memory_space<vmem>> -> memref<1x64x64xf32, #tpu.memory_space<vmem>>
          %dma_start3A_598 = tpu.memref_squeeze %dma_start3A_597 : memref<1x64x64xf32, #tpu.memory_space<vmem>> -> memref<64x64xf32, #tpu.memory_space<vmem>>
          %dma_start3A_599 = arith.constant 0 : i32
          %dma_start3A_600 = tpu.memref_slice %arg6[%add3A_592, %dma_start3A_599] : memref<40x64xi32, #tpu.memory_space<vmem>> -> memref<1x64xi32, #tpu.memory_space<vmem>>
          %dma_start3A_601 = tpu.memref_squeeze %dma_start3A_600 : memref<1x64xi32, #tpu.memory_space<vmem>> -> memref<64xi32, #tpu.memory_space<vmem>>
          %dma_start3A_602 = arith.constant 0 : i32
          %dma_start3A_603 = arith.constant 0 : i32
          %dma_start3A_604 = tpu.memref_slice %arg9[%dma_start3A_602, %dma_start3A_603] : memref<10240x64xf32, #tpu.memory_space<vmem_shared>> -> memref<10240x64xf32, #tpu.memory_space<vmem_shared>>
          %dma_start3A_605 = tpu.memref_slice %arg11[%dma_start3A_594] : memref<10x!tpu.dma_semaphore, #tpu.memory_space<semaphore_mem>> -> memref<1x!tpu.dma_semaphore, #tpu.memory_space<semaphore_mem>>
          %dma_start3A_606 = tpu.memref_squeeze %dma_start3A_605 : memref<1x!tpu.dma_semaphore, #tpu.memory_space<semaphore_mem>> -> memref<!tpu.dma_semaphore, #tpu.memory_space<semaphore_mem>>
          tpu.enqueue_indirect_dma source(%dma_start3A_604 : memref<10240x64xf32, #tpu.memory_space<vmem_shared>>) target(%dma_start3A_598 : memref<64x64xf32, #tpu.memory_space<vmem>>) offsets(%dma_start3A_601 : memref<64xi32, #tpu.memory_space<vmem>>) semaphore(%dma_start3A_606 : memref<!tpu.dma_semaphore, #tpu.memory_space<semaphore_mem>>)
        } else {
        }
        %add3A_548 = arith.constant 9 : i32
        %add3A_549 = arith.addi %mul3A_173, %add3A_548 : i32
        %dma_wait3A_550 = arith.constant 9 : i32
        %dma_wait3A_551 = arith.constant 9 : i32
        %dma_wait3A_552 = arith.constant 0 : i32
        %dma_wait3A_553 = arith.constant 0 : i32
        %dma_wait3A_554 = tpu.memref_slice %arg8[%dma_wait3A_550, %dma_wait3A_552, %dma_wait3A_553] : memref<10x64x64xf32, #tpu.memory_space<vmem>> -> memref<1x64x64xf32, #tpu.memory_space<vmem>>
        %dma_wait3A_555 = tpu.memref_squeeze %dma_wait3A_554 : memref<1x64x64xf32, #tpu.memory_space<vmem>> -> memref<64x64xf32, #tpu.memory_space<vmem>>
        %dma_wait3A_556 = arith.constant 0 : i32
        %dma_wait3A_557 = tpu.memref_slice %arg6[%add3A_549, %dma_wait3A_556] : memref<40x64xi32, #tpu.memory_space<vmem>> -> memref<1x64xi32, #tpu.memory_space<vmem>>
        %dma_wait3A_558 = tpu.memref_squeeze %dma_wait3A_557 : memref<1x64xi32, #tpu.memory_space<vmem>> -> memref<64xi32, #tpu.memory_space<vmem>>
        %dma_wait3A_559 = arith.constant 0 : i32
        %dma_wait3A_560 = arith.constant 0 : i32
        %dma_wait3A_561 = tpu.memref_slice %arg9[%dma_wait3A_559, %dma_wait3A_560] : memref<10240x64xf32, #tpu.memory_space<vmem_shared>> -> memref<10240x64xf32, #tpu.memory_space<vmem_shared>>
        %dma_wait3A_562 = tpu.memref_slice %arg11[%dma_wait3A_551] : memref<10x!tpu.dma_semaphore, #tpu.memory_space<semaphore_mem>> -> memref<1x!tpu.dma_semaphore, #tpu.memory_space<semaphore_mem>>
        %dma_wait3A_563 = tpu.memref_squeeze %dma_wait3A_562 : memref<1x!tpu.dma_semaphore, #tpu.memory_space<semaphore_mem>> -> memref<!tpu.dma_semaphore, #tpu.memory_space<semaphore_mem>>
        tpu.wait_indirect_dma semaphore(%dma_wait3A_563 : memref<!tpu.dma_semaphore, #tpu.memory_space<semaphore_mem>>) src(%dma_wait3A_561 : memref<10240x64xf32, #tpu.memory_space<vmem_shared>>) dst(%dma_wait3A_555 : memref<64x64xf32, #tpu.memory_space<vmem>>)
        %dma_start3A_564 = arith.constant 9 : i32
        %dma_start3A_565 = arith.constant 9 : i32
        %dma_start3A_566 = arith.constant 0 : i32
        %dma_start3A_567 = arith.constant 0 : i32
        %dma_start3A_568 = tpu.memref_slice %arg8[%dma_start3A_564, %dma_start3A_566, %dma_start3A_567] : memref<10x64x64xf32, #tpu.memory_space<vmem>> -> memref<1x64x64xf32, #tpu.memory_space<vmem>>
        %dma_start3A_569 = tpu.memref_squeeze %dma_start3A_568 : memref<1x64x64xf32, #tpu.memory_space<vmem>> -> memref<64x64xf32, #tpu.memory_space<vmem>>
        %dma_start3A_570 = arith.constant 0 : i32
        %dma_start3A_571 = tpu.memref_slice %arg7[%add3A_549, %dma_start3A_570] : memref<40x64xi32, #tpu.memory_space<vmem>> -> memref<1x64xi32, #tpu.memory_space<vmem>>
        %dma_start3A_572 = tpu.memref_squeeze %dma_start3A_571 : memref<1x64xi32, #tpu.memory_space<vmem>> -> memref<64xi32, #tpu.memory_space<vmem>>
        %dma_start3A_573 = arith.constant 0 : i32
        %dma_start3A_574 = arith.constant 0 : i32
        %dma_start3A_575 = tpu.memref_slice %arg10[%dma_start3A_573, %dma_start3A_574] : memref<10240x64xf32, #tpu.memory_space<vmem_shared>> -> memref<10240x64xf32, #tpu.memory_space<vmem_shared>>
        %dma_start3A_576 = tpu.memref_slice %arg12[%dma_start3A_565] : memref<10x!tpu.dma_semaphore, #tpu.memory_space<semaphore_mem>> -> memref<1x!tpu.dma_semaphore, #tpu.memory_space<semaphore_mem>>
        %dma_start3A_577 = tpu.memref_squeeze %dma_start3A_576 : memref<1x!tpu.dma_semaphore, #tpu.memory_space<semaphore_mem>> -> memref<!tpu.dma_semaphore, #tpu.memory_space<semaphore_mem>>
        tpu.enqueue_indirect_dma source(%dma_start3A_569 : memref<64x64xf32, #tpu.memory_space<vmem>>) target(%dma_start3A_575 : memref<10240x64xf32, #tpu.memory_space<vmem_shared>>) offsets(%dma_start3A_572 : memref<64xi32, #tpu.memory_space<vmem>>) semaphore(%dma_start3A_577 : memref<!tpu.dma_semaphore, #tpu.memory_space<semaphore_mem>>) {add = true}
        %ge3A_578 = arith.constant 4 : i32
        %ge3A_579 = arith.cmpi sge, %add3A_549, %ge3A_578 : i32
        %convert_element_type3A_580 = arith.extui %ge3A_579 : i1 to i32
        %cond3A_581 = arith.constant 0 : i32
        %cond3A_582 = arith.cmpi ne, %convert_element_type3A_580, %cond3A_581 : i32
        scf.if %cond3A_582 {
          %sub3A = arith.constant 4 : i32
          %sub3A_591 = arith.subi %add3A_549, %sub3A : i32
          %dma_wait3A_592 = arith.constant 5 : i32
          %dma_wait3A_593 = arith.constant 5 : i32
          %dma_wait3A_594 = arith.constant 0 : i32
          %dma_wait3A_595 = arith.constant 0 : i32
          %dma_wait3A_596 = tpu.memref_slice %arg8[%dma_wait3A_592, %dma_wait3A_594, %dma_wait3A_595] : memref<10x64x64xf32, #tpu.memory_space<vmem>> -> memref<1x64x64xf32, #tpu.memory_space<vmem>>
          %dma_wait3A_597 = tpu.memref_squeeze %dma_wait3A_596 : memref<1x64x64xf32, #tpu.memory_space<vmem>> -> memref<64x64xf32, #tpu.memory_space<vmem>>
          %dma_wait3A_598 = arith.constant 0 : i32
          %dma_wait3A_599 = tpu.memref_slice %arg7[%sub3A_591, %dma_wait3A_598] : memref<40x64xi32, #tpu.memory_space<vmem>> -> memref<1x64xi32, #tpu.memory_space<vmem>>
          %dma_wait3A_600 = tpu.memref_squeeze %dma_wait3A_599 : memref<1x64xi32, #tpu.memory_space<vmem>> -> memref<64xi32, #tpu.memory_space<vmem>>
          %dma_wait3A_601 = arith.constant 0 : i32
          %dma_wait3A_602 = arith.constant 0 : i32
          %dma_wait3A_603 = tpu.memref_slice %arg10[%dma_wait3A_601, %dma_wait3A_602] : memref<10240x64xf32, #tpu.memory_space<vmem_shared>> -> memref<10240x64xf32, #tpu.memory_space<vmem_shared>>
          %dma_wait3A_604 = tpu.memref_slice %arg12[%dma_wait3A_593] : memref<10x!tpu.dma_semaphore, #tpu.memory_space<semaphore_mem>> -> memref<1x!tpu.dma_semaphore, #tpu.memory_space<semaphore_mem>>
          %dma_wait3A_605 = tpu.memref_squeeze %dma_wait3A_604 : memref<1x!tpu.dma_semaphore, #tpu.memory_space<semaphore_mem>> -> memref<!tpu.dma_semaphore, #tpu.memory_space<semaphore_mem>>
          tpu.wait_indirect_dma semaphore(%dma_wait3A_605 : memref<!tpu.dma_semaphore, #tpu.memory_space<semaphore_mem>>) src(%dma_wait3A_597 : memref<64x64xf32, #tpu.memory_space<vmem>>) dst(%dma_wait3A_603 : memref<10240x64xf32, #tpu.memory_space<vmem_shared>>)
        } else {
        }
        %add3A_583 = arith.constant 6 : i32
        %add3A_584 = arith.addi %add3A_549, %add3A_583 : i32
        %lt3A_585 = arith.constant 40 : i32
        %lt3A_586 = arith.cmpi slt, %add3A_584, %lt3A_585 : i32
        %convert_element_type3A_587 = arith.extui %lt3A_586 : i1 to i32
        %cond3A_588 = arith.constant 0 : i32
        %cond3A_589 = arith.cmpi ne, %convert_element_type3A_587, %cond3A_588 : i32
        scf.if %cond3A_589 {
          %add3A_591 = arith.constant 6 : i32
          %add3A_592 = arith.addi %add3A_549, %add3A_591 : i32
          %dma_start3A_593 = arith.constant 5 : i32
          %dma_start3A_594 = arith.constant 5 : i32
          %dma_start3A_595 = arith.constant 0 : i32
          %dma_start3A_596 = arith.constant 0 : i32
          %dma_start3A_597 = tpu.memref_slice %arg8[%dma_start3A_593, %dma_start3A_595, %dma_start3A_596] : memref<10x64x64xf32, #tpu.memory_space<vmem>> -> memref<1x64x64xf32, #tpu.memory_space<vmem>>
          %dma_start3A_598 = tpu.memref_squeeze %dma_start3A_597 : memref<1x64x64xf32, #tpu.memory_space<vmem>> -> memref<64x64xf32, #tpu.memory_space<vmem>>
          %dma_start3A_599 = arith.constant 0 : i32
          %dma_start3A_600 = tpu.memref_slice %arg6[%add3A_592, %dma_start3A_599] : memref<40x64xi32, #tpu.memory_space<vmem>> -> memref<1x64xi32, #tpu.memory_space<vmem>>
          %dma_start3A_601 = tpu.memref_squeeze %dma_start3A_600 : memref<1x64xi32, #tpu.memory_space<vmem>> -> memref<64xi32, #tpu.memory_space<vmem>>
          %dma_start3A_602 = arith.constant 0 : i32
          %dma_start3A_603 = arith.constant 0 : i32
          %dma_start3A_604 = tpu.memref_slice %arg9[%dma_start3A_602, %dma_start3A_603] : memref<10240x64xf32, #tpu.memory_space<vmem_shared>> -> memref<10240x64xf32, #tpu.memory_space<vmem_shared>>
          %dma_start3A_605 = tpu.memref_slice %arg11[%dma_start3A_594] : memref<10x!tpu.dma_semaphore, #tpu.memory_space<semaphore_mem>> -> memref<1x!tpu.dma_semaphore, #tpu.memory_space<semaphore_mem>>
          %dma_start3A_606 = tpu.memref_squeeze %dma_start3A_605 : memref<1x!tpu.dma_semaphore, #tpu.memory_space<semaphore_mem>> -> memref<!tpu.dma_semaphore, #tpu.memory_space<semaphore_mem>>
          tpu.enqueue_indirect_dma source(%dma_start3A_604 : memref<10240x64xf32, #tpu.memory_space<vmem_shared>>) target(%dma_start3A_598 : memref<64x64xf32, #tpu.memory_space<vmem>>) offsets(%dma_start3A_601 : memref<64xi32, #tpu.memory_space<vmem>>) semaphore(%dma_start3A_606 : memref<!tpu.dma_semaphore, #tpu.memory_space<semaphore_mem>>)
        } else {
        }
        %scan3A_590 = arith.constant 0 : i32
        scf.yield %scan3A_590 : i32
      }
      %scan3A_109 = arith.constant 4 : i32
      %dma_wait3A = arith.constant 6 : i32
      %dma_wait3A_110 = arith.constant 36 : i32
      %dma_wait3A_111 = arith.constant 6 : i32
      %dma_wait3A_112 = arith.constant 0 : i32
      %dma_wait3A_113 = arith.constant 0 : i32
      %dma_wait3A_114 = tpu.memref_slice %arg8[%dma_wait3A, %dma_wait3A_112, %dma_wait3A_113] : memref<10x64x64xf32, #tpu.memory_space<vmem>> -> memref<1x64x64xf32, #tpu.memory_space<vmem>>
      %dma_wait3A_115 = tpu.memref_squeeze %dma_wait3A_114 : memref<1x64x64xf32, #tpu.memory_space<vmem>> -> memref<64x64xf32, #tpu.memory_space<vmem>>
      %dma_wait3A_116 = arith.constant 0 : i32
      %dma_wait3A_117 = tpu.memref_slice %arg7[%dma_wait3A_110, %dma_wait3A_116] : memref<40x64xi32, #tpu.memory_space<vmem>> -> memref<1x64xi32, #tpu.memory_space<vmem>>
      %dma_wait3A_118 = tpu.memref_squeeze %dma_wait3A_117 : memref<1x64xi32, #tpu.memory_space<vmem>> -> memref<64xi32, #tpu.memory_space<vmem>>
      %dma_wait3A_119 = arith.constant 0 : i32
      %dma_wait3A_120 = arith.constant 0 : i32
      %dma_wait3A_121 = tpu.memref_slice %arg10[%dma_wait3A_119, %dma_wait3A_120] : memref<10240x64xf32, #tpu.memory_space<vmem_shared>> -> memref<10240x64xf32, #tpu.memory_space<vmem_shared>>
      %dma_wait3A_122 = tpu.memref_slice %arg12[%dma_wait3A_111] : memref<10x!tpu.dma_semaphore, #tpu.memory_space<semaphore_mem>> -> memref<1x!tpu.dma_semaphore, #tpu.memory_space<semaphore_mem>>
      %dma_wait3A_123 = tpu.memref_squeeze %dma_wait3A_122 : memref<1x!tpu.dma_semaphore, #tpu.memory_space<semaphore_mem>> -> memref<!tpu.dma_semaphore, #tpu.memory_space<semaphore_mem>>
      tpu.wait_indirect_dma semaphore(%dma_wait3A_123 : memref<!tpu.dma_semaphore, #tpu.memory_space<semaphore_mem>>) src(%dma_wait3A_115 : memref<64x64xf32, #tpu.memory_space<vmem>>) dst(%dma_wait3A_121 : memref<10240x64xf32, #tpu.memory_space<vmem_shared>>)
      %dma_wait3A_124 = arith.constant 7 : i32
      %dma_wait3A_125 = arith.constant 37 : i32
      %dma_wait3A_126 = arith.constant 7 : i32
      %dma_wait3A_127 = arith.constant 0 : i32
      %dma_wait3A_128 = arith.constant 0 : i32
      %dma_wait3A_129 = tpu.memref_slice %arg8[%dma_wait3A_124, %dma_wait3A_127, %dma_wait3A_128] : memref<10x64x64xf32, #tpu.memory_space<vmem>> -> memref<1x64x64xf32, #tpu.memory_space<vmem>>
      %dma_wait3A_130 = tpu.memref_squeeze %dma_wait3A_129 : memref<1x64x64xf32, #tpu.memory_space<vmem>> -> memref<64x64xf32, #tpu.memory_space<vmem>>
      %dma_wait3A_131 = arith.constant 0 : i32
      %dma_wait3A_132 = tpu.memref_slice %arg7[%dma_wait3A_125, %dma_wait3A_131] : memref<40x64xi32, #tpu.memory_space<vmem>> -> memref<1x64xi32, #tpu.memory_space<vmem>>
      %dma_wait3A_133 = tpu.memref_squeeze %dma_wait3A_132 : memref<1x64xi32, #tpu.memory_space<vmem>> -> memref<64xi32, #tpu.memory_space<vmem>>
      %dma_wait3A_134 = arith.constant 0 : i32
      %dma_wait3A_135 = arith.constant 0 : i32
      %dma_wait3A_136 = tpu.memref_slice %arg10[%dma_wait3A_134, %dma_wait3A_135] : memref<10240x64xf32, #tpu.memory_space<vmem_shared>> -> memref<10240x64xf32, #tpu.memory_space<vmem_shared>>
      %dma_wait3A_137 = tpu.memref_slice %arg12[%dma_wait3A_126] : memref<10x!tpu.dma_semaphore, #tpu.memory_space<semaphore_mem>> -> memref<1x!tpu.dma_semaphore, #tpu.memory_space<semaphore_mem>>
      %dma_wait3A_138 = tpu.memref_squeeze %dma_wait3A_137 : memref<1x!tpu.dma_semaphore, #tpu.memory_space<semaphore_mem>> -> memref<!tpu.dma_semaphore, #tpu.memory_space<semaphore_mem>>
      tpu.wait_indirect_dma semaphore(%dma_wait3A_138 : memref<!tpu.dma_semaphore, #tpu.memory_space<semaphore_mem>>) src(%dma_wait3A_130 : memref<64x64xf32, #tpu.memory_space<vmem>>) dst(%dma_wait3A_136 : memref<10240x64xf32, #tpu.memory_space<vmem_shared>>)
      %dma_wait3A_139 = arith.constant 8 : i32
      %dma_wait3A_140 = arith.constant 38 : i32
      %dma_wait3A_141 = arith.constant 8 : i32
      %dma_wait3A_142 = arith.constant 0 : i32
      %dma_wait3A_143 = arith.constant 0 : i32
      %dma_wait3A_144 = tpu.memref_slice %arg8[%dma_wait3A_139, %dma_wait3A_142, %dma_wait3A_143] : memref<10x64x64xf32, #tpu.memory_space<vmem>> -> memref<1x64x64xf32, #tpu.memory_space<vmem>>
      %dma_wait3A_145 = tpu.memref_squeeze %dma_wait3A_144 : memref<1x64x64xf32, #tpu.memory_space<vmem>> -> memref<64x64xf32, #tpu.memory_space<vmem>>
      %dma_wait3A_146 = arith.constant 0 : i32
      %dma_wait3A_147 = tpu.memref_slice %arg7[%dma_wait3A_140, %dma_wait3A_146] : memref<40x64xi32, #tpu.memory_space<vmem>> -> memref<1x64xi32, #tpu.memory_space<vmem>>
      %dma_wait3A_148 = tpu.memref_squeeze %dma_wait3A_147 : memref<1x64xi32, #tpu.memory_space<vmem>> -> memref<64xi32, #tpu.memory_space<vmem>>
      %dma_wait3A_149 = arith.constant 0 : i32
      %dma_wait3A_150 = arith.constant 0 : i32
      %dma_wait3A_151 = tpu.memref_slice %arg10[%dma_wait3A_149, %dma_wait3A_150] : memref<10240x64xf32, #tpu.memory_space<vmem_shared>> -> memref<10240x64xf32, #tpu.memory_space<vmem_shared>>
      %dma_wait3A_152 = tpu.memref_slice %arg12[%dma_wait3A_141] : memref<10x!tpu.dma_semaphore, #tpu.memory_space<semaphore_mem>> -> memref<1x!tpu.dma_semaphore, #tpu.memory_space<semaphore_mem>>
      %dma_wait3A_153 = tpu.memref_squeeze %dma_wait3A_152 : memref<1x!tpu.dma_semaphore, #tpu.memory_space<semaphore_mem>> -> memref<!tpu.dma_semaphore, #tpu.memory_space<semaphore_mem>>
      tpu.wait_indirect_dma semaphore(%dma_wait3A_153 : memref<!tpu.dma_semaphore, #tpu.memory_space<semaphore_mem>>) src(%dma_wait3A_145 : memref<64x64xf32, #tpu.memory_space<vmem>>) dst(%dma_wait3A_151 : memref<10240x64xf32, #tpu.memory_space<vmem_shared>>)
      %dma_wait3A_154 = arith.constant 9 : i32
      %dma_wait3A_155 = arith.constant 39 : i32
      %dma_wait3A_156 = arith.constant 9 : i32
      %dma_wait3A_157 = arith.constant 0 : i32
      %dma_wait3A_158 = arith.constant 0 : i32
      %dma_wait3A_159 = tpu.memref_slice %arg8[%dma_wait3A_154, %dma_wait3A_157, %dma_wait3A_158] : memref<10x64x64xf32, #tpu.memory_space<vmem>> -> memref<1x64x64xf32, #tpu.memory_space<vmem>>
      %dma_wait3A_160 = tpu.memref_squeeze %dma_wait3A_159 : memref<1x64x64xf32, #tpu.memory_space<vmem>> -> memref<64x64xf32, #tpu.memory_space<vmem>>
      %dma_wait3A_161 = arith.constant 0 : i32
      %dma_wait3A_162 = tpu.memref_slice %arg7[%dma_wait3A_155, %dma_wait3A_161] : memref<40x64xi32, #tpu.memory_space<vmem>> -> memref<1x64xi32, #tpu.memory_space<vmem>>
      %dma_wait3A_163 = tpu.memref_squeeze %dma_wait3A_162 : memref<1x64xi32, #tpu.memory_space<vmem>> -> memref<64xi32, #tpu.memory_space<vmem>>
      %dma_wait3A_164 = arith.constant 0 : i32
      %dma_wait3A_165 = arith.constant 0 : i32
      %dma_wait3A_166 = tpu.memref_slice %arg10[%dma_wait3A_164, %dma_wait3A_165] : memref<10240x64xf32, #tpu.memory_space<vmem_shared>> -> memref<10240x64xf32, #tpu.memory_space<vmem_shared>>
      %dma_wait3A_167 = tpu.memref_slice %arg12[%dma_wait3A_156] : memref<10x!tpu.dma_semaphore, #tpu.memory_space<semaphore_mem>> -> memref<1x!tpu.dma_semaphore, #tpu.memory_space<semaphore_mem>>
      %dma_wait3A_168 = tpu.memref_squeeze %dma_wait3A_167 : memref<1x!tpu.dma_semaphore, #tpu.memory_space<semaphore_mem>> -> memref<!tpu.dma_semaphore, #tpu.memory_space<semaphore_mem>>
      tpu.wait_indirect_dma semaphore(%dma_wait3A_168 : memref<!tpu.dma_semaphore, #tpu.memory_space<semaphore_mem>>) src(%dma_wait3A_160 : memref<64x64xf32, #tpu.memory_space<vmem>>) dst(%dma_wait3A_166 : memref<10240x64xf32, #tpu.memory_space<vmem_shared>>)
      %scan3A_169 = arith.constant 0 : i32
      scf.yield %scan3A_169 : i32
    }
    %scan3A_6 = arith.constant 8 : i32
    %barrier3A_7 = arith.constant 0 : index
    tpu.barrier barrier_id(%barrier3A_7)
    "tpu.region"() ({
      %run_scoped3A = tpu.sem_alloc : memref<!tpu.dma_semaphore, #tpu.memory_space<semaphore_mem>>
      %dma_start3A = arith.constant 0 : i32
      %dma_start3A_8 = tpu.memref_slice %arg5[%arg0, %mul3A_0, %dma_start3A] : memref<2x10240x64xf32, #tpu.memory_space<hbm>> -> memref<1x640x64xf32, #tpu.memory_space<hbm>>
      %dma_start3A_9 = tpu.memref_squeeze %dma_start3A_8 : memref<1x640x64xf32, #tpu.memory_space<hbm>> -> memref<640x64xf32, #tpu.memory_space<hbm>>
      %dma_start3A_10 = arith.constant 0 : i32
      %dma_start3A_11 = tpu.memref_slice %arg10[%mul3A_0, %dma_start3A_10] : memref<10240x64xf32, #tpu.memory_space<vmem_shared>> -> memref<640x64xf32, #tpu.memory_space<vmem_shared>>
      tpu.enqueue_dma source(%dma_start3A_11 : memref<640x64xf32, #tpu.memory_space<vmem_shared>>) target(%dma_start3A_9 : memref<640x64xf32, #tpu.memory_space<hbm>>) target_semaphore(%run_scoped3A : memref<!tpu.dma_semaphore, #tpu.memory_space<semaphore_mem>>)
      %dma_wait3A = arith.constant 0 : i32
      %dma_wait3A_12 = tpu.memref_slice %arg5[%arg0, %mul3A_0, %dma_wait3A] : memref<2x10240x64xf32, #tpu.memory_space<hbm>> -> memref<1x640x64xf32, #tpu.memory_space<hbm>>
      %dma_wait3A_13 = tpu.memref_squeeze %dma_wait3A_12 : memref<1x640x64xf32, #tpu.memory_space<hbm>> -> memref<640x64xf32, #tpu.memory_space<hbm>>
      %dma_wait3A_14 = arith.constant 0 : i32
      %dma_wait3A_15 = tpu.memref_slice %arg10[%mul3A_0, %dma_wait3A_14] : memref<10240x64xf32, #tpu.memory_space<vmem_shared>> -> memref<640x64xf32, #tpu.memory_space<vmem_shared>>
      tpu.wait_dma2 semaphore(%run_scoped3A : memref<!tpu.dma_semaphore, #tpu.memory_space<semaphore_mem>>) src(%dma_wait3A_15 : memref<640x64xf32, #tpu.memory_space<vmem_shared>>) dst(%dma_wait3A_13 : memref<640x64xf32, #tpu.memory_space<hbm>>)
      tpu.yield
    }) : () -> ()
    return
  }
}

#map = affine_map<(d0, d1) -> (0)>
#map1 = affine_map<(d0, d1) -> (0, 0)>
module attributes {stable_mosaic.version = 14 : i64} {
  func.func @_deg_body(%arg0: i32, %arg1: i32, %arg2: memref<320000xi32, #tpu.memory_space<hbm>>, %arg3: memref<2x10240xf32, #tpu.memory_space<hbm>>, %arg4: memref<10000xi32, #tpu.memory_space<vmem>>, %arg5: memref<10240xf32, #tpu.memory_space<vmem>>, %arg6: memref<640xf32, #tpu.memory_space<vmem>>, %arg7: memref<640xf32, #tpu.memory_space<vmem>>, %arg8: memref<16x10240xf32, #tpu.memory_space<vmem_shared>>) attributes {dimension_semantics = [#tpu.dimension_semantics<core_parallel>, #tpu.dimension_semantics<subcore_parallel>], iteration_bounds = array<i64: 2, 16>, scalar_prefetch = 0 : i64, scratch_operands = 5 : i64, tpu.core_type = #tpu.core_type<sc_vector_subcore>, window_params = [{transform_indices = #map}, {transform_indices = #map1}]} {
    %mul3A = arith.constant 2 : i32
    %mul3A_0 = arith.muli %arg1, %mul3A : i32
    %add3A = arith.addi %mul3A_0, %arg0 : i32
    %broadcast_in_dim3A = arith.constant 0.000000e+00 : f32
    %broadcast_in_dim3A_1 = vector.broadcast %broadcast_in_dim3A : f32 to vector<16xf32>
    %broadcast_in_dim3A_2 = arith.constant 1.000000e+00 : f32
    %broadcast_in_dim3A_3 = vector.broadcast %broadcast_in_dim3A_2 : f32 to vector<16xf32>
    %scan3A = arith.constant 0 : i32
    %scan3A_4 = arith.constant 0 : i32
    %scan3A_5 = arith.constant 640 : i32
    %scan3A_6 = arith.addi %scan3A_4, %scan3A_5 : i32
    %scan3A_7 = arith.constant 1 : i32
    %scan3A_8 = scf.for %scan3A_35 = %scan3A_4 to %scan3A_6 step %scan3A_7 iter_args(%scan3A_36 = %scan3A) -> (i32)  : i32 {
      %mul3A_37 = arith.constant 16 : i32
      %mul3A_38 = arith.muli %scan3A_35, %mul3A_37 : i32
      %swap3A = arith.index_cast %mul3A_38 : i32 to index
      %swap3A_39 = tpu.vector_load %arg5[%swap3A] {strides = array<i32>} : memref<10240xf32, #tpu.memory_space<vmem>>, vector<16xf32>,
      tpu.vector_store %arg5[%swap3A], %broadcast_in_dim3A_1 {strides = array<i32>} : memref<10240xf32, #tpu.memory_space<vmem>>, vector<16xf32>,
      %scan3A_40 = arith.constant 0 : i32
      scf.yield %scan3A_40 : i32
    }
    %scan3A_9 = arith.constant 640 : i32
    %mul3A_10 = arith.constant 10000 : i32
    %mul3A_11 = arith.muli %add3A, %mul3A_10 : i32
    "tpu.region"() ({
      %run_scoped3A = tpu.sem_alloc : memref<!tpu.dma_semaphore, #tpu.memory_space<semaphore_mem>>
      %dma_start3A = tpu.memref_slice %arg2[%mul3A_11] : memref<320000xi32, #tpu.memory_space<hbm>> -> memref<10000xi32, #tpu.memory_space<hbm>>
      %dma_start3A_35 = tpu.memref_slice %arg2[%mul3A_11] : memref<320000xi32, #tpu.memory_space<hbm>> -> memref<10000xi32, #tpu.memory_space<hbm>>
      tpu.enqueue_dma source(%dma_start3A_35 : memref<10000xi32, #tpu.memory_space<hbm>>) target(%arg4 : memref<10000xi32, #tpu.memory_space<vmem>>) target_semaphore(%run_scoped3A : memref<!tpu.dma_semaphore, #tpu.memory_space<semaphore_mem>>)
      %dma_wait3A = tpu.memref_slice %arg2[%mul3A_11] : memref<320000xi32, #tpu.memory_space<hbm>> -> memref<10000xi32, #tpu.memory_space<hbm>>
      %dma_wait3A_36 = tpu.memref_slice %arg2[%mul3A_11] : memref<320000xi32, #tpu.memory_space<hbm>> -> memref<10000xi32, #tpu.memory_space<hbm>>
      tpu.wait_dma2 semaphore(%run_scoped3A : memref<!tpu.dma_semaphore, #tpu.memory_space<semaphore_mem>>) src(%dma_wait3A_36 : memref<10000xi32, #tpu.memory_space<hbm>>) dst(%arg4 : memref<10000xi32, #tpu.memory_space<vmem>>)
      tpu.yield
    }) : () -> ()
    %scan3A_12 = arith.constant 0 : i32
    %scan3A_13 = arith.constant 0 : i32
    %scan3A_14 = arith.constant 625 : i32
    %scan3A_15 = arith.addi %scan3A_13, %scan3A_14 : i32
    %scan3A_16 = arith.constant 1 : i32
    %scan3A_17 = scf.for %scan3A_35 = %scan3A_13 to %scan3A_15 step %scan3A_16 iter_args(%scan3A_36 = %scan3A_12) -> (i32)  : i32 {
      %mul3A_37 = arith.constant 16 : i32
      %mul3A_38 = arith.muli %scan3A_35, %mul3A_37 : i32
      %get3A = arith.index_cast %mul3A_38 : i32 to index
      %get3A_39 = tpu.vector_load %arg4[%get3A] {strides = array<i32>} : memref<10000xi32, #tpu.memory_space<vmem>>, vector<16xi32>,
      tpu.vector_store_idx %arg5[%get3A_39], %broadcast_in_dim3A_3 {add = true} : memref<10240xf32, #tpu.memory_space<vmem>>[vector<16xi32>], vector<16xf32>,
      %scan3A_40 = arith.constant 0 : i32
      scf.yield %scan3A_40 : i32
    }
    %scan3A_18 = arith.constant 625 : i32
    "tpu.region"() ({
      %run_scoped3A = tpu.sem_alloc : memref<!tpu.dma_semaphore, #tpu.memory_space<semaphore_mem>>
      %dma_start3A = arith.constant 0 : i32
      %dma_start3A_35 = tpu.memref_slice %arg8[%arg1, %dma_start3A] : memref<16x10240xf32, #tpu.memory_space<vmem_shared>> -> memref<1x10240xf32, #tpu.memory_space<vmem_shared>>
      %dma_start3A_36 = tpu.memref_squeeze %dma_start3A_35 : memref<1x10240xf32, #tpu.memory_space<vmem_shared>> -> memref<10240xf32, #tpu.memory_space<vmem_shared>>
      %dma_start3A_37 = arith.constant 0 : i32
      %dma_start3A_38 = tpu.memref_slice %arg8[%arg1, %dma_start3A_37] : memref<16x10240xf32, #tpu.memory_space<vmem_shared>> -> memref<1x10240xf32, #tpu.memory_space<vmem_shared>>
      %dma_start3A_39 = tpu.memref_squeeze %dma_start3A_38 : memref<1x10240xf32, #tpu.memory_space<vmem_shared>> -> memref<10240xf32, #tpu.memory_space<vmem_shared>>
      tpu.enqueue_dma source(%arg5 : memref<10240xf32, #tpu.memory_space<vmem>>) target(%dma_start3A_39 : memref<10240xf32, #tpu.memory_space<vmem_shared>>) target_semaphore(%run_scoped3A : memref<!tpu.dma_semaphore, #tpu.memory_space<semaphore_mem>>)
      %dma_wait3A = arith.constant 0 : i32
      %dma_wait3A_40 = tpu.memref_slice %arg8[%arg1, %dma_wait3A] : memref<16x10240xf32, #tpu.memory_space<vmem_shared>> -> memref<1x10240xf32, #tpu.memory_space<vmem_shared>>
      %dma_wait3A_41 = tpu.memref_squeeze %dma_wait3A_40 : memref<1x10240xf32, #tpu.memory_space<vmem_shared>> -> memref<10240xf32, #tpu.memory_space<vmem_shared>>
      %dma_wait3A_42 = arith.constant 0 : i32
      %dma_wait3A_43 = tpu.memref_slice %arg8[%arg1, %dma_wait3A_42] : memref<16x10240xf32, #tpu.memory_space<vmem_shared>> -> memref<1x10240xf32, #tpu.memory_space<vmem_shared>>
      %dma_wait3A_44 = tpu.memref_squeeze %dma_wait3A_43 : memref<1x10240xf32, #tpu.memory_space<vmem_shared>> -> memref<10240xf32, #tpu.memory_space<vmem_shared>>
      tpu.wait_dma2 semaphore(%run_scoped3A : memref<!tpu.dma_semaphore, #tpu.memory_space<semaphore_mem>>) src(%arg5 : memref<10240xf32, #tpu.memory_space<vmem>>) dst(%dma_wait3A_44 : memref<10240xf32, #tpu.memory_space<vmem_shared>>)
      tpu.yield
    }) : () -> ()
    %barrier3A = arith.constant 0 : index
    tpu.barrier barrier_id(%barrier3A)
    %scan3A_19 = arith.constant 0 : i32
    %scan3A_20 = arith.constant 0 : i32
    %scan3A_21 = arith.constant 40 : i32
    %scan3A_22 = arith.addi %scan3A_20, %scan3A_21 : i32
    %scan3A_23 = arith.constant 1 : i32
    %scan3A_24 = scf.for %scan3A_35 = %scan3A_20 to %scan3A_22 step %scan3A_23 iter_args(%scan3A_36 = %scan3A_19) -> (i32)  : i32 {
      %mul3A_37 = arith.constant 16 : i32
      %mul3A_38 = arith.muli %scan3A_35, %mul3A_37 : i32
      %swap3A = arith.index_cast %mul3A_38 : i32 to index
      %swap3A_39 = tpu.vector_load %arg7[%swap3A] {strides = array<i32>} : memref<640xf32, #tpu.memory_space<vmem>>, vector<16xf32>,
      tpu.vector_store %arg7[%swap3A], %broadcast_in_dim3A_1 {strides = array<i32>} : memref<640xf32, #tpu.memory_space<vmem>>, vector<16xf32>,
      %scan3A_40 = arith.constant 0 : i32
      scf.yield %scan3A_40 : i32
    }
    %scan3A_25 = arith.constant 40 : i32
    %scan3A_26 = arith.constant 0 : i32
    %scan3A_27 = arith.constant 0 : i32
    %scan3A_28 = arith.constant 16 : i32
    %scan3A_29 = arith.addi %scan3A_27, %scan3A_28 : i32
    %scan3A_30 = arith.constant 1 : i32
    %scan3A_31 = scf.for %scan3A_35 = %scan3A_27 to %scan3A_29 step %scan3A_30 iter_args(%scan3A_36 = %scan3A_26) -> (i32)  : i32 {
      %mul3A_37 = arith.constant 640 : i32
      %mul3A_38 = arith.muli %arg1, %mul3A_37 : i32
      "tpu.region"() ({
        %run_scoped3A = tpu.sem_alloc : memref<!tpu.dma_semaphore, #tpu.memory_space<semaphore_mem>>
        %dma_start3A = tpu.memref_slice %arg8[%scan3A_35, %mul3A_38] : memref<16x10240xf32, #tpu.memory_space<vmem_shared>> -> memref<1x640xf32, #tpu.memory_space<vmem_shared>>
        %dma_start3A_47 = tpu.memref_squeeze %dma_start3A : memref<1x640xf32, #tpu.memory_space<vmem_shared>> -> memref<640xf32, #tpu.memory_space<vmem_shared>>
        %dma_start3A_48 = tpu.memref_slice %arg8[%scan3A_35, %mul3A_38] : memref<16x10240xf32, #tpu.memory_space<vmem_shared>> -> memref<1x640xf32, #tpu.memory_space<vmem_shared>>
        %dma_start3A_49 = tpu.memref_squeeze %dma_start3A_48 : memref<1x640xf32, #tpu.memory_space<vmem_shared>> -> memref<640xf32, #tpu.memory_space<vmem_shared>>
        tpu.enqueue_dma source(%dma_start3A_49 : memref<640xf32, #tpu.memory_space<vmem_shared>>) target(%arg6 : memref<640xf32, #tpu.memory_space<vmem>>) target_semaphore(%run_scoped3A : memref<!tpu.dma_semaphore, #tpu.memory_space<semaphore_mem>>)
        %dma_wait3A = tpu.memref_slice %arg8[%scan3A_35, %mul3A_38] : memref<16x10240xf32, #tpu.memory_space<vmem_shared>> -> memref<1x640xf32, #tpu.memory_space<vmem_shared>>
        %dma_wait3A_50 = tpu.memref_squeeze %dma_wait3A : memref<1x640xf32, #tpu.memory_space<vmem_shared>> -> memref<640xf32, #tpu.memory_space<vmem_shared>>
        %dma_wait3A_51 = tpu.memref_slice %arg8[%scan3A_35, %mul3A_38] : memref<16x10240xf32, #tpu.memory_space<vmem_shared>> -> memref<1x640xf32, #tpu.memory_space<vmem_shared>>
        %dma_wait3A_52 = tpu.memref_squeeze %dma_wait3A_51 : memref<1x640xf32, #tpu.memory_space<vmem_shared>> -> memref<640xf32, #tpu.memory_space<vmem_shared>>
        tpu.wait_dma2 semaphore(%run_scoped3A : memref<!tpu.dma_semaphore, #tpu.memory_space<semaphore_mem>>) src(%dma_wait3A_52 : memref<640xf32, #tpu.memory_space<vmem_shared>>) dst(%arg6 : memref<640xf32, #tpu.memory_space<vmem>>)
        tpu.yield
      }) : () -> ()
      %scan3A_39 = arith.constant 0 : i32
      %scan3A_40 = arith.constant 0 : i32
      %scan3A_41 = arith.constant 40 : i32
      %scan3A_42 = arith.addi %scan3A_40, %scan3A_41 : i32
      %scan3A_43 = arith.constant 1 : i32
      %scan3A_44 = scf.for %scan3A_47 = %scan3A_40 to %scan3A_42 step %scan3A_43 iter_args(%scan3A_48 = %scan3A_39) -> (i32)  : i32 {
        %mul3A_49 = arith.constant 16 : i32
        %mul3A_50 = arith.muli %scan3A_47, %mul3A_49 : i32
        %get3A = arith.index_cast %mul3A_50 : i32 to index
        %get3A_51 = tpu.vector_load %arg7[%get3A] {strides = array<i32>} : memref<640xf32, #tpu.memory_space<vmem>>, vector<16xf32>,
        %mul3A_52 = arith.constant 16 : i32
        %mul3A_53 = arith.muli %scan3A_47, %mul3A_52 : i32
        %get3A_54 = arith.index_cast %mul3A_53 : i32 to index
        %get3A_55 = tpu.vector_load %arg6[%get3A_54] {strides = array<i32>} : memref<640xf32, #tpu.memory_space<vmem>>, vector<16xf32>,
        %add3A_56 = arith.addf %get3A_51, %get3A_55 : vector<16xf32>
        %mul3A_57 = arith.constant 16 : i32
        %mul3A_58 = arith.muli %scan3A_47, %mul3A_57 : i32
        %swap3A = arith.index_cast %mul3A_58 : i32 to index
        %swap3A_59 = tpu.vector_load %arg7[%swap3A] {strides = array<i32>} : memref<640xf32, #tpu.memory_space<vmem>>, vector<16xf32>,
        tpu.vector_store %arg7[%swap3A], %add3A_56 {strides = array<i32>} : memref<640xf32, #tpu.memory_space<vmem>>, vector<16xf32>,
        %scan3A_60 = arith.constant 0 : i32
        scf.yield %scan3A_60 : i32
      }
      %scan3A_45 = arith.constant 40 : i32
      %scan3A_46 = arith.constant 0 : i32
      scf.yield %scan3A_46 : i32
    }
    %scan3A_32 = arith.constant 16 : i32
    %mul3A_33 = arith.constant 640 : i32
    %mul3A_34 = arith.muli %arg1, %mul3A_33 : i32
    "tpu.region"() ({
      %run_scoped3A = tpu.sem_alloc : memref<!tpu.dma_semaphore, #tpu.memory_space<semaphore_mem>>
      %dma_start3A = tpu.memref_slice %arg3[%arg0, %mul3A_34] : memref<2x10240xf32, #tpu.memory_space<hbm>> -> memref<1x640xf32, #tpu.memory_space<hbm>>
      %dma_start3A_35 = tpu.memref_squeeze %dma_start3A : memref<1x640xf32, #tpu.memory_space<hbm>> -> memref<640xf32, #tpu.memory_space<hbm>>
      %dma_start3A_36 = tpu.memref_slice %arg3[%arg0, %mul3A_34] : memref<2x10240xf32, #tpu.memory_space<hbm>> -> memref<1x640xf32, #tpu.memory_space<hbm>>
      %dma_start3A_37 = tpu.memref_squeeze %dma_start3A_36 : memref<1x640xf32, #tpu.memory_space<hbm>> -> memref<640xf32, #tpu.memory_space<hbm>>
      tpu.enqueue_dma source(%arg7 : memref<640xf32, #tpu.memory_space<vmem>>) target(%dma_start3A_37 : memref<640xf32, #tpu.memory_space<hbm>>) target_semaphore(%run_scoped3A : memref<!tpu.dma_semaphore, #tpu.memory_space<semaphore_mem>>)
      %dma_wait3A = tpu.memref_slice %arg3[%arg0, %mul3A_34] : memref<2x10240xf32, #tpu.memory_space<hbm>> -> memref<1x640xf32, #tpu.memory_space<hbm>>
      %dma_wait3A_38 = tpu.memref_squeeze %dma_wait3A : memref<1x640xf32, #tpu.memory_space<hbm>> -> memref<640xf32, #tpu.memory_space<hbm>>
      %dma_wait3A_39 = tpu.memref_slice %arg3[%arg0, %mul3A_34] : memref<2x10240xf32, #tpu.memory_space<hbm>> -> memref<1x640xf32, #tpu.memory_space<hbm>>
      %dma_wait3A_40 = tpu.memref_squeeze %dma_wait3A_39 : memref<1x640xf32, #tpu.memory_space<hbm>> -> memref<640xf32, #tpu.memory_space<hbm>>
      tpu.wait_dma2 semaphore(%run_scoped3A : memref<!tpu.dma_semaphore, #tpu.memory_space<semaphore_mem>>) src(%arg7 : memref<640xf32, #tpu.memory_space<vmem>>) dst(%dma_wait3A_40 : memref<640xf32, #tpu.memory_space<hbm>>)
      tpu.yield
    }) : () -> ()
    return
  }
}

#map = affine_map<(d0, d1) -> (0, 0, 0)>
#map1 = affine_map<(d0, d1) -> (0, 0)>
module attributes {stable_mosaic.version = 14 : i64} {
  func.func @_agg_body(%arg0: i32, %arg1: i32, %arg2: memref<2x10240x32xf32, #tpu.memory_space<hbm>>, %arg3: memref<5120x64xi32, #tpu.memory_space<hbm>>, %arg4: memref<5120x64xi32, #tpu.memory_space<hbm>>, %arg5: memref<2x10240x32xf32, #tpu.memory_space<hbm>>, %arg6: memref<40x64xi32, #tpu.memory_space<vmem>>, %arg7: memref<40x64xi32, #tpu.memory_space<vmem>>, %arg8: memref<10x64x32xf32, #tpu.memory_space<vmem>>, %arg9: memref<10240x32xf32, #tpu.memory_space<vmem_shared>>, %arg10: memref<10240x32xf32, #tpu.memory_space<vmem_shared>>, %arg11: memref<10x!tpu.dma_semaphore, #tpu.memory_space<semaphore_mem>>, %arg12: memref<10x!tpu.dma_semaphore, #tpu.memory_space<semaphore_mem>>) attributes {dimension_semantics = [#tpu.dimension_semantics<core_parallel>, #tpu.dimension_semantics<subcore_parallel>], iteration_bounds = array<i64: 2, 16>, scalar_prefetch = 0 : i64, scratch_operands = 7 : i64, tpu.core_type = #tpu.core_type<sc_vector_subcore>, window_params = [{transform_indices = #map}, {transform_indices = #map1}, {transform_indices = #map1}, {transform_indices = #map}]} {
    %mul3A = arith.constant 640 : i32
    %mul3A_0 = arith.muli %arg1, %mul3A : i32
    "tpu.region"() ({
      %run_scoped3A = tpu.sem_alloc : memref<!tpu.dma_semaphore, #tpu.memory_space<semaphore_mem>>
      %dma_start3A = arith.constant 0 : i32
      %dma_start3A_8 = tpu.memref_slice %arg9[%mul3A_0, %dma_start3A] : memref<10240x32xf32, #tpu.memory_space<vmem_shared>> -> memref<640x32xf32, #tpu.memory_space<vmem_shared>>
      %dma_start3A_9 = arith.constant 0 : i32
      %dma_start3A_10 = arith.constant 0 : i32
      %dma_start3A_11 = tpu.memref_slice %arg2[%arg0, %dma_start3A_9, %dma_start3A_10] : memref<2x10240x32xf32, #tpu.memory_space<hbm>> -> memref<1x10240x32xf32, #tpu.memory_space<hbm>>
      %dma_start3A_12 = tpu.memref_squeeze %dma_start3A_11 : memref<1x10240x32xf32, #tpu.memory_space<hbm>> -> memref<10240x32xf32, #tpu.memory_space<hbm>>
      %dma_start3A_13 = arith.constant 0 : i32
      %dma_start3A_14 = tpu.memref_slice %dma_start3A_12[%mul3A_0, %dma_start3A_13] : memref<10240x32xf32, #tpu.memory_space<hbm>> -> memref<640x32xf32, #tpu.memory_space<hbm>>
      tpu.enqueue_dma source(%dma_start3A_14 : memref<640x32xf32, #tpu.memory_space<hbm>>) target(%dma_start3A_8 : memref<640x32xf32, #tpu.memory_space<vmem_shared>>) target_semaphore(%run_scoped3A : memref<!tpu.dma_semaphore, #tpu.memory_space<semaphore_mem>>)
      %dma_wait3A = arith.constant 0 : i32
      %dma_wait3A_15 = tpu.memref_slice %arg9[%mul3A_0, %dma_wait3A] : memref<10240x32xf32, #tpu.memory_space<vmem_shared>> -> memref<640x32xf32, #tpu.memory_space<vmem_shared>>
      %dma_wait3A_16 = arith.constant 0 : i32
      %dma_wait3A_17 = arith.constant 0 : i32
      %dma_wait3A_18 = tpu.memref_slice %arg2[%arg0, %dma_wait3A_16, %dma_wait3A_17] : memref<2x10240x32xf32, #tpu.memory_space<hbm>> -> memref<1x10240x32xf32, #tpu.memory_space<hbm>>
      %dma_wait3A_19 = tpu.memref_squeeze %dma_wait3A_18 : memref<1x10240x32xf32, #tpu.memory_space<hbm>> -> memref<10240x32xf32, #tpu.memory_space<hbm>>
      %dma_wait3A_20 = arith.constant 0 : i32
      %dma_wait3A_21 = tpu.memref_slice %dma_wait3A_19[%mul3A_0, %dma_wait3A_20] : memref<10240x32xf32, #tpu.memory_space<hbm>> -> memref<640x32xf32, #tpu.memory_space<hbm>>
      tpu.wait_dma2 semaphore(%run_scoped3A : memref<!tpu.dma_semaphore, #tpu.memory_space<semaphore_mem>>) src(%dma_wait3A_21 : memref<640x32xf32, #tpu.memory_space<hbm>>) dst(%dma_wait3A_15 : memref<640x32xf32, #tpu.memory_space<vmem_shared>>)
      tpu.yield
    }) : () -> ()
    "tpu.region"() ({
      %run_scoped3A = tpu.sem_alloc : memref<!tpu.dma_semaphore, #tpu.memory_space<semaphore_mem>>
      %dma_start3A = arith.constant 0 : i32
      %dma_start3A_8 = tpu.memref_slice %arg10[%mul3A_0, %dma_start3A] : memref<10240x32xf32, #tpu.memory_space<vmem_shared>> -> memref<640x32xf32, #tpu.memory_space<vmem_shared>>
      %dma_start3A_9 = arith.constant 0 : i32
      %dma_start3A_10 = arith.constant 0 : i32
      %dma_start3A_11 = tpu.memref_slice %arg2[%arg0, %dma_start3A_9, %dma_start3A_10] : memref<2x10240x32xf32, #tpu.memory_space<hbm>> -> memref<1x10240x32xf32, #tpu.memory_space<hbm>>
      %dma_start3A_12 = tpu.memref_squeeze %dma_start3A_11 : memref<1x10240x32xf32, #tpu.memory_space<hbm>> -> memref<10240x32xf32, #tpu.memory_space<hbm>>
      %dma_start3A_13 = arith.constant 0 : i32
      %dma_start3A_14 = tpu.memref_slice %dma_start3A_12[%mul3A_0, %dma_start3A_13] : memref<10240x32xf32, #tpu.memory_space<hbm>> -> memref<640x32xf32, #tpu.memory_space<hbm>>
      tpu.enqueue_dma source(%dma_start3A_14 : memref<640x32xf32, #tpu.memory_space<hbm>>) target(%dma_start3A_8 : memref<640x32xf32, #tpu.memory_space<vmem_shared>>) target_semaphore(%run_scoped3A : memref<!tpu.dma_semaphore, #tpu.memory_space<semaphore_mem>>)
      %dma_wait3A = arith.constant 0 : i32
      %dma_wait3A_15 = tpu.memref_slice %arg10[%mul3A_0, %dma_wait3A] : memref<10240x32xf32, #tpu.memory_space<vmem_shared>> -> memref<640x32xf32, #tpu.memory_space<vmem_shared>>
      %dma_wait3A_16 = arith.constant 0 : i32
      %dma_wait3A_17 = arith.constant 0 : i32
      %dma_wait3A_18 = tpu.memref_slice %arg2[%arg0, %dma_wait3A_16, %dma_wait3A_17] : memref<2x10240x32xf32, #tpu.memory_space<hbm>> -> memref<1x10240x32xf32, #tpu.memory_space<hbm>>
      %dma_wait3A_19 = tpu.memref_squeeze %dma_wait3A_18 : memref<1x10240x32xf32, #tpu.memory_space<hbm>> -> memref<10240x32xf32, #tpu.memory_space<hbm>>
      %dma_wait3A_20 = arith.constant 0 : i32
      %dma_wait3A_21 = tpu.memref_slice %dma_wait3A_19[%mul3A_0, %dma_wait3A_20] : memref<10240x32xf32, #tpu.memory_space<hbm>> -> memref<640x32xf32, #tpu.memory_space<hbm>>
      tpu.wait_dma2 semaphore(%run_scoped3A : memref<!tpu.dma_semaphore, #tpu.memory_space<semaphore_mem>>) src(%dma_wait3A_21 : memref<640x32xf32, #tpu.memory_space<hbm>>) dst(%dma_wait3A_15 : memref<640x32xf32, #tpu.memory_space<vmem_shared>>)
      tpu.yield
    }) : () -> ()
    %barrier3A = arith.constant 0 : index
    tpu.barrier barrier_id(%barrier3A)
    %scan3A = arith.constant 0 : i32
    %scan3A_1 = arith.constant 0 : i32
    %scan3A_2 = arith.constant 8 : i32
    %scan3A_3 = arith.addi %scan3A_1, %scan3A_2 : i32
    %scan3A_4 = arith.constant 1 : i32
    %scan3A_5 = scf.for %scan3A_8 = %scan3A_1 to %scan3A_3 step %scan3A_4 iter_args(%scan3A_9 = %scan3A) -> (i32)  : i32 {
      %mul3A_10 = arith.constant 320 : i32
      %mul3A_11 = arith.muli %arg1, %mul3A_10 : i32
      %mul3A_12 = arith.constant 40 : i32
      %mul3A_13 = arith.muli %scan3A_8, %mul3A_12 : i32
      %add3A = arith.addi %mul3A_11, %mul3A_13 : i32
      "tpu.region"() ({
        %run_scoped3A = tpu.sem_alloc : memref<!tpu.dma_semaphore, #tpu.memory_space<semaphore_mem>>
        %dma_start3A_170 = arith.constant 0 : i32
        %dma_start3A_171 = tpu.memref_slice %arg3[%add3A, %dma_start3A_170] : memref<5120x64xi32, #tpu.memory_space<hbm>> -> memref<40x64xi32, #tpu.memory_space<hbm>>
        %dma_start3A_172 = arith.constant 0 : i32
        %dma_start3A_173 = tpu.memref_slice %arg3[%add3A, %dma_start3A_172] : memref<5120x64xi32, #tpu.memory_space<hbm>> -> memref<40x64xi32, #tpu.memory_space<hbm>>
        tpu.enqueue_dma source(%dma_start3A_173 : memref<40x64xi32, #tpu.memory_space<hbm>>) target(%arg6 : memref<40x64xi32, #tpu.memory_space<vmem>>) target_semaphore(%run_scoped3A : memref<!tpu.dma_semaphore, #tpu.memory_space<semaphore_mem>>)
        %dma_wait3A_174 = arith.constant 0 : i32
        %dma_wait3A_175 = tpu.memref_slice %arg3[%add3A, %dma_wait3A_174] : memref<5120x64xi32, #tpu.memory_space<hbm>> -> memref<40x64xi32, #tpu.memory_space<hbm>>
        %dma_wait3A_176 = arith.constant 0 : i32
        %dma_wait3A_177 = tpu.memref_slice %arg3[%add3A, %dma_wait3A_176] : memref<5120x64xi32, #tpu.memory_space<hbm>> -> memref<40x64xi32, #tpu.memory_space<hbm>>
        tpu.wait_dma2 semaphore(%run_scoped3A : memref<!tpu.dma_semaphore, #tpu.memory_space<semaphore_mem>>) src(%dma_wait3A_177 : memref<40x64xi32, #tpu.memory_space<hbm>>) dst(%arg6 : memref<40x64xi32, #tpu.memory_space<vmem>>)
        tpu.yield
      }) : () -> ()
      "tpu.region"() ({
        %run_scoped3A = tpu.sem_alloc : memref<!tpu.dma_semaphore, #tpu.memory_space<semaphore_mem>>
        %dma_start3A_170 = arith.constant 0 : i32
        %dma_start3A_171 = tpu.memref_slice %arg4[%add3A, %dma_start3A_170] : memref<5120x64xi32, #tpu.memory_space<hbm>> -> memref<40x64xi32, #tpu.memory_space<hbm>>
        %dma_start3A_172 = arith.constant 0 : i32
        %dma_start3A_173 = tpu.memref_slice %arg4[%add3A, %dma_start3A_172] : memref<5120x64xi32, #tpu.memory_space<hbm>> -> memref<40x64xi32, #tpu.memory_space<hbm>>
        tpu.enqueue_dma source(%dma_start3A_173 : memref<40x64xi32, #tpu.memory_space<hbm>>) target(%arg7 : memref<40x64xi32, #tpu.memory_space<vmem>>) target_semaphore(%run_scoped3A : memref<!tpu.dma_semaphore, #tpu.memory_space<semaphore_mem>>)
        %dma_wait3A_174 = arith.constant 0 : i32
        %dma_wait3A_175 = tpu.memref_slice %arg4[%add3A, %dma_wait3A_174] : memref<5120x64xi32, #tpu.memory_space<hbm>> -> memref<40x64xi32, #tpu.memory_space<hbm>>
        %dma_wait3A_176 = arith.constant 0 : i32
        %dma_wait3A_177 = tpu.memref_slice %arg4[%add3A, %dma_wait3A_176] : memref<5120x64xi32, #tpu.memory_space<hbm>> -> memref<40x64xi32, #tpu.memory_space<hbm>>
        tpu.wait_dma2 semaphore(%run_scoped3A : memref<!tpu.dma_semaphore, #tpu.memory_space<semaphore_mem>>) src(%dma_wait3A_177 : memref<40x64xi32, #tpu.memory_space<hbm>>) dst(%arg7 : memref<40x64xi32, #tpu.memory_space<vmem>>)
        tpu.yield
      }) : () -> ()
      %dma_start3A = arith.constant 0 : i32
      %dma_start3A_14 = arith.constant 0 : i32
      %dma_start3A_15 = arith.constant 0 : i32
      %dma_start3A_16 = arith.constant 0 : i32
      %dma_start3A_17 = arith.constant 0 : i32
      %dma_start3A_18 = tpu.memref_slice %arg8[%dma_start3A_14, %dma_start3A_16, %dma_start3A_17] : memref<10x64x32xf32, #tpu.memory_space<vmem>> -> memref<1x64x32xf32, #tpu.memory_space<vmem>>
      %dma_start3A_19 = tpu.memref_squeeze %dma_start3A_18 : memref<1x64x32xf32, #tpu.memory_space<vmem>> -> memref<64x32xf32, #tpu.memory_space<vmem>>
      %dma_start3A_20 = arith.constant 0 : i32
      %dma_start3A_21 = tpu.memref_slice %arg6[%dma_start3A, %dma_start3A_20] : memref<40x64xi32, #tpu.memory_space<vmem>> -> memref<1x64xi32, #tpu.memory_space<vmem>>
      %dma_start3A_22 = tpu.memref_squeeze %dma_start3A_21 : memref<1x64xi32, #tpu.memory_space<vmem>> -> memref<64xi32, #tpu.memory_space<vmem>>
      %dma_start3A_23 = arith.constant 0 : i32
      %dma_start3A_24 = arith.constant 0 : i32
      %dma_start3A_25 = tpu.memref_slice %arg9[%dma_start3A_23, %dma_start3A_24] : memref<10240x32xf32, #tpu.memory_space<vmem_shared>> -> memref<10240x32xf32, #tpu.memory_space<vmem_shared>>
      %dma_start3A_26 = tpu.memref_slice %arg11[%dma_start3A_15] : memref<10x!tpu.dma_semaphore, #tpu.memory_space<semaphore_mem>> -> memref<1x!tpu.dma_semaphore, #tpu.memory_space<semaphore_mem>>
      %dma_start3A_27 = tpu.memref_squeeze %dma_start3A_26 : memref<1x!tpu.dma_semaphore, #tpu.memory_space<semaphore_mem>> -> memref<!tpu.dma_semaphore, #tpu.memory_space<semaphore_mem>>
      tpu.enqueue_indirect_dma source(%dma_start3A_25 : memref<10240x32xf32, #tpu.memory_space<vmem_shared>>) target(%dma_start3A_19 : memref<64x32xf32, #tpu.memory_space<vmem>>) offsets(%dma_start3A_22 : memref<64xi32, #tpu.memory_space<vmem>>) semaphore(%dma_start3A_27 : memref<!tpu.dma_semaphore, #tpu.memory_space<semaphore_mem>>)
      %dma_start3A_28 = arith.constant 1 : i32
      %dma_start3A_29 = arith.constant 1 : i32
      %dma_start3A_30 = arith.constant 1 : i32
      %dma_start3A_31 = arith.constant 0 : i32
      %dma_start3A_32 = arith.constant 0 : i32
      %dma_start3A_33 = tpu.memref_slice %arg8[%dma_start3A_29, %dma_start3A_31, %dma_start3A_32] : memref<10x64x32xf32, #tpu.memory_space<vmem>> -> memref<1x64x32xf32, #tpu.memory_space<vmem>>
      %dma_start3A_34 = tpu.memref_squeeze %dma_start3A_33 : memref<1x64x32xf32, #tpu.memory_space<vmem>> -> memref<64x32xf32, #tpu.memory_space<vmem>>
      %dma_start3A_35 = arith.constant 0 : i32
      %dma_start3A_36 = tpu.memref_slice %arg6[%dma_start3A_28, %dma_start3A_35] : memref<40x64xi32, #tpu.memory_space<vmem>> -> memref<1x64xi32, #tpu.memory_space<vmem>>
      %dma_start3A_37 = tpu.memref_squeeze %dma_start3A_36 : memref<1x64xi32, #tpu.memory_space<vmem>> -> memref<64xi32, #tpu.memory_space<vmem>>
      %dma_start3A_38 = arith.constant 0 : i32
      %dma_start3A_39 = arith.constant 0 : i32
      %dma_start3A_40 = tpu.memref_slice %arg9[%dma_start3A_38, %dma_start3A_39] : memref<10240x32xf32, #tpu.memory_space<vmem_shared>> -> memref<10240x32xf32, #tpu.memory_space<vmem_shared>>
      %dma_start3A_41 = tpu.memref_slice %arg11[%dma_start3A_30] : memref<10x!tpu.dma_semaphore, #tpu.memory_space<semaphore_mem>> -> memref<1x!tpu.dma_semaphore, #tpu.memory_space<semaphore_mem>>
      %dma_start3A_42 = tpu.memref_squeeze %dma_start3A_41 : memref<1x!tpu.dma_semaphore, #tpu.memory_space<semaphore_mem>> -> memref<!tpu.dma_semaphore, #tpu.memory_space<semaphore_mem>>
      tpu.enqueue_indirect_dma source(%dma_start3A_40 : memref<10240x32xf32, #tpu.memory_space<vmem_shared>>) target(%dma_start3A_34 : memref<64x32xf32, #tpu.memory_space<vmem>>) offsets(%dma_start3A_37 : memref<64xi32, #tpu.memory_space<vmem>>) semaphore(%dma_start3A_42 : memref<!tpu.dma_semaphore, #tpu.memory_space<semaphore_mem>>)
      %dma_start3A_43 = arith.constant 2 : i32
      %dma_start3A_44 = arith.constant 2 : i32
      %dma_start3A_45 = arith.constant 2 : i32
      %dma_start3A_46 = arith.constant 0 : i32
      %dma_start3A_47 = arith.constant 0 : i32
      %dma_start3A_48 = tpu.memref_slice %arg8[%dma_start3A_44, %dma_start3A_46, %dma_start3A_47] : memref<10x64x32xf32, #tpu.memory_space<vmem>> -> memref<1x64x32xf32, #tpu.memory_space<vmem>>
      %dma_start3A_49 = tpu.memref_squeeze %dma_start3A_48 : memref<1x64x32xf32, #tpu.memory_space<vmem>> -> memref<64x32xf32, #tpu.memory_space<vmem>>
      %dma_start3A_50 = arith.constant 0 : i32
      %dma_start3A_51 = tpu.memref_slice %arg6[%dma_start3A_43, %dma_start3A_50] : memref<40x64xi32, #tpu.memory_space<vmem>> -> memref<1x64xi32, #tpu.memory_space<vmem>>
      %dma_start3A_52 = tpu.memref_squeeze %dma_start3A_51 : memref<1x64xi32, #tpu.memory_space<vmem>> -> memref<64xi32, #tpu.memory_space<vmem>>
      %dma_start3A_53 = arith.constant 0 : i32
      %dma_start3A_54 = arith.constant 0 : i32
      %dma_start3A_55 = tpu.memref_slice %arg9[%dma_start3A_53, %dma_start3A_54] : memref<10240x32xf32, #tpu.memory_space<vmem_shared>> -> memref<10240x32xf32, #tpu.memory_space<vmem_shared>>
      %dma_start3A_56 = tpu.memref_slice %arg11[%dma_start3A_45] : memref<10x!tpu.dma_semaphore, #tpu.memory_space<semaphore_mem>> -> memref<1x!tpu.dma_semaphore, #tpu.memory_space<semaphore_mem>>
      %dma_start3A_57 = tpu.memref_squeeze %dma_start3A_56 : memref<1x!tpu.dma_semaphore, #tpu.memory_space<semaphore_mem>> -> memref<!tpu.dma_semaphore, #tpu.memory_space<semaphore_mem>>
      tpu.enqueue_indirect_dma source(%dma_start3A_55 : memref<10240x32xf32, #tpu.memory_space<vmem_shared>>) target(%dma_start3A_49 : memref<64x32xf32, #tpu.memory_space<vmem>>) offsets(%dma_start3A_52 : memref<64xi32, #tpu.memory_space<vmem>>) semaphore(%dma_start3A_57 : memref<!tpu.dma_semaphore, #tpu.memory_space<semaphore_mem>>)
      %dma_start3A_58 = arith.constant 3 : i32
      %dma_start3A_59 = arith.constant 3 : i32
      %dma_start3A_60 = arith.constant 3 : i32
      %dma_start3A_61 = arith.constant 0 : i32
      %dma_start3A_62 = arith.constant 0 : i32
      %dma_start3A_63 = tpu.memref_slice %arg8[%dma_start3A_59, %dma_start3A_61, %dma_start3A_62] : memref<10x64x32xf32, #tpu.memory_space<vmem>> -> memref<1x64x32xf32, #tpu.memory_space<vmem>>
      %dma_start3A_64 = tpu.memref_squeeze %dma_start3A_63 : memref<1x64x32xf32, #tpu.memory_space<vmem>> -> memref<64x32xf32, #tpu.memory_space<vmem>>
      %dma_start3A_65 = arith.constant 0 : i32
      %dma_start3A_66 = tpu.memref_slice %arg6[%dma_start3A_58, %dma_start3A_65] : memref<40x64xi32, #tpu.memory_space<vmem>> -> memref<1x64xi32, #tpu.memory_space<vmem>>
      %dma_start3A_67 = tpu.memref_squeeze %dma_start3A_66 : memref<1x64xi32, #tpu.memory_space<vmem>> -> memref<64xi32, #tpu.memory_space<vmem>>
      %dma_start3A_68 = arith.constant 0 : i32
      %dma_start3A_69 = arith.constant 0 : i32
      %dma_start3A_70 = tpu.memref_slice %arg9[%dma_start3A_68, %dma_start3A_69] : memref<10240x32xf32, #tpu.memory_space<vmem_shared>> -> memref<10240x32xf32, #tpu.memory_space<vmem_shared>>
      %dma_start3A_71 = tpu.memref_slice %arg11[%dma_start3A_60] : memref<10x!tpu.dma_semaphore, #tpu.memory_space<semaphore_mem>> -> memref<1x!tpu.dma_semaphore, #tpu.memory_space<semaphore_mem>>
      %dma_start3A_72 = tpu.memref_squeeze %dma_start3A_71 : memref<1x!tpu.dma_semaphore, #tpu.memory_space<semaphore_mem>> -> memref<!tpu.dma_semaphore, #tpu.memory_space<semaphore_mem>>
      tpu.enqueue_indirect_dma source(%dma_start3A_70 : memref<10240x32xf32, #tpu.memory_space<vmem_shared>>) target(%dma_start3A_64 : memref<64x32xf32, #tpu.memory_space<vmem>>) offsets(%dma_start3A_67 : memref<64xi32, #tpu.memory_space<vmem>>) semaphore(%dma_start3A_72 : memref<!tpu.dma_semaphore, #tpu.memory_space<semaphore_mem>>)
      %dma_start3A_73 = arith.constant 4 : i32
      %dma_start3A_74 = arith.constant 4 : i32
      %dma_start3A_75 = arith.constant 4 : i32
      %dma_start3A_76 = arith.constant 0 : i32
      %dma_start3A_77 = arith.constant 0 : i32
      %dma_start3A_78 = tpu.memref_slice %arg8[%dma_start3A_74, %dma_start3A_76, %dma_start3A_77] : memref<10x64x32xf32, #tpu.memory_space<vmem>> -> memref<1x64x32xf32, #tpu.memory_space<vmem>>
      %dma_start3A_79 = tpu.memref_squeeze %dma_start3A_78 : memref<1x64x32xf32, #tpu.memory_space<vmem>> -> memref<64x32xf32, #tpu.memory_space<vmem>>
      %dma_start3A_80 = arith.constant 0 : i32
      %dma_start3A_81 = tpu.memref_slice %arg6[%dma_start3A_73, %dma_start3A_80] : memref<40x64xi32, #tpu.memory_space<vmem>> -> memref<1x64xi32, #tpu.memory_space<vmem>>
      %dma_start3A_82 = tpu.memref_squeeze %dma_start3A_81 : memref<1x64xi32, #tpu.memory_space<vmem>> -> memref<64xi32, #tpu.memory_space<vmem>>
      %dma_start3A_83 = arith.constant 0 : i32
      %dma_start3A_84 = arith.constant 0 : i32
      %dma_start3A_85 = tpu.memref_slice %arg9[%dma_start3A_83, %dma_start3A_84] : memref<10240x32xf32, #tpu.memory_space<vmem_shared>> -> memref<10240x32xf32, #tpu.memory_space<vmem_shared>>
      %dma_start3A_86 = tpu.memref_slice %arg11[%dma_start3A_75] : memref<10x!tpu.dma_semaphore, #tpu.memory_space<semaphore_mem>> -> memref<1x!tpu.dma_semaphore, #tpu.memory_space<semaphore_mem>>
      %dma_start3A_87 = tpu.memref_squeeze %dma_start3A_86 : memref<1x!tpu.dma_semaphore, #tpu.memory_space<semaphore_mem>> -> memref<!tpu.dma_semaphore, #tpu.memory_space<semaphore_mem>>
      tpu.enqueue_indirect_dma source(%dma_start3A_85 : memref<10240x32xf32, #tpu.memory_space<vmem_shared>>) target(%dma_start3A_79 : memref<64x32xf32, #tpu.memory_space<vmem>>) offsets(%dma_start3A_82 : memref<64xi32, #tpu.memory_space<vmem>>) semaphore(%dma_start3A_87 : memref<!tpu.dma_semaphore, #tpu.memory_space<semaphore_mem>>)
      %dma_start3A_88 = arith.constant 5 : i32
      %dma_start3A_89 = arith.constant 5 : i32
      %dma_start3A_90 = arith.constant 5 : i32
      %dma_start3A_91 = arith.constant 0 : i32
      %dma_start3A_92 = arith.constant 0 : i32
      %dma_start3A_93 = tpu.memref_slice %arg8[%dma_start3A_89, %dma_start3A_91, %dma_start3A_92] : memref<10x64x32xf32, #tpu.memory_space<vmem>> -> memref<1x64x32xf32, #tpu.memory_space<vmem>>
      %dma_start3A_94 = tpu.memref_squeeze %dma_start3A_93 : memref<1x64x32xf32, #tpu.memory_space<vmem>> -> memref<64x32xf32, #tpu.memory_space<vmem>>
      %dma_start3A_95 = arith.constant 0 : i32
      %dma_start3A_96 = tpu.memref_slice %arg6[%dma_start3A_88, %dma_start3A_95] : memref<40x64xi32, #tpu.memory_space<vmem>> -> memref<1x64xi32, #tpu.memory_space<vmem>>
      %dma_start3A_97 = tpu.memref_squeeze %dma_start3A_96 : memref<1x64xi32, #tpu.memory_space<vmem>> -> memref<64xi32, #tpu.memory_space<vmem>>
      %dma_start3A_98 = arith.constant 0 : i32
      %dma_start3A_99 = arith.constant 0 : i32
      %dma_start3A_100 = tpu.memref_slice %arg9[%dma_start3A_98, %dma_start3A_99] : memref<10240x32xf32, #tpu.memory_space<vmem_shared>> -> memref<10240x32xf32, #tpu.memory_space<vmem_shared>>
      %dma_start3A_101 = tpu.memref_slice %arg11[%dma_start3A_90] : memref<10x!tpu.dma_semaphore, #tpu.memory_space<semaphore_mem>> -> memref<1x!tpu.dma_semaphore, #tpu.memory_space<semaphore_mem>>
      %dma_start3A_102 = tpu.memref_squeeze %dma_start3A_101 : memref<1x!tpu.dma_semaphore, #tpu.memory_space<semaphore_mem>> -> memref<!tpu.dma_semaphore, #tpu.memory_space<semaphore_mem>>
      tpu.enqueue_indirect_dma source(%dma_start3A_100 : memref<10240x32xf32, #tpu.memory_space<vmem_shared>>) target(%dma_start3A_94 : memref<64x32xf32, #tpu.memory_space<vmem>>) offsets(%dma_start3A_97 : memref<64xi32, #tpu.memory_space<vmem>>) semaphore(%dma_start3A_102 : memref<!tpu.dma_semaphore, #tpu.memory_space<semaphore_mem>>)
      %scan3A_103 = arith.constant 0 : i32
      %scan3A_104 = arith.constant 0 : i32
      %scan3A_105 = arith.constant 4 : i32
      %scan3A_106 = arith.addi %scan3A_104, %scan3A_105 : i32
      %scan3A_107 = arith.constant 1 : i32
      %scan3A_108 = scf.for %scan3A_170 = %scan3A_104 to %scan3A_106 step %scan3A_107 iter_args(%scan3A_171 = %scan3A_103) -> (i32)  : i32 {
        %mul3A_172 = arith.constant 10 : i32
        %mul3A_173 = arith.muli %scan3A_170, %mul3A_172 : i32
        %add3A_174 = arith.constant 0 : i32
        %add3A_175 = arith.addi %mul3A_173, %add3A_174 : i32
        %dma_wait3A_176 = arith.constant 0 : i32
        %dma_wait3A_177 = arith.constant 0 : i32
        %dma_wait3A_178 = arith.constant 0 : i32
        %dma_wait3A_179 = arith.constant 0 : i32
        %dma_wait3A_180 = tpu.memref_slice %arg8[%dma_wait3A_176, %dma_wait3A_178, %dma_wait3A_179] : memref<10x64x32xf32, #tpu.memory_space<vmem>> -> memref<1x64x32xf32, #tpu.memory_space<vmem>>
        %dma_wait3A_181 = tpu.memref_squeeze %dma_wait3A_180 : memref<1x64x32xf32, #tpu.memory_space<vmem>> -> memref<64x32xf32, #tpu.memory_space<vmem>>
        %dma_wait3A_182 = arith.constant 0 : i32
        %dma_wait3A_183 = tpu.memref_slice %arg6[%add3A_175, %dma_wait3A_182] : memref<40x64xi32, #tpu.memory_space<vmem>> -> memref<1x64xi32, #tpu.memory_space<vmem>>
        %dma_wait3A_184 = tpu.memref_squeeze %dma_wait3A_183 : memref<1x64xi32, #tpu.memory_space<vmem>> -> memref<64xi32, #tpu.memory_space<vmem>>
        %dma_wait3A_185 = arith.constant 0 : i32
        %dma_wait3A_186 = arith.constant 0 : i32
        %dma_wait3A_187 = tpu.memref_slice %arg9[%dma_wait3A_185, %dma_wait3A_186] : memref<10240x32xf32, #tpu.memory_space<vmem_shared>> -> memref<10240x32xf32, #tpu.memory_space<vmem_shared>>
        %dma_wait3A_188 = tpu.memref_slice %arg11[%dma_wait3A_177] : memref<10x!tpu.dma_semaphore, #tpu.memory_space<semaphore_mem>> -> memref<1x!tpu.dma_semaphore, #tpu.memory_space<semaphore_mem>>
        %dma_wait3A_189 = tpu.memref_squeeze %dma_wait3A_188 : memref<1x!tpu.dma_semaphore, #tpu.memory_space<semaphore_mem>> -> memref<!tpu.dma_semaphore, #tpu.memory_space<semaphore_mem>>
        tpu.wait_indirect_dma semaphore(%dma_wait3A_189 : memref<!tpu.dma_semaphore, #tpu.memory_space<semaphore_mem>>) src(%dma_wait3A_187 : memref<10240x32xf32, #tpu.memory_space<vmem_shared>>) dst(%dma_wait3A_181 : memref<64x32xf32, #tpu.memory_space<vmem>>)
        %dma_start3A_190 = arith.constant 0 : i32
        %dma_start3A_191 = arith.constant 0 : i32
        %dma_start3A_192 = arith.constant 0 : i32
        %dma_start3A_193 = arith.constant 0 : i32
        %dma_start3A_194 = tpu.memref_slice %arg8[%dma_start3A_190, %dma_start3A_192, %dma_start3A_193] : memref<10x64x32xf32, #tpu.memory_space<vmem>> -> memref<1x64x32xf32, #tpu.memory_space<vmem>>
        %dma_start3A_195 = tpu.memref_squeeze %dma_start3A_194 : memref<1x64x32xf32, #tpu.memory_space<vmem>> -> memref<64x32xf32, #tpu.memory_space<vmem>>
        %dma_start3A_196 = arith.constant 0 : i32
        %dma_start3A_197 = tpu.memref_slice %arg7[%add3A_175, %dma_start3A_196] : memref<40x64xi32, #tpu.memory_space<vmem>> -> memref<1x64xi32, #tpu.memory_space<vmem>>
        %dma_start3A_198 = tpu.memref_squeeze %dma_start3A_197 : memref<1x64xi32, #tpu.memory_space<vmem>> -> memref<64xi32, #tpu.memory_space<vmem>>
        %dma_start3A_199 = arith.constant 0 : i32
        %dma_start3A_200 = arith.constant 0 : i32
        %dma_start3A_201 = tpu.memref_slice %arg10[%dma_start3A_199, %dma_start3A_200] : memref<10240x32xf32, #tpu.memory_space<vmem_shared>> -> memref<10240x32xf32, #tpu.memory_space<vmem_shared>>
        %dma_start3A_202 = tpu.memref_slice %arg12[%dma_start3A_191] : memref<10x!tpu.dma_semaphore, #tpu.memory_space<semaphore_mem>> -> memref<1x!tpu.dma_semaphore, #tpu.memory_space<semaphore_mem>>
        %dma_start3A_203 = tpu.memref_squeeze %dma_start3A_202 : memref<1x!tpu.dma_semaphore, #tpu.memory_space<semaphore_mem>> -> memref<!tpu.dma_semaphore, #tpu.memory_space<semaphore_mem>>
        tpu.enqueue_indirect_dma source(%dma_start3A_195 : memref<64x32xf32, #tpu.memory_space<vmem>>) target(%dma_start3A_201 : memref<10240x32xf32, #tpu.memory_space<vmem_shared>>) offsets(%dma_start3A_198 : memref<64xi32, #tpu.memory_space<vmem>>) semaphore(%dma_start3A_203 : memref<!tpu.dma_semaphore, #tpu.memory_space<semaphore_mem>>) {add = true}
        %ge3A = arith.constant 4 : i32
        %ge3A_204 = arith.cmpi sge, %add3A_175, %ge3A : i32
        %convert_element_type3A = arith.extui %ge3A_204 : i1 to i32
        %cond3A = arith.constant 0 : i32
        %cond3A_205 = arith.cmpi ne, %convert_element_type3A, %cond3A : i32
        scf.if %cond3A_205 {
          %sub3A = arith.constant 4 : i32
          %sub3A_591 = arith.subi %add3A_175, %sub3A : i32
          %dma_wait3A_592 = arith.constant 6 : i32
          %dma_wait3A_593 = arith.constant 6 : i32
          %dma_wait3A_594 = arith.constant 0 : i32
          %dma_wait3A_595 = arith.constant 0 : i32
          %dma_wait3A_596 = tpu.memref_slice %arg8[%dma_wait3A_592, %dma_wait3A_594, %dma_wait3A_595] : memref<10x64x32xf32, #tpu.memory_space<vmem>> -> memref<1x64x32xf32, #tpu.memory_space<vmem>>
          %dma_wait3A_597 = tpu.memref_squeeze %dma_wait3A_596 : memref<1x64x32xf32, #tpu.memory_space<vmem>> -> memref<64x32xf32, #tpu.memory_space<vmem>>
          %dma_wait3A_598 = arith.constant 0 : i32
          %dma_wait3A_599 = tpu.memref_slice %arg7[%sub3A_591, %dma_wait3A_598] : memref<40x64xi32, #tpu.memory_space<vmem>> -> memref<1x64xi32, #tpu.memory_space<vmem>>
          %dma_wait3A_600 = tpu.memref_squeeze %dma_wait3A_599 : memref<1x64xi32, #tpu.memory_space<vmem>> -> memref<64xi32, #tpu.memory_space<vmem>>
          %dma_wait3A_601 = arith.constant 0 : i32
          %dma_wait3A_602 = arith.constant 0 : i32
          %dma_wait3A_603 = tpu.memref_slice %arg10[%dma_wait3A_601, %dma_wait3A_602] : memref<10240x32xf32, #tpu.memory_space<vmem_shared>> -> memref<10240x32xf32, #tpu.memory_space<vmem_shared>>
          %dma_wait3A_604 = tpu.memref_slice %arg12[%dma_wait3A_593] : memref<10x!tpu.dma_semaphore, #tpu.memory_space<semaphore_mem>> -> memref<1x!tpu.dma_semaphore, #tpu.memory_space<semaphore_mem>>
          %dma_wait3A_605 = tpu.memref_squeeze %dma_wait3A_604 : memref<1x!tpu.dma_semaphore, #tpu.memory_space<semaphore_mem>> -> memref<!tpu.dma_semaphore, #tpu.memory_space<semaphore_mem>>
          tpu.wait_indirect_dma semaphore(%dma_wait3A_605 : memref<!tpu.dma_semaphore, #tpu.memory_space<semaphore_mem>>) src(%dma_wait3A_597 : memref<64x32xf32, #tpu.memory_space<vmem>>) dst(%dma_wait3A_603 : memref<10240x32xf32, #tpu.memory_space<vmem_shared>>)
        } else {
        }
        %add3A_206 = arith.constant 6 : i32
        %add3A_207 = arith.addi %add3A_175, %add3A_206 : i32
        %lt3A = arith.constant 40 : i32
        %lt3A_208 = arith.cmpi slt, %add3A_207, %lt3A : i32
        %convert_element_type3A_209 = arith.extui %lt3A_208 : i1 to i32
        %cond3A_210 = arith.constant 0 : i32
        %cond3A_211 = arith.cmpi ne, %convert_element_type3A_209, %cond3A_210 : i32
        scf.if %cond3A_211 {
          %add3A_591 = arith.constant 6 : i32
          %add3A_592 = arith.addi %add3A_175, %add3A_591 : i32
          %dma_start3A_593 = arith.constant 6 : i32
          %dma_start3A_594 = arith.constant 6 : i32
          %dma_start3A_595 = arith.constant 0 : i32
          %dma_start3A_596 = arith.constant 0 : i32
          %dma_start3A_597 = tpu.memref_slice %arg8[%dma_start3A_593, %dma_start3A_595, %dma_start3A_596] : memref<10x64x32xf32, #tpu.memory_space<vmem>> -> memref<1x64x32xf32, #tpu.memory_space<vmem>>
          %dma_start3A_598 = tpu.memref_squeeze %dma_start3A_597 : memref<1x64x32xf32, #tpu.memory_space<vmem>> -> memref<64x32xf32, #tpu.memory_space<vmem>>
          %dma_start3A_599 = arith.constant 0 : i32
          %dma_start3A_600 = tpu.memref_slice %arg6[%add3A_592, %dma_start3A_599] : memref<40x64xi32, #tpu.memory_space<vmem>> -> memref<1x64xi32, #tpu.memory_space<vmem>>
          %dma_start3A_601 = tpu.memref_squeeze %dma_start3A_600 : memref<1x64xi32, #tpu.memory_space<vmem>> -> memref<64xi32, #tpu.memory_space<vmem>>
          %dma_start3A_602 = arith.constant 0 : i32
          %dma_start3A_603 = arith.constant 0 : i32
          %dma_start3A_604 = tpu.memref_slice %arg9[%dma_start3A_602, %dma_start3A_603] : memref<10240x32xf32, #tpu.memory_space<vmem_shared>> -> memref<10240x32xf32, #tpu.memory_space<vmem_shared>>
          %dma_start3A_605 = tpu.memref_slice %arg11[%dma_start3A_594] : memref<10x!tpu.dma_semaphore, #tpu.memory_space<semaphore_mem>> -> memref<1x!tpu.dma_semaphore, #tpu.memory_space<semaphore_mem>>
          %dma_start3A_606 = tpu.memref_squeeze %dma_start3A_605 : memref<1x!tpu.dma_semaphore, #tpu.memory_space<semaphore_mem>> -> memref<!tpu.dma_semaphore, #tpu.memory_space<semaphore_mem>>
          tpu.enqueue_indirect_dma source(%dma_start3A_604 : memref<10240x32xf32, #tpu.memory_space<vmem_shared>>) target(%dma_start3A_598 : memref<64x32xf32, #tpu.memory_space<vmem>>) offsets(%dma_start3A_601 : memref<64xi32, #tpu.memory_space<vmem>>) semaphore(%dma_start3A_606 : memref<!tpu.dma_semaphore, #tpu.memory_space<semaphore_mem>>)
        } else {
        }
        %add3A_212 = arith.constant 1 : i32
        %add3A_213 = arith.addi %mul3A_173, %add3A_212 : i32
        %dma_wait3A_214 = arith.constant 1 : i32
        %dma_wait3A_215 = arith.constant 1 : i32
        %dma_wait3A_216 = arith.constant 0 : i32
        %dma_wait3A_217 = arith.constant 0 : i32
        %dma_wait3A_218 = tpu.memref_slice %arg8[%dma_wait3A_214, %dma_wait3A_216, %dma_wait3A_217] : memref<10x64x32xf32, #tpu.memory_space<vmem>> -> memref<1x64x32xf32, #tpu.memory_space<vmem>>
        %dma_wait3A_219 = tpu.memref_squeeze %dma_wait3A_218 : memref<1x64x32xf32, #tpu.memory_space<vmem>> -> memref<64x32xf32, #tpu.memory_space<vmem>>
        %dma_wait3A_220 = arith.constant 0 : i32
        %dma_wait3A_221 = tpu.memref_slice %arg6[%add3A_213, %dma_wait3A_220] : memref<40x64xi32, #tpu.memory_space<vmem>> -> memref<1x64xi32, #tpu.memory_space<vmem>>
        %dma_wait3A_222 = tpu.memref_squeeze %dma_wait3A_221 : memref<1x64xi32, #tpu.memory_space<vmem>> -> memref<64xi32, #tpu.memory_space<vmem>>
        %dma_wait3A_223 = arith.constant 0 : i32
        %dma_wait3A_224 = arith.constant 0 : i32
        %dma_wait3A_225 = tpu.memref_slice %arg9[%dma_wait3A_223, %dma_wait3A_224] : memref<10240x32xf32, #tpu.memory_space<vmem_shared>> -> memref<10240x32xf32, #tpu.memory_space<vmem_shared>>
        %dma_wait3A_226 = tpu.memref_slice %arg11[%dma_wait3A_215] : memref<10x!tpu.dma_semaphore, #tpu.memory_space<semaphore_mem>> -> memref<1x!tpu.dma_semaphore, #tpu.memory_space<semaphore_mem>>
        %dma_wait3A_227 = tpu.memref_squeeze %dma_wait3A_226 : memref<1x!tpu.dma_semaphore, #tpu.memory_space<semaphore_mem>> -> memref<!tpu.dma_semaphore, #tpu.memory_space<semaphore_mem>>
        tpu.wait_indirect_dma semaphore(%dma_wait3A_227 : memref<!tpu.dma_semaphore, #tpu.memory_space<semaphore_mem>>) src(%dma_wait3A_225 : memref<10240x32xf32, #tpu.memory_space<vmem_shared>>) dst(%dma_wait3A_219 : memref<64x32xf32, #tpu.memory_space<vmem>>)
        %dma_start3A_228 = arith.constant 1 : i32
        %dma_start3A_229 = arith.constant 1 : i32
        %dma_start3A_230 = arith.constant 0 : i32
        %dma_start3A_231 = arith.constant 0 : i32
        %dma_start3A_232 = tpu.memref_slice %arg8[%dma_start3A_228, %dma_start3A_230, %dma_start3A_231] : memref<10x64x32xf32, #tpu.memory_space<vmem>> -> memref<1x64x32xf32, #tpu.memory_space<vmem>>
        %dma_start3A_233 = tpu.memref_squeeze %dma_start3A_232 : memref<1x64x32xf32, #tpu.memory_space<vmem>> -> memref<64x32xf32, #tpu.memory_space<vmem>>
        %dma_start3A_234 = arith.constant 0 : i32
        %dma_start3A_235 = tpu.memref_slice %arg7[%add3A_213, %dma_start3A_234] : memref<40x64xi32, #tpu.memory_space<vmem>> -> memref<1x64xi32, #tpu.memory_space<vmem>>
        %dma_start3A_236 = tpu.memref_squeeze %dma_start3A_235 : memref<1x64xi32, #tpu.memory_space<vmem>> -> memref<64xi32, #tpu.memory_space<vmem>>
        %dma_start3A_237 = arith.constant 0 : i32
        %dma_start3A_238 = arith.constant 0 : i32
        %dma_start3A_239 = tpu.memref_slice %arg10[%dma_start3A_237, %dma_start3A_238] : memref<10240x32xf32, #tpu.memory_space<vmem_shared>> -> memref<10240x32xf32, #tpu.memory_space<vmem_shared>>
        %dma_start3A_240 = tpu.memref_slice %arg12[%dma_start3A_229] : memref<10x!tpu.dma_semaphore, #tpu.memory_space<semaphore_mem>> -> memref<1x!tpu.dma_semaphore, #tpu.memory_space<semaphore_mem>>
        %dma_start3A_241 = tpu.memref_squeeze %dma_start3A_240 : memref<1x!tpu.dma_semaphore, #tpu.memory_space<semaphore_mem>> -> memref<!tpu.dma_semaphore, #tpu.memory_space<semaphore_mem>>
        tpu.enqueue_indirect_dma source(%dma_start3A_233 : memref<64x32xf32, #tpu.memory_space<vmem>>) target(%dma_start3A_239 : memref<10240x32xf32, #tpu.memory_space<vmem_shared>>) offsets(%dma_start3A_236 : memref<64xi32, #tpu.memory_space<vmem>>) semaphore(%dma_start3A_241 : memref<!tpu.dma_semaphore, #tpu.memory_space<semaphore_mem>>) {add = true}
        %ge3A_242 = arith.constant 4 : i32
        %ge3A_243 = arith.cmpi sge, %add3A_213, %ge3A_242 : i32
        %convert_element_type3A_244 = arith.extui %ge3A_243 : i1 to i32
        %cond3A_245 = arith.constant 0 : i32
        %cond3A_246 = arith.cmpi ne, %convert_element_type3A_244, %cond3A_245 : i32
        scf.if %cond3A_246 {
          %sub3A = arith.constant 4 : i32
          %sub3A_591 = arith.subi %add3A_213, %sub3A : i32
          %dma_wait3A_592 = arith.constant 7 : i32
          %dma_wait3A_593 = arith.constant 7 : i32
          %dma_wait3A_594 = arith.constant 0 : i32
          %dma_wait3A_595 = arith.constant 0 : i32
          %dma_wait3A_596 = tpu.memref_slice %arg8[%dma_wait3A_592, %dma_wait3A_594, %dma_wait3A_595] : memref<10x64x32xf32, #tpu.memory_space<vmem>> -> memref<1x64x32xf32, #tpu.memory_space<vmem>>
          %dma_wait3A_597 = tpu.memref_squeeze %dma_wait3A_596 : memref<1x64x32xf32, #tpu.memory_space<vmem>> -> memref<64x32xf32, #tpu.memory_space<vmem>>
          %dma_wait3A_598 = arith.constant 0 : i32
          %dma_wait3A_599 = tpu.memref_slice %arg7[%sub3A_591, %dma_wait3A_598] : memref<40x64xi32, #tpu.memory_space<vmem>> -> memref<1x64xi32, #tpu.memory_space<vmem>>
          %dma_wait3A_600 = tpu.memref_squeeze %dma_wait3A_599 : memref<1x64xi32, #tpu.memory_space<vmem>> -> memref<64xi32, #tpu.memory_space<vmem>>
          %dma_wait3A_601 = arith.constant 0 : i32
          %dma_wait3A_602 = arith.constant 0 : i32
          %dma_wait3A_603 = tpu.memref_slice %arg10[%dma_wait3A_601, %dma_wait3A_602] : memref<10240x32xf32, #tpu.memory_space<vmem_shared>> -> memref<10240x32xf32, #tpu.memory_space<vmem_shared>>
          %dma_wait3A_604 = tpu.memref_slice %arg12[%dma_wait3A_593] : memref<10x!tpu.dma_semaphore, #tpu.memory_space<semaphore_mem>> -> memref<1x!tpu.dma_semaphore, #tpu.memory_space<semaphore_mem>>
          %dma_wait3A_605 = tpu.memref_squeeze %dma_wait3A_604 : memref<1x!tpu.dma_semaphore, #tpu.memory_space<semaphore_mem>> -> memref<!tpu.dma_semaphore, #tpu.memory_space<semaphore_mem>>
          tpu.wait_indirect_dma semaphore(%dma_wait3A_605 : memref<!tpu.dma_semaphore, #tpu.memory_space<semaphore_mem>>) src(%dma_wait3A_597 : memref<64x32xf32, #tpu.memory_space<vmem>>) dst(%dma_wait3A_603 : memref<10240x32xf32, #tpu.memory_space<vmem_shared>>)
        } else {
        }
        %add3A_247 = arith.constant 6 : i32
        %add3A_248 = arith.addi %add3A_213, %add3A_247 : i32
        %lt3A_249 = arith.constant 40 : i32
        %lt3A_250 = arith.cmpi slt, %add3A_248, %lt3A_249 : i32
        %convert_element_type3A_251 = arith.extui %lt3A_250 : i1 to i32
        %cond3A_252 = arith.constant 0 : i32
        %cond3A_253 = arith.cmpi ne, %convert_element_type3A_251, %cond3A_252 : i32
        scf.if %cond3A_253 {
          %add3A_591 = arith.constant 6 : i32
          %add3A_592 = arith.addi %add3A_213, %add3A_591 : i32
          %dma_start3A_593 = arith.constant 7 : i32
          %dma_start3A_594 = arith.constant 7 : i32
          %dma_start3A_595 = arith.constant 0 : i32
          %dma_start3A_596 = arith.constant 0 : i32
          %dma_start3A_597 = tpu.memref_slice %arg8[%dma_start3A_593, %dma_start3A_595, %dma_start3A_596] : memref<10x64x32xf32, #tpu.memory_space<vmem>> -> memref<1x64x32xf32, #tpu.memory_space<vmem>>
          %dma_start3A_598 = tpu.memref_squeeze %dma_start3A_597 : memref<1x64x32xf32, #tpu.memory_space<vmem>> -> memref<64x32xf32, #tpu.memory_space<vmem>>
          %dma_start3A_599 = arith.constant 0 : i32
          %dma_start3A_600 = tpu.memref_slice %arg6[%add3A_592, %dma_start3A_599] : memref<40x64xi32, #tpu.memory_space<vmem>> -> memref<1x64xi32, #tpu.memory_space<vmem>>
          %dma_start3A_601 = tpu.memref_squeeze %dma_start3A_600 : memref<1x64xi32, #tpu.memory_space<vmem>> -> memref<64xi32, #tpu.memory_space<vmem>>
          %dma_start3A_602 = arith.constant 0 : i32
          %dma_start3A_603 = arith.constant 0 : i32
          %dma_start3A_604 = tpu.memref_slice %arg9[%dma_start3A_602, %dma_start3A_603] : memref<10240x32xf32, #tpu.memory_space<vmem_shared>> -> memref<10240x32xf32, #tpu.memory_space<vmem_shared>>
          %dma_start3A_605 = tpu.memref_slice %arg11[%dma_start3A_594] : memref<10x!tpu.dma_semaphore, #tpu.memory_space<semaphore_mem>> -> memref<1x!tpu.dma_semaphore, #tpu.memory_space<semaphore_mem>>
          %dma_start3A_606 = tpu.memref_squeeze %dma_start3A_605 : memref<1x!tpu.dma_semaphore, #tpu.memory_space<semaphore_mem>> -> memref<!tpu.dma_semaphore, #tpu.memory_space<semaphore_mem>>
          tpu.enqueue_indirect_dma source(%dma_start3A_604 : memref<10240x32xf32, #tpu.memory_space<vmem_shared>>) target(%dma_start3A_598 : memref<64x32xf32, #tpu.memory_space<vmem>>) offsets(%dma_start3A_601 : memref<64xi32, #tpu.memory_space<vmem>>) semaphore(%dma_start3A_606 : memref<!tpu.dma_semaphore, #tpu.memory_space<semaphore_mem>>)
        } else {
        }
        %add3A_254 = arith.constant 2 : i32
        %add3A_255 = arith.addi %mul3A_173, %add3A_254 : i32
        %dma_wait3A_256 = arith.constant 2 : i32
        %dma_wait3A_257 = arith.constant 2 : i32
        %dma_wait3A_258 = arith.constant 0 : i32
        %dma_wait3A_259 = arith.constant 0 : i32
        %dma_wait3A_260 = tpu.memref_slice %arg8[%dma_wait3A_256, %dma_wait3A_258, %dma_wait3A_259] : memref<10x64x32xf32, #tpu.memory_space<vmem>> -> memref<1x64x32xf32, #tpu.memory_space<vmem>>
        %dma_wait3A_261 = tpu.memref_squeeze %dma_wait3A_260 : memref<1x64x32xf32, #tpu.memory_space<vmem>> -> memref<64x32xf32, #tpu.memory_space<vmem>>
        %dma_wait3A_262 = arith.constant 0 : i32
        %dma_wait3A_263 = tpu.memref_slice %arg6[%add3A_255, %dma_wait3A_262] : memref<40x64xi32, #tpu.memory_space<vmem>> -> memref<1x64xi32, #tpu.memory_space<vmem>>
        %dma_wait3A_264 = tpu.memref_squeeze %dma_wait3A_263 : memref<1x64xi32, #tpu.memory_space<vmem>> -> memref<64xi32, #tpu.memory_space<vmem>>
        %dma_wait3A_265 = arith.constant 0 : i32
        %dma_wait3A_266 = arith.constant 0 : i32
        %dma_wait3A_267 = tpu.memref_slice %arg9[%dma_wait3A_265, %dma_wait3A_266] : memref<10240x32xf32, #tpu.memory_space<vmem_shared>> -> memref<10240x32xf32, #tpu.memory_space<vmem_shared>>
        %dma_wait3A_268 = tpu.memref_slice %arg11[%dma_wait3A_257] : memref<10x!tpu.dma_semaphore, #tpu.memory_space<semaphore_mem>> -> memref<1x!tpu.dma_semaphore, #tpu.memory_space<semaphore_mem>>
        %dma_wait3A_269 = tpu.memref_squeeze %dma_wait3A_268 : memref<1x!tpu.dma_semaphore, #tpu.memory_space<semaphore_mem>> -> memref<!tpu.dma_semaphore, #tpu.memory_space<semaphore_mem>>
        tpu.wait_indirect_dma semaphore(%dma_wait3A_269 : memref<!tpu.dma_semaphore, #tpu.memory_space<semaphore_mem>>) src(%dma_wait3A_267 : memref<10240x32xf32, #tpu.memory_space<vmem_shared>>) dst(%dma_wait3A_261 : memref<64x32xf32, #tpu.memory_space<vmem>>)
        %dma_start3A_270 = arith.constant 2 : i32
        %dma_start3A_271 = arith.constant 2 : i32
        %dma_start3A_272 = arith.constant 0 : i32
        %dma_start3A_273 = arith.constant 0 : i32
        %dma_start3A_274 = tpu.memref_slice %arg8[%dma_start3A_270, %dma_start3A_272, %dma_start3A_273] : memref<10x64x32xf32, #tpu.memory_space<vmem>> -> memref<1x64x32xf32, #tpu.memory_space<vmem>>
        %dma_start3A_275 = tpu.memref_squeeze %dma_start3A_274 : memref<1x64x32xf32, #tpu.memory_space<vmem>> -> memref<64x32xf32, #tpu.memory_space<vmem>>
        %dma_start3A_276 = arith.constant 0 : i32
        %dma_start3A_277 = tpu.memref_slice %arg7[%add3A_255, %dma_start3A_276] : memref<40x64xi32, #tpu.memory_space<vmem>> -> memref<1x64xi32, #tpu.memory_space<vmem>>
        %dma_start3A_278 = tpu.memref_squeeze %dma_start3A_277 : memref<1x64xi32, #tpu.memory_space<vmem>> -> memref<64xi32, #tpu.memory_space<vmem>>
        %dma_start3A_279 = arith.constant 0 : i32
        %dma_start3A_280 = arith.constant 0 : i32
        %dma_start3A_281 = tpu.memref_slice %arg10[%dma_start3A_279, %dma_start3A_280] : memref<10240x32xf32, #tpu.memory_space<vmem_shared>> -> memref<10240x32xf32, #tpu.memory_space<vmem_shared>>
        %dma_start3A_282 = tpu.memref_slice %arg12[%dma_start3A_271] : memref<10x!tpu.dma_semaphore, #tpu.memory_space<semaphore_mem>> -> memref<1x!tpu.dma_semaphore, #tpu.memory_space<semaphore_mem>>
        %dma_start3A_283 = tpu.memref_squeeze %dma_start3A_282 : memref<1x!tpu.dma_semaphore, #tpu.memory_space<semaphore_mem>> -> memref<!tpu.dma_semaphore, #tpu.memory_space<semaphore_mem>>
        tpu.enqueue_indirect_dma source(%dma_start3A_275 : memref<64x32xf32, #tpu.memory_space<vmem>>) target(%dma_start3A_281 : memref<10240x32xf32, #tpu.memory_space<vmem_shared>>) offsets(%dma_start3A_278 : memref<64xi32, #tpu.memory_space<vmem>>) semaphore(%dma_start3A_283 : memref<!tpu.dma_semaphore, #tpu.memory_space<semaphore_mem>>) {add = true}
        %ge3A_284 = arith.constant 4 : i32
        %ge3A_285 = arith.cmpi sge, %add3A_255, %ge3A_284 : i32
        %convert_element_type3A_286 = arith.extui %ge3A_285 : i1 to i32
        %cond3A_287 = arith.constant 0 : i32
        %cond3A_288 = arith.cmpi ne, %convert_element_type3A_286, %cond3A_287 : i32
        scf.if %cond3A_288 {
          %sub3A = arith.constant 4 : i32
          %sub3A_591 = arith.subi %add3A_255, %sub3A : i32
          %dma_wait3A_592 = arith.constant 8 : i32
          %dma_wait3A_593 = arith.constant 8 : i32
          %dma_wait3A_594 = arith.constant 0 : i32
          %dma_wait3A_595 = arith.constant 0 : i32
          %dma_wait3A_596 = tpu.memref_slice %arg8[%dma_wait3A_592, %dma_wait3A_594, %dma_wait3A_595] : memref<10x64x32xf32, #tpu.memory_space<vmem>> -> memref<1x64x32xf32, #tpu.memory_space<vmem>>
          %dma_wait3A_597 = tpu.memref_squeeze %dma_wait3A_596 : memref<1x64x32xf32, #tpu.memory_space<vmem>> -> memref<64x32xf32, #tpu.memory_space<vmem>>
          %dma_wait3A_598 = arith.constant 0 : i32
          %dma_wait3A_599 = tpu.memref_slice %arg7[%sub3A_591, %dma_wait3A_598] : memref<40x64xi32, #tpu.memory_space<vmem>> -> memref<1x64xi32, #tpu.memory_space<vmem>>
          %dma_wait3A_600 = tpu.memref_squeeze %dma_wait3A_599 : memref<1x64xi32, #tpu.memory_space<vmem>> -> memref<64xi32, #tpu.memory_space<vmem>>
          %dma_wait3A_601 = arith.constant 0 : i32
          %dma_wait3A_602 = arith.constant 0 : i32
          %dma_wait3A_603 = tpu.memref_slice %arg10[%dma_wait3A_601, %dma_wait3A_602] : memref<10240x32xf32, #tpu.memory_space<vmem_shared>> -> memref<10240x32xf32, #tpu.memory_space<vmem_shared>>
          %dma_wait3A_604 = tpu.memref_slice %arg12[%dma_wait3A_593] : memref<10x!tpu.dma_semaphore, #tpu.memory_space<semaphore_mem>> -> memref<1x!tpu.dma_semaphore, #tpu.memory_space<semaphore_mem>>
          %dma_wait3A_605 = tpu.memref_squeeze %dma_wait3A_604 : memref<1x!tpu.dma_semaphore, #tpu.memory_space<semaphore_mem>> -> memref<!tpu.dma_semaphore, #tpu.memory_space<semaphore_mem>>
          tpu.wait_indirect_dma semaphore(%dma_wait3A_605 : memref<!tpu.dma_semaphore, #tpu.memory_space<semaphore_mem>>) src(%dma_wait3A_597 : memref<64x32xf32, #tpu.memory_space<vmem>>) dst(%dma_wait3A_603 : memref<10240x32xf32, #tpu.memory_space<vmem_shared>>)
        } else {
        }
        %add3A_289 = arith.constant 6 : i32
        %add3A_290 = arith.addi %add3A_255, %add3A_289 : i32
        %lt3A_291 = arith.constant 40 : i32
        %lt3A_292 = arith.cmpi slt, %add3A_290, %lt3A_291 : i32
        %convert_element_type3A_293 = arith.extui %lt3A_292 : i1 to i32
        %cond3A_294 = arith.constant 0 : i32
        %cond3A_295 = arith.cmpi ne, %convert_element_type3A_293, %cond3A_294 : i32
        scf.if %cond3A_295 {
          %add3A_591 = arith.constant 6 : i32
          %add3A_592 = arith.addi %add3A_255, %add3A_591 : i32
          %dma_start3A_593 = arith.constant 8 : i32
          %dma_start3A_594 = arith.constant 8 : i32
          %dma_start3A_595 = arith.constant 0 : i32
          %dma_start3A_596 = arith.constant 0 : i32
          %dma_start3A_597 = tpu.memref_slice %arg8[%dma_start3A_593, %dma_start3A_595, %dma_start3A_596] : memref<10x64x32xf32, #tpu.memory_space<vmem>> -> memref<1x64x32xf32, #tpu.memory_space<vmem>>
          %dma_start3A_598 = tpu.memref_squeeze %dma_start3A_597 : memref<1x64x32xf32, #tpu.memory_space<vmem>> -> memref<64x32xf32, #tpu.memory_space<vmem>>
          %dma_start3A_599 = arith.constant 0 : i32
          %dma_start3A_600 = tpu.memref_slice %arg6[%add3A_592, %dma_start3A_599] : memref<40x64xi32, #tpu.memory_space<vmem>> -> memref<1x64xi32, #tpu.memory_space<vmem>>
          %dma_start3A_601 = tpu.memref_squeeze %dma_start3A_600 : memref<1x64xi32, #tpu.memory_space<vmem>> -> memref<64xi32, #tpu.memory_space<vmem>>
          %dma_start3A_602 = arith.constant 0 : i32
          %dma_start3A_603 = arith.constant 0 : i32
          %dma_start3A_604 = tpu.memref_slice %arg9[%dma_start3A_602, %dma_start3A_603] : memref<10240x32xf32, #tpu.memory_space<vmem_shared>> -> memref<10240x32xf32, #tpu.memory_space<vmem_shared>>
          %dma_start3A_605 = tpu.memref_slice %arg11[%dma_start3A_594] : memref<10x!tpu.dma_semaphore, #tpu.memory_space<semaphore_mem>> -> memref<1x!tpu.dma_semaphore, #tpu.memory_space<semaphore_mem>>
          %dma_start3A_606 = tpu.memref_squeeze %dma_start3A_605 : memref<1x!tpu.dma_semaphore, #tpu.memory_space<semaphore_mem>> -> memref<!tpu.dma_semaphore, #tpu.memory_space<semaphore_mem>>
          tpu.enqueue_indirect_dma source(%dma_start3A_604 : memref<10240x32xf32, #tpu.memory_space<vmem_shared>>) target(%dma_start3A_598 : memref<64x32xf32, #tpu.memory_space<vmem>>) offsets(%dma_start3A_601 : memref<64xi32, #tpu.memory_space<vmem>>) semaphore(%dma_start3A_606 : memref<!tpu.dma_semaphore, #tpu.memory_space<semaphore_mem>>)
        } else {
        }
        %add3A_296 = arith.constant 3 : i32
        %add3A_297 = arith.addi %mul3A_173, %add3A_296 : i32
        %dma_wait3A_298 = arith.constant 3 : i32
        %dma_wait3A_299 = arith.constant 3 : i32
        %dma_wait3A_300 = arith.constant 0 : i32
        %dma_wait3A_301 = arith.constant 0 : i32
        %dma_wait3A_302 = tpu.memref_slice %arg8[%dma_wait3A_298, %dma_wait3A_300, %dma_wait3A_301] : memref<10x64x32xf32, #tpu.memory_space<vmem>> -> memref<1x64x32xf32, #tpu.memory_space<vmem>>
        %dma_wait3A_303 = tpu.memref_squeeze %dma_wait3A_302 : memref<1x64x32xf32, #tpu.memory_space<vmem>> -> memref<64x32xf32, #tpu.memory_space<vmem>>
        %dma_wait3A_304 = arith.constant 0 : i32
        %dma_wait3A_305 = tpu.memref_slice %arg6[%add3A_297, %dma_wait3A_304] : memref<40x64xi32, #tpu.memory_space<vmem>> -> memref<1x64xi32, #tpu.memory_space<vmem>>
        %dma_wait3A_306 = tpu.memref_squeeze %dma_wait3A_305 : memref<1x64xi32, #tpu.memory_space<vmem>> -> memref<64xi32, #tpu.memory_space<vmem>>
        %dma_wait3A_307 = arith.constant 0 : i32
        %dma_wait3A_308 = arith.constant 0 : i32
        %dma_wait3A_309 = tpu.memref_slice %arg9[%dma_wait3A_307, %dma_wait3A_308] : memref<10240x32xf32, #tpu.memory_space<vmem_shared>> -> memref<10240x32xf32, #tpu.memory_space<vmem_shared>>
        %dma_wait3A_310 = tpu.memref_slice %arg11[%dma_wait3A_299] : memref<10x!tpu.dma_semaphore, #tpu.memory_space<semaphore_mem>> -> memref<1x!tpu.dma_semaphore, #tpu.memory_space<semaphore_mem>>
        %dma_wait3A_311 = tpu.memref_squeeze %dma_wait3A_310 : memref<1x!tpu.dma_semaphore, #tpu.memory_space<semaphore_mem>> -> memref<!tpu.dma_semaphore, #tpu.memory_space<semaphore_mem>>
        tpu.wait_indirect_dma semaphore(%dma_wait3A_311 : memref<!tpu.dma_semaphore, #tpu.memory_space<semaphore_mem>>) src(%dma_wait3A_309 : memref<10240x32xf32, #tpu.memory_space<vmem_shared>>) dst(%dma_wait3A_303 : memref<64x32xf32, #tpu.memory_space<vmem>>)
        %dma_start3A_312 = arith.constant 3 : i32
        %dma_start3A_313 = arith.constant 3 : i32
        %dma_start3A_314 = arith.constant 0 : i32
        %dma_start3A_315 = arith.constant 0 : i32
        %dma_start3A_316 = tpu.memref_slice %arg8[%dma_start3A_312, %dma_start3A_314, %dma_start3A_315] : memref<10x64x32xf32, #tpu.memory_space<vmem>> -> memref<1x64x32xf32, #tpu.memory_space<vmem>>
        %dma_start3A_317 = tpu.memref_squeeze %dma_start3A_316 : memref<1x64x32xf32, #tpu.memory_space<vmem>> -> memref<64x32xf32, #tpu.memory_space<vmem>>
        %dma_start3A_318 = arith.constant 0 : i32
        %dma_start3A_319 = tpu.memref_slice %arg7[%add3A_297, %dma_start3A_318] : memref<40x64xi32, #tpu.memory_space<vmem>> -> memref<1x64xi32, #tpu.memory_space<vmem>>
        %dma_start3A_320 = tpu.memref_squeeze %dma_start3A_319 : memref<1x64xi32, #tpu.memory_space<vmem>> -> memref<64xi32, #tpu.memory_space<vmem>>
        %dma_start3A_321 = arith.constant 0 : i32
        %dma_start3A_322 = arith.constant 0 : i32
        %dma_start3A_323 = tpu.memref_slice %arg10[%dma_start3A_321, %dma_start3A_322] : memref<10240x32xf32, #tpu.memory_space<vmem_shared>> -> memref<10240x32xf32, #tpu.memory_space<vmem_shared>>
        %dma_start3A_324 = tpu.memref_slice %arg12[%dma_start3A_313] : memref<10x!tpu.dma_semaphore, #tpu.memory_space<semaphore_mem>> -> memref<1x!tpu.dma_semaphore, #tpu.memory_space<semaphore_mem>>
        %dma_start3A_325 = tpu.memref_squeeze %dma_start3A_324 : memref<1x!tpu.dma_semaphore, #tpu.memory_space<semaphore_mem>> -> memref<!tpu.dma_semaphore, #tpu.memory_space<semaphore_mem>>
        tpu.enqueue_indirect_dma source(%dma_start3A_317 : memref<64x32xf32, #tpu.memory_space<vmem>>) target(%dma_start3A_323 : memref<10240x32xf32, #tpu.memory_space<vmem_shared>>) offsets(%dma_start3A_320 : memref<64xi32, #tpu.memory_space<vmem>>) semaphore(%dma_start3A_325 : memref<!tpu.dma_semaphore, #tpu.memory_space<semaphore_mem>>) {add = true}
        %ge3A_326 = arith.constant 4 : i32
        %ge3A_327 = arith.cmpi sge, %add3A_297, %ge3A_326 : i32
        %convert_element_type3A_328 = arith.extui %ge3A_327 : i1 to i32
        %cond3A_329 = arith.constant 0 : i32
        %cond3A_330 = arith.cmpi ne, %convert_element_type3A_328, %cond3A_329 : i32
        scf.if %cond3A_330 {
          %sub3A = arith.constant 4 : i32
          %sub3A_591 = arith.subi %add3A_297, %sub3A : i32
          %dma_wait3A_592 = arith.constant 9 : i32
          %dma_wait3A_593 = arith.constant 9 : i32
          %dma_wait3A_594 = arith.constant 0 : i32
          %dma_wait3A_595 = arith.constant 0 : i32
          %dma_wait3A_596 = tpu.memref_slice %arg8[%dma_wait3A_592, %dma_wait3A_594, %dma_wait3A_595] : memref<10x64x32xf32, #tpu.memory_space<vmem>> -> memref<1x64x32xf32, #tpu.memory_space<vmem>>
          %dma_wait3A_597 = tpu.memref_squeeze %dma_wait3A_596 : memref<1x64x32xf32, #tpu.memory_space<vmem>> -> memref<64x32xf32, #tpu.memory_space<vmem>>
          %dma_wait3A_598 = arith.constant 0 : i32
          %dma_wait3A_599 = tpu.memref_slice %arg7[%sub3A_591, %dma_wait3A_598] : memref<40x64xi32, #tpu.memory_space<vmem>> -> memref<1x64xi32, #tpu.memory_space<vmem>>
          %dma_wait3A_600 = tpu.memref_squeeze %dma_wait3A_599 : memref<1x64xi32, #tpu.memory_space<vmem>> -> memref<64xi32, #tpu.memory_space<vmem>>
          %dma_wait3A_601 = arith.constant 0 : i32
          %dma_wait3A_602 = arith.constant 0 : i32
          %dma_wait3A_603 = tpu.memref_slice %arg10[%dma_wait3A_601, %dma_wait3A_602] : memref<10240x32xf32, #tpu.memory_space<vmem_shared>> -> memref<10240x32xf32, #tpu.memory_space<vmem_shared>>
          %dma_wait3A_604 = tpu.memref_slice %arg12[%dma_wait3A_593] : memref<10x!tpu.dma_semaphore, #tpu.memory_space<semaphore_mem>> -> memref<1x!tpu.dma_semaphore, #tpu.memory_space<semaphore_mem>>
          %dma_wait3A_605 = tpu.memref_squeeze %dma_wait3A_604 : memref<1x!tpu.dma_semaphore, #tpu.memory_space<semaphore_mem>> -> memref<!tpu.dma_semaphore, #tpu.memory_space<semaphore_mem>>
          tpu.wait_indirect_dma semaphore(%dma_wait3A_605 : memref<!tpu.dma_semaphore, #tpu.memory_space<semaphore_mem>>) src(%dma_wait3A_597 : memref<64x32xf32, #tpu.memory_space<vmem>>) dst(%dma_wait3A_603 : memref<10240x32xf32, #tpu.memory_space<vmem_shared>>)
        } else {
        }
        %add3A_331 = arith.constant 6 : i32
        %add3A_332 = arith.addi %add3A_297, %add3A_331 : i32
        %lt3A_333 = arith.constant 40 : i32
        %lt3A_334 = arith.cmpi slt, %add3A_332, %lt3A_333 : i32
        %convert_element_type3A_335 = arith.extui %lt3A_334 : i1 to i32
        %cond3A_336 = arith.constant 0 : i32
        %cond3A_337 = arith.cmpi ne, %convert_element_type3A_335, %cond3A_336 : i32
        scf.if %cond3A_337 {
          %add3A_591 = arith.constant 6 : i32
          %add3A_592 = arith.addi %add3A_297, %add3A_591 : i32
          %dma_start3A_593 = arith.constant 9 : i32
          %dma_start3A_594 = arith.constant 9 : i32
          %dma_start3A_595 = arith.constant 0 : i32
          %dma_start3A_596 = arith.constant 0 : i32
          %dma_start3A_597 = tpu.memref_slice %arg8[%dma_start3A_593, %dma_start3A_595, %dma_start3A_596] : memref<10x64x32xf32, #tpu.memory_space<vmem>> -> memref<1x64x32xf32, #tpu.memory_space<vmem>>
          %dma_start3A_598 = tpu.memref_squeeze %dma_start3A_597 : memref<1x64x32xf32, #tpu.memory_space<vmem>> -> memref<64x32xf32, #tpu.memory_space<vmem>>
          %dma_start3A_599 = arith.constant 0 : i32
          %dma_start3A_600 = tpu.memref_slice %arg6[%add3A_592, %dma_start3A_599] : memref<40x64xi32, #tpu.memory_space<vmem>> -> memref<1x64xi32, #tpu.memory_space<vmem>>
          %dma_start3A_601 = tpu.memref_squeeze %dma_start3A_600 : memref<1x64xi32, #tpu.memory_space<vmem>> -> memref<64xi32, #tpu.memory_space<vmem>>
          %dma_start3A_602 = arith.constant 0 : i32
          %dma_start3A_603 = arith.constant 0 : i32
          %dma_start3A_604 = tpu.memref_slice %arg9[%dma_start3A_602, %dma_start3A_603] : memref<10240x32xf32, #tpu.memory_space<vmem_shared>> -> memref<10240x32xf32, #tpu.memory_space<vmem_shared>>
          %dma_start3A_605 = tpu.memref_slice %arg11[%dma_start3A_594] : memref<10x!tpu.dma_semaphore, #tpu.memory_space<semaphore_mem>> -> memref<1x!tpu.dma_semaphore, #tpu.memory_space<semaphore_mem>>
          %dma_start3A_606 = tpu.memref_squeeze %dma_start3A_605 : memref<1x!tpu.dma_semaphore, #tpu.memory_space<semaphore_mem>> -> memref<!tpu.dma_semaphore, #tpu.memory_space<semaphore_mem>>
          tpu.enqueue_indirect_dma source(%dma_start3A_604 : memref<10240x32xf32, #tpu.memory_space<vmem_shared>>) target(%dma_start3A_598 : memref<64x32xf32, #tpu.memory_space<vmem>>) offsets(%dma_start3A_601 : memref<64xi32, #tpu.memory_space<vmem>>) semaphore(%dma_start3A_606 : memref<!tpu.dma_semaphore, #tpu.memory_space<semaphore_mem>>)
        } else {
        }
        %add3A_338 = arith.constant 4 : i32
        %add3A_339 = arith.addi %mul3A_173, %add3A_338 : i32
        %dma_wait3A_340 = arith.constant 4 : i32
        %dma_wait3A_341 = arith.constant 4 : i32
        %dma_wait3A_342 = arith.constant 0 : i32
        %dma_wait3A_343 = arith.constant 0 : i32
        %dma_wait3A_344 = tpu.memref_slice %arg8[%dma_wait3A_340, %dma_wait3A_342, %dma_wait3A_343] : memref<10x64x32xf32, #tpu.memory_space<vmem>> -> memref<1x64x32xf32, #tpu.memory_space<vmem>>
        %dma_wait3A_345 = tpu.memref_squeeze %dma_wait3A_344 : memref<1x64x32xf32, #tpu.memory_space<vmem>> -> memref<64x32xf32, #tpu.memory_space<vmem>>
        %dma_wait3A_346 = arith.constant 0 : i32
        %dma_wait3A_347 = tpu.memref_slice %arg6[%add3A_339, %dma_wait3A_346] : memref<40x64xi32, #tpu.memory_space<vmem>> -> memref<1x64xi32, #tpu.memory_space<vmem>>
        %dma_wait3A_348 = tpu.memref_squeeze %dma_wait3A_347 : memref<1x64xi32, #tpu.memory_space<vmem>> -> memref<64xi32, #tpu.memory_space<vmem>>
        %dma_wait3A_349 = arith.constant 0 : i32
        %dma_wait3A_350 = arith.constant 0 : i32
        %dma_wait3A_351 = tpu.memref_slice %arg9[%dma_wait3A_349, %dma_wait3A_350] : memref<10240x32xf32, #tpu.memory_space<vmem_shared>> -> memref<10240x32xf32, #tpu.memory_space<vmem_shared>>
        %dma_wait3A_352 = tpu.memref_slice %arg11[%dma_wait3A_341] : memref<10x!tpu.dma_semaphore, #tpu.memory_space<semaphore_mem>> -> memref<1x!tpu.dma_semaphore, #tpu.memory_space<semaphore_mem>>
        %dma_wait3A_353 = tpu.memref_squeeze %dma_wait3A_352 : memref<1x!tpu.dma_semaphore, #tpu.memory_space<semaphore_mem>> -> memref<!tpu.dma_semaphore, #tpu.memory_space<semaphore_mem>>
        tpu.wait_indirect_dma semaphore(%dma_wait3A_353 : memref<!tpu.dma_semaphore, #tpu.memory_space<semaphore_mem>>) src(%dma_wait3A_351 : memref<10240x32xf32, #tpu.memory_space<vmem_shared>>) dst(%dma_wait3A_345 : memref<64x32xf32, #tpu.memory_space<vmem>>)
        %dma_start3A_354 = arith.constant 4 : i32
        %dma_start3A_355 = arith.constant 4 : i32
        %dma_start3A_356 = arith.constant 0 : i32
        %dma_start3A_357 = arith.constant 0 : i32
        %dma_start3A_358 = tpu.memref_slice %arg8[%dma_start3A_354, %dma_start3A_356, %dma_start3A_357] : memref<10x64x32xf32, #tpu.memory_space<vmem>> -> memref<1x64x32xf32, #tpu.memory_space<vmem>>
        %dma_start3A_359 = tpu.memref_squeeze %dma_start3A_358 : memref<1x64x32xf32, #tpu.memory_space<vmem>> -> memref<64x32xf32, #tpu.memory_space<vmem>>
        %dma_start3A_360 = arith.constant 0 : i32
        %dma_start3A_361 = tpu.memref_slice %arg7[%add3A_339, %dma_start3A_360] : memref<40x64xi32, #tpu.memory_space<vmem>> -> memref<1x64xi32, #tpu.memory_space<vmem>>
        %dma_start3A_362 = tpu.memref_squeeze %dma_start3A_361 : memref<1x64xi32, #tpu.memory_space<vmem>> -> memref<64xi32, #tpu.memory_space<vmem>>
        %dma_start3A_363 = arith.constant 0 : i32
        %dma_start3A_364 = arith.constant 0 : i32
        %dma_start3A_365 = tpu.memref_slice %arg10[%dma_start3A_363, %dma_start3A_364] : memref<10240x32xf32, #tpu.memory_space<vmem_shared>> -> memref<10240x32xf32, #tpu.memory_space<vmem_shared>>
        %dma_start3A_366 = tpu.memref_slice %arg12[%dma_start3A_355] : memref<10x!tpu.dma_semaphore, #tpu.memory_space<semaphore_mem>> -> memref<1x!tpu.dma_semaphore, #tpu.memory_space<semaphore_mem>>
        %dma_start3A_367 = tpu.memref_squeeze %dma_start3A_366 : memref<1x!tpu.dma_semaphore, #tpu.memory_space<semaphore_mem>> -> memref<!tpu.dma_semaphore, #tpu.memory_space<semaphore_mem>>
        tpu.enqueue_indirect_dma source(%dma_start3A_359 : memref<64x32xf32, #tpu.memory_space<vmem>>) target(%dma_start3A_365 : memref<10240x32xf32, #tpu.memory_space<vmem_shared>>) offsets(%dma_start3A_362 : memref<64xi32, #tpu.memory_space<vmem>>) semaphore(%dma_start3A_367 : memref<!tpu.dma_semaphore, #tpu.memory_space<semaphore_mem>>) {add = true}
        %ge3A_368 = arith.constant 4 : i32
        %ge3A_369 = arith.cmpi sge, %add3A_339, %ge3A_368 : i32
        %convert_element_type3A_370 = arith.extui %ge3A_369 : i1 to i32
        %cond3A_371 = arith.constant 0 : i32
        %cond3A_372 = arith.cmpi ne, %convert_element_type3A_370, %cond3A_371 : i32
        scf.if %cond3A_372 {
          %sub3A = arith.constant 4 : i32
          %sub3A_591 = arith.subi %add3A_339, %sub3A : i32
          %dma_wait3A_592 = arith.constant 0 : i32
          %dma_wait3A_593 = arith.constant 0 : i32
          %dma_wait3A_594 = arith.constant 0 : i32
          %dma_wait3A_595 = arith.constant 0 : i32
          %dma_wait3A_596 = tpu.memref_slice %arg8[%dma_wait3A_592, %dma_wait3A_594, %dma_wait3A_595] : memref<10x64x32xf32, #tpu.memory_space<vmem>> -> memref<1x64x32xf32, #tpu.memory_space<vmem>>
          %dma_wait3A_597 = tpu.memref_squeeze %dma_wait3A_596 : memref<1x64x32xf32, #tpu.memory_space<vmem>> -> memref<64x32xf32, #tpu.memory_space<vmem>>
          %dma_wait3A_598 = arith.constant 0 : i32
          %dma_wait3A_599 = tpu.memref_slice %arg7[%sub3A_591, %dma_wait3A_598] : memref<40x64xi32, #tpu.memory_space<vmem>> -> memref<1x64xi32, #tpu.memory_space<vmem>>
          %dma_wait3A_600 = tpu.memref_squeeze %dma_wait3A_599 : memref<1x64xi32, #tpu.memory_space<vmem>> -> memref<64xi32, #tpu.memory_space<vmem>>
          %dma_wait3A_601 = arith.constant 0 : i32
          %dma_wait3A_602 = arith.constant 0 : i32
          %dma_wait3A_603 = tpu.memref_slice %arg10[%dma_wait3A_601, %dma_wait3A_602] : memref<10240x32xf32, #tpu.memory_space<vmem_shared>> -> memref<10240x32xf32, #tpu.memory_space<vmem_shared>>
          %dma_wait3A_604 = tpu.memref_slice %arg12[%dma_wait3A_593] : memref<10x!tpu.dma_semaphore, #tpu.memory_space<semaphore_mem>> -> memref<1x!tpu.dma_semaphore, #tpu.memory_space<semaphore_mem>>
          %dma_wait3A_605 = tpu.memref_squeeze %dma_wait3A_604 : memref<1x!tpu.dma_semaphore, #tpu.memory_space<semaphore_mem>> -> memref<!tpu.dma_semaphore, #tpu.memory_space<semaphore_mem>>
          tpu.wait_indirect_dma semaphore(%dma_wait3A_605 : memref<!tpu.dma_semaphore, #tpu.memory_space<semaphore_mem>>) src(%dma_wait3A_597 : memref<64x32xf32, #tpu.memory_space<vmem>>) dst(%dma_wait3A_603 : memref<10240x32xf32, #tpu.memory_space<vmem_shared>>)
        } else {
        }
        %add3A_373 = arith.constant 6 : i32
        %add3A_374 = arith.addi %add3A_339, %add3A_373 : i32
        %lt3A_375 = arith.constant 40 : i32
        %lt3A_376 = arith.cmpi slt, %add3A_374, %lt3A_375 : i32
        %convert_element_type3A_377 = arith.extui %lt3A_376 : i1 to i32
        %cond3A_378 = arith.constant 0 : i32
        %cond3A_379 = arith.cmpi ne, %convert_element_type3A_377, %cond3A_378 : i32
        scf.if %cond3A_379 {
          %add3A_591 = arith.constant 6 : i32
          %add3A_592 = arith.addi %add3A_339, %add3A_591 : i32
          %dma_start3A_593 = arith.constant 0 : i32
          %dma_start3A_594 = arith.constant 0 : i32
          %dma_start3A_595 = arith.constant 0 : i32
          %dma_start3A_596 = arith.constant 0 : i32
          %dma_start3A_597 = tpu.memref_slice %arg8[%dma_start3A_593, %dma_start3A_595, %dma_start3A_596] : memref<10x64x32xf32, #tpu.memory_space<vmem>> -> memref<1x64x32xf32, #tpu.memory_space<vmem>>
          %dma_start3A_598 = tpu.memref_squeeze %dma_start3A_597 : memref<1x64x32xf32, #tpu.memory_space<vmem>> -> memref<64x32xf32, #tpu.memory_space<vmem>>
          %dma_start3A_599 = arith.constant 0 : i32
          %dma_start3A_600 = tpu.memref_slice %arg6[%add3A_592, %dma_start3A_599] : memref<40x64xi32, #tpu.memory_space<vmem>> -> memref<1x64xi32, #tpu.memory_space<vmem>>
          %dma_start3A_601 = tpu.memref_squeeze %dma_start3A_600 : memref<1x64xi32, #tpu.memory_space<vmem>> -> memref<64xi32, #tpu.memory_space<vmem>>
          %dma_start3A_602 = arith.constant 0 : i32
          %dma_start3A_603 = arith.constant 0 : i32
          %dma_start3A_604 = tpu.memref_slice %arg9[%dma_start3A_602, %dma_start3A_603] : memref<10240x32xf32, #tpu.memory_space<vmem_shared>> -> memref<10240x32xf32, #tpu.memory_space<vmem_shared>>
          %dma_start3A_605 = tpu.memref_slice %arg11[%dma_start3A_594] : memref<10x!tpu.dma_semaphore, #tpu.memory_space<semaphore_mem>> -> memref<1x!tpu.dma_semaphore, #tpu.memory_space<semaphore_mem>>
          %dma_start3A_606 = tpu.memref_squeeze %dma_start3A_605 : memref<1x!tpu.dma_semaphore, #tpu.memory_space<semaphore_mem>> -> memref<!tpu.dma_semaphore, #tpu.memory_space<semaphore_mem>>
          tpu.enqueue_indirect_dma source(%dma_start3A_604 : memref<10240x32xf32, #tpu.memory_space<vmem_shared>>) target(%dma_start3A_598 : memref<64x32xf32, #tpu.memory_space<vmem>>) offsets(%dma_start3A_601 : memref<64xi32, #tpu.memory_space<vmem>>) semaphore(%dma_start3A_606 : memref<!tpu.dma_semaphore, #tpu.memory_space<semaphore_mem>>)
        } else {
        }
        %add3A_380 = arith.constant 5 : i32
        %add3A_381 = arith.addi %mul3A_173, %add3A_380 : i32
        %dma_wait3A_382 = arith.constant 5 : i32
        %dma_wait3A_383 = arith.constant 5 : i32
        %dma_wait3A_384 = arith.constant 0 : i32
        %dma_wait3A_385 = arith.constant 0 : i32
        %dma_wait3A_386 = tpu.memref_slice %arg8[%dma_wait3A_382, %dma_wait3A_384, %dma_wait3A_385] : memref<10x64x32xf32, #tpu.memory_space<vmem>> -> memref<1x64x32xf32, #tpu.memory_space<vmem>>
        %dma_wait3A_387 = tpu.memref_squeeze %dma_wait3A_386 : memref<1x64x32xf32, #tpu.memory_space<vmem>> -> memref<64x32xf32, #tpu.memory_space<vmem>>
        %dma_wait3A_388 = arith.constant 0 : i32
        %dma_wait3A_389 = tpu.memref_slice %arg6[%add3A_381, %dma_wait3A_388] : memref<40x64xi32, #tpu.memory_space<vmem>> -> memref<1x64xi32, #tpu.memory_space<vmem>>
        %dma_wait3A_390 = tpu.memref_squeeze %dma_wait3A_389 : memref<1x64xi32, #tpu.memory_space<vmem>> -> memref<64xi32, #tpu.memory_space<vmem>>
        %dma_wait3A_391 = arith.constant 0 : i32
        %dma_wait3A_392 = arith.constant 0 : i32
        %dma_wait3A_393 = tpu.memref_slice %arg9[%dma_wait3A_391, %dma_wait3A_392] : memref<10240x32xf32, #tpu.memory_space<vmem_shared>> -> memref<10240x32xf32, #tpu.memory_space<vmem_shared>>
        %dma_wait3A_394 = tpu.memref_slice %arg11[%dma_wait3A_383] : memref<10x!tpu.dma_semaphore, #tpu.memory_space<semaphore_mem>> -> memref<1x!tpu.dma_semaphore, #tpu.memory_space<semaphore_mem>>
        %dma_wait3A_395 = tpu.memref_squeeze %dma_wait3A_394 : memref<1x!tpu.dma_semaphore, #tpu.memory_space<semaphore_mem>> -> memref<!tpu.dma_semaphore, #tpu.memory_space<semaphore_mem>>
        tpu.wait_indirect_dma semaphore(%dma_wait3A_395 : memref<!tpu.dma_semaphore, #tpu.memory_space<semaphore_mem>>) src(%dma_wait3A_393 : memref<10240x32xf32, #tpu.memory_space<vmem_shared>>) dst(%dma_wait3A_387 : memref<64x32xf32, #tpu.memory_space<vmem>>)
        %dma_start3A_396 = arith.constant 5 : i32
        %dma_start3A_397 = arith.constant 5 : i32
        %dma_start3A_398 = arith.constant 0 : i32
        %dma_start3A_399 = arith.constant 0 : i32
        %dma_start3A_400 = tpu.memref_slice %arg8[%dma_start3A_396, %dma_start3A_398, %dma_start3A_399] : memref<10x64x32xf32, #tpu.memory_space<vmem>> -> memref<1x64x32xf32, #tpu.memory_space<vmem>>
        %dma_start3A_401 = tpu.memref_squeeze %dma_start3A_400 : memref<1x64x32xf32, #tpu.memory_space<vmem>> -> memref<64x32xf32, #tpu.memory_space<vmem>>
        %dma_start3A_402 = arith.constant 0 : i32
        %dma_start3A_403 = tpu.memref_slice %arg7[%add3A_381, %dma_start3A_402] : memref<40x64xi32, #tpu.memory_space<vmem>> -> memref<1x64xi32, #tpu.memory_space<vmem>>
        %dma_start3A_404 = tpu.memref_squeeze %dma_start3A_403 : memref<1x64xi32, #tpu.memory_space<vmem>> -> memref<64xi32, #tpu.memory_space<vmem>>
        %dma_start3A_405 = arith.constant 0 : i32
        %dma_start3A_406 = arith.constant 0 : i32
        %dma_start3A_407 = tpu.memref_slice %arg10[%dma_start3A_405, %dma_start3A_406] : memref<10240x32xf32, #tpu.memory_space<vmem_shared>> -> memref<10240x32xf32, #tpu.memory_space<vmem_shared>>
        %dma_start3A_408 = tpu.memref_slice %arg12[%dma_start3A_397] : memref<10x!tpu.dma_semaphore, #tpu.memory_space<semaphore_mem>> -> memref<1x!tpu.dma_semaphore, #tpu.memory_space<semaphore_mem>>
        %dma_start3A_409 = tpu.memref_squeeze %dma_start3A_408 : memref<1x!tpu.dma_semaphore, #tpu.memory_space<semaphore_mem>> -> memref<!tpu.dma_semaphore, #tpu.memory_space<semaphore_mem>>
        tpu.enqueue_indirect_dma source(%dma_start3A_401 : memref<64x32xf32, #tpu.memory_space<vmem>>) target(%dma_start3A_407 : memref<10240x32xf32, #tpu.memory_space<vmem_shared>>) offsets(%dma_start3A_404 : memref<64xi32, #tpu.memory_space<vmem>>) semaphore(%dma_start3A_409 : memref<!tpu.dma_semaphore, #tpu.memory_space<semaphore_mem>>) {add = true}
        %ge3A_410 = arith.constant 4 : i32
        %ge3A_411 = arith.cmpi sge, %add3A_381, %ge3A_410 : i32
        %convert_element_type3A_412 = arith.extui %ge3A_411 : i1 to i32
        %cond3A_413 = arith.constant 0 : i32
        %cond3A_414 = arith.cmpi ne, %convert_element_type3A_412, %cond3A_413 : i32
        scf.if %cond3A_414 {
          %sub3A = arith.constant 4 : i32
          %sub3A_591 = arith.subi %add3A_381, %sub3A : i32
          %dma_wait3A_592 = arith.constant 1 : i32
          %dma_wait3A_593 = arith.constant 1 : i32
          %dma_wait3A_594 = arith.constant 0 : i32
          %dma_wait3A_595 = arith.constant 0 : i32
          %dma_wait3A_596 = tpu.memref_slice %arg8[%dma_wait3A_592, %dma_wait3A_594, %dma_wait3A_595] : memref<10x64x32xf32, #tpu.memory_space<vmem>> -> memref<1x64x32xf32, #tpu.memory_space<vmem>>
          %dma_wait3A_597 = tpu.memref_squeeze %dma_wait3A_596 : memref<1x64x32xf32, #tpu.memory_space<vmem>> -> memref<64x32xf32, #tpu.memory_space<vmem>>
          %dma_wait3A_598 = arith.constant 0 : i32
          %dma_wait3A_599 = tpu.memref_slice %arg7[%sub3A_591, %dma_wait3A_598] : memref<40x64xi32, #tpu.memory_space<vmem>> -> memref<1x64xi32, #tpu.memory_space<vmem>>
          %dma_wait3A_600 = tpu.memref_squeeze %dma_wait3A_599 : memref<1x64xi32, #tpu.memory_space<vmem>> -> memref<64xi32, #tpu.memory_space<vmem>>
          %dma_wait3A_601 = arith.constant 0 : i32
          %dma_wait3A_602 = arith.constant 0 : i32
          %dma_wait3A_603 = tpu.memref_slice %arg10[%dma_wait3A_601, %dma_wait3A_602] : memref<10240x32xf32, #tpu.memory_space<vmem_shared>> -> memref<10240x32xf32, #tpu.memory_space<vmem_shared>>
          %dma_wait3A_604 = tpu.memref_slice %arg12[%dma_wait3A_593] : memref<10x!tpu.dma_semaphore, #tpu.memory_space<semaphore_mem>> -> memref<1x!tpu.dma_semaphore, #tpu.memory_space<semaphore_mem>>
          %dma_wait3A_605 = tpu.memref_squeeze %dma_wait3A_604 : memref<1x!tpu.dma_semaphore, #tpu.memory_space<semaphore_mem>> -> memref<!tpu.dma_semaphore, #tpu.memory_space<semaphore_mem>>
          tpu.wait_indirect_dma semaphore(%dma_wait3A_605 : memref<!tpu.dma_semaphore, #tpu.memory_space<semaphore_mem>>) src(%dma_wait3A_597 : memref<64x32xf32, #tpu.memory_space<vmem>>) dst(%dma_wait3A_603 : memref<10240x32xf32, #tpu.memory_space<vmem_shared>>)
        } else {
        }
        %add3A_415 = arith.constant 6 : i32
        %add3A_416 = arith.addi %add3A_381, %add3A_415 : i32
        %lt3A_417 = arith.constant 40 : i32
        %lt3A_418 = arith.cmpi slt, %add3A_416, %lt3A_417 : i32
        %convert_element_type3A_419 = arith.extui %lt3A_418 : i1 to i32
        %cond3A_420 = arith.constant 0 : i32
        %cond3A_421 = arith.cmpi ne, %convert_element_type3A_419, %cond3A_420 : i32
        scf.if %cond3A_421 {
          %add3A_591 = arith.constant 6 : i32
          %add3A_592 = arith.addi %add3A_381, %add3A_591 : i32
          %dma_start3A_593 = arith.constant 1 : i32
          %dma_start3A_594 = arith.constant 1 : i32
          %dma_start3A_595 = arith.constant 0 : i32
          %dma_start3A_596 = arith.constant 0 : i32
          %dma_start3A_597 = tpu.memref_slice %arg8[%dma_start3A_593, %dma_start3A_595, %dma_start3A_596] : memref<10x64x32xf32, #tpu.memory_space<vmem>> -> memref<1x64x32xf32, #tpu.memory_space<vmem>>
          %dma_start3A_598 = tpu.memref_squeeze %dma_start3A_597 : memref<1x64x32xf32, #tpu.memory_space<vmem>> -> memref<64x32xf32, #tpu.memory_space<vmem>>
          %dma_start3A_599 = arith.constant 0 : i32
          %dma_start3A_600 = tpu.memref_slice %arg6[%add3A_592, %dma_start3A_599] : memref<40x64xi32, #tpu.memory_space<vmem>> -> memref<1x64xi32, #tpu.memory_space<vmem>>
          %dma_start3A_601 = tpu.memref_squeeze %dma_start3A_600 : memref<1x64xi32, #tpu.memory_space<vmem>> -> memref<64xi32, #tpu.memory_space<vmem>>
          %dma_start3A_602 = arith.constant 0 : i32
          %dma_start3A_603 = arith.constant 0 : i32
          %dma_start3A_604 = tpu.memref_slice %arg9[%dma_start3A_602, %dma_start3A_603] : memref<10240x32xf32, #tpu.memory_space<vmem_shared>> -> memref<10240x32xf32, #tpu.memory_space<vmem_shared>>
          %dma_start3A_605 = tpu.memref_slice %arg11[%dma_start3A_594] : memref<10x!tpu.dma_semaphore, #tpu.memory_space<semaphore_mem>> -> memref<1x!tpu.dma_semaphore, #tpu.memory_space<semaphore_mem>>
          %dma_start3A_606 = tpu.memref_squeeze %dma_start3A_605 : memref<1x!tpu.dma_semaphore, #tpu.memory_space<semaphore_mem>> -> memref<!tpu.dma_semaphore, #tpu.memory_space<semaphore_mem>>
          tpu.enqueue_indirect_dma source(%dma_start3A_604 : memref<10240x32xf32, #tpu.memory_space<vmem_shared>>) target(%dma_start3A_598 : memref<64x32xf32, #tpu.memory_space<vmem>>) offsets(%dma_start3A_601 : memref<64xi32, #tpu.memory_space<vmem>>) semaphore(%dma_start3A_606 : memref<!tpu.dma_semaphore, #tpu.memory_space<semaphore_mem>>)
        } else {
        }
        %add3A_422 = arith.constant 6 : i32
        %add3A_423 = arith.addi %mul3A_173, %add3A_422 : i32
        %dma_wait3A_424 = arith.constant 6 : i32
        %dma_wait3A_425 = arith.constant 6 : i32
        %dma_wait3A_426 = arith.constant 0 : i32
        %dma_wait3A_427 = arith.constant 0 : i32
        %dma_wait3A_428 = tpu.memref_slice %arg8[%dma_wait3A_424, %dma_wait3A_426, %dma_wait3A_427] : memref<10x64x32xf32, #tpu.memory_space<vmem>> -> memref<1x64x32xf32, #tpu.memory_space<vmem>>
        %dma_wait3A_429 = tpu.memref_squeeze %dma_wait3A_428 : memref<1x64x32xf32, #tpu.memory_space<vmem>> -> memref<64x32xf32, #tpu.memory_space<vmem>>
        %dma_wait3A_430 = arith.constant 0 : i32
        %dma_wait3A_431 = tpu.memref_slice %arg6[%add3A_423, %dma_wait3A_430] : memref<40x64xi32, #tpu.memory_space<vmem>> -> memref<1x64xi32, #tpu.memory_space<vmem>>
        %dma_wait3A_432 = tpu.memref_squeeze %dma_wait3A_431 : memref<1x64xi32, #tpu.memory_space<vmem>> -> memref<64xi32, #tpu.memory_space<vmem>>
        %dma_wait3A_433 = arith.constant 0 : i32
        %dma_wait3A_434 = arith.constant 0 : i32
        %dma_wait3A_435 = tpu.memref_slice %arg9[%dma_wait3A_433, %dma_wait3A_434] : memref<10240x32xf32, #tpu.memory_space<vmem_shared>> -> memref<10240x32xf32, #tpu.memory_space<vmem_shared>>
        %dma_wait3A_436 = tpu.memref_slice %arg11[%dma_wait3A_425] : memref<10x!tpu.dma_semaphore, #tpu.memory_space<semaphore_mem>> -> memref<1x!tpu.dma_semaphore, #tpu.memory_space<semaphore_mem>>
        %dma_wait3A_437 = tpu.memref_squeeze %dma_wait3A_436 : memref<1x!tpu.dma_semaphore, #tpu.memory_space<semaphore_mem>> -> memref<!tpu.dma_semaphore, #tpu.memory_space<semaphore_mem>>
        tpu.wait_indirect_dma semaphore(%dma_wait3A_437 : memref<!tpu.dma_semaphore, #tpu.memory_space<semaphore_mem>>) src(%dma_wait3A_435 : memref<10240x32xf32, #tpu.memory_space<vmem_shared>>) dst(%dma_wait3A_429 : memref<64x32xf32, #tpu.memory_space<vmem>>)
        %dma_start3A_438 = arith.constant 6 : i32
        %dma_start3A_439 = arith.constant 6 : i32
        %dma_start3A_440 = arith.constant 0 : i32
        %dma_start3A_441 = arith.constant 0 : i32
        %dma_start3A_442 = tpu.memref_slice %arg8[%dma_start3A_438, %dma_start3A_440, %dma_start3A_441] : memref<10x64x32xf32, #tpu.memory_space<vmem>> -> memref<1x64x32xf32, #tpu.memory_space<vmem>>
        %dma_start3A_443 = tpu.memref_squeeze %dma_start3A_442 : memref<1x64x32xf32, #tpu.memory_space<vmem>> -> memref<64x32xf32, #tpu.memory_space<vmem>>
        %dma_start3A_444 = arith.constant 0 : i32
        %dma_start3A_445 = tpu.memref_slice %arg7[%add3A_423, %dma_start3A_444] : memref<40x64xi32, #tpu.memory_space<vmem>> -> memref<1x64xi32, #tpu.memory_space<vmem>>
        %dma_start3A_446 = tpu.memref_squeeze %dma_start3A_445 : memref<1x64xi32, #tpu.memory_space<vmem>> -> memref<64xi32, #tpu.memory_space<vmem>>
        %dma_start3A_447 = arith.constant 0 : i32
        %dma_start3A_448 = arith.constant 0 : i32
        %dma_start3A_449 = tpu.memref_slice %arg10[%dma_start3A_447, %dma_start3A_448] : memref<10240x32xf32, #tpu.memory_space<vmem_shared>> -> memref<10240x32xf32, #tpu.memory_space<vmem_shared>>
        %dma_start3A_450 = tpu.memref_slice %arg12[%dma_start3A_439] : memref<10x!tpu.dma_semaphore, #tpu.memory_space<semaphore_mem>> -> memref<1x!tpu.dma_semaphore, #tpu.memory_space<semaphore_mem>>
        %dma_start3A_451 = tpu.memref_squeeze %dma_start3A_450 : memref<1x!tpu.dma_semaphore, #tpu.memory_space<semaphore_mem>> -> memref<!tpu.dma_semaphore, #tpu.memory_space<semaphore_mem>>
        tpu.enqueue_indirect_dma source(%dma_start3A_443 : memref<64x32xf32, #tpu.memory_space<vmem>>) target(%dma_start3A_449 : memref<10240x32xf32, #tpu.memory_space<vmem_shared>>) offsets(%dma_start3A_446 : memref<64xi32, #tpu.memory_space<vmem>>) semaphore(%dma_start3A_451 : memref<!tpu.dma_semaphore, #tpu.memory_space<semaphore_mem>>) {add = true}
        %ge3A_452 = arith.constant 4 : i32
        %ge3A_453 = arith.cmpi sge, %add3A_423, %ge3A_452 : i32
        %convert_element_type3A_454 = arith.extui %ge3A_453 : i1 to i32
        %cond3A_455 = arith.constant 0 : i32
        %cond3A_456 = arith.cmpi ne, %convert_element_type3A_454, %cond3A_455 : i32
        scf.if %cond3A_456 {
          %sub3A = arith.constant 4 : i32
          %sub3A_591 = arith.subi %add3A_423, %sub3A : i32
          %dma_wait3A_592 = arith.constant 2 : i32
          %dma_wait3A_593 = arith.constant 2 : i32
          %dma_wait3A_594 = arith.constant 0 : i32
          %dma_wait3A_595 = arith.constant 0 : i32
          %dma_wait3A_596 = tpu.memref_slice %arg8[%dma_wait3A_592, %dma_wait3A_594, %dma_wait3A_595] : memref<10x64x32xf32, #tpu.memory_space<vmem>> -> memref<1x64x32xf32, #tpu.memory_space<vmem>>
          %dma_wait3A_597 = tpu.memref_squeeze %dma_wait3A_596 : memref<1x64x32xf32, #tpu.memory_space<vmem>> -> memref<64x32xf32, #tpu.memory_space<vmem>>
          %dma_wait3A_598 = arith.constant 0 : i32
          %dma_wait3A_599 = tpu.memref_slice %arg7[%sub3A_591, %dma_wait3A_598] : memref<40x64xi32, #tpu.memory_space<vmem>> -> memref<1x64xi32, #tpu.memory_space<vmem>>
          %dma_wait3A_600 = tpu.memref_squeeze %dma_wait3A_599 : memref<1x64xi32, #tpu.memory_space<vmem>> -> memref<64xi32, #tpu.memory_space<vmem>>
          %dma_wait3A_601 = arith.constant 0 : i32
          %dma_wait3A_602 = arith.constant 0 : i32
          %dma_wait3A_603 = tpu.memref_slice %arg10[%dma_wait3A_601, %dma_wait3A_602] : memref<10240x32xf32, #tpu.memory_space<vmem_shared>> -> memref<10240x32xf32, #tpu.memory_space<vmem_shared>>
          %dma_wait3A_604 = tpu.memref_slice %arg12[%dma_wait3A_593] : memref<10x!tpu.dma_semaphore, #tpu.memory_space<semaphore_mem>> -> memref<1x!tpu.dma_semaphore, #tpu.memory_space<semaphore_mem>>
          %dma_wait3A_605 = tpu.memref_squeeze %dma_wait3A_604 : memref<1x!tpu.dma_semaphore, #tpu.memory_space<semaphore_mem>> -> memref<!tpu.dma_semaphore, #tpu.memory_space<semaphore_mem>>
          tpu.wait_indirect_dma semaphore(%dma_wait3A_605 : memref<!tpu.dma_semaphore, #tpu.memory_space<semaphore_mem>>) src(%dma_wait3A_597 : memref<64x32xf32, #tpu.memory_space<vmem>>) dst(%dma_wait3A_603 : memref<10240x32xf32, #tpu.memory_space<vmem_shared>>)
        } else {
        }
        %add3A_457 = arith.constant 6 : i32
        %add3A_458 = arith.addi %add3A_423, %add3A_457 : i32
        %lt3A_459 = arith.constant 40 : i32
        %lt3A_460 = arith.cmpi slt, %add3A_458, %lt3A_459 : i32
        %convert_element_type3A_461 = arith.extui %lt3A_460 : i1 to i32
        %cond3A_462 = arith.constant 0 : i32
        %cond3A_463 = arith.cmpi ne, %convert_element_type3A_461, %cond3A_462 : i32
        scf.if %cond3A_463 {
          %add3A_591 = arith.constant 6 : i32
          %add3A_592 = arith.addi %add3A_423, %add3A_591 : i32
          %dma_start3A_593 = arith.constant 2 : i32
          %dma_start3A_594 = arith.constant 2 : i32
          %dma_start3A_595 = arith.constant 0 : i32
          %dma_start3A_596 = arith.constant 0 : i32
          %dma_start3A_597 = tpu.memref_slice %arg8[%dma_start3A_593, %dma_start3A_595, %dma_start3A_596] : memref<10x64x32xf32, #tpu.memory_space<vmem>> -> memref<1x64x32xf32, #tpu.memory_space<vmem>>
          %dma_start3A_598 = tpu.memref_squeeze %dma_start3A_597 : memref<1x64x32xf32, #tpu.memory_space<vmem>> -> memref<64x32xf32, #tpu.memory_space<vmem>>
          %dma_start3A_599 = arith.constant 0 : i32
          %dma_start3A_600 = tpu.memref_slice %arg6[%add3A_592, %dma_start3A_599] : memref<40x64xi32, #tpu.memory_space<vmem>> -> memref<1x64xi32, #tpu.memory_space<vmem>>
          %dma_start3A_601 = tpu.memref_squeeze %dma_start3A_600 : memref<1x64xi32, #tpu.memory_space<vmem>> -> memref<64xi32, #tpu.memory_space<vmem>>
          %dma_start3A_602 = arith.constant 0 : i32
          %dma_start3A_603 = arith.constant 0 : i32
          %dma_start3A_604 = tpu.memref_slice %arg9[%dma_start3A_602, %dma_start3A_603] : memref<10240x32xf32, #tpu.memory_space<vmem_shared>> -> memref<10240x32xf32, #tpu.memory_space<vmem_shared>>
          %dma_start3A_605 = tpu.memref_slice %arg11[%dma_start3A_594] : memref<10x!tpu.dma_semaphore, #tpu.memory_space<semaphore_mem>> -> memref<1x!tpu.dma_semaphore, #tpu.memory_space<semaphore_mem>>
          %dma_start3A_606 = tpu.memref_squeeze %dma_start3A_605 : memref<1x!tpu.dma_semaphore, #tpu.memory_space<semaphore_mem>> -> memref<!tpu.dma_semaphore, #tpu.memory_space<semaphore_mem>>
          tpu.enqueue_indirect_dma source(%dma_start3A_604 : memref<10240x32xf32, #tpu.memory_space<vmem_shared>>) target(%dma_start3A_598 : memref<64x32xf32, #tpu.memory_space<vmem>>) offsets(%dma_start3A_601 : memref<64xi32, #tpu.memory_space<vmem>>) semaphore(%dma_start3A_606 : memref<!tpu.dma_semaphore, #tpu.memory_space<semaphore_mem>>)
        } else {
        }
        %add3A_464 = arith.constant 7 : i32
        %add3A_465 = arith.addi %mul3A_173, %add3A_464 : i32
        %dma_wait3A_466 = arith.constant 7 : i32
        %dma_wait3A_467 = arith.constant 7 : i32
        %dma_wait3A_468 = arith.constant 0 : i32
        %dma_wait3A_469 = arith.constant 0 : i32
        %dma_wait3A_470 = tpu.memref_slice %arg8[%dma_wait3A_466, %dma_wait3A_468, %dma_wait3A_469] : memref<10x64x32xf32, #tpu.memory_space<vmem>> -> memref<1x64x32xf32, #tpu.memory_space<vmem>>
        %dma_wait3A_471 = tpu.memref_squeeze %dma_wait3A_470 : memref<1x64x32xf32, #tpu.memory_space<vmem>> -> memref<64x32xf32, #tpu.memory_space<vmem>>
        %dma_wait3A_472 = arith.constant 0 : i32
        %dma_wait3A_473 = tpu.memref_slice %arg6[%add3A_465, %dma_wait3A_472] : memref<40x64xi32, #tpu.memory_space<vmem>> -> memref<1x64xi32, #tpu.memory_space<vmem>>
        %dma_wait3A_474 = tpu.memref_squeeze %dma_wait3A_473 : memref<1x64xi32, #tpu.memory_space<vmem>> -> memref<64xi32, #tpu.memory_space<vmem>>
        %dma_wait3A_475 = arith.constant 0 : i32
        %dma_wait3A_476 = arith.constant 0 : i32
        %dma_wait3A_477 = tpu.memref_slice %arg9[%dma_wait3A_475, %dma_wait3A_476] : memref<10240x32xf32, #tpu.memory_space<vmem_shared>> -> memref<10240x32xf32, #tpu.memory_space<vmem_shared>>
        %dma_wait3A_478 = tpu.memref_slice %arg11[%dma_wait3A_467] : memref<10x!tpu.dma_semaphore, #tpu.memory_space<semaphore_mem>> -> memref<1x!tpu.dma_semaphore, #tpu.memory_space<semaphore_mem>>
        %dma_wait3A_479 = tpu.memref_squeeze %dma_wait3A_478 : memref<1x!tpu.dma_semaphore, #tpu.memory_space<semaphore_mem>> -> memref<!tpu.dma_semaphore, #tpu.memory_space<semaphore_mem>>
        tpu.wait_indirect_dma semaphore(%dma_wait3A_479 : memref<!tpu.dma_semaphore, #tpu.memory_space<semaphore_mem>>) src(%dma_wait3A_477 : memref<10240x32xf32, #tpu.memory_space<vmem_shared>>) dst(%dma_wait3A_471 : memref<64x32xf32, #tpu.memory_space<vmem>>)
        %dma_start3A_480 = arith.constant 7 : i32
        %dma_start3A_481 = arith.constant 7 : i32
        %dma_start3A_482 = arith.constant 0 : i32
        %dma_start3A_483 = arith.constant 0 : i32
        %dma_start3A_484 = tpu.memref_slice %arg8[%dma_start3A_480, %dma_start3A_482, %dma_start3A_483] : memref<10x64x32xf32, #tpu.memory_space<vmem>> -> memref<1x64x32xf32, #tpu.memory_space<vmem>>
        %dma_start3A_485 = tpu.memref_squeeze %dma_start3A_484 : memref<1x64x32xf32, #tpu.memory_space<vmem>> -> memref<64x32xf32, #tpu.memory_space<vmem>>
        %dma_start3A_486 = arith.constant 0 : i32
        %dma_start3A_487 = tpu.memref_slice %arg7[%add3A_465, %dma_start3A_486] : memref<40x64xi32, #tpu.memory_space<vmem>> -> memref<1x64xi32, #tpu.memory_space<vmem>>
        %dma_start3A_488 = tpu.memref_squeeze %dma_start3A_487 : memref<1x64xi32, #tpu.memory_space<vmem>> -> memref<64xi32, #tpu.memory_space<vmem>>
        %dma_start3A_489 = arith.constant 0 : i32
        %dma_start3A_490 = arith.constant 0 : i32
        %dma_start3A_491 = tpu.memref_slice %arg10[%dma_start3A_489, %dma_start3A_490] : memref<10240x32xf32, #tpu.memory_space<vmem_shared>> -> memref<10240x32xf32, #tpu.memory_space<vmem_shared>>
        %dma_start3A_492 = tpu.memref_slice %arg12[%dma_start3A_481] : memref<10x!tpu.dma_semaphore, #tpu.memory_space<semaphore_mem>> -> memref<1x!tpu.dma_semaphore, #tpu.memory_space<semaphore_mem>>
        %dma_start3A_493 = tpu.memref_squeeze %dma_start3A_492 : memref<1x!tpu.dma_semaphore, #tpu.memory_space<semaphore_mem>> -> memref<!tpu.dma_semaphore, #tpu.memory_space<semaphore_mem>>
        tpu.enqueue_indirect_dma source(%dma_start3A_485 : memref<64x32xf32, #tpu.memory_space<vmem>>) target(%dma_start3A_491 : memref<10240x32xf32, #tpu.memory_space<vmem_shared>>) offsets(%dma_start3A_488 : memref<64xi32, #tpu.memory_space<vmem>>) semaphore(%dma_start3A_493 : memref<!tpu.dma_semaphore, #tpu.memory_space<semaphore_mem>>) {add = true}
        %ge3A_494 = arith.constant 4 : i32
        %ge3A_495 = arith.cmpi sge, %add3A_465, %ge3A_494 : i32
        %convert_element_type3A_496 = arith.extui %ge3A_495 : i1 to i32
        %cond3A_497 = arith.constant 0 : i32
        %cond3A_498 = arith.cmpi ne, %convert_element_type3A_496, %cond3A_497 : i32
        scf.if %cond3A_498 {
          %sub3A = arith.constant 4 : i32
          %sub3A_591 = arith.subi %add3A_465, %sub3A : i32
          %dma_wait3A_592 = arith.constant 3 : i32
          %dma_wait3A_593 = arith.constant 3 : i32
          %dma_wait3A_594 = arith.constant 0 : i32
          %dma_wait3A_595 = arith.constant 0 : i32
          %dma_wait3A_596 = tpu.memref_slice %arg8[%dma_wait3A_592, %dma_wait3A_594, %dma_wait3A_595] : memref<10x64x32xf32, #tpu.memory_space<vmem>> -> memref<1x64x32xf32, #tpu.memory_space<vmem>>
          %dma_wait3A_597 = tpu.memref_squeeze %dma_wait3A_596 : memref<1x64x32xf32, #tpu.memory_space<vmem>> -> memref<64x32xf32, #tpu.memory_space<vmem>>
          %dma_wait3A_598 = arith.constant 0 : i32
          %dma_wait3A_599 = tpu.memref_slice %arg7[%sub3A_591, %dma_wait3A_598] : memref<40x64xi32, #tpu.memory_space<vmem>> -> memref<1x64xi32, #tpu.memory_space<vmem>>
          %dma_wait3A_600 = tpu.memref_squeeze %dma_wait3A_599 : memref<1x64xi32, #tpu.memory_space<vmem>> -> memref<64xi32, #tpu.memory_space<vmem>>
          %dma_wait3A_601 = arith.constant 0 : i32
          %dma_wait3A_602 = arith.constant 0 : i32
          %dma_wait3A_603 = tpu.memref_slice %arg10[%dma_wait3A_601, %dma_wait3A_602] : memref<10240x32xf32, #tpu.memory_space<vmem_shared>> -> memref<10240x32xf32, #tpu.memory_space<vmem_shared>>
          %dma_wait3A_604 = tpu.memref_slice %arg12[%dma_wait3A_593] : memref<10x!tpu.dma_semaphore, #tpu.memory_space<semaphore_mem>> -> memref<1x!tpu.dma_semaphore, #tpu.memory_space<semaphore_mem>>
          %dma_wait3A_605 = tpu.memref_squeeze %dma_wait3A_604 : memref<1x!tpu.dma_semaphore, #tpu.memory_space<semaphore_mem>> -> memref<!tpu.dma_semaphore, #tpu.memory_space<semaphore_mem>>
          tpu.wait_indirect_dma semaphore(%dma_wait3A_605 : memref<!tpu.dma_semaphore, #tpu.memory_space<semaphore_mem>>) src(%dma_wait3A_597 : memref<64x32xf32, #tpu.memory_space<vmem>>) dst(%dma_wait3A_603 : memref<10240x32xf32, #tpu.memory_space<vmem_shared>>)
        } else {
        }
        %add3A_499 = arith.constant 6 : i32
        %add3A_500 = arith.addi %add3A_465, %add3A_499 : i32
        %lt3A_501 = arith.constant 40 : i32
        %lt3A_502 = arith.cmpi slt, %add3A_500, %lt3A_501 : i32
        %convert_element_type3A_503 = arith.extui %lt3A_502 : i1 to i32
        %cond3A_504 = arith.constant 0 : i32
        %cond3A_505 = arith.cmpi ne, %convert_element_type3A_503, %cond3A_504 : i32
        scf.if %cond3A_505 {
          %add3A_591 = arith.constant 6 : i32
          %add3A_592 = arith.addi %add3A_465, %add3A_591 : i32
          %dma_start3A_593 = arith.constant 3 : i32
          %dma_start3A_594 = arith.constant 3 : i32
          %dma_start3A_595 = arith.constant 0 : i32
          %dma_start3A_596 = arith.constant 0 : i32
          %dma_start3A_597 = tpu.memref_slice %arg8[%dma_start3A_593, %dma_start3A_595, %dma_start3A_596] : memref<10x64x32xf32, #tpu.memory_space<vmem>> -> memref<1x64x32xf32, #tpu.memory_space<vmem>>
          %dma_start3A_598 = tpu.memref_squeeze %dma_start3A_597 : memref<1x64x32xf32, #tpu.memory_space<vmem>> -> memref<64x32xf32, #tpu.memory_space<vmem>>
          %dma_start3A_599 = arith.constant 0 : i32
          %dma_start3A_600 = tpu.memref_slice %arg6[%add3A_592, %dma_start3A_599] : memref<40x64xi32, #tpu.memory_space<vmem>> -> memref<1x64xi32, #tpu.memory_space<vmem>>
          %dma_start3A_601 = tpu.memref_squeeze %dma_start3A_600 : memref<1x64xi32, #tpu.memory_space<vmem>> -> memref<64xi32, #tpu.memory_space<vmem>>
          %dma_start3A_602 = arith.constant 0 : i32
          %dma_start3A_603 = arith.constant 0 : i32
          %dma_start3A_604 = tpu.memref_slice %arg9[%dma_start3A_602, %dma_start3A_603] : memref<10240x32xf32, #tpu.memory_space<vmem_shared>> -> memref<10240x32xf32, #tpu.memory_space<vmem_shared>>
          %dma_start3A_605 = tpu.memref_slice %arg11[%dma_start3A_594] : memref<10x!tpu.dma_semaphore, #tpu.memory_space<semaphore_mem>> -> memref<1x!tpu.dma_semaphore, #tpu.memory_space<semaphore_mem>>
          %dma_start3A_606 = tpu.memref_squeeze %dma_start3A_605 : memref<1x!tpu.dma_semaphore, #tpu.memory_space<semaphore_mem>> -> memref<!tpu.dma_semaphore, #tpu.memory_space<semaphore_mem>>
          tpu.enqueue_indirect_dma source(%dma_start3A_604 : memref<10240x32xf32, #tpu.memory_space<vmem_shared>>) target(%dma_start3A_598 : memref<64x32xf32, #tpu.memory_space<vmem>>) offsets(%dma_start3A_601 : memref<64xi32, #tpu.memory_space<vmem>>) semaphore(%dma_start3A_606 : memref<!tpu.dma_semaphore, #tpu.memory_space<semaphore_mem>>)
        } else {
        }
        %add3A_506 = arith.constant 8 : i32
        %add3A_507 = arith.addi %mul3A_173, %add3A_506 : i32
        %dma_wait3A_508 = arith.constant 8 : i32
        %dma_wait3A_509 = arith.constant 8 : i32
        %dma_wait3A_510 = arith.constant 0 : i32
        %dma_wait3A_511 = arith.constant 0 : i32
        %dma_wait3A_512 = tpu.memref_slice %arg8[%dma_wait3A_508, %dma_wait3A_510, %dma_wait3A_511] : memref<10x64x32xf32, #tpu.memory_space<vmem>> -> memref<1x64x32xf32, #tpu.memory_space<vmem>>
        %dma_wait3A_513 = tpu.memref_squeeze %dma_wait3A_512 : memref<1x64x32xf32, #tpu.memory_space<vmem>> -> memref<64x32xf32, #tpu.memory_space<vmem>>
        %dma_wait3A_514 = arith.constant 0 : i32
        %dma_wait3A_515 = tpu.memref_slice %arg6[%add3A_507, %dma_wait3A_514] : memref<40x64xi32, #tpu.memory_space<vmem>> -> memref<1x64xi32, #tpu.memory_space<vmem>>
        %dma_wait3A_516 = tpu.memref_squeeze %dma_wait3A_515 : memref<1x64xi32, #tpu.memory_space<vmem>> -> memref<64xi32, #tpu.memory_space<vmem>>
        %dma_wait3A_517 = arith.constant 0 : i32
        %dma_wait3A_518 = arith.constant 0 : i32
        %dma_wait3A_519 = tpu.memref_slice %arg9[%dma_wait3A_517, %dma_wait3A_518] : memref<10240x32xf32, #tpu.memory_space<vmem_shared>> -> memref<10240x32xf32, #tpu.memory_space<vmem_shared>>
        %dma_wait3A_520 = tpu.memref_slice %arg11[%dma_wait3A_509] : memref<10x!tpu.dma_semaphore, #tpu.memory_space<semaphore_mem>> -> memref<1x!tpu.dma_semaphore, #tpu.memory_space<semaphore_mem>>
        %dma_wait3A_521 = tpu.memref_squeeze %dma_wait3A_520 : memref<1x!tpu.dma_semaphore, #tpu.memory_space<semaphore_mem>> -> memref<!tpu.dma_semaphore, #tpu.memory_space<semaphore_mem>>
        tpu.wait_indirect_dma semaphore(%dma_wait3A_521 : memref<!tpu.dma_semaphore, #tpu.memory_space<semaphore_mem>>) src(%dma_wait3A_519 : memref<10240x32xf32, #tpu.memory_space<vmem_shared>>) dst(%dma_wait3A_513 : memref<64x32xf32, #tpu.memory_space<vmem>>)
        %dma_start3A_522 = arith.constant 8 : i32
        %dma_start3A_523 = arith.constant 8 : i32
        %dma_start3A_524 = arith.constant 0 : i32
        %dma_start3A_525 = arith.constant 0 : i32
        %dma_start3A_526 = tpu.memref_slice %arg8[%dma_start3A_522, %dma_start3A_524, %dma_start3A_525] : memref<10x64x32xf32, #tpu.memory_space<vmem>> -> memref<1x64x32xf32, #tpu.memory_space<vmem>>
        %dma_start3A_527 = tpu.memref_squeeze %dma_start3A_526 : memref<1x64x32xf32, #tpu.memory_space<vmem>> -> memref<64x32xf32, #tpu.memory_space<vmem>>
        %dma_start3A_528 = arith.constant 0 : i32
        %dma_start3A_529 = tpu.memref_slice %arg7[%add3A_507, %dma_start3A_528] : memref<40x64xi32, #tpu.memory_space<vmem>> -> memref<1x64xi32, #tpu.memory_space<vmem>>
        %dma_start3A_530 = tpu.memref_squeeze %dma_start3A_529 : memref<1x64xi32, #tpu.memory_space<vmem>> -> memref<64xi32, #tpu.memory_space<vmem>>
        %dma_start3A_531 = arith.constant 0 : i32
        %dma_start3A_532 = arith.constant 0 : i32
        %dma_start3A_533 = tpu.memref_slice %arg10[%dma_start3A_531, %dma_start3A_532] : memref<10240x32xf32, #tpu.memory_space<vmem_shared>> -> memref<10240x32xf32, #tpu.memory_space<vmem_shared>>
        %dma_start3A_534 = tpu.memref_slice %arg12[%dma_start3A_523] : memref<10x!tpu.dma_semaphore, #tpu.memory_space<semaphore_mem>> -> memref<1x!tpu.dma_semaphore, #tpu.memory_space<semaphore_mem>>
        %dma_start3A_535 = tpu.memref_squeeze %dma_start3A_534 : memref<1x!tpu.dma_semaphore, #tpu.memory_space<semaphore_mem>> -> memref<!tpu.dma_semaphore, #tpu.memory_space<semaphore_mem>>
        tpu.enqueue_indirect_dma source(%dma_start3A_527 : memref<64x32xf32, #tpu.memory_space<vmem>>) target(%dma_start3A_533 : memref<10240x32xf32, #tpu.memory_space<vmem_shared>>) offsets(%dma_start3A_530 : memref<64xi32, #tpu.memory_space<vmem>>) semaphore(%dma_start3A_535 : memref<!tpu.dma_semaphore, #tpu.memory_space<semaphore_mem>>) {add = true}
        %ge3A_536 = arith.constant 4 : i32
        %ge3A_537 = arith.cmpi sge, %add3A_507, %ge3A_536 : i32
        %convert_element_type3A_538 = arith.extui %ge3A_537 : i1 to i32
        %cond3A_539 = arith.constant 0 : i32
        %cond3A_540 = arith.cmpi ne, %convert_element_type3A_538, %cond3A_539 : i32
        scf.if %cond3A_540 {
          %sub3A = arith.constant 4 : i32
          %sub3A_591 = arith.subi %add3A_507, %sub3A : i32
          %dma_wait3A_592 = arith.constant 4 : i32
          %dma_wait3A_593 = arith.constant 4 : i32
          %dma_wait3A_594 = arith.constant 0 : i32
          %dma_wait3A_595 = arith.constant 0 : i32
          %dma_wait3A_596 = tpu.memref_slice %arg8[%dma_wait3A_592, %dma_wait3A_594, %dma_wait3A_595] : memref<10x64x32xf32, #tpu.memory_space<vmem>> -> memref<1x64x32xf32, #tpu.memory_space<vmem>>
          %dma_wait3A_597 = tpu.memref_squeeze %dma_wait3A_596 : memref<1x64x32xf32, #tpu.memory_space<vmem>> -> memref<64x32xf32, #tpu.memory_space<vmem>>
          %dma_wait3A_598 = arith.constant 0 : i32
          %dma_wait3A_599 = tpu.memref_slice %arg7[%sub3A_591, %dma_wait3A_598] : memref<40x64xi32, #tpu.memory_space<vmem>> -> memref<1x64xi32, #tpu.memory_space<vmem>>
          %dma_wait3A_600 = tpu.memref_squeeze %dma_wait3A_599 : memref<1x64xi32, #tpu.memory_space<vmem>> -> memref<64xi32, #tpu.memory_space<vmem>>
          %dma_wait3A_601 = arith.constant 0 : i32
          %dma_wait3A_602 = arith.constant 0 : i32
          %dma_wait3A_603 = tpu.memref_slice %arg10[%dma_wait3A_601, %dma_wait3A_602] : memref<10240x32xf32, #tpu.memory_space<vmem_shared>> -> memref<10240x32xf32, #tpu.memory_space<vmem_shared>>
          %dma_wait3A_604 = tpu.memref_slice %arg12[%dma_wait3A_593] : memref<10x!tpu.dma_semaphore, #tpu.memory_space<semaphore_mem>> -> memref<1x!tpu.dma_semaphore, #tpu.memory_space<semaphore_mem>>
          %dma_wait3A_605 = tpu.memref_squeeze %dma_wait3A_604 : memref<1x!tpu.dma_semaphore, #tpu.memory_space<semaphore_mem>> -> memref<!tpu.dma_semaphore, #tpu.memory_space<semaphore_mem>>
          tpu.wait_indirect_dma semaphore(%dma_wait3A_605 : memref<!tpu.dma_semaphore, #tpu.memory_space<semaphore_mem>>) src(%dma_wait3A_597 : memref<64x32xf32, #tpu.memory_space<vmem>>) dst(%dma_wait3A_603 : memref<10240x32xf32, #tpu.memory_space<vmem_shared>>)
        } else {
        }
        %add3A_541 = arith.constant 6 : i32
        %add3A_542 = arith.addi %add3A_507, %add3A_541 : i32
        %lt3A_543 = arith.constant 40 : i32
        %lt3A_544 = arith.cmpi slt, %add3A_542, %lt3A_543 : i32
        %convert_element_type3A_545 = arith.extui %lt3A_544 : i1 to i32
        %cond3A_546 = arith.constant 0 : i32
        %cond3A_547 = arith.cmpi ne, %convert_element_type3A_545, %cond3A_546 : i32
        scf.if %cond3A_547 {
          %add3A_591 = arith.constant 6 : i32
          %add3A_592 = arith.addi %add3A_507, %add3A_591 : i32
          %dma_start3A_593 = arith.constant 4 : i32
          %dma_start3A_594 = arith.constant 4 : i32
          %dma_start3A_595 = arith.constant 0 : i32
          %dma_start3A_596 = arith.constant 0 : i32
          %dma_start3A_597 = tpu.memref_slice %arg8[%dma_start3A_593, %dma_start3A_595, %dma_start3A_596] : memref<10x64x32xf32, #tpu.memory_space<vmem>> -> memref<1x64x32xf32, #tpu.memory_space<vmem>>
          %dma_start3A_598 = tpu.memref_squeeze %dma_start3A_597 : memref<1x64x32xf32, #tpu.memory_space<vmem>> -> memref<64x32xf32, #tpu.memory_space<vmem>>
          %dma_start3A_599 = arith.constant 0 : i32
          %dma_start3A_600 = tpu.memref_slice %arg6[%add3A_592, %dma_start3A_599] : memref<40x64xi32, #tpu.memory_space<vmem>> -> memref<1x64xi32, #tpu.memory_space<vmem>>
          %dma_start3A_601 = tpu.memref_squeeze %dma_start3A_600 : memref<1x64xi32, #tpu.memory_space<vmem>> -> memref<64xi32, #tpu.memory_space<vmem>>
          %dma_start3A_602 = arith.constant 0 : i32
          %dma_start3A_603 = arith.constant 0 : i32
          %dma_start3A_604 = tpu.memref_slice %arg9[%dma_start3A_602, %dma_start3A_603] : memref<10240x32xf32, #tpu.memory_space<vmem_shared>> -> memref<10240x32xf32, #tpu.memory_space<vmem_shared>>
          %dma_start3A_605 = tpu.memref_slice %arg11[%dma_start3A_594] : memref<10x!tpu.dma_semaphore, #tpu.memory_space<semaphore_mem>> -> memref<1x!tpu.dma_semaphore, #tpu.memory_space<semaphore_mem>>
          %dma_start3A_606 = tpu.memref_squeeze %dma_start3A_605 : memref<1x!tpu.dma_semaphore, #tpu.memory_space<semaphore_mem>> -> memref<!tpu.dma_semaphore, #tpu.memory_space<semaphore_mem>>
          tpu.enqueue_indirect_dma source(%dma_start3A_604 : memref<10240x32xf32, #tpu.memory_space<vmem_shared>>) target(%dma_start3A_598 : memref<64x32xf32, #tpu.memory_space<vmem>>) offsets(%dma_start3A_601 : memref<64xi32, #tpu.memory_space<vmem>>) semaphore(%dma_start3A_606 : memref<!tpu.dma_semaphore, #tpu.memory_space<semaphore_mem>>)
        } else {
        }
        %add3A_548 = arith.constant 9 : i32
        %add3A_549 = arith.addi %mul3A_173, %add3A_548 : i32
        %dma_wait3A_550 = arith.constant 9 : i32
        %dma_wait3A_551 = arith.constant 9 : i32
        %dma_wait3A_552 = arith.constant 0 : i32
        %dma_wait3A_553 = arith.constant 0 : i32
        %dma_wait3A_554 = tpu.memref_slice %arg8[%dma_wait3A_550, %dma_wait3A_552, %dma_wait3A_553] : memref<10x64x32xf32, #tpu.memory_space<vmem>> -> memref<1x64x32xf32, #tpu.memory_space<vmem>>
        %dma_wait3A_555 = tpu.memref_squeeze %dma_wait3A_554 : memref<1x64x32xf32, #tpu.memory_space<vmem>> -> memref<64x32xf32, #tpu.memory_space<vmem>>
        %dma_wait3A_556 = arith.constant 0 : i32
        %dma_wait3A_557 = tpu.memref_slice %arg6[%add3A_549, %dma_wait3A_556] : memref<40x64xi32, #tpu.memory_space<vmem>> -> memref<1x64xi32, #tpu.memory_space<vmem>>
        %dma_wait3A_558 = tpu.memref_squeeze %dma_wait3A_557 : memref<1x64xi32, #tpu.memory_space<vmem>> -> memref<64xi32, #tpu.memory_space<vmem>>
        %dma_wait3A_559 = arith.constant 0 : i32
        %dma_wait3A_560 = arith.constant 0 : i32
        %dma_wait3A_561 = tpu.memref_slice %arg9[%dma_wait3A_559, %dma_wait3A_560] : memref<10240x32xf32, #tpu.memory_space<vmem_shared>> -> memref<10240x32xf32, #tpu.memory_space<vmem_shared>>
        %dma_wait3A_562 = tpu.memref_slice %arg11[%dma_wait3A_551] : memref<10x!tpu.dma_semaphore, #tpu.memory_space<semaphore_mem>> -> memref<1x!tpu.dma_semaphore, #tpu.memory_space<semaphore_mem>>
        %dma_wait3A_563 = tpu.memref_squeeze %dma_wait3A_562 : memref<1x!tpu.dma_semaphore, #tpu.memory_space<semaphore_mem>> -> memref<!tpu.dma_semaphore, #tpu.memory_space<semaphore_mem>>
        tpu.wait_indirect_dma semaphore(%dma_wait3A_563 : memref<!tpu.dma_semaphore, #tpu.memory_space<semaphore_mem>>) src(%dma_wait3A_561 : memref<10240x32xf32, #tpu.memory_space<vmem_shared>>) dst(%dma_wait3A_555 : memref<64x32xf32, #tpu.memory_space<vmem>>)
        %dma_start3A_564 = arith.constant 9 : i32
        %dma_start3A_565 = arith.constant 9 : i32
        %dma_start3A_566 = arith.constant 0 : i32
        %dma_start3A_567 = arith.constant 0 : i32
        %dma_start3A_568 = tpu.memref_slice %arg8[%dma_start3A_564, %dma_start3A_566, %dma_start3A_567] : memref<10x64x32xf32, #tpu.memory_space<vmem>> -> memref<1x64x32xf32, #tpu.memory_space<vmem>>
        %dma_start3A_569 = tpu.memref_squeeze %dma_start3A_568 : memref<1x64x32xf32, #tpu.memory_space<vmem>> -> memref<64x32xf32, #tpu.memory_space<vmem>>
        %dma_start3A_570 = arith.constant 0 : i32
        %dma_start3A_571 = tpu.memref_slice %arg7[%add3A_549, %dma_start3A_570] : memref<40x64xi32, #tpu.memory_space<vmem>> -> memref<1x64xi32, #tpu.memory_space<vmem>>
        %dma_start3A_572 = tpu.memref_squeeze %dma_start3A_571 : memref<1x64xi32, #tpu.memory_space<vmem>> -> memref<64xi32, #tpu.memory_space<vmem>>
        %dma_start3A_573 = arith.constant 0 : i32
        %dma_start3A_574 = arith.constant 0 : i32
        %dma_start3A_575 = tpu.memref_slice %arg10[%dma_start3A_573, %dma_start3A_574] : memref<10240x32xf32, #tpu.memory_space<vmem_shared>> -> memref<10240x32xf32, #tpu.memory_space<vmem_shared>>
        %dma_start3A_576 = tpu.memref_slice %arg12[%dma_start3A_565] : memref<10x!tpu.dma_semaphore, #tpu.memory_space<semaphore_mem>> -> memref<1x!tpu.dma_semaphore, #tpu.memory_space<semaphore_mem>>
        %dma_start3A_577 = tpu.memref_squeeze %dma_start3A_576 : memref<1x!tpu.dma_semaphore, #tpu.memory_space<semaphore_mem>> -> memref<!tpu.dma_semaphore, #tpu.memory_space<semaphore_mem>>
        tpu.enqueue_indirect_dma source(%dma_start3A_569 : memref<64x32xf32, #tpu.memory_space<vmem>>) target(%dma_start3A_575 : memref<10240x32xf32, #tpu.memory_space<vmem_shared>>) offsets(%dma_start3A_572 : memref<64xi32, #tpu.memory_space<vmem>>) semaphore(%dma_start3A_577 : memref<!tpu.dma_semaphore, #tpu.memory_space<semaphore_mem>>) {add = true}
        %ge3A_578 = arith.constant 4 : i32
        %ge3A_579 = arith.cmpi sge, %add3A_549, %ge3A_578 : i32
        %convert_element_type3A_580 = arith.extui %ge3A_579 : i1 to i32
        %cond3A_581 = arith.constant 0 : i32
        %cond3A_582 = arith.cmpi ne, %convert_element_type3A_580, %cond3A_581 : i32
        scf.if %cond3A_582 {
          %sub3A = arith.constant 4 : i32
          %sub3A_591 = arith.subi %add3A_549, %sub3A : i32
          %dma_wait3A_592 = arith.constant 5 : i32
          %dma_wait3A_593 = arith.constant 5 : i32
          %dma_wait3A_594 = arith.constant 0 : i32
          %dma_wait3A_595 = arith.constant 0 : i32
          %dma_wait3A_596 = tpu.memref_slice %arg8[%dma_wait3A_592, %dma_wait3A_594, %dma_wait3A_595] : memref<10x64x32xf32, #tpu.memory_space<vmem>> -> memref<1x64x32xf32, #tpu.memory_space<vmem>>
          %dma_wait3A_597 = tpu.memref_squeeze %dma_wait3A_596 : memref<1x64x32xf32, #tpu.memory_space<vmem>> -> memref<64x32xf32, #tpu.memory_space<vmem>>
          %dma_wait3A_598 = arith.constant 0 : i32
          %dma_wait3A_599 = tpu.memref_slice %arg7[%sub3A_591, %dma_wait3A_598] : memref<40x64xi32, #tpu.memory_space<vmem>> -> memref<1x64xi32, #tpu.memory_space<vmem>>
          %dma_wait3A_600 = tpu.memref_squeeze %dma_wait3A_599 : memref<1x64xi32, #tpu.memory_space<vmem>> -> memref<64xi32, #tpu.memory_space<vmem>>
          %dma_wait3A_601 = arith.constant 0 : i32
          %dma_wait3A_602 = arith.constant 0 : i32
          %dma_wait3A_603 = tpu.memref_slice %arg10[%dma_wait3A_601, %dma_wait3A_602] : memref<10240x32xf32, #tpu.memory_space<vmem_shared>> -> memref<10240x32xf32, #tpu.memory_space<vmem_shared>>
          %dma_wait3A_604 = tpu.memref_slice %arg12[%dma_wait3A_593] : memref<10x!tpu.dma_semaphore, #tpu.memory_space<semaphore_mem>> -> memref<1x!tpu.dma_semaphore, #tpu.memory_space<semaphore_mem>>
          %dma_wait3A_605 = tpu.memref_squeeze %dma_wait3A_604 : memref<1x!tpu.dma_semaphore, #tpu.memory_space<semaphore_mem>> -> memref<!tpu.dma_semaphore, #tpu.memory_space<semaphore_mem>>
          tpu.wait_indirect_dma semaphore(%dma_wait3A_605 : memref<!tpu.dma_semaphore, #tpu.memory_space<semaphore_mem>>) src(%dma_wait3A_597 : memref<64x32xf32, #tpu.memory_space<vmem>>) dst(%dma_wait3A_603 : memref<10240x32xf32, #tpu.memory_space<vmem_shared>>)
        } else {
        }
        %add3A_583 = arith.constant 6 : i32
        %add3A_584 = arith.addi %add3A_549, %add3A_583 : i32
        %lt3A_585 = arith.constant 40 : i32
        %lt3A_586 = arith.cmpi slt, %add3A_584, %lt3A_585 : i32
        %convert_element_type3A_587 = arith.extui %lt3A_586 : i1 to i32
        %cond3A_588 = arith.constant 0 : i32
        %cond3A_589 = arith.cmpi ne, %convert_element_type3A_587, %cond3A_588 : i32
        scf.if %cond3A_589 {
          %add3A_591 = arith.constant 6 : i32
          %add3A_592 = arith.addi %add3A_549, %add3A_591 : i32
          %dma_start3A_593 = arith.constant 5 : i32
          %dma_start3A_594 = arith.constant 5 : i32
          %dma_start3A_595 = arith.constant 0 : i32
          %dma_start3A_596 = arith.constant 0 : i32
          %dma_start3A_597 = tpu.memref_slice %arg8[%dma_start3A_593, %dma_start3A_595, %dma_start3A_596] : memref<10x64x32xf32, #tpu.memory_space<vmem>> -> memref<1x64x32xf32, #tpu.memory_space<vmem>>
          %dma_start3A_598 = tpu.memref_squeeze %dma_start3A_597 : memref<1x64x32xf32, #tpu.memory_space<vmem>> -> memref<64x32xf32, #tpu.memory_space<vmem>>
          %dma_start3A_599 = arith.constant 0 : i32
          %dma_start3A_600 = tpu.memref_slice %arg6[%add3A_592, %dma_start3A_599] : memref<40x64xi32, #tpu.memory_space<vmem>> -> memref<1x64xi32, #tpu.memory_space<vmem>>
          %dma_start3A_601 = tpu.memref_squeeze %dma_start3A_600 : memref<1x64xi32, #tpu.memory_space<vmem>> -> memref<64xi32, #tpu.memory_space<vmem>>
          %dma_start3A_602 = arith.constant 0 : i32
          %dma_start3A_603 = arith.constant 0 : i32
          %dma_start3A_604 = tpu.memref_slice %arg9[%dma_start3A_602, %dma_start3A_603] : memref<10240x32xf32, #tpu.memory_space<vmem_shared>> -> memref<10240x32xf32, #tpu.memory_space<vmem_shared>>
          %dma_start3A_605 = tpu.memref_slice %arg11[%dma_start3A_594] : memref<10x!tpu.dma_semaphore, #tpu.memory_space<semaphore_mem>> -> memref<1x!tpu.dma_semaphore, #tpu.memory_space<semaphore_mem>>
          %dma_start3A_606 = tpu.memref_squeeze %dma_start3A_605 : memref<1x!tpu.dma_semaphore, #tpu.memory_space<semaphore_mem>> -> memref<!tpu.dma_semaphore, #tpu.memory_space<semaphore_mem>>
          tpu.enqueue_indirect_dma source(%dma_start3A_604 : memref<10240x32xf32, #tpu.memory_space<vmem_shared>>) target(%dma_start3A_598 : memref<64x32xf32, #tpu.memory_space<vmem>>) offsets(%dma_start3A_601 : memref<64xi32, #tpu.memory_space<vmem>>) semaphore(%dma_start3A_606 : memref<!tpu.dma_semaphore, #tpu.memory_space<semaphore_mem>>)
        } else {
        }
        %scan3A_590 = arith.constant 0 : i32
        scf.yield %scan3A_590 : i32
      }
      %scan3A_109 = arith.constant 4 : i32
      %dma_wait3A = arith.constant 6 : i32
      %dma_wait3A_110 = arith.constant 36 : i32
      %dma_wait3A_111 = arith.constant 6 : i32
      %dma_wait3A_112 = arith.constant 0 : i32
      %dma_wait3A_113 = arith.constant 0 : i32
      %dma_wait3A_114 = tpu.memref_slice %arg8[%dma_wait3A, %dma_wait3A_112, %dma_wait3A_113] : memref<10x64x32xf32, #tpu.memory_space<vmem>> -> memref<1x64x32xf32, #tpu.memory_space<vmem>>
      %dma_wait3A_115 = tpu.memref_squeeze %dma_wait3A_114 : memref<1x64x32xf32, #tpu.memory_space<vmem>> -> memref<64x32xf32, #tpu.memory_space<vmem>>
      %dma_wait3A_116 = arith.constant 0 : i32
      %dma_wait3A_117 = tpu.memref_slice %arg7[%dma_wait3A_110, %dma_wait3A_116] : memref<40x64xi32, #tpu.memory_space<vmem>> -> memref<1x64xi32, #tpu.memory_space<vmem>>
      %dma_wait3A_118 = tpu.memref_squeeze %dma_wait3A_117 : memref<1x64xi32, #tpu.memory_space<vmem>> -> memref<64xi32, #tpu.memory_space<vmem>>
      %dma_wait3A_119 = arith.constant 0 : i32
      %dma_wait3A_120 = arith.constant 0 : i32
      %dma_wait3A_121 = tpu.memref_slice %arg10[%dma_wait3A_119, %dma_wait3A_120] : memref<10240x32xf32, #tpu.memory_space<vmem_shared>> -> memref<10240x32xf32, #tpu.memory_space<vmem_shared>>
      %dma_wait3A_122 = tpu.memref_slice %arg12[%dma_wait3A_111] : memref<10x!tpu.dma_semaphore, #tpu.memory_space<semaphore_mem>> -> memref<1x!tpu.dma_semaphore, #tpu.memory_space<semaphore_mem>>
      %dma_wait3A_123 = tpu.memref_squeeze %dma_wait3A_122 : memref<1x!tpu.dma_semaphore, #tpu.memory_space<semaphore_mem>> -> memref<!tpu.dma_semaphore, #tpu.memory_space<semaphore_mem>>
      tpu.wait_indirect_dma semaphore(%dma_wait3A_123 : memref<!tpu.dma_semaphore, #tpu.memory_space<semaphore_mem>>) src(%dma_wait3A_115 : memref<64x32xf32, #tpu.memory_space<vmem>>) dst(%dma_wait3A_121 : memref<10240x32xf32, #tpu.memory_space<vmem_shared>>)
      %dma_wait3A_124 = arith.constant 7 : i32
      %dma_wait3A_125 = arith.constant 37 : i32
      %dma_wait3A_126 = arith.constant 7 : i32
      %dma_wait3A_127 = arith.constant 0 : i32
      %dma_wait3A_128 = arith.constant 0 : i32
      %dma_wait3A_129 = tpu.memref_slice %arg8[%dma_wait3A_124, %dma_wait3A_127, %dma_wait3A_128] : memref<10x64x32xf32, #tpu.memory_space<vmem>> -> memref<1x64x32xf32, #tpu.memory_space<vmem>>
      %dma_wait3A_130 = tpu.memref_squeeze %dma_wait3A_129 : memref<1x64x32xf32, #tpu.memory_space<vmem>> -> memref<64x32xf32, #tpu.memory_space<vmem>>
      %dma_wait3A_131 = arith.constant 0 : i32
      %dma_wait3A_132 = tpu.memref_slice %arg7[%dma_wait3A_125, %dma_wait3A_131] : memref<40x64xi32, #tpu.memory_space<vmem>> -> memref<1x64xi32, #tpu.memory_space<vmem>>
      %dma_wait3A_133 = tpu.memref_squeeze %dma_wait3A_132 : memref<1x64xi32, #tpu.memory_space<vmem>> -> memref<64xi32, #tpu.memory_space<vmem>>
      %dma_wait3A_134 = arith.constant 0 : i32
      %dma_wait3A_135 = arith.constant 0 : i32
      %dma_wait3A_136 = tpu.memref_slice %arg10[%dma_wait3A_134, %dma_wait3A_135] : memref<10240x32xf32, #tpu.memory_space<vmem_shared>> -> memref<10240x32xf32, #tpu.memory_space<vmem_shared>>
      %dma_wait3A_137 = tpu.memref_slice %arg12[%dma_wait3A_126] : memref<10x!tpu.dma_semaphore, #tpu.memory_space<semaphore_mem>> -> memref<1x!tpu.dma_semaphore, #tpu.memory_space<semaphore_mem>>
      %dma_wait3A_138 = tpu.memref_squeeze %dma_wait3A_137 : memref<1x!tpu.dma_semaphore, #tpu.memory_space<semaphore_mem>> -> memref<!tpu.dma_semaphore, #tpu.memory_space<semaphore_mem>>
      tpu.wait_indirect_dma semaphore(%dma_wait3A_138 : memref<!tpu.dma_semaphore, #tpu.memory_space<semaphore_mem>>) src(%dma_wait3A_130 : memref<64x32xf32, #tpu.memory_space<vmem>>) dst(%dma_wait3A_136 : memref<10240x32xf32, #tpu.memory_space<vmem_shared>>)
      %dma_wait3A_139 = arith.constant 8 : i32
      %dma_wait3A_140 = arith.constant 38 : i32
      %dma_wait3A_141 = arith.constant 8 : i32
      %dma_wait3A_142 = arith.constant 0 : i32
      %dma_wait3A_143 = arith.constant 0 : i32
      %dma_wait3A_144 = tpu.memref_slice %arg8[%dma_wait3A_139, %dma_wait3A_142, %dma_wait3A_143] : memref<10x64x32xf32, #tpu.memory_space<vmem>> -> memref<1x64x32xf32, #tpu.memory_space<vmem>>
      %dma_wait3A_145 = tpu.memref_squeeze %dma_wait3A_144 : memref<1x64x32xf32, #tpu.memory_space<vmem>> -> memref<64x32xf32, #tpu.memory_space<vmem>>
      %dma_wait3A_146 = arith.constant 0 : i32
      %dma_wait3A_147 = tpu.memref_slice %arg7[%dma_wait3A_140, %dma_wait3A_146] : memref<40x64xi32, #tpu.memory_space<vmem>> -> memref<1x64xi32, #tpu.memory_space<vmem>>
      %dma_wait3A_148 = tpu.memref_squeeze %dma_wait3A_147 : memref<1x64xi32, #tpu.memory_space<vmem>> -> memref<64xi32, #tpu.memory_space<vmem>>
      %dma_wait3A_149 = arith.constant 0 : i32
      %dma_wait3A_150 = arith.constant 0 : i32
      %dma_wait3A_151 = tpu.memref_slice %arg10[%dma_wait3A_149, %dma_wait3A_150] : memref<10240x32xf32, #tpu.memory_space<vmem_shared>> -> memref<10240x32xf32, #tpu.memory_space<vmem_shared>>
      %dma_wait3A_152 = tpu.memref_slice %arg12[%dma_wait3A_141] : memref<10x!tpu.dma_semaphore, #tpu.memory_space<semaphore_mem>> -> memref<1x!tpu.dma_semaphore, #tpu.memory_space<semaphore_mem>>
      %dma_wait3A_153 = tpu.memref_squeeze %dma_wait3A_152 : memref<1x!tpu.dma_semaphore, #tpu.memory_space<semaphore_mem>> -> memref<!tpu.dma_semaphore, #tpu.memory_space<semaphore_mem>>
      tpu.wait_indirect_dma semaphore(%dma_wait3A_153 : memref<!tpu.dma_semaphore, #tpu.memory_space<semaphore_mem>>) src(%dma_wait3A_145 : memref<64x32xf32, #tpu.memory_space<vmem>>) dst(%dma_wait3A_151 : memref<10240x32xf32, #tpu.memory_space<vmem_shared>>)
      %dma_wait3A_154 = arith.constant 9 : i32
      %dma_wait3A_155 = arith.constant 39 : i32
      %dma_wait3A_156 = arith.constant 9 : i32
      %dma_wait3A_157 = arith.constant 0 : i32
      %dma_wait3A_158 = arith.constant 0 : i32
      %dma_wait3A_159 = tpu.memref_slice %arg8[%dma_wait3A_154, %dma_wait3A_157, %dma_wait3A_158] : memref<10x64x32xf32, #tpu.memory_space<vmem>> -> memref<1x64x32xf32, #tpu.memory_space<vmem>>
      %dma_wait3A_160 = tpu.memref_squeeze %dma_wait3A_159 : memref<1x64x32xf32, #tpu.memory_space<vmem>> -> memref<64x32xf32, #tpu.memory_space<vmem>>
      %dma_wait3A_161 = arith.constant 0 : i32
      %dma_wait3A_162 = tpu.memref_slice %arg7[%dma_wait3A_155, %dma_wait3A_161] : memref<40x64xi32, #tpu.memory_space<vmem>> -> memref<1x64xi32, #tpu.memory_space<vmem>>
      %dma_wait3A_163 = tpu.memref_squeeze %dma_wait3A_162 : memref<1x64xi32, #tpu.memory_space<vmem>> -> memref<64xi32, #tpu.memory_space<vmem>>
      %dma_wait3A_164 = arith.constant 0 : i32
      %dma_wait3A_165 = arith.constant 0 : i32
      %dma_wait3A_166 = tpu.memref_slice %arg10[%dma_wait3A_164, %dma_wait3A_165] : memref<10240x32xf32, #tpu.memory_space<vmem_shared>> -> memref<10240x32xf32, #tpu.memory_space<vmem_shared>>
      %dma_wait3A_167 = tpu.memref_slice %arg12[%dma_wait3A_156] : memref<10x!tpu.dma_semaphore, #tpu.memory_space<semaphore_mem>> -> memref<1x!tpu.dma_semaphore, #tpu.memory_space<semaphore_mem>>
      %dma_wait3A_168 = tpu.memref_squeeze %dma_wait3A_167 : memref<1x!tpu.dma_semaphore, #tpu.memory_space<semaphore_mem>> -> memref<!tpu.dma_semaphore, #tpu.memory_space<semaphore_mem>>
      tpu.wait_indirect_dma semaphore(%dma_wait3A_168 : memref<!tpu.dma_semaphore, #tpu.memory_space<semaphore_mem>>) src(%dma_wait3A_160 : memref<64x32xf32, #tpu.memory_space<vmem>>) dst(%dma_wait3A_166 : memref<10240x32xf32, #tpu.memory_space<vmem_shared>>)
      %scan3A_169 = arith.constant 0 : i32
      scf.yield %scan3A_169 : i32
    }
    %scan3A_6 = arith.constant 8 : i32
    %barrier3A_7 = arith.constant 0 : index
    tpu.barrier barrier_id(%barrier3A_7)
    "tpu.region"() ({
      %run_scoped3A = tpu.sem_alloc : memref<!tpu.dma_semaphore, #tpu.memory_space<semaphore_mem>>
      %dma_start3A = arith.constant 0 : i32
      %dma_start3A_8 = tpu.memref_slice %arg5[%arg0, %mul3A_0, %dma_start3A] : memref<2x10240x32xf32, #tpu.memory_space<hbm>> -> memref<1x640x32xf32, #tpu.memory_space<hbm>>
      %dma_start3A_9 = tpu.memref_squeeze %dma_start3A_8 : memref<1x640x32xf32, #tpu.memory_space<hbm>> -> memref<640x32xf32, #tpu.memory_space<hbm>>
      %dma_start3A_10 = arith.constant 0 : i32
      %dma_start3A_11 = tpu.memref_slice %arg10[%mul3A_0, %dma_start3A_10] : memref<10240x32xf32, #tpu.memory_space<vmem_shared>> -> memref<640x32xf32, #tpu.memory_space<vmem_shared>>
      tpu.enqueue_dma source(%dma_start3A_11 : memref<640x32xf32, #tpu.memory_space<vmem_shared>>) target(%dma_start3A_9 : memref<640x32xf32, #tpu.memory_space<hbm>>) target_semaphore(%run_scoped3A : memref<!tpu.dma_semaphore, #tpu.memory_space<semaphore_mem>>)
      %dma_wait3A = arith.constant 0 : i32
      %dma_wait3A_12 = tpu.memref_slice %arg5[%arg0, %mul3A_0, %dma_wait3A] : memref<2x10240x32xf32, #tpu.memory_space<hbm>> -> memref<1x640x32xf32, #tpu.memory_space<hbm>>
      %dma_wait3A_13 = tpu.memref_squeeze %dma_wait3A_12 : memref<1x640x32xf32, #tpu.memory_space<hbm>> -> memref<640x32xf32, #tpu.memory_space<hbm>>
      %dma_wait3A_14 = arith.constant 0 : i32
      %dma_wait3A_15 = tpu.memref_slice %arg10[%mul3A_0, %dma_wait3A_14] : memref<10240x32xf32, #tpu.memory_space<vmem_shared>> -> memref<640x32xf32, #tpu.memory_space<vmem_shared>>
      tpu.wait_dma2 semaphore(%run_scoped3A : memref<!tpu.dma_semaphore, #tpu.memory_space<semaphore_mem>>) src(%dma_wait3A_15 : memref<640x32xf32, #tpu.memory_space<vmem_shared>>) dst(%dma_wait3A_13 : memref<640x32xf32, #tpu.memory_space<hbm>>)
      tpu.yield
    }) : () -> ()
    return
  }
}

module attributes {stable_mosaic.version = 14 : i64} {
  func.func @_k1_body(%arg0: memref<10000x128xf32, #tpu.memory_space<vmem>>, %arg1: memref<128x128xf32, #tpu.memory_space<vmem>>, %arg2: memref<2x10240xf32, #tpu.memory_space<vmem>>, %arg3: memref<2x10240x64xf32, #tpu.memory_space<vmem>>, %arg4: memref<10240xf32, #tpu.memory_space<vmem>>) attributes {dimension_semantics = [], scalar_prefetch = 0 : i64, scratch_operands = 0 : i64, tpu.core_type = #tpu.core_type<tc>} {
    %get3A = arith.constant 0 : index
    %get3A_0 = arith.constant 0 : index
    %get3A_1 = vector.load %arg2[%get3A, %get3A_0] : memref<2x10240xf32, #tpu.memory_space<vmem>>, vector<1x10240xf32>
    %get3A_2 = vector.shape_cast %get3A_1 : vector<1x10240xf32> to vector<10240xf32>
    %get3A_3 = arith.constant 1 : index
    %get3A_4 = arith.constant 0 : index
    %get3A_5 = vector.load %arg2[%get3A_3, %get3A_4] : memref<2x10240xf32, #tpu.memory_space<vmem>>, vector<1x10240xf32>
    %get3A_6 = vector.shape_cast %get3A_5 : vector<1x10240xf32> to vector<10240xf32>
    %add3A = arith.addf %get3A_2, %get3A_6 : vector<10240xf32>
    %add3A_7 = arith.constant 1.000000e+00 : f32
    %add3A_8 = vector.broadcast %add3A_7 : f32 to vector<10240xf32>
    %add3A_9 = arith.addf %add3A, %add3A_8 : vector<10240xf32>
    %rsqrt3A = math.rsqrt %add3A_9 : vector<10240xf32>
    %swap3A = arith.constant 0 : index
    %swap3A_10 = vector.load %arg4[%swap3A] : memref<10240xf32, #tpu.memory_space<vmem>>, vector<10240xf32>
    tpu.vector_store %arg4[%swap3A], %rsqrt3A {strides = array<i32>} : memref<10240xf32, #tpu.memory_space<vmem>>, vector<10240xf32>,
    %get3A_11 = arith.constant 0 : index
    %get3A_12 = arith.constant 0 : index
    %get3A_13 = vector.load %arg0[%get3A_11, %get3A_12] : memref<10000x128xf32, #tpu.memory_space<vmem>>, vector<10000x128xf32>
    %get3A_14 = arith.constant 0 : index
    %get3A_15 = arith.constant 0 : index
    %get3A_16 = vector.load %arg1[%get3A_14, %get3A_15] : memref<128x128xf32, #tpu.memory_space<vmem>>, vector<128x128xf32>
    %dot_general3A = arith.constant dense<0.000000e+00> : vector<10000x128xf32>
    %dot_general3A_17 = tpu.matmul %get3A_13, %get3A_16, %dot_general3A {dimension_numbers = #tpu.dot_dimension_numbers<[1], [0], [0], [1], [0, 0, 1, 1], [], []>, transpose_lhs_hint = false} : vector<10000x128xf32>, vector<128x128xf32>, vector<10000x128xf32> -> vector<10000x128xf32>
    %slice3A = vector.extract_strided_slice %rsqrt3A {offsets = [0], sizes = [10000], strides = [1]} : vector<10240xf32> to vector<10000xf32>
    %broadcast_in_dim3A = vector.shape_cast %slice3A : vector<10000xf32> to vector<10000x1xf32>
    %mul3A = vector.broadcast %broadcast_in_dim3A : vector<10000x1xf32> to vector<10000x128xf32>
    %mul3A_18 = arith.mulf %dot_general3A_17, %mul3A : vector<10000x128xf32>
    %broadcast_in_dim3A_19 = arith.constant 0.000000e+00 : f32
    %broadcast_in_dim3A_20 = vector.broadcast %broadcast_in_dim3A_19 : f32 to vector<240x128xf32>
    %concatenate3A = tpu.concatenate %mul3A_18, %broadcast_in_dim3A_20 in 0 : vector<10000x128xf32>, vector<240x128xf32> -> vector<10240x128xf32>
    %slice3A_21 = vector.extract_strided_slice %concatenate3A {offsets = [0, 0], sizes = [10240, 64], strides = [1, 1]} : vector<10240x128xf32> to vector<10240x64xf32>
    %slice3A_22 = vector.extract_strided_slice %concatenate3A {offsets = [0, 64], sizes = [10240, 64], strides = [1, 1]} : vector<10240x128xf32> to vector<10240x64xf32>
    %stack3A = vector.shape_cast %slice3A_21 : vector<10240x64xf32> to vector<1x10240x64xf32>
    %stack3A_23 = vector.shape_cast %slice3A_22 : vector<10240x64xf32> to vector<1x10240x64xf32>
    %stack3A_24 = tpu.concatenate %stack3A, %stack3A_23 in 0 : vector<1x10240x64xf32>, vector<1x10240x64xf32> -> vector<2x10240x64xf32>
    %swap3A_25 = arith.constant 0 : index
    %swap3A_26 = arith.constant 0 : index
    %swap3A_27 = arith.constant 0 : index
    %swap3A_28 = vector.load %arg3[%swap3A_25, %swap3A_26, %swap3A_27] : memref<2x10240x64xf32, #tpu.memory_space<vmem>>, vector<2x10240x64xf32>
    tpu.vector_store %arg3[%swap3A_25, %swap3A_26, %swap3A_27], %stack3A_24 {strides = array<i32>} : memref<2x10240x64xf32, #tpu.memory_space<vmem>>, vector<2x10240x64xf32>,
    return
  }
}

module attributes {stable_mosaic.version = 14 : i64} {
  func.func @_bn_mm_body(%arg0: memref<2x10240x64xf32, #tpu.memory_space<vmem>>, %arg1: memref<10240xf32, #tpu.memory_space<vmem>>, %arg2: memref<128xf32, #tpu.memory_space<vmem>>, %arg3: memref<128xf32, #tpu.memory_space<vmem>>, %arg4: memref<128xf32, #tpu.memory_space<vmem>>, %arg5: memref<128x128xf32, #tpu.memory_space<vmem>>, %arg6: memref<2x10240x64xf32, #tpu.memory_space<vmem>>) attributes {dimension_semantics = [], scalar_prefetch = 0 : i64, scratch_operands = 0 : i64, tpu.core_type = #tpu.core_type<tc>} {
    %get3A = arith.constant 0 : index
    %get3A_0 = vector.load %arg1[%get3A] : memref<10240xf32, #tpu.memory_space<vmem>>, vector<10240xf32>
    %slice3A = vector.extract_strided_slice %get3A_0 {offsets = [0], sizes = [10000], strides = [1]} : vector<10240xf32> to vector<10000xf32>
    %broadcast_in_dim3A = vector.shape_cast %slice3A : vector<10000xf32> to vector<10000x1xf32>
    %get3A_1 = arith.constant 0 : index
    %get3A_2 = arith.constant 0 : index
    %get3A_3 = arith.constant 0 : index
    %get3A_4 = vector.load %arg0[%get3A_1, %get3A_2, %get3A_3] : memref<2x10240x64xf32, #tpu.memory_space<vmem>>, vector<1x10240x64xf32>
    %get3A_5 = vector.shape_cast %get3A_4 : vector<1x10240x64xf32> to vector<10240x64xf32>
    %get3A_6 = arith.constant 1 : index
    %get3A_7 = arith.constant 0 : index
    %get3A_8 = arith.constant 0 : index
    %get3A_9 = vector.load %arg0[%get3A_6, %get3A_7, %get3A_8] : memref<2x10240x64xf32, #tpu.memory_space<vmem>>, vector<1x10240x64xf32>
    %get3A_10 = vector.shape_cast %get3A_9 : vector<1x10240x64xf32> to vector<10240x64xf32>
    %concatenate3A = tpu.concatenate %get3A_5, %get3A_10 in 1 : vector<10240x64xf32>, vector<10240x64xf32> -> vector<10240x128xf32>
    %slice3A_11 = vector.extract_strided_slice %concatenate3A {offsets = [0, 0], sizes = [10000, 128], strides = [1, 1]} : vector<10240x128xf32> to vector<10000x128xf32>
    %mul3A = vector.broadcast %broadcast_in_dim3A : vector<10000x1xf32> to vector<10000x128xf32>
    %mul3A_12 = arith.mulf %slice3A_11, %mul3A : vector<10000x128xf32>
    %get3A_13 = arith.constant 0 : index
    %get3A_14 = vector.load %arg2[%get3A_13] : memref<128xf32, #tpu.memory_space<vmem>>, vector<128xf32>
    %broadcast_in_dim3A_15 = vector.shape_cast %get3A_14 : vector<128xf32> to vector<1x128xf32>
    %add3A = vector.broadcast %broadcast_in_dim3A_15 : vector<1x128xf32> to vector<10000x128xf32>
    %add3A_16 = arith.addf %mul3A_12, %add3A : vector<10000x128xf32>
    %reduce_sum3A = arith.constant dense<0.000000e+00> : vector<128xf32>
    %reduce_sum3A_17 = vector.multi_reduction <add>, %add3A_16, %reduce_sum3A [0] : vector<10000x128xf32> to vector<128xf32>
    %div3A = arith.constant 1.000000e+04 : f32
    %div3A_18 = vector.broadcast %div3A : f32 to vector<128xf32>
    %div3A_19 = arith.divf %reduce_sum3A_17, %div3A_18 : vector<128xf32>
    %broadcast_in_dim3A_20 = vector.shape_cast %div3A_19 : vector<128xf32> to vector<1x128xf32>
    %sub3A = vector.broadcast %broadcast_in_dim3A_20 : vector<1x128xf32> to vector<10000x128xf32>
    %sub3A_21 = arith.subf %add3A_16, %sub3A : vector<10000x128xf32>
    %integer_pow3A = arith.mulf %sub3A_21, %sub3A_21 : vector<10000x128xf32>
    %reduce_sum3A_22 = arith.constant dense<0.000000e+00> : vector<128xf32>
    %reduce_sum3A_23 = vector.multi_reduction <add>, %integer_pow3A, %reduce_sum3A_22 [0] : vector<10000x128xf32> to vector<128xf32>
    %div3A_24 = arith.constant 1.000000e+04 : f32
    %div3A_25 = vector.broadcast %div3A_24 : f32 to vector<128xf32>
    %div3A_26 = arith.divf %reduce_sum3A_23, %div3A_25 : vector<128xf32>
    %get3A_27 = arith.constant 0 : index
    %get3A_28 = vector.load %arg3[%get3A_27] : memref<128xf32, #tpu.memory_space<vmem>>, vector<128xf32>
    %broadcast_in_dim3A_29 = vector.shape_cast %div3A_19 : vector<128xf32> to vector<1x128xf32>
    %sub3A_30 = vector.broadcast %broadcast_in_dim3A_29 : vector<1x128xf32> to vector<10000x128xf32>
    %sub3A_31 = arith.subf %add3A_16, %sub3A_30 : vector<10000x128xf32>
    %broadcast_in_dim3A_32 = vector.shape_cast %get3A_28 : vector<128xf32> to vector<1x128xf32>
    %mul3A_33 = vector.broadcast %broadcast_in_dim3A_32 : vector<1x128xf32> to vector<10000x128xf32>
    %mul3A_34 = arith.mulf %mul3A_33, %sub3A_31 : vector<10000x128xf32>
    %add3A_35 = arith.constant 9.99999974E-6 : f32
    %add3A_36 = vector.broadcast %add3A_35 : f32 to vector<128xf32>
    %add3A_37 = arith.addf %div3A_26, %add3A_36 : vector<128xf32>
    %rsqrt3A = math.rsqrt %add3A_37 : vector<128xf32>
    %broadcast_in_dim3A_38 = vector.shape_cast %rsqrt3A : vector<128xf32> to vector<1x128xf32>
    %mul3A_39 = vector.broadcast %broadcast_in_dim3A_38 : vector<1x128xf32> to vector<10000x128xf32>
    %mul3A_40 = arith.mulf %mul3A_34, %mul3A_39 : vector<10000x128xf32>
    %get3A_41 = arith.constant 0 : index
    %get3A_42 = vector.load %arg4[%get3A_41] : memref<128xf32, #tpu.memory_space<vmem>>, vector<128xf32>
    %broadcast_in_dim3A_43 = vector.shape_cast %get3A_42 : vector<128xf32> to vector<1x128xf32>
    %add3A_44 = vector.broadcast %broadcast_in_dim3A_43 : vector<1x128xf32> to vector<10000x128xf32>
    %add3A_45 = arith.addf %mul3A_40, %add3A_44 : vector<10000x128xf32>
    %max3A = arith.constant 0.000000e+00 : f32
    %max3A_46 = vector.broadcast %max3A : f32 to vector<10000x128xf32>
    %max3A_47 = arith.maximumf %add3A_45, %max3A_46 : vector<10000x128xf32>
    %get3A_48 = arith.constant 0 : index
    %get3A_49 = arith.constant 0 : index
    %get3A_50 = vector.load %arg5[%get3A_48, %get3A_49] : memref<128x128xf32, #tpu.memory_space<vmem>>, vector<128x128xf32>
    %dot_general3A = arith.constant dense<0.000000e+00> : vector<10000x128xf32>
    %dot_general3A_51 = tpu.matmul %max3A_47, %get3A_50, %dot_general3A {dimension_numbers = #tpu.dot_dimension_numbers<[1], [0], [0], [1], [0, 0, 1, 1], [], []>, transpose_lhs_hint = false} : vector<10000x128xf32>, vector<128x128xf32>, vector<10000x128xf32> -> vector<10000x128xf32>
    %mul3A_52 = vector.broadcast %broadcast_in_dim3A : vector<10000x1xf32> to vector<10000x128xf32>
    %mul3A_53 = arith.mulf %dot_general3A_51, %mul3A_52 : vector<10000x128xf32>
    %broadcast_in_dim3A_54 = arith.constant 0.000000e+00 : f32
    %broadcast_in_dim3A_55 = vector.broadcast %broadcast_in_dim3A_54 : f32 to vector<240x128xf32>
    %concatenate3A_56 = tpu.concatenate %mul3A_53, %broadcast_in_dim3A_55 in 0 : vector<10000x128xf32>, vector<240x128xf32> -> vector<10240x128xf32>
    %slice3A_57 = vector.extract_strided_slice %concatenate3A_56 {offsets = [0, 0], sizes = [10240, 64], strides = [1, 1]} : vector<10240x128xf32> to vector<10240x64xf32>
    %slice3A_58 = vector.extract_strided_slice %concatenate3A_56 {offsets = [0, 64], sizes = [10240, 64], strides = [1, 1]} : vector<10240x128xf32> to vector<10240x64xf32>
    %stack3A = vector.shape_cast %slice3A_57 : vector<10240x64xf32> to vector<1x10240x64xf32>
    %stack3A_59 = vector.shape_cast %slice3A_58 : vector<10240x64xf32> to vector<1x10240x64xf32>
    %stack3A_60 = tpu.concatenate %stack3A, %stack3A_59 in 0 : vector<1x10240x64xf32>, vector<1x10240x64xf32> -> vector<2x10240x64xf32>
    %swap3A = arith.constant 0 : index
    %swap3A_61 = arith.constant 0 : index
    %swap3A_62 = arith.constant 0 : index
    %swap3A_63 = vector.load %arg6[%swap3A, %swap3A_61, %swap3A_62] : memref<2x10240x64xf32, #tpu.memory_space<vmem>>, vector<2x10240x64xf32>
    tpu.vector_store %arg6[%swap3A, %swap3A_61, %swap3A_62], %stack3A_60 {strides = array<i32>} : memref<2x10240x64xf32, #tpu.memory_space<vmem>>, vector<2x10240x64xf32>,
    return
  }
}

module attributes {stable_mosaic.version = 14 : i64} {
  func.func @_bn_mm_body(%arg0: memref<2x10240x64xf32, #tpu.memory_space<vmem>>, %arg1: memref<10240xf32, #tpu.memory_space<vmem>>, %arg2: memref<128xf32, #tpu.memory_space<vmem>>, %arg3: memref<128xf32, #tpu.memory_space<vmem>>, %arg4: memref<128xf32, #tpu.memory_space<vmem>>, %arg5: memref<128x64xf32, #tpu.memory_space<vmem>>, %arg6: memref<2x10240x32xf32, #tpu.memory_space<vmem>>) attributes {dimension_semantics = [], scalar_prefetch = 0 : i64, scratch_operands = 0 : i64, tpu.core_type = #tpu.core_type<tc>} {
    %get3A = arith.constant 0 : index
    %get3A_0 = vector.load %arg1[%get3A] : memref<10240xf32, #tpu.memory_space<vmem>>, vector<10240xf32>
    %slice3A = vector.extract_strided_slice %get3A_0 {offsets = [0], sizes = [10000], strides = [1]} : vector<10240xf32> to vector<10000xf32>
    %broadcast_in_dim3A = vector.shape_cast %slice3A : vector<10000xf32> to vector<10000x1xf32>
    %get3A_1 = arith.constant 0 : index
    %get3A_2 = arith.constant 0 : index
    %get3A_3 = arith.constant 0 : index
    %get3A_4 = vector.load %arg0[%get3A_1, %get3A_2, %get3A_3] : memref<2x10240x64xf32, #tpu.memory_space<vmem>>, vector<1x10240x64xf32>
    %get3A_5 = vector.shape_cast %get3A_4 : vector<1x10240x64xf32> to vector<10240x64xf32>
    %get3A_6 = arith.constant 1 : index
    %get3A_7 = arith.constant 0 : index
    %get3A_8 = arith.constant 0 : index
    %get3A_9 = vector.load %arg0[%get3A_6, %get3A_7, %get3A_8] : memref<2x10240x64xf32, #tpu.memory_space<vmem>>, vector<1x10240x64xf32>
    %get3A_10 = vector.shape_cast %get3A_9 : vector<1x10240x64xf32> to vector<10240x64xf32>
    %concatenate3A = tpu.concatenate %get3A_5, %get3A_10 in 1 : vector<10240x64xf32>, vector<10240x64xf32> -> vector<10240x128xf32>
    %slice3A_11 = vector.extract_strided_slice %concatenate3A {offsets = [0, 0], sizes = [10000, 128], strides = [1, 1]} : vector<10240x128xf32> to vector<10000x128xf32>
    %mul3A = vector.broadcast %broadcast_in_dim3A : vector<10000x1xf32> to vector<10000x128xf32>
    %mul3A_12 = arith.mulf %slice3A_11, %mul3A : vector<10000x128xf32>
    %get3A_13 = arith.constant 0 : index
    %get3A_14 = vector.load %arg2[%get3A_13] : memref<128xf32, #tpu.memory_space<vmem>>, vector<128xf32>
    %broadcast_in_dim3A_15 = vector.shape_cast %get3A_14 : vector<128xf32> to vector<1x128xf32>
    %add3A = vector.broadcast %broadcast_in_dim3A_15 : vector<1x128xf32> to vector<10000x128xf32>
    %add3A_16 = arith.addf %mul3A_12, %add3A : vector<10000x128xf32>
    %reduce_sum3A = arith.constant dense<0.000000e+00> : vector<128xf32>
    %reduce_sum3A_17 = vector.multi_reduction <add>, %add3A_16, %reduce_sum3A [0] : vector<10000x128xf32> to vector<128xf32>
    %div3A = arith.constant 1.000000e+04 : f32
    %div3A_18 = vector.broadcast %div3A : f32 to vector<128xf32>
    %div3A_19 = arith.divf %reduce_sum3A_17, %div3A_18 : vector<128xf32>
    %broadcast_in_dim3A_20 = vector.shape_cast %div3A_19 : vector<128xf32> to vector<1x128xf32>
    %sub3A = vector.broadcast %broadcast_in_dim3A_20 : vector<1x128xf32> to vector<10000x128xf32>
    %sub3A_21 = arith.subf %add3A_16, %sub3A : vector<10000x128xf32>
    %integer_pow3A = arith.mulf %sub3A_21, %sub3A_21 : vector<10000x128xf32>
    %reduce_sum3A_22 = arith.constant dense<0.000000e+00> : vector<128xf32>
    %reduce_sum3A_23 = vector.multi_reduction <add>, %integer_pow3A, %reduce_sum3A_22 [0] : vector<10000x128xf32> to vector<128xf32>
    %div3A_24 = arith.constant 1.000000e+04 : f32
    %div3A_25 = vector.broadcast %div3A_24 : f32 to vector<128xf32>
    %div3A_26 = arith.divf %reduce_sum3A_23, %div3A_25 : vector<128xf32>
    %get3A_27 = arith.constant 0 : index
    %get3A_28 = vector.load %arg3[%get3A_27] : memref<128xf32, #tpu.memory_space<vmem>>, vector<128xf32>
    %broadcast_in_dim3A_29 = vector.shape_cast %div3A_19 : vector<128xf32> to vector<1x128xf32>
    %sub3A_30 = vector.broadcast %broadcast_in_dim3A_29 : vector<1x128xf32> to vector<10000x128xf32>
    %sub3A_31 = arith.subf %add3A_16, %sub3A_30 : vector<10000x128xf32>
    %broadcast_in_dim3A_32 = vector.shape_cast %get3A_28 : vector<128xf32> to vector<1x128xf32>
    %mul3A_33 = vector.broadcast %broadcast_in_dim3A_32 : vector<1x128xf32> to vector<10000x128xf32>
    %mul3A_34 = arith.mulf %mul3A_33, %sub3A_31 : vector<10000x128xf32>
    %add3A_35 = arith.constant 9.99999974E-6 : f32
    %add3A_36 = vector.broadcast %add3A_35 : f32 to vector<128xf32>
    %add3A_37 = arith.addf %div3A_26, %add3A_36 : vector<128xf32>
    %rsqrt3A = math.rsqrt %add3A_37 : vector<128xf32>
    %broadcast_in_dim3A_38 = vector.shape_cast %rsqrt3A : vector<128xf32> to vector<1x128xf32>
    %mul3A_39 = vector.broadcast %broadcast_in_dim3A_38 : vector<1x128xf32> to vector<10000x128xf32>
    %mul3A_40 = arith.mulf %mul3A_34, %mul3A_39 : vector<10000x128xf32>
    %get3A_41 = arith.constant 0 : index
    %get3A_42 = vector.load %arg4[%get3A_41] : memref<128xf32, #tpu.memory_space<vmem>>, vector<128xf32>
    %broadcast_in_dim3A_43 = vector.shape_cast %get3A_42 : vector<128xf32> to vector<1x128xf32>
    %add3A_44 = vector.broadcast %broadcast_in_dim3A_43 : vector<1x128xf32> to vector<10000x128xf32>
    %add3A_45 = arith.addf %mul3A_40, %add3A_44 : vector<10000x128xf32>
    %max3A = arith.constant 0.000000e+00 : f32
    %max3A_46 = vector.broadcast %max3A : f32 to vector<10000x128xf32>
    %max3A_47 = arith.maximumf %add3A_45, %max3A_46 : vector<10000x128xf32>
    %get3A_48 = arith.constant 0 : index
    %get3A_49 = arith.constant 0 : index
    %get3A_50 = vector.load %arg5[%get3A_48, %get3A_49] : memref<128x64xf32, #tpu.memory_space<vmem>>, vector<128x64xf32>
    %dot_general3A = arith.constant dense<0.000000e+00> : vector<10000x64xf32>
    %dot_general3A_51 = tpu.matmul %max3A_47, %get3A_50, %dot_general3A {dimension_numbers = #tpu.dot_dimension_numbers<[1], [0], [0], [1], [0, 0, 1, 1], [], []>, transpose_lhs_hint = false} : vector<10000x128xf32>, vector<128x64xf32>, vector<10000x64xf32> -> vector<10000x64xf32>
    %mul3A_52 = vector.broadcast %broadcast_in_dim3A : vector<10000x1xf32> to vector<10000x64xf32>
    %mul3A_53 = arith.mulf %dot_general3A_51, %mul3A_52 : vector<10000x64xf32>
    %broadcast_in_dim3A_54 = arith.constant 0.000000e+00 : f32
    %broadcast_in_dim3A_55 = vector.broadcast %broadcast_in_dim3A_54 : f32 to vector<240x64xf32>
    %concatenate3A_56 = tpu.concatenate %mul3A_53, %broadcast_in_dim3A_55 in 0 : vector<10000x64xf32>, vector<240x64xf32> -> vector<10240x64xf32>
    %slice3A_57 = vector.extract_strided_slice %concatenate3A_56 {offsets = [0, 0], sizes = [10240, 32], strides = [1, 1]} : vector<10240x64xf32> to vector<10240x32xf32>
    %slice3A_58 = vector.extract_strided_slice %concatenate3A_56 {offsets = [0, 32], sizes = [10240, 32], strides = [1, 1]} : vector<10240x64xf32> to vector<10240x32xf32>
    %stack3A = vector.shape_cast %slice3A_57 : vector<10240x32xf32> to vector<1x10240x32xf32>
    %stack3A_59 = vector.shape_cast %slice3A_58 : vector<10240x32xf32> to vector<1x10240x32xf32>
    %stack3A_60 = tpu.concatenate %stack3A, %stack3A_59 in 0 : vector<1x10240x32xf32>, vector<1x10240x32xf32> -> vector<2x10240x32xf32>
    %swap3A = arith.constant 0 : index
    %swap3A_61 = arith.constant 0 : index
    %swap3A_62 = arith.constant 0 : index
    %swap3A_63 = vector.load %arg6[%swap3A, %swap3A_61, %swap3A_62] : memref<2x10240x32xf32, #tpu.memory_space<vmem>>, vector<2x10240x32xf32>
    tpu.vector_store %arg6[%swap3A, %swap3A_61, %swap3A_62], %stack3A_60 {strides = array<i32>} : memref<2x10240x32xf32, #tpu.memory_space<vmem>>, vector<2x10240x32xf32>,
    return
  }
}

module attributes {stable_mosaic.version = 14 : i64} {
  func.func @_final_body(%arg0: memref<2x10240x32xf32, #tpu.memory_space<vmem>>, %arg1: memref<10240xf32, #tpu.memory_space<vmem>>, %arg2: memref<64xf32, #tpu.memory_space<vmem>>, %arg3: memref<64xf32, #tpu.memory_space<vmem>>, %arg4: memref<64xf32, #tpu.memory_space<vmem>>, %arg5: memref<10000xi32, #tpu.memory_space<vmem>>, %arg6: memref<64x64xf32, #tpu.memory_space<vmem>>) attributes {dimension_semantics = [], scalar_prefetch = 0 : i64, scratch_operands = 0 : i64, tpu.core_type = #tpu.core_type<tc>} {
    %get3A = arith.constant 0 : index
    %get3A_0 = arith.constant 0 : index
    %get3A_1 = arith.constant 0 : index
    %get3A_2 = vector.load %arg0[%get3A, %get3A_0, %get3A_1] : memref<2x10240x32xf32, #tpu.memory_space<vmem>>, vector<1x10240x32xf32>
    %get3A_3 = vector.shape_cast %get3A_2 : vector<1x10240x32xf32> to vector<10240x32xf32>
    %get3A_4 = arith.constant 1 : index
    %get3A_5 = arith.constant 0 : index
    %get3A_6 = arith.constant 0 : index
    %get3A_7 = vector.load %arg0[%get3A_4, %get3A_5, %get3A_6] : memref<2x10240x32xf32, #tpu.memory_space<vmem>>, vector<1x10240x32xf32>
    %get3A_8 = vector.shape_cast %get3A_7 : vector<1x10240x32xf32> to vector<10240x32xf32>
    %concatenate3A = tpu.concatenate %get3A_3, %get3A_8 in 1 : vector<10240x32xf32>, vector<10240x32xf32> -> vector<10240x64xf32>
    %slice3A = vector.extract_strided_slice %concatenate3A {offsets = [0, 0], sizes = [10000, 64], strides = [1, 1]} : vector<10240x64xf32> to vector<10000x64xf32>
    %get3A_9 = arith.constant 0 : index
    %get3A_10 = vector.load %arg1[%get3A_9] : memref<10240xf32, #tpu.memory_space<vmem>>, vector<10240xf32>
    %slice3A_11 = vector.extract_strided_slice %get3A_10 {offsets = [0], sizes = [10000], strides = [1]} : vector<10240xf32> to vector<10000xf32>
    %broadcast_in_dim3A = vector.shape_cast %slice3A_11 : vector<10000xf32> to vector<10000x1xf32>
    %mul3A = vector.broadcast %broadcast_in_dim3A : vector<10000x1xf32> to vector<10000x64xf32>
    %mul3A_12 = arith.mulf %slice3A, %mul3A : vector<10000x64xf32>
    %get3A_13 = arith.constant 0 : index
    %get3A_14 = vector.load %arg2[%get3A_13] : memref<64xf32, #tpu.memory_space<vmem>>, vector<64xf32>
    %broadcast_in_dim3A_15 = vector.shape_cast %get3A_14 : vector<64xf32> to vector<1x64xf32>
    %add3A = vector.broadcast %broadcast_in_dim3A_15 : vector<1x64xf32> to vector<10000x64xf32>
    %add3A_16 = arith.addf %mul3A_12, %add3A : vector<10000x64xf32>
    %reduce_sum3A = arith.constant dense<0.000000e+00> : vector<64xf32>
    %reduce_sum3A_17 = vector.multi_reduction <add>, %add3A_16, %reduce_sum3A [0] : vector<10000x64xf32> to vector<64xf32>
    %div3A = arith.constant 1.000000e+04 : f32
    %div3A_18 = vector.broadcast %div3A : f32 to vector<64xf32>
    %div3A_19 = arith.divf %reduce_sum3A_17, %div3A_18 : vector<64xf32>
    %broadcast_in_dim3A_20 = vector.shape_cast %div3A_19 : vector<64xf32> to vector<1x64xf32>
    %sub3A = vector.broadcast %broadcast_in_dim3A_20 : vector<1x64xf32> to vector<10000x64xf32>
    %sub3A_21 = arith.subf %add3A_16, %sub3A : vector<10000x64xf32>
    %integer_pow3A = arith.mulf %sub3A_21, %sub3A_21 : vector<10000x64xf32>
    %reduce_sum3A_22 = arith.constant dense<0.000000e+00> : vector<64xf32>
    %reduce_sum3A_23 = vector.multi_reduction <add>, %integer_pow3A, %reduce_sum3A_22 [0] : vector<10000x64xf32> to vector<64xf32>
    %div3A_24 = arith.constant 1.000000e+04 : f32
    %div3A_25 = vector.broadcast %div3A_24 : f32 to vector<64xf32>
    %div3A_26 = arith.divf %reduce_sum3A_23, %div3A_25 : vector<64xf32>
    %get3A_27 = arith.constant 0 : index
    %get3A_28 = vector.load %arg3[%get3A_27] : memref<64xf32, #tpu.memory_space<vmem>>, vector<64xf32>
    %broadcast_in_dim3A_29 = vector.shape_cast %div3A_19 : vector<64xf32> to vector<1x64xf32>
    %sub3A_30 = vector.broadcast %broadcast_in_dim3A_29 : vector<1x64xf32> to vector<10000x64xf32>
    %sub3A_31 = arith.subf %add3A_16, %sub3A_30 : vector<10000x64xf32>
    %broadcast_in_dim3A_32 = vector.shape_cast %get3A_28 : vector<64xf32> to vector<1x64xf32>
    %mul3A_33 = vector.broadcast %broadcast_in_dim3A_32 : vector<1x64xf32> to vector<10000x64xf32>
    %mul3A_34 = arith.mulf %mul3A_33, %sub3A_31 : vector<10000x64xf32>
    %add3A_35 = arith.constant 9.99999974E-6 : f32
    %add3A_36 = vector.broadcast %add3A_35 : f32 to vector<64xf32>
    %add3A_37 = arith.addf %div3A_26, %add3A_36 : vector<64xf32>
    %rsqrt3A = math.rsqrt %add3A_37 : vector<64xf32>
    %broadcast_in_dim3A_38 = vector.shape_cast %rsqrt3A : vector<64xf32> to vector<1x64xf32>
    %mul3A_39 = vector.broadcast %broadcast_in_dim3A_38 : vector<1x64xf32> to vector<10000x64xf32>
    %mul3A_40 = arith.mulf %mul3A_34, %mul3A_39 : vector<10000x64xf32>
    %get3A_41 = arith.constant 0 : index
    %get3A_42 = vector.load %arg4[%get3A_41] : memref<64xf32, #tpu.memory_space<vmem>>, vector<64xf32>
    %broadcast_in_dim3A_43 = vector.shape_cast %get3A_42 : vector<64xf32> to vector<1x64xf32>
    %add3A_44 = vector.broadcast %broadcast_in_dim3A_43 : vector<1x64xf32> to vector<10000x64xf32>
    %add3A_45 = arith.addf %mul3A_40, %add3A_44 : vector<10000x64xf32>
    %iota3A = tpu.iota {dimensions = array<i32: 0>} : vector<64x10000xi32>
    %get3A_46 = arith.constant 0 : index
    %get3A_47 = vector.load %arg5[%get3A_46] : memref<10000xi32, #tpu.memory_space<vmem>>, vector<10000xi32>
    %broadcast_in_dim3A_48 = vector.shape_cast %get3A_47 : vector<10000xi32> to vector<1x10000xi32>
    %eq3A = vector.broadcast %broadcast_in_dim3A_48 : vector<1x10000xi32> to vector<64x10000xi32>
    %eq3A_49 = arith.cmpi eq, %iota3A, %eq3A : vector<64x10000xi32>
    %convert_element_type3A = arith.extui %eq3A_49 : vector<64x10000xi1> to vector<64x10000xi32>
    %convert_element_type3A_50 = arith.sitofp %convert_element_type3A : vector<64x10000xi32> to vector<64x10000xf32>
    %dot_general3A = arith.constant dense<0.000000e+00> : vector<64x64xf32>
    %dot_general3A_51 = tpu.matmul %convert_element_type3A_50, %add3A_45, %dot_general3A {dimension_numbers = #tpu.dot_dimension_numbers<[1], [0], [0], [1], [0, 0, 1, 1], [], []>, transpose_lhs_hint = false} : vector<64x10000xf32>, vector<10000x64xf32>, vector<64x64xf32> -> vector<64x64xf32>
    %reduce_sum3A_52 = arith.constant dense<0.000000e+00> : vector<64xf32>
    %reduce_sum3A_53 = vector.multi_reduction <add>, %convert_element_type3A_50, %reduce_sum3A_52 [1] : vector<64x10000xf32> to vector<64xf32>
    %broadcast_in_dim3A_54 = vector.shape_cast %reduce_sum3A_53 : vector<64xf32> to vector<64x1xf32>
    %max3A = arith.constant 1.000000e+00 : f32
    %max3A_55 = vector.broadcast %max3A : f32 to vector<64x1xf32>
    %max3A_56 = arith.maximumf %broadcast_in_dim3A_54, %max3A_55 : vector<64x1xf32>
    %div3A_57 = vector.broadcast %max3A_56 : vector<64x1xf32> to vector<64x64xf32>
    %div3A_58 = arith.divf %dot_general3A_51, %div3A_57 : vector<64x64xf32>
    %mul3A_59 = arith.mulf %div3A_58, %div3A_58 : vector<64x64xf32>
    %reduce_sum3A_60 = arith.constant dense<0.000000e+00> : vector<64xf32>
    %reduce_sum3A_61 = vector.multi_reduction <add>, %mul3A_59, %reduce_sum3A_60 [1] : vector<64x64xf32> to vector<64xf32>
    %broadcast_in_dim3A_62 = vector.shape_cast %reduce_sum3A_61 : vector<64xf32> to vector<64x1xf32>
    %sqrt3A = math.sqrt %broadcast_in_dim3A_62 : vector<64x1xf32>
    %max3A_63 = arith.constant 9.99999996E-13 : f32
    %max3A_64 = vector.broadcast %max3A_63 : f32 to vector<64x1xf32>
    %max3A_65 = arith.maximumf %sqrt3A, %max3A_64 : vector<64x1xf32>
    %div3A_66 = vector.broadcast %max3A_65 : vector<64x1xf32> to vector<64x64xf32>
    %div3A_67 = arith.divf %div3A_58, %div3A_66 : vector<64x64xf32>
    %swap3A = arith.constant 0 : index
    %swap3A_68 = arith.constant 0 : index
    %swap3A_69 = vector.load %arg6[%swap3A, %swap3A_68] : memref<64x64xf32, #tpu.memory_space<vmem>>, vector<64x64xf32>
    tpu.vector_store %arg6[%swap3A, %swap3A_68], %div3A_67 {strides = array<i32>} : memref<64x64xf32, #tpu.memory_space<vmem>>, vector<64x64xf32>,
    return
  }
}

</mosaic_0001>

<sc_bundles>
// kernel: kernel.10.cloned.1.call-start
scs
__scs_entry_jumppad:
0x0: {  	(pc) =	sbr.rel $0x88, $3  }
0x1: {  	(tag) =	ssettag $0x0;
	lr =	simm.s32 $0x1  }
0x2: {  	[smem:$0x3F92] =	sst lr;
	_ =	strace $0xD0000000  }
0x3: {  	_ = 	snop  }
0x4: {  	_ = 	snop  }
0x5: {  	_ = 	snop  }
0x6: {  	_ = 	snop  }
0x7: {  	_ = 	snop  }
__scs_overlays_trampoline_lowered:
0x8: {  	[smem:$0x3FA1] =	sst s0  }
0x9: {  	[smem:$0x3FA2] =	sst s1  }
0xa: {  	[smem:$0x3FA3] =	sst s2  }
0xb: {  	[smem:$0x3FA4] =	sst s3  }
0xc: {  	[smem:$0x3FA5] =	sst s4  }
0xd: {  	[smem:$0x3FA6] =	sst s5  }
0xe: {  	[smem:$0x3FA7] =	sst s6  }
0xf: {  	[smem:$0x3FA8] =	sst s7  }
0x10: {  	[smem:$0x3FA9] =	sst s8  }
0x11: {  	[smem:$0x3FAA] =	sst s9;
	s0 =	simm.s32 @!p0 $0x0  }
0x12: {  	s1 =	sld [smem:$0x3F90];
	s0 =	simm.s32 @p0 $0x1  }
0x13: {  	[smem:$0x3FAB] =	sst s0;
	s0 =	simm.s32 @!p1 $0x0  }
0x14: {  	s2 =	sld [smem:$0x3F8F];
	s0 =	simm.s32 @p1 $0x1  }
0x15: {  	[smem:$0x3FAC] =	sst s0;
	s0 =	simm.s32 @!p2 $0x0  }
0x16: {  	s3 =	sld [smem:$0x3FDB];
	s0 =	simm.s32 @p2 $0x1  }
0x17: {  	s4 =	simm.s32 $0x1BF5;
	[smem:$0x3FAE] =	sst s0  }
0x18: {  	s0 =	sld [smem:$0x3F91];
	_ =	swait.ge [sflag:s4], $0x0  }
0x19: {  	s7 =	sld [smem:$0x3F92]  }
0x1a: {  	s8 =	sadd.s32 $0xFFFFE003, lr  }
0x1b: {  	s9 =	sadd.s32 $0xFFFFFEF7, lr;
	s5 =	simm.s32 $0xFFFFFFFF;
	p2 =	slt.u32 s8, $0xFFFFF086  }
0x1c: {  	p1 =	slt.u32 s9, $0xF7A;
	s5 =	simm.s32 @!p2 $0x0  }
0x1d: {  	s5 =	simm.s32 @p1 $0x1;
	p0 =	seq.s32 s7, s2  }
0x1e: {  	s7 =	smul.u32 @!p0 $0xF7A, s2;
	p2 =	seq.s32 @!p0 s5, $0x0  }
0x1f: {  	s9 =	smul.u32 $0xF7A, s1;
	s8 =	simm.s32 @!p0 $0x1BF5;
	p2 =	por !p2, p0  }
0x20: {  	[sflag:s8] =	ssyncset.s32 @!p0 $0xFFFFF086;
	s6 =	sadd.s32 @!p0 s3, s7;
	s7 =	simm.s32 @!p0 $0x108  }
0x21: {  	s3 =	sadd.s32 s3, s9;
	s6 =	sadd.s32 @!p0 $0x88, s6;
	s7 =	simm.s32 @p2 $0x1082  }
0x22: {  	[simem:s7], [sflag:s8] =	dma.local @!p0 [hbm:s6], $0xF7A  }
0x23: {  	s9 =	sor.u32 $0xD0000000, s2;
	s6 =	simm.s32 $0x108;
	_ =	swait.ge @!p0 [sflag:s8], $0x0  }
0x24: {  	s3 =	sadd.s32 $0x88, s3;
	s6 =	simm.s32 @!p1 $0x1082;
	[sflag:s4] =	ssyncset.s32 $0xFFFFF086  }
0x25: {  	[simem:s6], [sflag:s4] =	dma.local [hbm:s3], $0xF7A  }
0x26: {  	[smem:$0x3F92] =	sst s1;
	(tag) =	ssettag s2;
	_ =	strace s9  }
0x27: {  	s1 =	sld [smem:$0x3FA2]  }
0x28: {  	s2 =	sld [smem:$0x3FA3]  }
0x29: {  	s4 =	sld [smem:$0x3FA5]  }
0x2a: {  	p0 =	seq.s32 s5, $0x0;
	s5 =	sld [smem:$0x3FA6]  }
0x2b: {  	s6 =	sld [smem:$0x3FA7]  }
0x2c: {  	s7 =	sld [smem:$0x3FA8]  }
0x2d: {  	s3 =	simm.s32 $0x108;
	s8 =	sld [smem:$0x3FA9]  }
0x2e: {  	s3 =	simm.s32 @!p0 $0x1082;
	s9 =	sld [smem:$0x3FAA]  }
0x2f: {  	lr =	sadd.s32 s0, s3;
	s0 =	sld [smem:$0x3FA1]  }
0x30: {  	s3 =	sld [smem:$0x3FA4]  }
0x31: {  	[smem:$0x3FAD] =	sst s10  }
0x32: {  	s10 =	sld [smem:$0x3FAB];
	_ =	sdelay $0x3  }
0x33: {  	p0 =	seq.s32 s10, $0x1;
	s10 =	sld [smem:$0x3FAD];
	_ =	sdelay $0x3  }
0x34: {  	[smem:$0x3FAD] =	sst s10  }
0x35: {  	s10 =	sld [smem:$0x3FAC];
	_ =	sdelay $0x3  }
0x36: {  	p1 =	seq.s32 s10, $0x1;
	s10 =	sld [smem:$0x3FAD];
	_ =	sdelay $0x3  }
0x37: {  	[smem:$0x3FAD] =	sst s10  }
0x38: {  	s10 =	sld [smem:$0x3FAE]  }
0x39: {  	_ = 	snop;
	(pc) =	sbr.ind lr, $3  }
0x3a: {  	_ = 	snop  }
0x3b: {  	_ = 	snop  }
0x3c: {  	p2 =	seq.s32 s10, $0x1;
	s10 =	sld [smem:$0x3FAD]  }
0x3d: {  	_ =	shalt  }
0x3e: {  	_ =	shalt  }
0x3f: {  	_ =	shalt  }
0x40: {  	_ =	shalt  }
0x41: {  	_ =	shalt  }
0x42: {  	_ =	shalt  }
0x43: {  	_ =	shalt  }
0x44: {  	_ =	shalt  }
0x45: {  	_ =	shalt  }
0x46: {  	_ =	shalt  }
0x47: {  	_ =	shalt  }
0x48: {  	_ =	shalt  }
0x49: {  	_ =	shalt  }
0x4a: {  	_ =	shalt  }
0x4b: {  	_ =	shalt  }
0x4c: {  	_ =	shalt  }
0x4d: {  	_ =	shalt  }
0x4e: {  	_ =	shalt  }
0x4f: {  	_ =	shalt  }
0x50: {  	_ =	shalt  }
0x51: {  	_ =	shalt  }
0x52: {  	_ =	shalt  }
0x53: {  	_ =	shalt  }
0x54: {  	_ =	shalt  }
0x55: {  	_ =	shalt  }
0x56: {  	_ =	shalt  }
0x57: {  	_ =	shalt  }
0x58: {  	_ =	shalt  }
0x59: {  	_ =	shalt  }
0x5a: {  	_ =	shalt  }
0x5b: {  	_ =	shalt  }
0x5c: {  	_ =	shalt  }
0x5d: {  	_ =	shalt  }
0x5e: {  	_ =	shalt  }
0x5f: {  	_ =	shalt  }
0x60: {  	_ =	shalt  }
0x61: {  	_ =	shalt  }
0x62: {  	_ =	shalt  }
0x63: {  	_ =	shalt  }
0x64: {  	_ =	shalt  }
0x65: {  	_ =	shalt  }
0x66: {  	_ =	shalt  }
0x67: {  	_ =	shalt  }
0x68: {  	_ =	shalt  }
0x69: {  	_ =	shalt  }
0x6a: {  	_ =	shalt  }
0x6b: {  	_ =	shalt  }
0x6c: {  	_ =	shalt  }
0x6d: {  	_ =	shalt  }
0x6e: {  	_ =	shalt  }
0x6f: {  	_ =	shalt  }
0x70: {  	_ =	shalt  }
0x71: {  	_ =	shalt  }
0x72: {  	_ =	shalt  }
0x73: {  	_ =	shalt  }
0x74: {  	_ =	shalt  }
0x75: {  	_ =	shalt  }
0x76: {  	_ =	shalt  }
0x77: {  	_ =	shalt  }
0x78: {  	_ =	shalt  }
0x79: {  	_ =	shalt  }
0x7a: {  	_ =	shalt  }
0x7b: {  	_ =	shalt  }
0x7c: {  	_ =	shalt  }
0x7d: {  	_ =	shalt  }
0x7e: {  	_ =	shalt  }
0x7f: {  	_ =	shalt  }
0x80: {  	_ =	shalt  }
0x81: {  	_ =	shalt  }
0x82: {  	_ =	shalt  }
0x83: {  	_ =	shalt  }
0x84: {  	_ =	shalt  }
0x85: {  	_ =	shalt  }
0x86: {  	_ =	shalt  }
0x87: {  	_ =	shalt  }
.Lfunc_end0:
.L_simem_size_0:
called_computation_lowered:
.L_overlay_start_0:
0x88: {  	s2 =	sld [smem:$0x3FD9]  }
0x89: {  	s3 =	sld [smem:$0x3FFE];
	_ =	sdelay $0x1  }
0x8a: {  	s1 =	srdreg.scid  }
0x8b: {  	s0 =	sand.u32 $0x1, s1  }
0x8c: {  	s16 =	sshll.u32 s0, $0xA;
	s2 =	sadd.s32 s3, s2  }
0x8d: {  	s2 =	sadd.s32 s2, s16  }
0x8e: {  	[smem:$0x3FB9] =	sst s2  }
0x8f: {  	_ = 	snop  }
0x90: {  	(tm) =	ssettm $0x1  }
0x91: {  	s17 =	sld [smem:$0x3FFB];
	_ =	sdelay $0x3  }
0x92: {  	_ =	strace s17  }
0x93: {  	s2 =	sld [smem:$0x3FFC];
	_ =	sdelay $0x3  }
0x94: {  	_ =	strace s2  }
0x95: {  	s2 =	sld [smem:$0x3FFD];
	_ =	sdelay $0x3  }
0x96: {  	_ =	strace s2  }
0x97: {  	_ =	strace $0x8FFFFFFF  }
0x98: {  	s18 =	sld [smem:$0x3FDB];
	_ =	sdelay $0x1  }
0x99: {  	s19 =	simm.s32 $_scs_section_size  }
0x9a: {  	s4 =	simm.s32 $_size__tile_overlayer_lowered;
	s5 =	simm.s32 $_tile_overlayer_lowered  }
0x9b: {  	s22 =	simm.s32 $0x1BFF;
	s21 =	sshll.u32 s5, $0x1;
	s2 =	sadd.s32 s19, s18  }
0x9c: {  	s6 =	simm.s32 $0x0;
	s20 =	sshll.u32 s4, $0x1;
	s4 =	sadd.s32 s21, s2  }
0x9d: {  	[timem:s6], [sflag:s22] =	dma.local [hbm:s4], s20  }
0x9e: {  	_ =	swait.ge [sflag:s22], s20  }
0x9f: {  	s3 =	ssub.s32 $0x0, s20;
	[sflag:s22] =	ssyncset.done $0x0  }
0xa0: {  	[sflag:s22] =	ssyncadd.s32 s3;
	_ =	sdelay $0x1  }
0xa1: {  	s23 =	simm.s32 $0x1B8B  }
0xa2: {  	_ =	swait.ge [sflag:s23], $0x1  }
0xa3: {  	[sflag:s23] =	ssyncset.done $0x0  }
0xa4: {  	s25 =	simm.s32 $0x1B8E;
	s24 =	sld [smem:$0x3FFE];
	[sflag:s23] =	ssyncadd.s32 $0xFFFFFFFF  }
0xa5: {  	s26 =	simm.s32 $execute0_lowered;
	[smem:$0x3FD2] =	sst s25  }
0xa6: {  	s4 =	sshll.u32 s26, $0x1;
	_ =	strace $0x80000046;
	[dreg:$0x1] =	wrdreg $0xFFFFFFFF  }
0xa7: {  	s28 =	simm.s32 $_size_execute0_lowered;
	s2 =	sadd.s32 s2, s4;
	[dreg:$0x0] =	wrdreg $0x0  }
0xa8: {  	s4 =	sshll.u32 s28, $0x1;
	[dreg:$0x2] =	wrdreg s2  }
0xa9: {  	[dreg:$0x3] =	wrdreg s4  }
0xaa: {  	[dreg:$0x4] =	wrdreg $0xC0  }
0xab: {  	_ =	task [dreg:s6], $0x5FFFF  }
0xac: {  	[dreg:$0x1] =	wrdreg $0xFFFFFFFF  }
0xad: {  	[dreg:$0x0] =	wrdreg $0x60  }
0xae: {  	[dreg:$0x2] =	wrdreg s24  }
0xaf: {  	[dreg:$0x3] =	wrdreg $0x54800  }
0xb0: {  	[dreg:$0x4] =	wrdreg $0x9  }
0xb1: {  	_ =	task.clear_ibuf [dreg:s6], $0x5FFFF;
	_ =	strace $0x90000046  }
0xb2: {  	s29 =	simm.s32 $0x9;
	_ =	strace $0x80000048  }
0xb3: {  	_ =	swait.ge [sflag:s29], $0x1  }
0xb4: {  	[sflag:s29] =	ssyncadd.s32 $0xFFFFFFFF  }
0xb5: {  	_ =	strace $0x90000048  }
0xb6: {  	_ =	sfence  }
0xb7: {  	s30 =	sld [smem:$0x0];
	_ =	sdelay $0x2  }
0xb8: {  	s31 =	sshll.u32 s1, $0xD;
	s1 =	sshrl.u32 s1, $0x2  }
0xb9: {  	s3 =	sand.u32 $0x4000, s31;
	s1 =	sadd.s32 s1, s30  }
0xba: {  	s0 =	sor.u32 s3, s0;
	s1 =	sshll.u32 s1, $0x11  }
0xbb: {  	s0 =	sor.u32 s1, s0  }
0xbc: {  	s0 =	sadd.s32 $0x8F2B, s0  }
0xbd: {  	[sflag:s0] =	ssyncadd.remote.s32 $0x1  }
0xbe: {  	_ =	sfence.sel $0xFFFF  }
0xbf: {  	[dreg:$0x0] =	wrdreg $0xFFFFFFFF;
	(pc) =	sbr.abs _section_cstart, $3  }
0xc0: {  	[dreg:$0x1] =	wrdreg $0xFFFFFFFF  }
0xc1: {  	_ =	task.clear_ibuf [dreg:s6], $0x2FFFF;
	_ =	strace $0x9FFFFFFF  }
0xc2: {  	(tm) =	ssettm $0x7FFFFFFF  }
0xc3: {  	_ =	shalt  }
tec
execute0_lowered:
.L_overlay_start_1:
0x0: {  	(tag) =	ssettag $0x1  }
0x1: {  	s1 =	srdreg.scid;
	s3 =	rddreg [dreg:$0x0]  }
0x2: {  	s0 =	stileid.u32;
	s5 =	rddreg [dreg:$0x1];
	s2 =	simm.s32 $0x0  }
0x3: {  	s11 =	simm.s32 $0x400;
	s12 =	simm.s32 $0x4F80;
	s13 =	simm.s32 $0x100  }
0x4: {  	s14 =	simm.s32 $0x5200;
	s4 =	sand.u32 $0x1, s1;
	s1 =	rddreg [dreg:$0x2]  }
0x5: {  	s25 =	sshll.u32 s0, $0x1;
	[smem:$0x7FF] =	sst s2;
	s7 =	smul.u32 $0x500, s0  }
0x6: {  	s26 =	sshrl.u32 s0, $0x3;
	s9 =	smul.u32 $0x5000, s0;
	s29 =	sshll.u32 s0, $0x7  }
0x7: {  	s6 =	sor.u32 s4, s25;
	_ =	strace $0x80000047;
	s8 =	sshll.u32 s4, $0x7  }
0x8: {  	s4 =	ssub.s32 $0x2, s4;
	s31 =	sand.u32 $0x380, s29;
	s6 =	smul.u32 $0x4E2, s6  }
0x9: {  	s7 =	sor.u32 s8, s7;
	s8 =	smul.u32 $0x50000, s26;
	s28 =	sshrl.u32 s4, $0x1  }
0xa: {  	s9 =	sshrl.u32 s9, $0x2;
	s7 =	sshrl.u32 s7, $0x3;
	s10 =	ssub.s32 s4, s28  }
0xb: {  	s6 =	sadd.s32 s6, s3;
	s7 =	sadd.s32 s7, s3;
	s30 =	sshrl.u32 s8, $0x2  }
0xc: {  	s8 =	simm.s32 $0x1;
	s4 =	sadd.s32 s30, s5;
	s3 =	sadd.s32 $0x3000, s6  }
0xd: {  	s5 =	sadd.s32 s9, s5;
	s6 =	sadd.s32 $0xCE00, s7;
	s7 =	smax.u32 s10, $0x1  }
0xe: {  	v0 =	vimm.f32 $0.0e+00;
	v1 =	vimm.f32 $1.000000000e+00;
	s9 =	simm.s32 $0x2780;
	s10 =	simm.s32 $0x80;
	s4 =	sadd.s32 s31, s4  }
.LBB2_1:
0xf: {  	s15 =	simm.s32 $0x40;
	s16 =	simm.s32 $0x0  }
.LBB2_2:
0x10: {  	p0 =	sne.s32 s15, $0x9FC0;
	[tilespmem:s16+$0x2780] =	vst v0;
	s16 =	smov.u32 s15;
	s15 =	sadd.s32 $0x40, s15  }
.Ltmp0:
0x11: {  	(pc) =	sbr.rel @p0 .LBB2_2-.Ltmp0, $2  }
0x12: {  	_ =	sdelay $0x2  }
0x13: {  	s16 =	sshra.s32 s16, $0x2  }
0x14: {  	[tilespmem:s16+$0x2780] =	vst v0;
	s15 =	simm.s32 $0x0  }
0x15: {  	[tilespmem:s15], [sflag:$0x1] =	stream.linear.gather [hbm4b:s3+s15], $0x2710, $0x38;
	[tilespmem:$0x7C80] =	vst v63  }
0x16: {  	_ =	swait.ge [sflag:s8], $0x2710  }
0x17: {  	[sflag:s8] =	ssyncset.done $0x0  }
0x18: {  	s16 =	simm.s32 $0x0;
	s15 =	simm.s32 $0x40;
	[sflag:s8] =	ssyncadd.s32 $0xFFFFD8F0  }
.LBB2_4:
0x19: {  	p0 =	sne.s32 s15, $0x9C00;
	v2 =	vld [tilespmem:s16+$0x0];
	_ =	sdelay $0x3  }
.Ltmp1:
0x1a: {  	(pc) =	sbr.rel @p0 .LBB2_4-.Ltmp1, $2  }
0x1b: {  	_ =	sdelay $0x2  }
0x1c: {  	s16 =	sshra.s32 s15, $0x2;
	s15 =	sadd.s32 $0x40, s15;
	[tilespmem:v2+s9+$0x0] =	vst.idx.add.f32.msk $0xffff, v1  }
0x1d: {  	v2 =	vld [tilespmem:s16+$0x0];
	_ =	sdelay $0x7  }
0x1e: {  	[tilespmem:v2+s9+$0x0] =	vst.idx.add.f32.msk $0xffff, v1  }
0x1f: {  	[spmem:s4] =	stream.strided.scatter [tilespmem:s9], [sflag:$0x1], $0x2800, s11, s10, $0x38;
	[tilespmem:$0x7C80] =	vst v63  }
0x20: {  	_ =	swait.ge [sflag:s8], $0x2800  }
0x21: {  	[sflag:s8] =	ssyncset.done $0x0  }
0x22: {  	[sflag:s8] =	ssyncadd.s32 $0xFFFFD800  }
0x23: {  	[bflag:$0x0] =	sbarrier.arrive $0xFFFF  }
0x24: {  	[tilespmem:$0x5200] =	vst v0  }
0x25: {  	[tilespmem:$0x5210] =	vst v0  }
0x26: {  	[tilespmem:$0x5220] =	vst v0  }
0x27: {  	[tilespmem:$0x5230] =	vst v0  }
0x28: {  	[tilespmem:$0x5240] =	vst v0  }
0x29: {  	[tilespmem:$0x5250] =	vst v0  }
0x2a: {  	[tilespmem:$0x5260] =	vst v0  }
0x2b: {  	[tilespmem:$0x5270] =	vst v0  }
0x2c: {  	[tilespmem:$0x5280] =	vst v0  }
0x2d: {  	[tilespmem:$0x5290] =	vst v0  }
0x2e: {  	[tilespmem:$0x52A0] =	vst v0  }
0x2f: {  	[tilespmem:$0x52B0] =	vst v0  }
0x30: {  	[tilespmem:$0x52C0] =	vst v0  }
0x31: {  	[tilespmem:$0x52D0] =	vst v0  }
0x32: {  	[tilespmem:$0x52E0] =	vst v0  }
0x33: {  	[tilespmem:$0x52F0] =	vst v0  }
0x34: {  	[tilespmem:$0x5300] =	vst v0  }
0x35: {  	[tilespmem:$0x5310] =	vst v0  }
0x36: {  	[tilespmem:$0x5320] =	vst v0  }
0x37: {  	[tilespmem:$0x5330] =	vst v0  }
0x38: {  	[tilespmem:$0x5340] =	vst v0  }
0x39: {  	[tilespmem:$0x5350] =	vst v0  }
0x3a: {  	[tilespmem:$0x5360] =	vst v0  }
0x3b: {  	[tilespmem:$0x5370] =	vst v0  }
0x3c: {  	[tilespmem:$0x5380] =	vst v0  }
0x3d: {  	[tilespmem:$0x5390] =	vst v0  }
0x3e: {  	[tilespmem:$0x53A0] =	vst v0  }
0x3f: {  	[tilespmem:$0x53B0] =	vst v0  }
0x40: {  	[tilespmem:$0x53C0] =	vst v0  }
0x41: {  	[tilespmem:$0x53D0] =	vst v0  }
0x42: {  	[tilespmem:$0x53E0] =	vst v0  }
0x43: {  	[tilespmem:$0x53F0] =	vst v0  }
0x44: {  	[tilespmem:$0x5400] =	vst v0  }
0x45: {  	[tilespmem:$0x5410] =	vst v0  }
0x46: {  	[tilespmem:$0x5420] =	vst v0  }
0x47: {  	[tilespmem:$0x5430] =	vst v0  }
0x48: {  	[tilespmem:$0x5440] =	vst v0  }
0x49: {  	[tilespmem:$0x5450] =	vst v0  }
0x4a: {  	[tilespmem:$0x5460] =	vst v0  }
0x4b: {  	s15 =	simm.s32 $0x0;
	[tilespmem:$0x5470] =	vst v0  }
.LBB2_6:
0x4c: {  	s16 =	sshrl.u32 s15, $0x3  }
0x4d: {  	s16 =	smul.u32 $0x50000, s16;
	_ =	sdelay $0x1  }
0x4e: {  	s17 =	sshll.u32 s15, $0x7;
	s16 =	sshra.s32 s16, $0x2  }
0x4f: {  	s17 =	sand.u32 $0x380, s17;
	s16 =	sadd.s32 s16, s5  }
0x50: {  	s16 =	sadd.s32 s17, s16  }
0x51: {  	[tilespmem:s12], [sflag:$0x1] =	stream.strided.gather [spmem:s16], $0x280, s11, s10, $0x38;
	[tilespmem:$0x7C80] =	vst v63  }
0x52: {  	_ =	swait.ge [sflag:s8], $0x280  }
0x53: {  	[sflag:s8] =	ssyncset.done $0x0  }
0x54: {  	s16 =	simm.s32 $0x0;
	[sflag:s8] =	ssyncadd.s32 $0xFFFFFD80  }
0x55: {  	s17 =	simm.s32 $0x40;
	v2 =	vld [tilespmem:s16+$0x4F80]  }
.LBB2_7:
0x56: {  	p0 =	sne.s32 s17, $0x9C0;
	v3 =	vld [tilespmem:s16+$0x5200];
	_ =	sdelay $0x2  }
.Ltmp2:
0x57: {  	(pc) =	sbr.rel @p0 .LBB2_7-.Ltmp2, $4  }
0x58: {  	_ = 	snop  }
0x59: {  	v3 =	vadd.f32 v2, v3  }
0x5a: {  	s18 =	sshra.s32 s17, $0x2  }
0x5b: {  	s17 =	sadd.s32 $0x40, s17;
	v2 =	vld [tilespmem:s18+$0x4F80];
	[tilespmem:s16+$0x5200] =	vst v3;
	s16 =	smov.u32 s18  }
0x5c: {  	v3 =	vld [tilespmem:s16+$0x5200]  }
0x5d: {  	s15 =	sadd.s32 $0x1, s15  }
0x5e: {  	p0 =	sne.s32 s15, $0x10  }
.Ltmp3:
0x5f: {  	_ = 	snop;
	(pc) =	sbr.rel @p0 .LBB2_6-.Ltmp3, $3  }
0x60: {  	_ = 	snop  }
0x61: {  	v2 =	vadd.f32 v2, v3;
	_ =	sdelay $0x1  }
0x62: {  	[tilespmem:s16+$0x5200] =	vst v2  }
0x63: {  	s2 =	sadd.s32 $0x1, s2  }
0x64: {  	p0 =	sne.s32 s2, s7  }
.Ltmp4:
0x65: {  	_ = 	snop;
	(pc) =	sbr.rel @p0 .LBB2_1-.Ltmp4, $4  }
0x66: {  	[hbm4b:s6+s10] =	stream.strided.scatter [tilespmem:s14], [sflag:$0x1], $0x280, s13, s10, $0x38;
	[tilespmem:$0x7C80] =	vst v63  }
0x67: {  	_ =	swait.ge [sflag:s8], $0x280  }
0x68: {  	[sflag:s8] =	ssyncset.done $0x0  }
0x69: {  	[sflag:s8] =	ssyncadd.s32 $0xFFFFFD80  }
0x6a: {  	_ =	sfence.sel $0x180000  }
0x6b: {  	[bflag:$0x0] =	sbarrier.arrive $0xFFFF  }
0x6c: {  	p0 =	sne.s32 s0, $0x0;
	_ =	strace $0x90000047  }
0x6d: {  	s0 =	sadd.s32 @!p0 $0x100000, s1;
	[bflag:$0x2] =	sbarrier.arrive $0xFFFF  }
0x6e: {  	[sflag:s0] =	ssyncadd.tile.s32 @!p0 $0x1;
	_ =	shalt  }
.Lfunc_end2:
_tile_overlayer_lowered:
.L_overlay_start_2:
0x6f: {  	(tag) =	ssettag $0x2  }
0x70: {  	s0 =	rddreg [dreg:$0x0];
	s2 =	stileid.u32  }
0x71: {  	s1 =	rddreg [dreg:$0x1];
	p0 =	sne.s32 s2, $0x0  }
0x72: {  	s3 =	rddreg [dreg:$0x2];
	[bflag:$0x3] =	sbarrier.arrive $0xFFFF;
	s2 =	simm.s32 @!p0 $0x1C01  }
0x73: {  	[timem:s3], [sflag:s2] =	dma.local @!p0 [hbm:s0], s1  }
0x74: {  	s0 =	simm.s32 @!p0 $0x1  }
0x75: {  	_ =	swait.ge @!p0 [sflag:s0], s1  }
0x76: {  	s1 =	ssub.s32 @!p0 $0x0, s1;
	[sflag:s0] =	ssyncset.done @!p0 $0x0  }
0x77: {  	[sflag:s0] =	ssyncadd.s32 @!p0 s1  }
0x78: {  	[bflag:$0x3] =	sbarrier.arrive $0xFFFF  }
0x79: {  	_ =	shalt  }

// kernel: kernel.13.cloned.1.call-start
scs
__scs_entry_jumppad:
0x0: {  	(pc) =	sbr.rel $0x88, $3  }
0x1: {  	(tag) =	ssettag $0x0;
	lr =	simm.s32 $0x1  }
0x2: {  	[smem:$0x3F92] =	sst lr;
	_ =	strace $0xD0000000  }
0x3: {  	_ = 	snop  }
0x4: {  	_ = 	snop  }
0x5: {  	_ = 	snop  }
0x6: {  	_ = 	snop  }
0x7: {  	_ = 	snop  }
__scs_overlays_trampoline_lowered:
0x8: {  	[smem:$0x3FA1] =	sst s0  }
0x9: {  	[smem:$0x3FA2] =	sst s1  }
0xa: {  	[smem:$0x3FA3] =	sst s2  }
0xb: {  	[smem:$0x3FA4] =	sst s3  }
0xc: {  	[smem:$0x3FA5] =	sst s4  }
0xd: {  	[smem:$0x3FA6] =	sst s5  }
0xe: {  	[smem:$0x3FA7] =	sst s6  }
0xf: {  	[smem:$0x3FA8] =	sst s7  }
0x10: {  	[smem:$0x3FA9] =	sst s8  }
0x11: {  	[smem:$0x3FAA] =	sst s9;
	s0 =	simm.s32 @!p0 $0x0  }
0x12: {  	s1 =	sld [smem:$0x3F90];
	s0 =	simm.s32 @p0 $0x1  }
0x13: {  	[smem:$0x3FAB] =	sst s0;
	s0 =	simm.s32 @!p1 $0x0  }
0x14: {  	s2 =	sld [smem:$0x3F8F];
	s0 =	simm.s32 @p1 $0x1  }
0x15: {  	[smem:$0x3FAC] =	sst s0;
	s0 =	simm.s32 @!p2 $0x0  }
0x16: {  	s3 =	sld [smem:$0x3FDB];
	s0 =	simm.s32 @p2 $0x1  }
0x17: {  	s4 =	simm.s32 $0x1BF5;
	[smem:$0x3FAE] =	sst s0  }
0x18: {  	s0 =	sld [smem:$0x3F91];
	_ =	swait.ge [sflag:s4], $0x0  }
0x19: {  	s7 =	sld [smem:$0x3F92]  }
0x1a: {  	s8 =	sadd.s32 $0xFFFFE003, lr  }
0x1b: {  	s9 =	sadd.s32 $0xFFFFFEF7, lr;
	s5 =	simm.s32 $0xFFFFFFFF;
	p2 =	slt.u32 s8, $0xFFFFF086  }
0x1c: {  	p1 =	slt.u32 s9, $0xF7A;
	s5 =	simm.s32 @!p2 $0x0  }
0x1d: {  	s5 =	simm.s32 @p1 $0x1;
	p0 =	seq.s32 s7, s2  }
0x1e: {  	s7 =	smul.u32 @!p0 $0xF7A, s2;
	p2 =	seq.s32 @!p0 s5, $0x0  }
0x1f: {  	s9 =	smul.u32 $0xF7A, s1;
	s8 =	simm.s32 @!p0 $0x1BF5;
	p2 =	por !p2, p0  }
0x20: {  	[sflag:s8] =	ssyncset.s32 @!p0 $0xFFFFF086;
	s6 =	sadd.s32 @!p0 s3, s7;
	s7 =	simm.s32 @!p0 $0x108  }
0x21: {  	s3 =	sadd.s32 s3, s9;
	s6 =	sadd.s32 @!p0 $0x88, s6;
	s7 =	simm.s32 @p2 $0x1082  }
0x22: {  	[simem:s7], [sflag:s8] =	dma.local @!p0 [hbm:s6], $0xF7A  }
0x23: {  	s9 =	sor.u32 $0xD0000000, s2;
	s6 =	simm.s32 $0x108;
	_ =	swait.ge @!p0 [sflag:s8], $0x0  }
0x24: {  	s3 =	sadd.s32 $0x88, s3;
	s6 =	simm.s32 @!p1 $0x1082;
	[sflag:s4] =	ssyncset.s32 $0xFFFFF086  }
0x25: {  	[simem:s6], [sflag:s4] =	dma.local [hbm:s3], $0xF7A  }
0x26: {  	[smem:$0x3F92] =	sst s1;
	(tag) =	ssettag s2;
	_ =	strace s9  }
0x27: {  	s1 =	sld [smem:$0x3FA2]  }
0x28: {  	s2 =	sld [smem:$0x3FA3]  }
0x29: {  	s4 =	sld [smem:$0x3FA5]  }
0x2a: {  	p0 =	seq.s32 s5, $0x0;
	s5 =	sld [smem:$0x3FA6]  }
0x2b: {  	s6 =	sld [smem:$0x3FA7]  }
0x2c: {  	s7 =	sld [smem:$0x3FA8]  }
0x2d: {  	s3 =	simm.s32 $0x108;
	s8 =	sld [smem:$0x3FA9]  }
0x2e: {  	s3 =	simm.s32 @!p0 $0x1082;
	s9 =	sld [smem:$0x3FAA]  }
0x2f: {  	lr =	sadd.s32 s0, s3;
	s0 =	sld [smem:$0x3FA1]  }
0x30: {  	s3 =	sld [smem:$0x3FA4]  }
0x31: {  	[smem:$0x3FAD] =	sst s10  }
0x32: {  	s10 =	sld [smem:$0x3FAB];
	_ =	sdelay $0x3  }
0x33: {  	p0 =	seq.s32 s10, $0x1;
	s10 =	sld [smem:$0x3FAD];
	_ =	sdelay $0x3  }
0x34: {  	[smem:$0x3FAD] =	sst s10  }
0x35: {  	s10 =	sld [smem:$0x3FAC];
	_ =	sdelay $0x3  }
0x36: {  	p1 =	seq.s32 s10, $0x1;
	s10 =	sld [smem:$0x3FAD];
	_ =	sdelay $0x3  }
0x37: {  	[smem:$0x3FAD] =	sst s10  }
0x38: {  	s10 =	sld [smem:$0x3FAE]  }
0x39: {  	_ = 	snop;
	(pc) =	sbr.ind lr, $3  }
0x3a: {  	_ = 	snop  }
0x3b: {  	_ = 	snop  }
0x3c: {  	p2 =	seq.s32 s10, $0x1;
	s10 =	sld [smem:$0x3FAD]  }
0x3d: {  	_ =	shalt  }
0x3e: {  	_ =	shalt  }
0x3f: {  	_ =	shalt  }
0x40: {  	_ =	shalt  }
0x41: {  	_ =	shalt  }
0x42: {  	_ =	shalt  }
0x43: {  	_ =	shalt  }
0x44: {  	_ =	shalt  }
0x45: {  	_ =	shalt  }
0x46: {  	_ =	shalt  }
0x47: {  	_ =	shalt  }
0x48: {  	_ =	shalt  }
0x49: {  	_ =	shalt  }
0x4a: {  	_ =	shalt  }
0x4b: {  	_ =	shalt  }
0x4c: {  	_ =	shalt  }
0x4d: {  	_ =	shalt  }
0x4e: {  	_ =	shalt  }
0x4f: {  	_ =	shalt  }
0x50: {  	_ =	shalt  }
0x51: {  	_ =	shalt  }
0x52: {  	_ =	shalt  }
0x53: {  	_ =	shalt  }
0x54: {  	_ =	shalt  }
0x55: {  	_ =	shalt  }
0x56: {  	_ =	shalt  }
0x57: {  	_ =	shalt  }
0x58: {  	_ =	shalt  }
0x59: {  	_ =	shalt  }
0x5a: {  	_ =	shalt  }
0x5b: {  	_ =	shalt  }
0x5c: {  	_ =	shalt  }
0x5d: {  	_ =	shalt  }
0x5e: {  	_ =	shalt  }
0x5f: {  	_ =	shalt  }
0x60: {  	_ =	shalt  }
0x61: {  	_ =	shalt  }
0x62: {  	_ =	shalt  }
0x63: {  	_ =	shalt  }
0x64: {  	_ =	shalt  }
0x65: {  	_ =	shalt  }
0x66: {  	_ =	shalt  }
0x67: {  	_ =	shalt  }
0x68: {  	_ =	shalt  }
0x69: {  	_ =	shalt  }
0x6a: {  	_ =	shalt  }
0x6b: {  	_ =	shalt  }
0x6c: {  	_ =	shalt  }
0x6d: {  	_ =	shalt  }
0x6e: {  	_ =	shalt  }
0x6f: {  	_ =	shalt  }
0x70: {  	_ =	shalt  }
0x71: {  	_ =	shalt  }
0x72: {  	_ =	shalt  }
0x73: {  	_ =	shalt  }
0x74: {  	_ =	shalt  }
0x75: {  	_ =	shalt  }
0x76: {  	_ =	shalt  }
0x77: {  	_ =	shalt  }
0x78: {  	_ =	shalt  }
0x79: {  	_ =	shalt  }
0x7a: {  	_ =	shalt  }
0x7b: {  	_ =	shalt  }
0x7c: {  	_ =	shalt  }
0x7d: {  	_ =	shalt  }
0x7e: {  	_ =	shalt  }
0x7f: {  	_ =	shalt  }
0x80: {  	_ =	shalt  }
0x81: {  	_ =	shalt  }
0x82: {  	_ =	shalt  }
0x83: {  	_ =	shalt  }
0x84: {  	_ =	shalt  }
0x85: {  	_ =	shalt  }
0x86: {  	_ =	shalt  }
0x87: {  	_ =	shalt  }
.Lfunc_end0:
.L_simem_size_0:
called_computation.1_lowered:
.L_overlay_start_0:
0x88: {  	s2 =	sld [smem:$0x3FD9]  }
0x89: {  	s3 =	sld [smem:$0x3FFE];
	_ =	sdelay $0x1  }
0x8a: {  	s1 =	srdreg.scid  }
0x8b: {  	s0 =	sand.u32 $0x1, s1  }
0x8c: {  	s16 =	sshll.u32 s0, $0xA;
	s2 =	sadd.s32 s3, s2  }
0x8d: {  	s2 =	sadd.s32 s2, s16  }
0x8e: {  	[smem:$0x3FB9] =	sst s2  }
0x8f: {  	_ = 	snop  }
0x90: {  	(tm) =	ssettm $0x1  }
0x91: {  	s17 =	sld [smem:$0x3FFB];
	_ =	sdelay $0x3  }
0x92: {  	_ =	strace s17  }
0x93: {  	s2 =	sld [smem:$0x3FFC];
	_ =	sdelay $0x3  }
0x94: {  	_ =	strace s2  }
0x95: {  	s2 =	sld [smem:$0x3FFD];
	_ =	sdelay $0x3  }
0x96: {  	_ =	strace s2  }
0x97: {  	_ =	strace $0x8FFFFFFF  }
0x98: {  	s18 =	sld [smem:$0x3FDB];
	_ =	sdelay $0x1  }
0x99: {  	s19 =	simm.s32 $_scs_section_size  }
0x9a: {  	s4 =	simm.s32 $_size__tile_overlayer_lowered;
	s5 =	simm.s32 $_tile_overlayer_lowered  }
0x9b: {  	s22 =	simm.s32 $0x1BFF;
	s21 =	sshll.u32 s5, $0x1;
	s2 =	sadd.s32 s19, s18  }
0x9c: {  	s6 =	simm.s32 $0x0;
	s20 =	sshll.u32 s4, $0x1;
	s4 =	sadd.s32 s21, s2  }
0x9d: {  	[timem:s6], [sflag:s22] =	dma.local [hbm:s4], s20  }
0x9e: {  	_ =	swait.ge [sflag:s22], s20  }
0x9f: {  	s3 =	ssub.s32 $0x0, s20;
	[sflag:s22] =	ssyncset.done $0x0  }
0xa0: {  	[sflag:s22] =	ssyncadd.s32 s3;
	_ =	sdelay $0x1  }
0xa1: {  	s23 =	simm.s32 $0x1B8B  }
0xa2: {  	_ =	swait.ge [sflag:s23], $0x1  }
0xa3: {  	[sflag:s23] =	ssyncset.done $0x0  }
0xa4: {  	s25 =	simm.s32 $0x1B8E;
	s24 =	sld [smem:$0x3FFE];
	[sflag:s23] =	ssyncadd.s32 $0xFFFFFFFF  }
0xa5: {  	s26 =	simm.s32 $execute0_lowered;
	[smem:$0x3FD2] =	sst s25  }
0xa6: {  	s4 =	sshll.u32 s26, $0x1;
	_ =	strace $0x80000049;
	[dreg:$0x1] =	wrdreg $0xFFFFFFFF  }
0xa7: {  	s28 =	simm.s32 $_size_execute0_lowered;
	s2 =	sadd.s32 s2, s4;
	[dreg:$0x0] =	wrdreg $0x0  }
0xa8: {  	s4 =	sshll.u32 s28, $0x1;
	[dreg:$0x2] =	wrdreg s2  }
0xa9: {  	[dreg:$0x3] =	wrdreg s4  }
0xaa: {  	[dreg:$0x4] =	wrdreg $0xC0  }
0xab: {  	_ =	task [dreg:s6], $0x5FFFF  }
0xac: {  	[dreg:$0x1] =	wrdreg $0xFFFFFFFF  }
0xad: {  	[dreg:$0x0] =	wrdreg $0x60  }
0xae: {  	[dreg:$0x2] =	wrdreg s24  }
0xaf: {  	[dreg:$0x3] =	wrdreg $0xB4000  }
0xb0: {  	[dreg:$0x4] =	wrdreg $0x154000  }
0xb1: {  	[dreg:$0x5] =	wrdreg $0x9  }
0xb2: {  	_ =	task.clear_ibuf [dreg:s6], $0x6FFFF;
	_ =	strace $0x90000049  }
0xb3: {  	s29 =	simm.s32 $0x9;
	_ =	strace $0x8000004B  }
0xb4: {  	_ =	swait.ge [sflag:s29], $0x1  }
0xb5: {  	[sflag:s29] =	ssyncadd.s32 $0xFFFFFFFF  }
0xb6: {  	_ =	strace $0x9000004B  }
0xb7: {  	_ =	sfence  }
0xb8: {  	s30 =	sld [smem:$0x0];
	_ =	sdelay $0x2  }
0xb9: {  	s31 =	sshll.u32 s1, $0xD;
	s1 =	sshrl.u32 s1, $0x2  }
0xba: {  	s3 =	sand.u32 $0x4000, s31;
	s1 =	sadd.s32 s1, s30  }
0xbb: {  	s0 =	sor.u32 s3, s0;
	s1 =	sshll.u32 s1, $0x11  }
0xbc: {  	s0 =	sor.u32 s1, s0  }
0xbd: {  	s0 =	sadd.s32 $0x8F2B, s0  }
0xbe: {  	[sflag:s0] =	ssyncadd.remote.s32 $0x1  }
0xbf: {  	_ =	sfence.sel $0xFFFF  }
0xc0: {  	[dreg:$0x0] =	wrdreg $0xFFFFFFFF;
	(pc) =	sbr.abs _section_cstart, $3  }
0xc1: {  	[dreg:$0x1] =	wrdreg $0xFFFFFFFF  }
0xc2: {  	_ =	task.clear_ibuf [dreg:s6], $0x2FFFF;
	_ =	strace $0x9FFFFFFF  }
0xc3: {  	(tm) =	ssettm $0x7FFFFFFF  }
tec
execute0_lowered:
.L_overlay_start_1:
0x0: {  	(tag) =	ssettag $0x1  }
0x1: {  	s0 =	rddreg [dreg:$0x0]  }
0x2: {  	s1 =	rddreg [dreg:$0x1]  }
0x3: {  	s2 =	srdreg.scid;
	s3 =	rddreg [dreg:$0x2];
	s9 =	simm.s32 $0x0  }
0x4: {  	s8 =	stileid.u32;
	s16 =	simm.s32 $0x40;
	s17 =	simm.s32 $0x1400  }
0x5: {  	s28 =	simm.s32 $0x1;
	s29 =	simm.s32 $0x7400;
	s30 =	simm.s32 $0x2  }
0x6: {  	s31 =	simm.s32 $0x8400;
	s10 =	simm.s32 $0x4;
	s11 =	simm.s32 $0xA400  }
0x7: {  	s12 =	simm.s32 $0x5;
	s14 =	simm.s32 $0x8;
	s15 =	simm.s32 $0x10  }
0x8: {  	s2 =	sand.u32 $0x1, s2;
	[smem:$0x7FF] =	sst s9;
	s6 =	smul.u32 $0xA000, s8  }
0x9: {  	s7 =	sadd.s32 $0x17800, s0;
	s18 =	sadd.s32 $0xD800, s0;
	s24 =	smul.u32 $0x140, s8  }
0xa: {  	s22 =	sshll.u32 s8, $0x6;
	s8 =	simm.s32 $0xE;
	s4 =	smul.u32 $0xA0000, s2  }
0xb: {  	_ =	strace $0x8000004A;
	[dreg:$0x5] =	wrdreg s7;
	s2 =	ssub.s32 $0x2, s2  }
0xc: {  	[dreg:$0x6] =	wrdreg s18;
	s13 =	sor.u32 $0x1C15, s22;
	s18 =	simm.s32 $0x2400  }
0xd: {  	s22 =	simm.s32 $0x4400;
	s7 =	simm.s32 $0xB;
	s19 =	sshrl.u32 s2, $0x1  }
0xe: {  	s20 =	sshrl.u32 s6, $0x3;
	s21 =	sadd.s32 s6, s1;
	[dreg:$0x9] =	wrdreg s24  }
0xf: {  	s23 =	sadd.s32 s6, s3;
	s24 =	simm.s32 $0x5400;
	[dreg:$0x8] =	wrdreg s13  }
0x10: {  	s5 =	sshrl.u32 s4, $0x3;
	s4 =	sadd.s32 s6, s4;
	s2 =	ssub.s32 s2, s19  }
0x11: {  	s26 =	sshrl.u32 s21, $0x3;
	s21 =	simm.s32 $0x15;
	s19 =	sshrl.u32 s23, $0x3  }
0x12: {  	s5 =	sadd.s32 s5, s0;
	s4 =	sshrl.u32 s4, $0x3;
	s25 =	smax.u32 s2, $0x1  }
.Ltmp0:
0x13: {  	[dreg:$0xc] =	wrdreg s26;
	s26 =	simm.s32 $0x6400;
	(pc) =	sbr.rel .LBB2_1-.Ltmp0, $4  }
0x14: {  	[dreg:$0xd] =	wrdreg s19;
	s0 =	sadd.s32 s4, s0;
	s4 =	sadd.s32 s20, s5  }
0x15: {  	s2 =	simm.s32 $0x9400;
	[dreg:$0xb] =	wrdreg s25;
	s4 =	sadd.s32 $0x21800, s4  }
0x16: {  	s20 =	simm.s32 $0x3400;
	s0 =	sadd.s32 $0x49800, s0;
	[dreg:$0x7] =	wrdreg s4  }
0x17: {  	[dreg:$0xa] =	wrdreg s0;
	s0 =	simm.s32 $0x3;
	s4 =	simm.s32 $0xA  }
.LBB2_6:
0x18: {  	[bflag:$0x0] =	sbarrier.arrive $0xFFFF  }
0x19: {  	s13 =	rddreg [dreg:$0x8]  }
0x1a: {  	s5 =	rddreg [dreg:$0xa]  }
0x1b: {  	s19 =	rddreg [dreg:$0xd]  }
0x1c: {  	[hbm:s5], [sflag:s13] =	dma.local [spmem:s19], $0x1400  }
0x1d: {  	_ =	swait.ge [sflag:s21], $0x1400  }
0x1e: {  	s9 =	rddreg [dreg:$0x4]  }
0x1f: {  	s25 =	rddreg [dreg:$0xb];
	s9 =	sadd.s32 $0x1, s9  }
0x20: {  	p0 =	sne.s32 s9, s25  }
.Ltmp1:
0x21: {  	_ = 	snop;
	(pc) =	sbr.rel @!p0 .LBB2_7-.Ltmp1, $3  }
0x22: {  	_ =	sdelay $0x1  }
0x23: {  	[sflag:s21] =	ssyncset.done $0x0  }
0x24: {  	[sflag:s21] =	ssyncadd.s32 $0xFFFFEC00  }
.LBB2_1:
0x25: {  	[dreg:$0x4] =	wrdreg s9  }
0x26: {  	s5 =	rddreg [dreg:$0x7]  }
0x27: {  	s6 =	rddreg [dreg:$0xc]  }
0x28: {  	[spmem:s6], [sflag:s13] =	dma.local [hbm:s5], $0x1400  }
0x29: {  	_ =	swait.ge [sflag:s21], $0x1400  }
0x2a: {  	[sflag:s21] =	ssyncset.done $0x0  }
0x2b: {  	[sflag:s21] =	ssyncadd.s32 $0xFFFFEC00  }
0x2c: {  	[spmem:s19], [sflag:s13] =	dma.local [hbm:s5], $0x1400  }
.Ltmp2:
0x2d: {  	_ =	swait.ge [sflag:s21], $0x1400;
	(pc) =	sbr.rel .LBB2_2-.Ltmp2, $4  }
0x2e: {  	[sflag:s21] =	ssyncset.done $0x0  }
0x2f: {  	[sflag:s21] =	ssyncadd.s32 $0xFFFFEC00  }
0x30: {  	[bflag:$0x0] =	sbarrier.arrive $0xFFFF  }
0x31: {  	s6 =	simm.s32 $0x0  }
.LBB2_5:
0x32: {  	s5 =	simm.s32 $0x11  }
0x33: {  	_ =	swait.ge [sflag:s5], $0x1000  }
0x34: {  	[sflag:s5] =	ssyncset.done $0x0  }
0x35: {  	s21 =	simm.s32 $0x12;
	[sflag:s5] =	ssyncadd.s32 $0xFFFFF000  }
0x36: {  	_ =	swait.ge [sflag:s21], $0x1000  }
0x37: {  	[sflag:s21] =	ssyncset.done $0x0  }
0x38: {  	s23 =	simm.s32 $0x13;
	[sflag:s21] =	ssyncadd.s32 $0xFFFFF000  }
0x39: {  	_ =	swait.ge [sflag:s23], $0x1000  }
0x3a: {  	[sflag:s23] =	ssyncset.done $0x0  }
0x3b: {  	s25 =	simm.s32 $0x14;
	[sflag:s23] =	ssyncadd.s32 $0xFFFFF000  }
0x3c: {  	_ =	swait.ge [sflag:s25], $0x1000  }
0x3d: {  	s6 =	rddreg [dreg:$0xe]  }
0x3e: {  	s6 =	sadd.s32 $0x1, s6  }
0x3f: {  	p0 =	sne.s32 s6, $0x8  }
.Ltmp3:
0x40: {  	_ = 	snop;
	(pc) =	sbr.rel @!p0 .LBB2_6-.Ltmp3, $3  }
0x41: {  	_ =	sdelay $0x1  }
0x42: {  	[sflag:s25] =	ssyncset.done $0x0  }
0x43: {  	s21 =	simm.s32 $0x15;
	[sflag:s25] =	ssyncadd.s32 $0xFFFFF000  }
.LBB2_2:
0x44: {  	s19 =	smul.u32 $0x28, s6  }
0x45: {  	s5 =	rddreg [dreg:$0x9]  }
0x46: {  	[dreg:$0xe] =	wrdreg s6;
	s6 =	sadd.s32 s5, s19  }
0x47: {  	s23 =	rddreg [dreg:$0x5];
	s9 =	sshll.u32 s6, $0x3  }
0x48: {  	s6 =	simm.s32 $0x0;
	s19 =	sadd.s32 s23, s9  }
0x49: {  	[tilespmem:s6], [sflag:$0x15] =	stream.linear.gather [hbm4b:s19+s6], $0xA00, $0x38;
	[tilespmem:$0x1F400] =	vst v63  }
0x4a: {  	_ =	swait.ge [sflag:s21], $0xA00  }
0x4b: {  	[sflag:s21] =	ssyncset.done $0x0;
	s25 =	rddreg [dreg:$0x6]  }
0x4c: {  	s13 =	simm.s32 $0xA00;
	[sflag:s21] =	ssyncadd.s32 $0xFFFFF600;
	s9 =	sadd.s32 s25, s9  }
0x4d: {  	[tilespmem:s13], [sflag:$0x15] =	stream.linear.gather [hbm4b:s9+s6], $0xA00, $0x38;
	[tilespmem:$0x1F400] =	vst v63  }
0x4e: {  	_ =	swait.ge [sflag:s21], $0xA00  }
0x4f: {  	[sflag:s21] =	ssyncset.done $0x0  }
0x50: {  	[sflag:s21] =	ssyncadd.s32 $0xFFFFF600  }
0x51: {  	[tilespmem:s17], [sflag:$0x1] =	stream.indirect.gather [spmem:s1], $0x40, s6, s16, $0xb8;
	[tilespmem:$0x1F400] =	vst v63  }
0x52: {  	_ = 	snop  }
0x53: {  	[tilespmem:s18], [sflag:$0x2] =	stream.indirect.gather [spmem:s1], $0x40, s16, s16, $0xb8;
	[tilespmem:$0x1F400] =	vst v63  }
0x54: {  	s19 =	simm.s32 $0x80  }
0x55: {  	[tilespmem:s20], [sflag:$0x3] =	stream.indirect.gather [spmem:s1], $0x40, s19, s16, $0xb8;
	[tilespmem:$0x1F400] =	vst v63  }
0x56: {  	s21 =	simm.s32 $0xC0  }
0x57: {  	[tilespmem:s22], [sflag:$0x4] =	stream.indirect.gather [spmem:s1], $0x40, s21, s16, $0xb8;
	[tilespmem:$0x1F400] =	vst v63  }
0x58: {  	s23 =	simm.s32 $0x100  }
0x59: {  	[tilespmem:s24], [sflag:$0x5] =	stream.indirect.gather [spmem:s1], $0x40, s23, s16, $0xb8;
	[tilespmem:$0x1F400] =	vst v63  }
0x5a: {  	s25 =	simm.s32 $0x140  }
0x5b: {  	[tilespmem:s26], [sflag:$0x6] =	stream.indirect.gather [spmem:s1], $0x40, s25, s16, $0xb8;
	[tilespmem:$0x1F400] =	vst v63  }
.LBB2_3:
0x5c: {  	_ =	swait.ge [sflag:s28], $0x1000  }
0x5d: {  	s9 =	sshra.s32 s6, $0x2;
	[sflag:s28] =	ssyncset.done $0x0  }
0x5e: {  	p0 =	seq.s32 s6, $0x0;
	s19 =	sadd.s32 $0xA00, s9;
	[sflag:s28] =	ssyncadd.s32 $0xFFFFF000  }
0x5f: {  	[spmem:s3] =	stream.indirect.scatter.add.f32 [tilespmem:s17], [sflag:$0xB], $0x40, s19, s16, $0xb8;
	[tilespmem:$0x1F400] =	vst v63  }
0x60: {  	s19 =	simm.s32 @!p0 $0x11  }
0x61: {  	_ =	swait.ge @!p0 [sflag:s19], $0x1000  }
0x62: {  	[sflag:s19] =	ssyncset.done @!p0 $0x0  }
0x63: {  	s23 =	sadd.s32 $0x180, s9;
	[sflag:s19] =	ssyncadd.s32 @!p0 $0xFFFFF000  }
0x64: {  	[tilespmem:s29], [sflag:$0x7] =	stream.indirect.gather [spmem:s1], $0x40, s23, s16, $0xb8;
	[tilespmem:$0x1F400] =	vst v63  }
0x65: {  	_ =	swait.ge [sflag:s30], $0x1000  }
0x66: {  	[sflag:s30] =	ssyncset.done $0x0  }
0x67: {  	s25 =	sadd.s32 $0xA40, s9;
	s19 =	simm.s32 @!p0 $0x12;
	[sflag:s30] =	ssyncadd.s32 $0xFFFFF000  }
0x68: {  	[spmem:s3] =	stream.indirect.scatter.add.f32 [tilespmem:s18], [sflag:$0xC], $0x40, s25, s16, $0xb8;
	[tilespmem:$0x1F400] =	vst v63  }
0x69: {  	_ =	swait.ge @!p0 [sflag:s19], $0x1000  }
0x6a: {  	[sflag:s19] =	ssyncset.done @!p0 $0x0  }
0x6b: {  	s5 =	sadd.s32 $0x1C0, s9;
	[sflag:s19] =	ssyncadd.s32 @!p0 $0xFFFFF000  }
0x6c: {  	[tilespmem:s31], [sflag:$0x8] =	stream.indirect.gather [spmem:s1], $0x40, s5, s16, $0xb8;
	[tilespmem:$0x1F400] =	vst v63  }
0x6d: {  	_ =	swait.ge [sflag:s0], $0x1000  }
0x6e: {  	[sflag:s0] =	ssyncset.done $0x0  }
0x6f: {  	s13 =	sadd.s32 $0xA80, s9;
	s19 =	simm.s32 @!p0 $0x13;
	[sflag:s0] =	ssyncadd.s32 $0xFFFFF000  }
0x70: {  	[spmem:s3] =	stream.indirect.scatter.add.f32 [tilespmem:s20], [sflag:$0xD], $0x40, s13, s16, $0xb8;
	[tilespmem:$0x1F400] =	vst v63  }
0x71: {  	_ =	swait.ge @!p0 [sflag:s19], $0x1000  }
0x72: {  	[sflag:s19] =	ssyncset.done @!p0 $0x0  }
0x73: {  	s21 =	sadd.s32 $0x200, s9;
	[sflag:s19] =	ssyncadd.s32 @!p0 $0xFFFFF000  }
0x74: {  	[tilespmem:s2], [sflag:$0x9] =	stream.indirect.gather [spmem:s1], $0x40, s21, s16, $0xb8;
	[tilespmem:$0x1F400] =	vst v63  }
0x75: {  	_ =	swait.ge [sflag:s10], $0x1000  }
0x76: {  	[sflag:s10] =	ssyncset.done $0x0  }
0x77: {  	s23 =	sadd.s32 $0xAC0, s9;
	s19 =	simm.s32 @!p0 $0x14;
	[sflag:s10] =	ssyncadd.s32 $0xFFFFF000  }
0x78: {  	[spmem:s3] =	stream.indirect.scatter.add.f32 [tilespmem:s22], [sflag:$0xE], $0x40, s23, s16, $0xb8;
	[tilespmem:$0x1F400] =	vst v63  }
0x79: {  	_ =	swait.ge @!p0 [sflag:s19], $0x1000  }
0x7a: {  	[sflag:s19] =	ssyncset.done @!p0 $0x0  }
0x7b: {  	s25 =	sadd.s32 $0x240, s9;
	[sflag:s19] =	ssyncadd.s32 @!p0 $0xFFFFF000  }
0x7c: {  	[tilespmem:s11], [sflag:$0xA] =	stream.indirect.gather [spmem:s1], $0x40, s25, s16, $0xb8;
	[tilespmem:$0x1F400] =	vst v63  }
0x7d: {  	_ =	swait.ge [sflag:s12], $0x1000  }
0x7e: {  	[sflag:s12] =	ssyncset.done $0x0  }
0x7f: {  	s5 =	sadd.s32 $0xB00, s9;
	[sflag:s12] =	ssyncadd.s32 $0xFFFFF000  }
0x80: {  	[spmem:s3] =	stream.indirect.scatter.add.f32 [tilespmem:s24], [sflag:$0xF], $0x40, s5, s16, $0xb8;
	[tilespmem:$0x1F400] =	vst v63  }
0x81: {  	_ =	swait.ge [sflag:s7], $0x1000  }
0x82: {  	p0 =	seq.s32 s6, $0x1E00;
	[sflag:s7] =	ssyncset.done $0x0  }
0x83: {  	s19 =	simm.s32 @p0 $0x6;
	[sflag:s7] =	ssyncadd.s32 $0xFFFFF000  }
0x84: {  	_ =	swait.ge @p0 [sflag:s19], $0x1000  }
0x85: {  	s23 =	sshra.s32 @p0 s6, $0x2;
	s25 =	simm.s32 @p0 $0x40;
	[sflag:s19] =	ssyncset.done @p0 $0x0  }
0x86: {  	s21 =	simm.s32 @p0 $0x6400;
	[sflag:s19] =	ssyncadd.s32 @p0 $0xFFFFF000;
	s19 =	sadd.s32 @p0 $0xB40, s23  }
0x87: {  	[spmem:s3] =	stream.indirect.scatter.add.f32 @p0 [tilespmem:s21], [sflag:$0x10], $0x40, s19, s25, $0xb8;
	[tilespmem:$0x1F400] =	vst v63  }
0x88: {  	s19 =	simm.s32 @p0 $0xC  }
0x89: {  	_ =	swait.ge @p0 [sflag:s19], $0x1000  }
0x8a: {  	[sflag:s19] =	ssyncset.done @p0 $0x0  }
0x8b: {  	[sflag:s19] =	ssyncadd.s32 @p0 $0xFFFFF000;
	s19 =	simm.s32 @p0 $0x7  }
0x8c: {  	_ =	swait.ge @p0 [sflag:s19], $0x1000  }
0x8d: {  	[sflag:s19] =	ssyncset.done @p0 $0x0  }
0x8e: {  	s21 =	simm.s32 @p0 $0x7400;
	[sflag:s19] =	ssyncadd.s32 @p0 $0xFFFFF000;
	s19 =	sadd.s32 @p0 $0xB80, s23  }
0x8f: {  	[spmem:s3] =	stream.indirect.scatter.add.f32 @p0 [tilespmem:s21], [sflag:$0x11], $0x40, s19, s25, $0xb8;
	[tilespmem:$0x1F400] =	vst v63  }
0x90: {  	s19 =	simm.s32 @p0 $0xD  }
0x91: {  	_ =	swait.ge @p0 [sflag:s19], $0x1000  }
0x92: {  	[sflag:s19] =	ssyncset.done @p0 $0x0  }
0x93: {  	[sflag:s19] =	ssyncadd.s32 @p0 $0xFFFFF000;
	s19 =	sshra.s32 @!p0 s6, $0x2  }
0x94: {  	s5 =	simm.s32 @!p0 $0x1400;
	s21 =	simm.s32 @!p0 $0x40;
	s13 =	sadd.s32 @!p0 $0x280, s19  }
0x95: {  	[tilespmem:s5], [sflag:$0x1] =	stream.indirect.gather @!p0 [spmem:s1], $0x40, s13, s21, $0xb8;
	[tilespmem:$0x1F400] =	vst v63  }
0x96: {  	s5 =	simm.s32 @!p0 $0x6  }
0x97: {  	_ =	swait.ge @!p0 [sflag:s5], $0x1000  }
0x98: {  	[sflag:s5] =	ssyncset.done @!p0 $0x0  }
0x99: {  	s13 =	simm.s32 @!p0 $0x6400;
	[sflag:s5] =	ssyncadd.s32 @!p0 $0xFFFFF000;
	s5 =	sadd.s32 @!p0 $0xB40, s19  }
0x9a: {  	[spmem:s3] =	stream.indirect.scatter.add.f32 @!p0 [tilespmem:s13], [sflag:$0x10], $0x40, s5, s21, $0xb8;
	[tilespmem:$0x1F400] =	vst v63  }
0x9b: {  	s5 =	simm.s32 @!p0 $0xC  }
0x9c: {  	_ =	swait.ge @!p0 [sflag:s5], $0x1000  }
0x9d: {  	[sflag:s5] =	ssyncset.done @!p0 $0x0  }
0x9e: {  	s13 =	simm.s32 @!p0 $0x2400;
	[sflag:s5] =	ssyncadd.s32 @!p0 $0xFFFFF000;
	s5 =	sadd.s32 @!p0 $0x2C0, s19  }
0x9f: {  	[tilespmem:s13], [sflag:$0x2] =	stream.indirect.gather @!p0 [spmem:s1], $0x40, s5, s21, $0xb8;
	[tilespmem:$0x1F400] =	vst v63  }
0xa0: {  	s5 =	simm.s32 @!p0 $0x7  }
0xa1: {  	_ =	swait.ge @!p0 [sflag:s5], $0x1000  }
0xa2: {  	[sflag:s5] =	ssyncset.done @!p0 $0x0  }
0xa3: {  	s13 =	simm.s32 @!p0 $0x7400;
	[sflag:s5] =	ssyncadd.s32 @!p0 $0xFFFFF000;
	s5 =	sadd.s32 @!p0 $0xB80, s19  }
0xa4: {  	[spmem:s3] =	stream.indirect.scatter.add.f32 @!p0 [tilespmem:s13], [sflag:$0x11], $0x40, s5, s21, $0xb8;
	[tilespmem:$0x1F400] =	vst v63  }
0xa5: {  	s5 =	simm.s32 @!p0 $0xD  }
0xa6: {  	_ =	swait.ge @!p0 [sflag:s5], $0x1000  }
0xa7: {  	[sflag:s5] =	ssyncset.done @!p0 $0x0  }
0xa8: {  	s13 =	simm.s32 @!p0 $0x3400;
	[sflag:s5] =	ssyncadd.s32 @!p0 $0xFFFFF000;
	s5 =	sadd.s32 @!p0 $0x300, s19  }
0xa9: {  	[tilespmem:s13], [sflag:$0x3] =	stream.indirect.gather @!p0 [spmem:s1], $0x40, s5, s21, $0xb8;
	[tilespmem:$0x1F400] =	vst v63  }
0xaa: {  	_ =	swait.ge [sflag:s14], $0x1000  }
0xab: {  	[sflag:s14] =	ssyncset.done $0x0  }
0xac: {  	s13 =	sadd.s32 $0xBC0, s9;
	[sflag:s14] =	ssyncadd.s32 $0xFFFFF000  }
0xad: {  	[spmem:s3] =	stream.indirect.scatter.add.f32 [tilespmem:s31], [sflag:$0x12], $0x40, s13, s16, $0xb8;
	[tilespmem:$0x1F400] =	vst v63  }
0xae: {  	_ =	swait.ge [sflag:s8], $0x1000  }
0xaf: {  	[sflag:s8] =	ssyncset.done $0x0  }
0xb0: {  	s5 =	simm.s32 @p0 $0x9;
	[sflag:s8] =	ssyncadd.s32 $0xFFFFF000  }
0xb1: {  	_ =	swait.ge @p0 [sflag:s5], $0x1000  }
0xb2: {  	[sflag:s5] =	ssyncset.done @p0 $0x0  }
0xb3: {  	s13 =	simm.s32 @p0 $0x9400;
	[sflag:s5] =	ssyncadd.s32 @p0 $0xFFFFF000;
	s5 =	sadd.s32 @p0 $0xC00, s23  }
0xb4: {  	[spmem:s3] =	stream.indirect.scatter.add.f32 @p0 [tilespmem:s13], [sflag:$0x13], $0x40, s5, s25, $0xb8;
	[tilespmem:$0x1F400] =	vst v63  }
0xb5: {  	s5 =	simm.s32 @p0 $0xF  }
0xb6: {  	_ =	swait.ge @p0 [sflag:s5], $0x1000  }
0xb7: {  	[sflag:s5] =	ssyncset.done @p0 $0x0  }
0xb8: {  	s13 =	simm.s32 @!p0 $0x4400;
	[sflag:s5] =	ssyncadd.s32 @p0 $0xFFFFF000;
	s5 =	sadd.s32 @!p0 $0x340, s19  }
0xb9: {  	[tilespmem:s13], [sflag:$0x4] =	stream.indirect.gather @!p0 [spmem:s1], $0x40, s5, s21, $0xb8;
	[tilespmem:$0x1F400] =	vst v63  }
0xba: {  	s5 =	simm.s32 @!p0 $0x9  }
0xbb: {  	_ =	swait.ge @!p0 [sflag:s5], $0x1000  }
0xbc: {  	[sflag:s5] =	ssyncset.done @!p0 $0x0  }
0xbd: {  	s13 =	simm.s32 @!p0 $0x9400;
	[sflag:s5] =	ssyncadd.s32 @!p0 $0xFFFFF000;
	s5 =	sadd.s32 @!p0 $0xC00, s19  }
0xbe: {  	[spmem:s3] =	stream.indirect.scatter.add.f32 @!p0 [tilespmem:s13], [sflag:$0x13], $0x40, s5, s21, $0xb8;
	[tilespmem:$0x1F400] =	vst v63  }
0xbf: {  	s5 =	simm.s32 @!p0 $0xF  }
0xc0: {  	_ =	swait.ge @!p0 [sflag:s5], $0x1000  }
0xc1: {  	[sflag:s5] =	ssyncset.done @!p0 $0x0  }
0xc2: {  	s13 =	simm.s32 @!p0 $0x5400;
	[sflag:s5] =	ssyncadd.s32 @!p0 $0xFFFFF000;
	s5 =	sadd.s32 @!p0 $0x380, s19  }
0xc3: {  	[tilespmem:s13], [sflag:$0x5] =	stream.indirect.gather @!p0 [spmem:s1], $0x40, s5, s21, $0xb8;
	[tilespmem:$0x1F400] =	vst v63  }
0xc4: {  	_ =	swait.ge [sflag:s4], $0x1000  }
0xc5: {  	[sflag:s4] =	ssyncset.done $0x0  }
.Ltmp4:
0xc6: {  	s25 =	sadd.s32 $0xC40, s9;
	[sflag:s4] =	ssyncadd.s32 $0xFFFFF000;
	(pc) =	sbr.rel @p0 .LBB2_5-.Ltmp4, $4  }
0xc7: {  	[spmem:s3] =	stream.indirect.scatter.add.f32 [tilespmem:s11], [sflag:$0x14], $0x40, s25, s16, $0xb8;
	[tilespmem:$0x1F400] =	vst v63  }
0xc8: {  	_ =	swait.ge [sflag:s15], $0x1000  }
0xc9: {  	[sflag:s15] =	ssyncset.done $0x0  }
0xca: {  	[sflag:s15] =	ssyncadd.s32 $0xFFFFF000  }
.Ltmp5:
0xcb: {  	(pc) =	sbr.rel .LBB2_3-.Ltmp5, $3  }
0xcc: {  	_ =	sdelay $0x1  }
0xcd: {  	s5 =	sadd.s32 $0x3C0, s9;
	s6 =	sadd.s32 $0xA00, s6  }
0xce: {  	[tilespmem:s26], [sflag:$0x6] =	stream.indirect.gather [spmem:s1], $0x40, s5, s16, $0xb8;
	[tilespmem:$0x1F400] =	vst v63  }
.LBB2_7:
0xcf: {  	_ =	sfence.sel $0x180000  }
0xd0: {  	[bflag:$0x0] =	sbarrier.arrive $0xFFFF  }
0xd1: {  	_ =	strace $0x9000004A  }
0xd2: {  	s0 =	stileid.u32;
	[bflag:$0x2] =	sbarrier.arrive $0xFFFF  }
0xd3: {  	p0 =	sne.s32 s0, $0x0;
	s0 =	rddreg [dreg:$0x3]  }
0xd4: {  	s0 =	sadd.s32 @!p0 $0x100000, s0  }
0xd5: {  	[sflag:s0] =	ssyncadd.tile.s32 @!p0 $0x1;
	_ =	shalt  }
.Lfunc_end2:
_tile_overlayer_lowered:
.L_overlay_start_2:
0xd6: {  	(tag) =	ssettag $0x2  }
0xd7: {  	s0 =	rddreg [dreg:$0x0];
	s2 =	stileid.u32  }
0xd8: {  	s1 =	rddreg [dreg:$0x1];
	p0 =	sne.s32 s2, $0x0  }
0xd9: {  	s3 =	rddreg [dreg:$0x2];
	[bflag:$0x3] =	sbarrier.arrive $0xFFFF;
	s2 =	simm.s32 @!p0 $0x1C15  }
0xda: {  	[timem:s3], [sflag:s2] =	dma.local @!p0 [hbm:s0], s1  }
0xdb: {  	s0 =	simm.s32 @!p0 $0x15  }
0xdc: {  	_ =	swait.ge @!p0 [sflag:s0], s1  }
0xdd: {  	s1 =	ssub.s32 @!p0 $0x0, s1;
	[sflag:s0] =	ssyncset.done @!p0 $0x0  }
0xde: {  	[sflag:s0] =	ssyncadd.s32 @!p0 s1  }
0xdf: {  	[bflag:$0x3] =	sbarrier.arrive $0xFFFF  }
0xe0: {  	_ =	shalt  }

// kernel: kernel.16.cloned.1.call-start
scs
__scs_entry_jumppad:
0x0: {  	(pc) =	sbr.rel $0x88, $3  }
0x1: {  	(tag) =	ssettag $0x0;
	lr =	simm.s32 $0x1  }
0x2: {  	[smem:$0x3F92] =	sst lr;
	_ =	strace $0xD0000000  }
0x3: {  	_ = 	snop  }
0x4: {  	_ = 	snop  }
0x5: {  	_ = 	snop  }
0x6: {  	_ = 	snop  }
0x7: {  	_ = 	snop  }
__scs_overlays_trampoline_lowered:
0x8: {  	[smem:$0x3FA1] =	sst s0  }
0x9: {  	[smem:$0x3FA2] =	sst s1  }
0xa: {  	[smem:$0x3FA3] =	sst s2  }
0xb: {  	[smem:$0x3FA4] =	sst s3  }
0xc: {  	[smem:$0x3FA5] =	sst s4  }
0xd: {  	[smem:$0x3FA6] =	sst s5  }
0xe: {  	[smem:$0x3FA7] =	sst s6  }
0xf: {  	[smem:$0x3FA8] =	sst s7  }
0x10: {  	[smem:$0x3FA9] =	sst s8  }
0x11: {  	[smem:$0x3FAA] =	sst s9;
	s0 =	simm.s32 @!p0 $0x0  }
0x12: {  	s1 =	sld [smem:$0x3F90];
	s0 =	simm.s32 @p0 $0x1  }
0x13: {  	[smem:$0x3FAB] =	sst s0;
	s0 =	simm.s32 @!p1 $0x0  }
0x14: {  	s2 =	sld [smem:$0x3F8F];
	s0 =	simm.s32 @p1 $0x1  }
0x15: {  	[smem:$0x3FAC] =	sst s0;
	s0 =	simm.s32 @!p2 $0x0  }
0x16: {  	s3 =	sld [smem:$0x3FDB];
	s0 =	simm.s32 @p2 $0x1  }
0x17: {  	s4 =	simm.s32 $0x1BF5;
	[smem:$0x3FAE] =	sst s0  }
0x18: {  	s0 =	sld [smem:$0x3F91];
	_ =	swait.ge [sflag:s4], $0x0  }
0x19: {  	s7 =	sld [smem:$0x3F92]  }
0x1a: {  	s8 =	sadd.s32 $0xFFFFE003, lr  }
0x1b: {  	s9 =	sadd.s32 $0xFFFFFEF7, lr;
	s5 =	simm.s32 $0xFFFFFFFF;
	p2 =	slt.u32 s8, $0xFFFFF086  }
0x1c: {  	p1 =	slt.u32 s9, $0xF7A;
	s5 =	simm.s32 @!p2 $0x0  }
0x1d: {  	s5 =	simm.s32 @p1 $0x1;
	p0 =	seq.s32 s7, s2  }
0x1e: {  	s7 =	smul.u32 @!p0 $0xF7A, s2;
	p2 =	seq.s32 @!p0 s5, $0x0  }
0x1f: {  	s9 =	smul.u32 $0xF7A, s1;
	s8 =	simm.s32 @!p0 $0x1BF5;
	p2 =	por !p2, p0  }
0x20: {  	[sflag:s8] =	ssyncset.s32 @!p0 $0xFFFFF086;
	s6 =	sadd.s32 @!p0 s3, s7;
	s7 =	simm.s32 @!p0 $0x108  }
0x21: {  	s3 =	sadd.s32 s3, s9;
	s6 =	sadd.s32 @!p0 $0x88, s6;
	s7 =	simm.s32 @p2 $0x1082  }
0x22: {  	[simem:s7], [sflag:s8] =	dma.local @!p0 [hbm:s6], $0xF7A  }
0x23: {  	s9 =	sor.u32 $0xD0000000, s2;
	s6 =	simm.s32 $0x108;
	_ =	swait.ge @!p0 [sflag:s8], $0x0  }
0x24: {  	s3 =	sadd.s32 $0x88, s3;
	s6 =	simm.s32 @!p1 $0x1082;
	[sflag:s4] =	ssyncset.s32 $0xFFFFF086  }
0x25: {  	[simem:s6], [sflag:s4] =	dma.local [hbm:s3], $0xF7A  }
0x26: {  	[smem:$0x3F92] =	sst s1;
	(tag) =	ssettag s2;
	_ =	strace s9  }
0x27: {  	s1 =	sld [smem:$0x3FA2]  }
0x28: {  	s2 =	sld [smem:$0x3FA3]  }
0x29: {  	s4 =	sld [smem:$0x3FA5]  }
0x2a: {  	p0 =	seq.s32 s5, $0x0;
	s5 =	sld [smem:$0x3FA6]  }
0x2b: {  	s6 =	sld [smem:$0x3FA7]  }
0x2c: {  	s7 =	sld [smem:$0x3FA8]  }
0x2d: {  	s3 =	simm.s32 $0x108;
	s8 =	sld [smem:$0x3FA9]  }
0x2e: {  	s3 =	simm.s32 @!p0 $0x1082;
	s9 =	sld [smem:$0x3FAA]  }
0x2f: {  	lr =	sadd.s32 s0, s3;
	s0 =	sld [smem:$0x3FA1]  }
0x30: {  	s3 =	sld [smem:$0x3FA4]  }
0x31: {  	[smem:$0x3FAD] =	sst s10  }
0x32: {  	s10 =	sld [smem:$0x3FAB];
	_ =	sdelay $0x3  }
0x33: {  	p0 =	seq.s32 s10, $0x1;
	s10 =	sld [smem:$0x3FAD];
	_ =	sdelay $0x3  }
0x34: {  	[smem:$0x3FAD] =	sst s10  }
0x35: {  	s10 =	sld [smem:$0x3FAC];
	_ =	sdelay $0x3  }
0x36: {  	p1 =	seq.s32 s10, $0x1;
	s10 =	sld [smem:$0x3FAD];
	_ =	sdelay $0x3  }
0x37: {  	[smem:$0x3FAD] =	sst s10  }
0x38: {  	s10 =	sld [smem:$0x3FAE]  }
0x39: {  	_ = 	snop;
	(pc) =	sbr.ind lr, $3  }
0x3a: {  	_ = 	snop  }
0x3b: {  	_ = 	snop  }
0x3c: {  	p2 =	seq.s32 s10, $0x1;
	s10 =	sld [smem:$0x3FAD]  }
0x3d: {  	_ =	shalt  }
0x3e: {  	_ =	shalt  }
0x3f: {  	_ =	shalt  }
0x40: {  	_ =	shalt  }
0x41: {  	_ =	shalt  }
0x42: {  	_ =	shalt  }
0x43: {  	_ =	shalt  }
0x44: {  	_ =	shalt  }
0x45: {  	_ =	shalt  }
0x46: {  	_ =	shalt  }
0x47: {  	_ =	shalt  }
0x48: {  	_ =	shalt  }
0x49: {  	_ =	shalt  }
0x4a: {  	_ =	shalt  }
0x4b: {  	_ =	shalt  }
0x4c: {  	_ =	shalt  }
0x4d: {  	_ =	shalt  }
0x4e: {  	_ =	shalt  }
0x4f: {  	_ =	shalt  }
0x50: {  	_ =	shalt  }
0x51: {  	_ =	shalt  }
0x52: {  	_ =	shalt  }
0x53: {  	_ =	shalt  }
0x54: {  	_ =	shalt  }
0x55: {  	_ =	shalt  }
0x56: {  	_ =	shalt  }
0x57: {  	_ =	shalt  }
0x58: {  	_ =	shalt  }
0x59: {  	_ =	shalt  }
0x5a: {  	_ =	shalt  }
0x5b: {  	_ =	shalt  }
0x5c: {  	_ =	shalt  }
0x5d: {  	_ =	shalt  }
0x5e: {  	_ =	shalt  }
0x5f: {  	_ =	shalt  }
0x60: {  	_ =	shalt  }
0x61: {  	_ =	shalt  }
0x62: {  	_ =	shalt  }
0x63: {  	_ =	shalt  }
0x64: {  	_ =	shalt  }
0x65: {  	_ =	shalt  }
0x66: {  	_ =	shalt  }
0x67: {  	_ =	shalt  }
0x68: {  	_ =	shalt  }
0x69: {  	_ =	shalt  }
0x6a: {  	_ =	shalt  }
0x6b: {  	_ =	shalt  }
0x6c: {  	_ =	shalt  }
0x6d: {  	_ =	shalt  }
0x6e: {  	_ =	shalt  }
0x6f: {  	_ =	shalt  }
0x70: {  	_ =	shalt  }
0x71: {  	_ =	shalt  }
0x72: {  	_ =	shalt  }
0x73: {  	_ =	shalt  }
0x74: {  	_ =	shalt  }
0x75: {  	_ =	shalt  }
0x76: {  	_ =	shalt  }
0x77: {  	_ =	shalt  }
0x78: {  	_ =	shalt  }
0x79: {  	_ =	shalt  }
0x7a: {  	_ =	shalt  }
0x7b: {  	_ =	shalt  }
0x7c: {  	_ =	shalt  }
0x7d: {  	_ =	shalt  }
0x7e: {  	_ =	shalt  }
0x7f: {  	_ =	shalt  }
0x80: {  	_ =	shalt  }
0x81: {  	_ =	shalt  }
0x82: {  	_ =	shalt  }
0x83: {  	_ =	shalt  }
0x84: {  	_ =	shalt  }
0x85: {  	_ =	shalt  }
0x86: {  	_ =	shalt  }
0x87: {  	_ =	shalt  }
.Lfunc_end0:
.L_simem_size_0:
called_computation.2_lowered:
.L_overlay_start_0:
0x88: {  	s2 =	sld [smem:$0x3FD9]  }
0x89: {  	s3 =	sld [smem:$0x3FFE];
	_ =	sdelay $0x1  }
0x8a: {  	s1 =	srdreg.scid  }
0x8b: {  	s0 =	sand.u32 $0x1, s1  }
0x8c: {  	s16 =	sshll.u32 s0, $0xA;
	s2 =	sadd.s32 s3, s2  }
0x8d: {  	s2 =	sadd.s32 s2, s16  }
0x8e: {  	[smem:$0x3FB9] =	sst s2  }
0x8f: {  	_ = 	snop  }
0x90: {  	(tm) =	ssettm $0x1  }
0x91: {  	s17 =	sld [smem:$0x3FFB];
	_ =	sdelay $0x3  }
0x92: {  	_ =	strace s17  }
0x93: {  	s2 =	sld [smem:$0x3FFC];
	_ =	sdelay $0x3  }
0x94: {  	_ =	strace s2  }
0x95: {  	s2 =	sld [smem:$0x3FFD];
	_ =	sdelay $0x3  }
0x96: {  	_ =	strace s2  }
0x97: {  	_ =	strace $0x8FFFFFFF  }
0x98: {  	s18 =	sld [smem:$0x3FDB];
	_ =	sdelay $0x1  }
0x99: {  	s19 =	simm.s32 $_scs_section_size  }
0x9a: {  	s4 =	simm.s32 $_size__tile_overlayer_lowered;
	s5 =	simm.s32 $_tile_overlayer_lowered  }
0x9b: {  	s22 =	simm.s32 $0x1BFF;
	s21 =	sshll.u32 s5, $0x1;
	s2 =	sadd.s32 s19, s18  }
0x9c: {  	s6 =	simm.s32 $0x0;
	s20 =	sshll.u32 s4, $0x1;
	s4 =	sadd.s32 s21, s2  }
0x9d: {  	[timem:s6], [sflag:s22] =	dma.local [hbm:s4], s20  }
0x9e: {  	_ =	swait.ge [sflag:s22], s20  }
0x9f: {  	s3 =	ssub.s32 $0x0, s20;
	[sflag:s22] =	ssyncset.done $0x0  }
0xa0: {  	[sflag:s22] =	ssyncadd.s32 s3;
	_ =	sdelay $0x1  }
0xa1: {  	s23 =	simm.s32 $0x1B8B  }
0xa2: {  	_ =	swait.ge [sflag:s23], $0x1  }
0xa3: {  	[sflag:s23] =	ssyncset.done $0x0  }
0xa4: {  	s25 =	simm.s32 $0x1B8E;
	s24 =	sld [smem:$0x3FFE];
	[sflag:s23] =	ssyncadd.s32 $0xFFFFFFFF  }
0xa5: {  	s26 =	simm.s32 $execute0_lowered;
	[smem:$0x3FD2] =	sst s25  }
0xa6: {  	s4 =	sshll.u32 s26, $0x1;
	_ =	strace $0x8000004C;
	[dreg:$0x1] =	wrdreg $0xFFFFFFFF  }
0xa7: {  	s28 =	simm.s32 $_size_execute0_lowered;
	s2 =	sadd.s32 s2, s4;
	[dreg:$0x0] =	wrdreg $0x0  }
0xa8: {  	s4 =	sshll.u32 s28, $0x1;
	[dreg:$0x2] =	wrdreg s2  }
0xa9: {  	[dreg:$0x3] =	wrdreg s4  }
0xaa: {  	[dreg:$0x4] =	wrdreg $0xC0  }
0xab: {  	_ =	task [dreg:s6], $0x5FFFF  }
0xac: {  	[dreg:$0x1] =	wrdreg $0xFFFFFFFF  }
0xad: {  	[dreg:$0x0] =	wrdreg $0x60  }
0xae: {  	[dreg:$0x2] =	wrdreg s24  }
0xaf: {  	[dreg:$0x3] =	wrdreg $0xB4000  }
0xb0: {  	[dreg:$0x4] =	wrdreg $0x154000  }
0xb1: {  	[dreg:$0x5] =	wrdreg $0x9  }
0xb2: {  	_ =	task.clear_ibuf [dreg:s6], $0x6FFFF;
	_ =	strace $0x9000004C  }
0xb3: {  	s29 =	simm.s32 $0x9;
	_ =	strace $0x8000004E  }
0xb4: {  	_ =	swait.ge [sflag:s29], $0x1  }
0xb5: {  	[sflag:s29] =	ssyncadd.s32 $0xFFFFFFFF  }
0xb6: {  	_ =	strace $0x9000004E  }
0xb7: {  	_ =	sfence  }
0xb8: {  	s30 =	sld [smem:$0x0];
	_ =	sdelay $0x2  }
0xb9: {  	s31 =	sshll.u32 s1, $0xD;
	s1 =	sshrl.u32 s1, $0x2  }
0xba: {  	s3 =	sand.u32 $0x4000, s31;
	s1 =	sadd.s32 s1, s30  }
0xbb: {  	s0 =	sor.u32 s3, s0;
	s1 =	sshll.u32 s1, $0x11  }
0xbc: {  	s0 =	sor.u32 s1, s0  }
0xbd: {  	s0 =	sadd.s32 $0x8F2B, s0  }
0xbe: {  	[sflag:s0] =	ssyncadd.remote.s32 $0x1  }
0xbf: {  	_ =	sfence.sel $0xFFFF  }
0xc0: {  	[dreg:$0x0] =	wrdreg $0xFFFFFFFF;
	(pc) =	sbr.abs _section_cstart, $3  }
0xc1: {  	[dreg:$0x1] =	wrdreg $0xFFFFFFFF  }
0xc2: {  	_ =	task.clear_ibuf [dreg:s6], $0x2FFFF;
	_ =	strace $0x9FFFFFFF  }
0xc3: {  	(tm) =	ssettm $0x7FFFFFFF  }
tec
execute0_lowered:
.L_overlay_start_1:
0x0: {  	(tag) =	ssettag $0x1  }
0x1: {  	s0 =	rddreg [dreg:$0x0]  }
0x2: {  	s1 =	rddreg [dreg:$0x1]  }
0x3: {  	s2 =	srdreg.scid;
	s3 =	rddreg [dreg:$0x2];
	s9 =	simm.s32 $0x0  }
0x4: {  	s8 =	stileid.u32;
	s16 =	simm.s32 $0x40;
	s17 =	simm.s32 $0x1400  }
0x5: {  	s28 =	simm.s32 $0x1;
	s29 =	simm.s32 $0x7400;
	s30 =	simm.s32 $0x2  }
0x6: {  	s31 =	simm.s32 $0x8400;
	s10 =	simm.s32 $0x4;
	s11 =	simm.s32 $0xA400  }
0x7: {  	s12 =	simm.s32 $0x5;
	s14 =	simm.s32 $0x8;
	s15 =	simm.s32 $0x10  }
0x8: {  	s2 =	sand.u32 $0x1, s2;
	[smem:$0x7FF] =	sst s9;
	s6 =	smul.u32 $0xA000, s8  }
0x9: {  	s7 =	sadd.s32 $0x17800, s0;
	s18 =	sadd.s32 $0xD800, s0;
	s24 =	smul.u32 $0x140, s8  }
0xa: {  	s22 =	sshll.u32 s8, $0x6;
	s8 =	simm.s32 $0xE;
	s4 =	smul.u32 $0xA0000, s2  }
0xb: {  	_ =	strace $0x8000004D;
	[dreg:$0x5] =	wrdreg s7;
	s2 =	ssub.s32 $0x2, s2  }
0xc: {  	[dreg:$0x6] =	wrdreg s18;
	s13 =	sor.u32 $0x1C15, s22;
	s18 =	simm.s32 $0x2400  }
0xd: {  	s22 =	simm.s32 $0x4400;
	s7 =	simm.s32 $0xB;
	s19 =	sshrl.u32 s2, $0x1  }
0xe: {  	s20 =	sshrl.u32 s6, $0x3;
	s21 =	sadd.s32 s6, s1;
	[dreg:$0x9] =	wrdreg s24  }
0xf: {  	s23 =	sadd.s32 s6, s3;
	s24 =	simm.s32 $0x5400;
	[dreg:$0x8] =	wrdreg s13  }
0x10: {  	s5 =	sshrl.u32 s4, $0x3;
	s4 =	sadd.s32 s6, s4;
	s2 =	ssub.s32 s2, s19  }
0x11: {  	s26 =	sshrl.u32 s21, $0x3;
	s21 =	simm.s32 $0x15;
	s19 =	sshrl.u32 s23, $0x3  }
0x12: {  	s5 =	sadd.s32 s5, s0;
	s4 =	sshrl.u32 s4, $0x3;
	s25 =	smax.u32 s2, $0x1  }
.Ltmp0:
0x13: {  	[dreg:$0xc] =	wrdreg s26;
	s26 =	simm.s32 $0x6400;
	(pc) =	sbr.rel .LBB2_1-.Ltmp0, $4  }
0x14: {  	[dreg:$0xd] =	wrdreg s19;
	s0 =	sadd.s32 s4, s0;
	s4 =	sadd.s32 s20, s5  }
0x15: {  	s2 =	simm.s32 $0x9400;
	[dreg:$0xb] =	wrdreg s25;
	s4 =	sadd.s32 $0x21800, s4  }
0x16: {  	s20 =	simm.s32 $0x3400;
	s0 =	sadd.s32 $0x49800, s0;
	[dreg:$0x7] =	wrdreg s4  }
0x17: {  	[dreg:$0xa] =	wrdreg s0;
	s0 =	simm.s32 $0x3;
	s4 =	simm.s32 $0xA  }
.LBB2_6:
0x18: {  	[bflag:$0x0] =	sbarrier.arrive $0xFFFF  }
0x19: {  	s13 =	rddreg [dreg:$0x8]  }
0x1a: {  	s5 =	rddreg [dreg:$0xa]  }
0x1b: {  	s19 =	rddreg [dreg:$0xd]  }
0x1c: {  	[hbm:s5], [sflag:s13] =	dma.local [spmem:s19], $0x1400  }
0x1d: {  	_ =	swait.ge [sflag:s21], $0x1400  }
0x1e: {  	s9 =	rddreg [dreg:$0x4]  }
0x1f: {  	s25 =	rddreg [dreg:$0xb];
	s9 =	sadd.s32 $0x1, s9  }
0x20: {  	p0 =	sne.s32 s9, s25  }
.Ltmp1:
0x21: {  	_ = 	snop;
	(pc) =	sbr.rel @!p0 .LBB2_7-.Ltmp1, $3  }
0x22: {  	_ =	sdelay $0x1  }
0x23: {  	[sflag:s21] =	ssyncset.done $0x0  }
0x24: {  	[sflag:s21] =	ssyncadd.s32 $0xFFFFEC00  }
.LBB2_1:
0x25: {  	[dreg:$0x4] =	wrdreg s9  }
0x26: {  	s5 =	rddreg [dreg:$0x7]  }
0x27: {  	s6 =	rddreg [dreg:$0xc]  }
0x28: {  	[spmem:s6], [sflag:s13] =	dma.local [hbm:s5], $0x1400  }
0x29: {  	_ =	swait.ge [sflag:s21], $0x1400  }
0x2a: {  	[sflag:s21] =	ssyncset.done $0x0  }
0x2b: {  	[sflag:s21] =	ssyncadd.s32 $0xFFFFEC00  }
0x2c: {  	[spmem:s19], [sflag:s13] =	dma.local [hbm:s5], $0x1400  }
.Ltmp2:
0x2d: {  	_ =	swait.ge [sflag:s21], $0x1400;
	(pc) =	sbr.rel .LBB2_2-.Ltmp2, $4  }
0x2e: {  	[sflag:s21] =	ssyncset.done $0x0  }
0x2f: {  	[sflag:s21] =	ssyncadd.s32 $0xFFFFEC00  }
0x30: {  	[bflag:$0x0] =	sbarrier.arrive $0xFFFF  }
0x31: {  	s6 =	simm.s32 $0x0  }
.LBB2_5:
0x32: {  	s5 =	simm.s32 $0x11  }
0x33: {  	_ =	swait.ge [sflag:s5], $0x1000  }
0x34: {  	[sflag:s5] =	ssyncset.done $0x0  }
0x35: {  	s21 =	simm.s32 $0x12;
	[sflag:s5] =	ssyncadd.s32 $0xFFFFF000  }
0x36: {  	_ =	swait.ge [sflag:s21], $0x1000  }
0x37: {  	[sflag:s21] =	ssyncset.done $0x0  }
0x38: {  	s23 =	simm.s32 $0x13;
	[sflag:s21] =	ssyncadd.s32 $0xFFFFF000  }
0x39: {  	_ =	swait.ge [sflag:s23], $0x1000  }
0x3a: {  	[sflag:s23] =	ssyncset.done $0x0  }
0x3b: {  	s25 =	simm.s32 $0x14;
	[sflag:s23] =	ssyncadd.s32 $0xFFFFF000  }
0x3c: {  	_ =	swait.ge [sflag:s25], $0x1000  }
0x3d: {  	s6 =	rddreg [dreg:$0xe]  }
0x3e: {  	s6 =	sadd.s32 $0x1, s6  }
0x3f: {  	p0 =	sne.s32 s6, $0x8  }
.Ltmp3:
0x40: {  	_ = 	snop;
	(pc) =	sbr.rel @!p0 .LBB2_6-.Ltmp3, $3  }
0x41: {  	_ =	sdelay $0x1  }
0x42: {  	[sflag:s25] =	ssyncset.done $0x0  }
0x43: {  	s21 =	simm.s32 $0x15;
	[sflag:s25] =	ssyncadd.s32 $0xFFFFF000  }
.LBB2_2:
0x44: {  	s19 =	smul.u32 $0x28, s6  }
0x45: {  	s5 =	rddreg [dreg:$0x9]  }
0x46: {  	[dreg:$0xe] =	wrdreg s6;
	s6 =	sadd.s32 s5, s19  }
0x47: {  	s23 =	rddreg [dreg:$0x5];
	s9 =	sshll.u32 s6, $0x3  }
0x48: {  	s6 =	simm.s32 $0x0;
	s19 =	sadd.s32 s23, s9  }
0x49: {  	[tilespmem:s6], [sflag:$0x15] =	stream.linear.gather [hbm4b:s19+s6], $0xA00, $0x38;
	[tilespmem:$0x1F400] =	vst v63  }
0x4a: {  	_ =	swait.ge [sflag:s21], $0xA00  }
0x4b: {  	[sflag:s21] =	ssyncset.done $0x0;
	s25 =	rddreg [dreg:$0x6]  }
0x4c: {  	s13 =	simm.s32 $0xA00;
	[sflag:s21] =	ssyncadd.s32 $0xFFFFF600;
	s9 =	sadd.s32 s25, s9  }
0x4d: {  	[tilespmem:s13], [sflag:$0x15] =	stream.linear.gather [hbm4b:s9+s6], $0xA00, $0x38;
	[tilespmem:$0x1F400] =	vst v63  }
0x4e: {  	_ =	swait.ge [sflag:s21], $0xA00  }
0x4f: {  	[sflag:s21] =	ssyncset.done $0x0  }
0x50: {  	[sflag:s21] =	ssyncadd.s32 $0xFFFFF600  }
0x51: {  	[tilespmem:s17], [sflag:$0x1] =	stream.indirect.gather [spmem:s1], $0x40, s6, s16, $0xb8;
	[tilespmem:$0x1F400] =	vst v63  }
0x52: {  	_ = 	snop  }
0x53: {  	[tilespmem:s18], [sflag:$0x2] =	stream.indirect.gather [spmem:s1], $0x40, s16, s16, $0xb8;
	[tilespmem:$0x1F400] =	vst v63  }
0x54: {  	s19 =	simm.s32 $0x80  }
0x55: {  	[tilespmem:s20], [sflag:$0x3] =	stream.indirect.gather [spmem:s1], $0x40, s19, s16, $0xb8;
	[tilespmem:$0x1F400] =	vst v63  }
0x56: {  	s21 =	simm.s32 $0xC0  }
0x57: {  	[tilespmem:s22], [sflag:$0x4] =	stream.indirect.gather [spmem:s1], $0x40, s21, s16, $0xb8;
	[tilespmem:$0x1F400] =	vst v63  }
0x58: {  	s23 =	simm.s32 $0x100  }
0x59: {  	[tilespmem:s24], [sflag:$0x5] =	stream.indirect.gather [spmem:s1], $0x40, s23, s16, $0xb8;
	[tilespmem:$0x1F400] =	vst v63  }
0x5a: {  	s25 =	simm.s32 $0x140  }
0x5b: {  	[tilespmem:s26], [sflag:$0x6] =	stream.indirect.gather [spmem:s1], $0x40, s25, s16, $0xb8;
	[tilespmem:$0x1F400] =	vst v63  }
.LBB2_3:
0x5c: {  	_ =	swait.ge [sflag:s28], $0x1000  }
0x5d: {  	s9 =	sshra.s32 s6, $0x2;
	[sflag:s28] =	ssyncset.done $0x0  }
0x5e: {  	p0 =	seq.s32 s6, $0x0;
	s19 =	sadd.s32 $0xA00, s9;
	[sflag:s28] =	ssyncadd.s32 $0xFFFFF000  }
0x5f: {  	[spmem:s3] =	stream.indirect.scatter.add.f32 [tilespmem:s17], [sflag:$0xB], $0x40, s19, s16, $0xb8;
	[tilespmem:$0x1F400] =	vst v63  }
0x60: {  	s19 =	simm.s32 @!p0 $0x11  }
0x61: {  	_ =	swait.ge @!p0 [sflag:s19], $0x1000  }
0x62: {  	[sflag:s19] =	ssyncset.done @!p0 $0x0  }
0x63: {  	s23 =	sadd.s32 $0x180, s9;
	[sflag:s19] =	ssyncadd.s32 @!p0 $0xFFFFF000  }
0x64: {  	[tilespmem:s29], [sflag:$0x7] =	stream.indirect.gather [spmem:s1], $0x40, s23, s16, $0xb8;
	[tilespmem:$0x1F400] =	vst v63  }
0x65: {  	_ =	swait.ge [sflag:s30], $0x1000  }
0x66: {  	[sflag:s30] =	ssyncset.done $0x0  }
0x67: {  	s25 =	sadd.s32 $0xA40, s9;
	s19 =	simm.s32 @!p0 $0x12;
	[sflag:s30] =	ssyncadd.s32 $0xFFFFF000  }
0x68: {  	[spmem:s3] =	stream.indirect.scatter.add.f32 [tilespmem:s18], [sflag:$0xC], $0x40, s25, s16, $0xb8;
	[tilespmem:$0x1F400] =	vst v63  }
0x69: {  	_ =	swait.ge @!p0 [sflag:s19], $0x1000  }
0x6a: {  	[sflag:s19] =	ssyncset.done @!p0 $0x0  }
0x6b: {  	s5 =	sadd.s32 $0x1C0, s9;
	[sflag:s19] =	ssyncadd.s32 @!p0 $0xFFFFF000  }
0x6c: {  	[tilespmem:s31], [sflag:$0x8] =	stream.indirect.gather [spmem:s1], $0x40, s5, s16, $0xb8;
	[tilespmem:$0x1F400] =	vst v63  }
0x6d: {  	_ =	swait.ge [sflag:s0], $0x1000  }
0x6e: {  	[sflag:s0] =	ssyncset.done $0x0  }
0x6f: {  	s13 =	sadd.s32 $0xA80, s9;
	s19 =	simm.s32 @!p0 $0x13;
	[sflag:s0] =	ssyncadd.s32 $0xFFFFF000  }
0x70: {  	[spmem:s3] =	stream.indirect.scatter.add.f32 [tilespmem:s20], [sflag:$0xD], $0x40, s13, s16, $0xb8;
	[tilespmem:$0x1F400] =	vst v63  }
0x71: {  	_ =	swait.ge @!p0 [sflag:s19], $0x1000  }
0x72: {  	[sflag:s19] =	ssyncset.done @!p0 $0x0  }
0x73: {  	s21 =	sadd.s32 $0x200, s9;
	[sflag:s19] =	ssyncadd.s32 @!p0 $0xFFFFF000  }
0x74: {  	[tilespmem:s2], [sflag:$0x9] =	stream.indirect.gather [spmem:s1], $0x40, s21, s16, $0xb8;
	[tilespmem:$0x1F400] =	vst v63  }
0x75: {  	_ =	swait.ge [sflag:s10], $0x1000  }
0x76: {  	[sflag:s10] =	ssyncset.done $0x0  }
0x77: {  	s23 =	sadd.s32 $0xAC0, s9;
	s19 =	simm.s32 @!p0 $0x14;
	[sflag:s10] =	ssyncadd.s32 $0xFFFFF000  }
0x78: {  	[spmem:s3] =	stream.indirect.scatter.add.f32 [tilespmem:s22], [sflag:$0xE], $0x40, s23, s16, $0xb8;
	[tilespmem:$0x1F400] =	vst v63  }
0x79: {  	_ =	swait.ge @!p0 [sflag:s19], $0x1000  }
0x7a: {  	[sflag:s19] =	ssyncset.done @!p0 $0x0  }
0x7b: {  	s25 =	sadd.s32 $0x240, s9;
	[sflag:s19] =	ssyncadd.s32 @!p0 $0xFFFFF000  }
0x7c: {  	[tilespmem:s11], [sflag:$0xA] =	stream.indirect.gather [spmem:s1], $0x40, s25, s16, $0xb8;
	[tilespmem:$0x1F400] =	vst v63  }
0x7d: {  	_ =	swait.ge [sflag:s12], $0x1000  }
0x7e: {  	[sflag:s12] =	ssyncset.done $0x0  }
0x7f: {  	s5 =	sadd.s32 $0xB00, s9;
	[sflag:s12] =	ssyncadd.s32 $0xFFFFF000  }
0x80: {  	[spmem:s3] =	stream.indirect.scatter.add.f32 [tilespmem:s24], [sflag:$0xF], $0x40, s5, s16, $0xb8;
	[tilespmem:$0x1F400] =	vst v63  }
0x81: {  	_ =	swait.ge [sflag:s7], $0x1000  }
0x82: {  	p0 =	seq.s32 s6, $0x1E00;
	[sflag:s7] =	ssyncset.done $0x0  }
0x83: {  	s19 =	simm.s32 @p0 $0x6;
	[sflag:s7] =	ssyncadd.s32 $0xFFFFF000  }
0x84: {  	_ =	swait.ge @p0 [sflag:s19], $0x1000  }
0x85: {  	s23 =	sshra.s32 @p0 s6, $0x2;
	s25 =	simm.s32 @p0 $0x40;
	[sflag:s19] =	ssyncset.done @p0 $0x0  }
0x86: {  	s21 =	simm.s32 @p0 $0x6400;
	[sflag:s19] =	ssyncadd.s32 @p0 $0xFFFFF000;
	s19 =	sadd.s32 @p0 $0xB40, s23  }
0x87: {  	[spmem:s3] =	stream.indirect.scatter.add.f32 @p0 [tilespmem:s21], [sflag:$0x10], $0x40, s19, s25, $0xb8;
	[tilespmem:$0x1F400] =	vst v63  }
0x88: {  	s19 =	simm.s32 @p0 $0xC  }
0x89: {  	_ =	swait.ge @p0 [sflag:s19], $0x1000  }
0x8a: {  	[sflag:s19] =	ssyncset.done @p0 $0x0  }
0x8b: {  	[sflag:s19] =	ssyncadd.s32 @p0 $0xFFFFF000;
	s19 =	simm.s32 @p0 $0x7  }
0x8c: {  	_ =	swait.ge @p0 [sflag:s19], $0x1000  }
0x8d: {  	[sflag:s19] =	ssyncset.done @p0 $0x0  }
0x8e: {  	s21 =	simm.s32 @p0 $0x7400;
	[sflag:s19] =	ssyncadd.s32 @p0 $0xFFFFF000;
	s19 =	sadd.s32 @p0 $0xB80, s23  }
0x8f: {  	[spmem:s3] =	stream.indirect.scatter.add.f32 @p0 [tilespmem:s21], [sflag:$0x11], $0x40, s19, s25, $0xb8;
	[tilespmem:$0x1F400] =	vst v63  }
0x90: {  	s19 =	simm.s32 @p0 $0xD  }
0x91: {  	_ =	swait.ge @p0 [sflag:s19], $0x1000  }
0x92: {  	[sflag:s19] =	ssyncset.done @p0 $0x0  }
0x93: {  	[sflag:s19] =	ssyncadd.s32 @p0 $0xFFFFF000;
	s19 =	sshra.s32 @!p0 s6, $0x2  }
0x94: {  	s5 =	simm.s32 @!p0 $0x1400;
	s21 =	simm.s32 @!p0 $0x40;
	s13 =	sadd.s32 @!p0 $0x280, s19  }
0x95: {  	[tilespmem:s5], [sflag:$0x1] =	stream.indirect.gather @!p0 [spmem:s1], $0x40, s13, s21, $0xb8;
	[tilespmem:$0x1F400] =	vst v63  }
0x96: {  	s5 =	simm.s32 @!p0 $0x6  }
0x97: {  	_ =	swait.ge @!p0 [sflag:s5], $0x1000  }
0x98: {  	[sflag:s5] =	ssyncset.done @!p0 $0x0  }
0x99: {  	s13 =	simm.s32 @!p0 $0x6400;
	[sflag:s5] =	ssyncadd.s32 @!p0 $0xFFFFF000;
	s5 =	sadd.s32 @!p0 $0xB40, s19  }
0x9a: {  	[spmem:s3] =	stream.indirect.scatter.add.f32 @!p0 [tilespmem:s13], [sflag:$0x10], $0x40, s5, s21, $0xb8;
	[tilespmem:$0x1F400] =	vst v63  }
0x9b: {  	s5 =	simm.s32 @!p0 $0xC  }
0x9c: {  	_ =	swait.ge @!p0 [sflag:s5], $0x1000  }
0x9d: {  	[sflag:s5] =	ssyncset.done @!p0 $0x0  }
0x9e: {  	s13 =	simm.s32 @!p0 $0x2400;
	[sflag:s5] =	ssyncadd.s32 @!p0 $0xFFFFF000;
	s5 =	sadd.s32 @!p0 $0x2C0, s19  }
0x9f: {  	[tilespmem:s13], [sflag:$0x2] =	stream.indirect.gather @!p0 [spmem:s1], $0x40, s5, s21, $0xb8;
	[tilespmem:$0x1F400] =	vst v63  }
0xa0: {  	s5 =	simm.s32 @!p0 $0x7  }
0xa1: {  	_ =	swait.ge @!p0 [sflag:s5], $0x1000  }
0xa2: {  	[sflag:s5] =	ssyncset.done @!p0 $0x0  }
0xa3: {  	s13 =	simm.s32 @!p0 $0x7400;
	[sflag:s5] =	ssyncadd.s32 @!p0 $0xFFFFF000;
	s5 =	sadd.s32 @!p0 $0xB80, s19  }
0xa4: {  	[spmem:s3] =	stream.indirect.scatter.add.f32 @!p0 [tilespmem:s13], [sflag:$0x11], $0x40, s5, s21, $0xb8;
	[tilespmem:$0x1F400] =	vst v63  }
0xa5: {  	s5 =	simm.s32 @!p0 $0xD  }
0xa6: {  	_ =	swait.ge @!p0 [sflag:s5], $0x1000  }
0xa7: {  	[sflag:s5] =	ssyncset.done @!p0 $0x0  }
0xa8: {  	s13 =	simm.s32 @!p0 $0x3400;
	[sflag:s5] =	ssyncadd.s32 @!p0 $0xFFFFF000;
	s5 =	sadd.s32 @!p0 $0x300, s19  }
0xa9: {  	[tilespmem:s13], [sflag:$0x3] =	stream.indirect.gather @!p0 [spmem:s1], $0x40, s5, s21, $0xb8;
	[tilespmem:$0x1F400] =	vst v63  }
0xaa: {  	_ =	swait.ge [sflag:s14], $0x1000  }
0xab: {  	[sflag:s14] =	ssyncset.done $0x0  }
0xac: {  	s13 =	sadd.s32 $0xBC0, s9;
	[sflag:s14] =	ssyncadd.s32 $0xFFFFF000  }
0xad: {  	[spmem:s3] =	stream.indirect.scatter.add.f32 [tilespmem:s31], [sflag:$0x12], $0x40, s13, s16, $0xb8;
	[tilespmem:$0x1F400] =	vst v63  }
0xae: {  	_ =	swait.ge [sflag:s8], $0x1000  }
0xaf: {  	[sflag:s8] =	ssyncset.done $0x0  }
0xb0: {  	s5 =	simm.s32 @p0 $0x9;
	[sflag:s8] =	ssyncadd.s32 $0xFFFFF000  }
0xb1: {  	_ =	swait.ge @p0 [sflag:s5], $0x1000  }
0xb2: {  	[sflag:s5] =	ssyncset.done @p0 $0x0  }
0xb3: {  	s13 =	simm.s32 @p0 $0x9400;
	[sflag:s5] =	ssyncadd.s32 @p0 $0xFFFFF000;
	s5 =	sadd.s32 @p0 $0xC00, s23  }
0xb4: {  	[spmem:s3] =	stream.indirect.scatter.add.f32 @p0 [tilespmem:s13], [sflag:$0x13], $0x40, s5, s25, $0xb8;
	[tilespmem:$0x1F400] =	vst v63  }
0xb5: {  	s5 =	simm.s32 @p0 $0xF  }
0xb6: {  	_ =	swait.ge @p0 [sflag:s5], $0x1000  }
0xb7: {  	[sflag:s5] =	ssyncset.done @p0 $0x0  }
0xb8: {  	s13 =	simm.s32 @!p0 $0x4400;
	[sflag:s5] =	ssyncadd.s32 @p0 $0xFFFFF000;
	s5 =	sadd.s32 @!p0 $0x340, s19  }
0xb9: {  	[tilespmem:s13], [sflag:$0x4] =	stream.indirect.gather @!p0 [spmem:s1], $0x40, s5, s21, $0xb8;
	[tilespmem:$0x1F400] =	vst v63  }
0xba: {  	s5 =	simm.s32 @!p0 $0x9  }
0xbb: {  	_ =	swait.ge @!p0 [sflag:s5], $0x1000  }
0xbc: {  	[sflag:s5] =	ssyncset.done @!p0 $0x0  }
0xbd: {  	s13 =	simm.s32 @!p0 $0x9400;
	[sflag:s5] =	ssyncadd.s32 @!p0 $0xFFFFF000;
	s5 =	sadd.s32 @!p0 $0xC00, s19  }
0xbe: {  	[spmem:s3] =	stream.indirect.scatter.add.f32 @!p0 [tilespmem:s13], [sflag:$0x13], $0x40, s5, s21, $0xb8;
	[tilespmem:$0x1F400] =	vst v63  }
0xbf: {  	s5 =	simm.s32 @!p0 $0xF  }
0xc0: {  	_ =	swait.ge @!p0 [sflag:s5], $0x1000  }
0xc1: {  	[sflag:s5] =	ssyncset.done @!p0 $0x0  }
0xc2: {  	s13 =	simm.s32 @!p0 $0x5400;
	[sflag:s5] =	ssyncadd.s32 @!p0 $0xFFFFF000;
	s5 =	sadd.s32 @!p0 $0x380, s19  }
0xc3: {  	[tilespmem:s13], [sflag:$0x5] =	stream.indirect.gather @!p0 [spmem:s1], $0x40, s5, s21, $0xb8;
	[tilespmem:$0x1F400] =	vst v63  }
0xc4: {  	_ =	swait.ge [sflag:s4], $0x1000  }
0xc5: {  	[sflag:s4] =	ssyncset.done $0x0  }
.Ltmp4:
0xc6: {  	s25 =	sadd.s32 $0xC40, s9;
	[sflag:s4] =	ssyncadd.s32 $0xFFFFF000;
	(pc) =	sbr.rel @p0 .LBB2_5-.Ltmp4, $4  }
0xc7: {  	[spmem:s3] =	stream.indirect.scatter.add.f32 [tilespmem:s11], [sflag:$0x14], $0x40, s25, s16, $0xb8;
	[tilespmem:$0x1F400] =	vst v63  }
0xc8: {  	_ =	swait.ge [sflag:s15], $0x1000  }
0xc9: {  	[sflag:s15] =	ssyncset.done $0x0  }
0xca: {  	[sflag:s15] =	ssyncadd.s32 $0xFFFFF000  }
.Ltmp5:
0xcb: {  	(pc) =	sbr.rel .LBB2_3-.Ltmp5, $3  }
0xcc: {  	_ =	sdelay $0x1  }
0xcd: {  	s5 =	sadd.s32 $0x3C0, s9;
	s6 =	sadd.s32 $0xA00, s6  }
0xce: {  	[tilespmem:s26], [sflag:$0x6] =	stream.indirect.gather [spmem:s1], $0x40, s5, s16, $0xb8;
	[tilespmem:$0x1F400] =	vst v63  }
.LBB2_7:
0xcf: {  	_ =	sfence.sel $0x180000  }
0xd0: {  	[bflag:$0x0] =	sbarrier.arrive $0xFFFF  }
0xd1: {  	_ =	strace $0x9000004D  }
0xd2: {  	s0 =	stileid.u32;
	[bflag:$0x2] =	sbarrier.arrive $0xFFFF  }
0xd3: {  	p0 =	sne.s32 s0, $0x0;
	s0 =	rddreg [dreg:$0x3]  }
0xd4: {  	s0 =	sadd.s32 @!p0 $0x100000, s0  }
0xd5: {  	[sflag:s0] =	ssyncadd.tile.s32 @!p0 $0x1;
	_ =	shalt  }
.Lfunc_end2:
_tile_overlayer_lowered:
.L_overlay_start_2:
0xd6: {  	(tag) =	ssettag $0x2  }
0xd7: {  	s0 =	rddreg [dreg:$0x0];
	s2 =	stileid.u32  }
0xd8: {  	s1 =	rddreg [dreg:$0x1];
	p0 =	sne.s32 s2, $0x0  }
0xd9: {  	s3 =	rddreg [dreg:$0x2];
	[bflag:$0x3] =	sbarrier.arrive $0xFFFF;
	s2 =	simm.s32 @!p0 $0x1C15  }
0xda: {  	[timem:s3], [sflag:s2] =	dma.local @!p0 [hbm:s0], s1  }
0xdb: {  	s0 =	simm.s32 @!p0 $0x15  }
0xdc: {  	_ =	swait.ge @!p0 [sflag:s0], s1  }
0xdd: {  	s1 =	ssub.s32 @!p0 $0x0, s1;
	[sflag:s0] =	ssyncset.done @!p0 $0x0  }
0xde: {  	[sflag:s0] =	ssyncadd.s32 @!p0 s1  }
0xdf: {  	[bflag:$0x3] =	sbarrier.arrive $0xFFFF  }
0xe0: {  	_ =	shalt  }

// kernel: kernel.19.cloned.1.call-start
scs
__scs_entry_jumppad:
0x0: {  	(pc) =	sbr.rel $0x88, $3  }
0x1: {  	(tag) =	ssettag $0x0;
	lr =	simm.s32 $0x1  }
0x2: {  	[smem:$0x3F92] =	sst lr;
	_ =	strace $0xD0000000  }
0x3: {  	_ = 	snop  }
0x4: {  	_ = 	snop  }
0x5: {  	_ = 	snop  }
0x6: {  	_ = 	snop  }
0x7: {  	_ = 	snop  }
__scs_overlays_trampoline_lowered:
0x8: {  	[smem:$0x3FA1] =	sst s0  }
0x9: {  	[smem:$0x3FA2] =	sst s1  }
0xa: {  	[smem:$0x3FA3] =	sst s2  }
0xb: {  	[smem:$0x3FA4] =	sst s3  }
0xc: {  	[smem:$0x3FA5] =	sst s4  }
0xd: {  	[smem:$0x3FA6] =	sst s5  }
0xe: {  	[smem:$0x3FA7] =	sst s6  }
0xf: {  	[smem:$0x3FA8] =	sst s7  }
0x10: {  	[smem:$0x3FA9] =	sst s8  }
0x11: {  	[smem:$0x3FAA] =	sst s9;
	s0 =	simm.s32 @!p0 $0x0  }
0x12: {  	s1 =	sld [smem:$0x3F90];
	s0 =	simm.s32 @p0 $0x1  }
0x13: {  	[smem:$0x3FAB] =	sst s0;
	s0 =	simm.s32 @!p1 $0x0  }
0x14: {  	s2 =	sld [smem:$0x3F8F];
	s0 =	simm.s32 @p1 $0x1  }
0x15: {  	[smem:$0x3FAC] =	sst s0;
	s0 =	simm.s32 @!p2 $0x0  }
0x16: {  	s3 =	sld [smem:$0x3FDB];
	s0 =	simm.s32 @p2 $0x1  }
0x17: {  	s4 =	simm.s32 $0x1BF5;
	[smem:$0x3FAE] =	sst s0  }
0x18: {  	s0 =	sld [smem:$0x3F91];
	_ =	swait.ge [sflag:s4], $0x0  }
0x19: {  	s7 =	sld [smem:$0x3F92]  }
0x1a: {  	s8 =	sadd.s32 $0xFFFFE003, lr  }
0x1b: {  	s9 =	sadd.s32 $0xFFFFFEF7, lr;
	s5 =	simm.s32 $0xFFFFFFFF;
	p2 =	slt.u32 s8, $0xFFFFF086  }
0x1c: {  	p1 =	slt.u32 s9, $0xF7A;
	s5 =	simm.s32 @!p2 $0x0  }
0x1d: {  	s5 =	simm.s32 @p1 $0x1;
	p0 =	seq.s32 s7, s2  }
0x1e: {  	s7 =	smul.u32 @!p0 $0xF7A, s2;
	p2 =	seq.s32 @!p0 s5, $0x0  }
0x1f: {  	s9 =	smul.u32 $0xF7A, s1;
	s8 =	simm.s32 @!p0 $0x1BF5;
	p2 =	por !p2, p0  }
0x20: {  	[sflag:s8] =	ssyncset.s32 @!p0 $0xFFFFF086;
	s6 =	sadd.s32 @!p0 s3, s7;
	s7 =	simm.s32 @!p0 $0x108  }
0x21: {  	s3 =	sadd.s32 s3, s9;
	s6 =	sadd.s32 @!p0 $0x88, s6;
	s7 =	simm.s32 @p2 $0x1082  }
0x22: {  	[simem:s7], [sflag:s8] =	dma.local @!p0 [hbm:s6], $0xF7A  }
0x23: {  	s9 =	sor.u32 $0xD0000000, s2;
	s6 =	simm.s32 $0x108;
	_ =	swait.ge @!p0 [sflag:s8], $0x0  }
0x24: {  	s3 =	sadd.s32 $0x88, s3;
	s6 =	simm.s32 @!p1 $0x1082;
	[sflag:s4] =	ssyncset.s32 $0xFFFFF086  }
0x25: {  	[simem:s6], [sflag:s4] =	dma.local [hbm:s3], $0xF7A  }
0x26: {  	[smem:$0x3F92] =	sst s1;
	(tag) =	ssettag s2;
	_ =	strace s9  }
0x27: {  	s1 =	sld [smem:$0x3FA2]  }
0x28: {  	s2 =	sld [smem:$0x3FA3]  }
0x29: {  	s4 =	sld [smem:$0x3FA5]  }
0x2a: {  	p0 =	seq.s32 s5, $0x0;
	s5 =	sld [smem:$0x3FA6]  }
0x2b: {  	s6 =	sld [smem:$0x3FA7]  }
0x2c: {  	s7 =	sld [smem:$0x3FA8]  }
0x2d: {  	s3 =	simm.s32 $0x108;
	s8 =	sld [smem:$0x3FA9]  }
0x2e: {  	s3 =	simm.s32 @!p0 $0x1082;
	s9 =	sld [smem:$0x3FAA]  }
0x2f: {  	lr =	sadd.s32 s0, s3;
	s0 =	sld [smem:$0x3FA1]  }
0x30: {  	s3 =	sld [smem:$0x3FA4]  }
0x31: {  	[smem:$0x3FAD] =	sst s10  }
0x32: {  	s10 =	sld [smem:$0x3FAB];
	_ =	sdelay $0x3  }
0x33: {  	p0 =	seq.s32 s10, $0x1;
	s10 =	sld [smem:$0x3FAD];
	_ =	sdelay $0x3  }
0x34: {  	[smem:$0x3FAD] =	sst s10  }
0x35: {  	s10 =	sld [smem:$0x3FAC];
	_ =	sdelay $0x3  }
0x36: {  	p1 =	seq.s32 s10, $0x1;
	s10 =	sld [smem:$0x3FAD];
	_ =	sdelay $0x3  }
0x37: {  	[smem:$0x3FAD] =	sst s10  }
0x38: {  	s10 =	sld [smem:$0x3FAE]  }
0x39: {  	_ = 	snop;
	(pc) =	sbr.ind lr, $3  }
0x3a: {  	_ = 	snop  }
0x3b: {  	_ = 	snop  }
0x3c: {  	p2 =	seq.s32 s10, $0x1;
	s10 =	sld [smem:$0x3FAD]  }
0x3d: {  	_ =	shalt  }
0x3e: {  	_ =	shalt  }
0x3f: {  	_ =	shalt  }
0x40: {  	_ =	shalt  }
0x41: {  	_ =	shalt  }
0x42: {  	_ =	shalt  }
0x43: {  	_ =	shalt  }
0x44: {  	_ =	shalt  }
0x45: {  	_ =	shalt  }
0x46: {  	_ =	shalt  }
0x47: {  	_ =	shalt  }
0x48: {  	_ =	shalt  }
0x49: {  	_ =	shalt  }
0x4a: {  	_ =	shalt  }
0x4b: {  	_ =	shalt  }
0x4c: {  	_ =	shalt  }
0x4d: {  	_ =	shalt  }
0x4e: {  	_ =	shalt  }
0x4f: {  	_ =	shalt  }
0x50: {  	_ =	shalt  }
0x51: {  	_ =	shalt  }
0x52: {  	_ =	shalt  }
0x53: {  	_ =	shalt  }
0x54: {  	_ =	shalt  }
0x55: {  	_ =	shalt  }
0x56: {  	_ =	shalt  }
0x57: {  	_ =	shalt  }
0x58: {  	_ =	shalt  }
0x59: {  	_ =	shalt  }
0x5a: {  	_ =	shalt  }
0x5b: {  	_ =	shalt  }
0x5c: {  	_ =	shalt  }
0x5d: {  	_ =	shalt  }
0x5e: {  	_ =	shalt  }
0x5f: {  	_ =	shalt  }
0x60: {  	_ =	shalt  }
0x61: {  	_ =	shalt  }
0x62: {  	_ =	shalt  }
0x63: {  	_ =	shalt  }
0x64: {  	_ =	shalt  }
0x65: {  	_ =	shalt  }
0x66: {  	_ =	shalt  }
0x67: {  	_ =	shalt  }
0x68: {  	_ =	shalt  }
0x69: {  	_ =	shalt  }
0x6a: {  	_ =	shalt  }
0x6b: {  	_ =	shalt  }
0x6c: {  	_ =	shalt  }
0x6d: {  	_ =	shalt  }
0x6e: {  	_ =	shalt  }
0x6f: {  	_ =	shalt  }
0x70: {  	_ =	shalt  }
0x71: {  	_ =	shalt  }
0x72: {  	_ =	shalt  }
0x73: {  	_ =	shalt  }
0x74: {  	_ =	shalt  }
0x75: {  	_ =	shalt  }
0x76: {  	_ =	shalt  }
0x77: {  	_ =	shalt  }
0x78: {  	_ =	shalt  }
0x79: {  	_ =	shalt  }
0x7a: {  	_ =	shalt  }
0x7b: {  	_ =	shalt  }
0x7c: {  	_ =	shalt  }
0x7d: {  	_ =	shalt  }
0x7e: {  	_ =	shalt  }
0x7f: {  	_ =	shalt  }
0x80: {  	_ =	shalt  }
0x81: {  	_ =	shalt  }
0x82: {  	_ =	shalt  }
0x83: {  	_ =	shalt  }
0x84: {  	_ =	shalt  }
0x85: {  	_ =	shalt  }
0x86: {  	_ =	shalt  }
0x87: {  	_ =	shalt  }
.Lfunc_end0:
.L_simem_size_0:
called_computation.3_lowered:
.L_overlay_start_0:
0x88: {  	s2 =	sld [smem:$0x3FD9]  }
0x89: {  	s3 =	sld [smem:$0x3FFE];
	_ =	sdelay $0x1  }
0x8a: {  	s1 =	srdreg.scid  }
0x8b: {  	s0 =	sand.u32 $0x1, s1  }
0x8c: {  	s16 =	sshll.u32 s0, $0xA;
	s2 =	sadd.s32 s3, s2  }
0x8d: {  	s2 =	sadd.s32 s2, s16  }
0x8e: {  	[smem:$0x3FB9] =	sst s2  }
0x8f: {  	_ = 	snop  }
0x90: {  	(tm) =	ssettm $0x1  }
0x91: {  	s17 =	sld [smem:$0x3FFB];
	_ =	sdelay $0x3  }
0x92: {  	_ =	strace s17  }
0x93: {  	s2 =	sld [smem:$0x3FFC];
	_ =	sdelay $0x3  }
0x94: {  	_ =	strace s2  }
0x95: {  	s2 =	sld [smem:$0x3FFD];
	_ =	sdelay $0x3  }
0x96: {  	_ =	strace s2  }
0x97: {  	_ =	strace $0x8FFFFFFF  }
0x98: {  	s18 =	sld [smem:$0x3FDB];
	_ =	sdelay $0x1  }
0x99: {  	s19 =	simm.s32 $_scs_section_size  }
0x9a: {  	s4 =	simm.s32 $_size__tile_overlayer_lowered;
	s5 =	simm.s32 $_tile_overlayer_lowered  }
0x9b: {  	s22 =	simm.s32 $0x1BFF;
	s21 =	sshll.u32 s5, $0x1;
	s2 =	sadd.s32 s19, s18  }
0x9c: {  	s6 =	simm.s32 $0x0;
	s20 =	sshll.u32 s4, $0x1;
	s4 =	sadd.s32 s21, s2  }
0x9d: {  	[timem:s6], [sflag:s22] =	dma.local [hbm:s4], s20  }
0x9e: {  	_ =	swait.ge [sflag:s22], s20  }
0x9f: {  	s3 =	ssub.s32 $0x0, s20;
	[sflag:s22] =	ssyncset.done $0x0  }
0xa0: {  	[sflag:s22] =	ssyncadd.s32 s3;
	_ =	sdelay $0x1  }
0xa1: {  	s23 =	simm.s32 $0x1B8B  }
0xa2: {  	_ =	swait.ge [sflag:s23], $0x1  }
0xa3: {  	[sflag:s23] =	ssyncset.done $0x0  }
0xa4: {  	s25 =	simm.s32 $0x1B8E;
	s24 =	sld [smem:$0x3FFE];
	[sflag:s23] =	ssyncadd.s32 $0xFFFFFFFF  }
0xa5: {  	s26 =	simm.s32 $execute0_lowered;
	[smem:$0x3FD2] =	sst s25  }
0xa6: {  	s4 =	sshll.u32 s26, $0x1;
	_ =	strace $0x8000004F;
	[dreg:$0x1] =	wrdreg $0xFFFFFFFF  }
0xa7: {  	s28 =	simm.s32 $_size_execute0_lowered;
	s2 =	sadd.s32 s2, s4;
	[dreg:$0x0] =	wrdreg $0x0  }
0xa8: {  	s4 =	sshll.u32 s28, $0x1;
	[dreg:$0x2] =	wrdreg s2  }
0xa9: {  	[dreg:$0x3] =	wrdreg s4  }
0xaa: {  	[dreg:$0x4] =	wrdreg $0xC0  }
0xab: {  	_ =	task [dreg:s6], $0x5FFFF  }
0xac: {  	[dreg:$0x1] =	wrdreg $0xFFFFFFFF  }
0xad: {  	[dreg:$0x0] =	wrdreg $0x60  }
0xae: {  	[dreg:$0x2] =	wrdreg s24  }
0xaf: {  	[dreg:$0x3] =	wrdreg $0x64000  }
0xb0: {  	[dreg:$0x4] =	wrdreg $0xB4000  }
0xb1: {  	[dreg:$0x5] =	wrdreg $0x9  }
0xb2: {  	_ =	task.clear_ibuf [dreg:s6], $0x6FFFF;
	_ =	strace $0x9000004F  }
0xb3: {  	s29 =	simm.s32 $0x9;
	_ =	strace $0x80000051  }
0xb4: {  	_ =	swait.ge [sflag:s29], $0x1  }
0xb5: {  	[sflag:s29] =	ssyncadd.s32 $0xFFFFFFFF  }
0xb6: {  	_ =	strace $0x90000051  }
0xb7: {  	_ =	sfence  }
0xb8: {  	s30 =	sld [smem:$0x0];
	_ =	sdelay $0x2  }
0xb9: {  	s31 =	sshll.u32 s1, $0xD;
	s1 =	sshrl.u32 s1, $0x2  }
0xba: {  	s3 =	sand.u32 $0x4000, s31;
	s1 =	sadd.s32 s1, s30  }
0xbb: {  	s0 =	sor.u32 s3, s0;
	s1 =	sshll.u32 s1, $0x11  }
0xbc: {  	s0 =	sor.u32 s1, s0  }
0xbd: {  	s0 =	sadd.s32 $0x8F2B, s0  }
0xbe: {  	[sflag:s0] =	ssyncadd.remote.s32 $0x1  }
0xbf: {  	_ =	sfence.sel $0xFFFF  }
0xc0: {  	[dreg:$0x0] =	wrdreg $0xFFFFFFFF;
	(pc) =	sbr.abs _section_cstart, $3  }
0xc1: {  	[dreg:$0x1] =	wrdreg $0xFFFFFFFF  }
0xc2: {  	_ =	task.clear_ibuf [dreg:s6], $0x2FFFF;
	_ =	strace $0x9FFFFFFF  }
0xc3: {  	(tm) =	ssettm $0x7FFFFFFF  }
tec
execute0_lowered:
.L_overlay_start_1:
0x0: {  	(tag) =	ssettag $0x1  }
0x1: {  	s0 =	rddreg [dreg:$0x0]  }
0x2: {  	s1 =	rddreg [dreg:$0x1]  }
0x3: {  	s2 =	srdreg.scid;
	s3 =	rddreg [dreg:$0x2];
	s9 =	simm.s32 $0x0  }
0x4: {  	s8 =	stileid.u32;
	s16 =	simm.s32 $0x40;
	s17 =	simm.s32 $0x1400  }
0x5: {  	s28 =	simm.s32 $0x1;
	s29 =	simm.s32 $0x4400;
	s30 =	simm.s32 $0x2  }
0x6: {  	s31 =	simm.s32 $0x4C00;
	s10 =	simm.s32 $0x4;
	s11 =	simm.s32 $0x5C00  }
0x7: {  	s12 =	simm.s32 $0x5;
	s14 =	simm.s32 $0x8;
	s15 =	simm.s32 $0x10  }
0x8: {  	s2 =	sand.u32 $0x1, s2;
	[smem:$0x7FF] =	sst s9;
	s6 =	smul.u32 $0x5000, s8  }
0x9: {  	s7 =	sadd.s32 $0x17800, s0;
	s18 =	sadd.s32 $0xD800, s0;
	s24 =	smul.u32 $0x140, s8  }
0xa: {  	s22 =	sshll.u32 s8, $0x6;
	s8 =	simm.s32 $0xE;
	s4 =	smul.u32 $0x50000, s2  }
0xb: {  	_ =	strace $0x80000050;
	[dreg:$0x5] =	wrdreg s7;
	s2 =	ssub.s32 $0x2, s2  }
0xc: {  	[dreg:$0x6] =	wrdreg s18;
	s13 =	sor.u32 $0x1C15, s22;
	s18 =	simm.s32 $0x1C00  }
0xd: {  	s22 =	simm.s32 $0x2C00;
	s7 =	simm.s32 $0xB;
	s19 =	sshrl.u32 s2, $0x1  }
0xe: {  	s20 =	sshrl.u32 s6, $0x3;
	s21 =	sadd.s32 s6, s1;
	[dreg:$0x9] =	wrdreg s24  }
0xf: {  	s23 =	sadd.s32 s6, s3;
	s24 =	simm.s32 $0x3400;
	[dreg:$0x8] =	wrdreg s13  }
0x10: {  	s5 =	sshrl.u32 s4, $0x3;
	s4 =	sadd.s32 s6, s4;
	s2 =	ssub.s32 s2, s19  }
0x11: {  	s26 =	sshrl.u32 s21, $0x3;
	s21 =	simm.s32 $0x15;
	s19 =	sshrl.u32 s23, $0x3  }
0x12: {  	s5 =	sadd.s32 s5, s0;
	s4 =	sshrl.u32 s4, $0x3;
	s25 =	smax.u32 s2, $0x1  }
.Ltmp0:
0x13: {  	[dreg:$0xc] =	wrdreg s26;
	s26 =	simm.s32 $0x3C00;
	(pc) =	sbr.rel .LBB2_1-.Ltmp0, $4  }
0x14: {  	[dreg:$0xd] =	wrdreg s19;
	s0 =	sadd.s32 s4, s0;
	s4 =	sadd.s32 s20, s5  }
0x15: {  	s2 =	simm.s32 $0x5400;
	[dreg:$0xb] =	wrdreg s25;
	s4 =	sadd.s32 $0x21800, s4  }
0x16: {  	s20 =	simm.s32 $0x2400;
	s0 =	sadd.s32 $0x35800, s0;
	[dreg:$0x7] =	wrdreg s4  }
0x17: {  	[dreg:$0xa] =	wrdreg s0;
	s0 =	simm.s32 $0x3;
	s4 =	simm.s32 $0xA  }
.LBB2_6:
0x18: {  	[bflag:$0x0] =	sbarrier.arrive $0xFFFF  }
0x19: {  	s13 =	rddreg [dreg:$0x8]  }
0x1a: {  	s5 =	rddreg [dreg:$0xa]  }
0x1b: {  	s19 =	rddreg [dreg:$0xd]  }
0x1c: {  	[hbm:s5], [sflag:s13] =	dma.local [spmem:s19], $0xA00  }
0x1d: {  	_ =	swait.ge [sflag:s21], $0xA00  }
0x1e: {  	s9 =	rddreg [dreg:$0x4]  }
0x1f: {  	s25 =	rddreg [dreg:$0xb];
	s9 =	sadd.s32 $0x1, s9  }
0x20: {  	p0 =	sne.s32 s9, s25  }
.Ltmp1:
0x21: {  	_ = 	snop;
	(pc) =	sbr.rel @!p0 .LBB2_7-.Ltmp1, $3  }
0x22: {  	_ =	sdelay $0x1  }
0x23: {  	[sflag:s21] =	ssyncset.done $0x0  }
0x24: {  	[sflag:s21] =	ssyncadd.s32 $0xFFFFF600  }
.LBB2_1:
0x25: {  	[dreg:$0x4] =	wrdreg s9  }
0x26: {  	s5 =	rddreg [dreg:$0x7]  }
0x27: {  	s6 =	rddreg [dreg:$0xc]  }
0x28: {  	[spmem:s6], [sflag:s13] =	dma.local [hbm:s5], $0xA00  }
0x29: {  	_ =	swait.ge [sflag:s21], $0xA00  }
0x2a: {  	[sflag:s21] =	ssyncset.done $0x0  }
0x2b: {  	[sflag:s21] =	ssyncadd.s32 $0xFFFFF600  }
0x2c: {  	[spmem:s19], [sflag:s13] =	dma.local [hbm:s5], $0xA00  }
.Ltmp2:
0x2d: {  	_ =	swait.ge [sflag:s21], $0xA00;
	(pc) =	sbr.rel .LBB2_2-.Ltmp2, $4  }
0x2e: {  	[sflag:s21] =	ssyncset.done $0x0  }
0x2f: {  	[sflag:s21] =	ssyncadd.s32 $0xFFFFF600  }
0x30: {  	[bflag:$0x0] =	sbarrier.arrive $0xFFFF  }
0x31: {  	s6 =	simm.s32 $0x0  }
.LBB2_5:
0x32: {  	s5 =	simm.s32 $0x11  }
0x33: {  	_ =	swait.ge [sflag:s5], $0x800  }
0x34: {  	[sflag:s5] =	ssyncset.done $0x0  }
0x35: {  	s21 =	simm.s32 $0x12;
	[sflag:s5] =	ssyncadd.s32 $0xFFFFF800  }
0x36: {  	_ =	swait.ge [sflag:s21], $0x800  }
0x37: {  	[sflag:s21] =	ssyncset.done $0x0  }
0x38: {  	s23 =	simm.s32 $0x13;
	[sflag:s21] =	ssyncadd.s32 $0xFFFFF800  }
0x39: {  	_ =	swait.ge [sflag:s23], $0x800  }
0x3a: {  	[sflag:s23] =	ssyncset.done $0x0  }
0x3b: {  	s25 =	simm.s32 $0x14;
	[sflag:s23] =	ssyncadd.s32 $0xFFFFF800  }
0x3c: {  	_ =	swait.ge [sflag:s25], $0x800  }
0x3d: {  	s6 =	rddreg [dreg:$0xe]  }
0x3e: {  	s6 =	sadd.s32 $0x1, s6  }
0x3f: {  	p0 =	sne.s32 s6, $0x8  }
.Ltmp3:
0x40: {  	_ = 	snop;
	(pc) =	sbr.rel @!p0 .LBB2_6-.Ltmp3, $3  }
0x41: {  	_ =	sdelay $0x1  }
0x42: {  	[sflag:s25] =	ssyncset.done $0x0  }
0x43: {  	s21 =	simm.s32 $0x15;
	[sflag:s25] =	ssyncadd.s32 $0xFFFFF800  }
.LBB2_2:
0x44: {  	s19 =	smul.u32 $0x28, s6  }
0x45: {  	s5 =	rddreg [dreg:$0x9]  }
0x46: {  	[dreg:$0xe] =	wrdreg s6;
	s6 =	sadd.s32 s5, s19  }
0x47: {  	s23 =	rddreg [dreg:$0x5];
	s9 =	sshll.u32 s6, $0x3  }
0x48: {  	s6 =	simm.s32 $0x0;
	s19 =	sadd.s32 s23, s9  }
0x49: {  	[tilespmem:s6], [sflag:$0x15] =	stream.linear.gather [hbm4b:s19+s6], $0xA00, $0x38;
	[tilespmem:$0x10400] =	vst v63  }
0x4a: {  	_ =	swait.ge [sflag:s21], $0xA00  }
0x4b: {  	[sflag:s21] =	ssyncset.done $0x0;
	s25 =	rddreg [dreg:$0x6]  }
0x4c: {  	s13 =	simm.s32 $0xA00;
	[sflag:s21] =	ssyncadd.s32 $0xFFFFF600;
	s9 =	sadd.s32 s25, s9  }
0x4d: {  	[tilespmem:s13], [sflag:$0x15] =	stream.linear.gather [hbm4b:s9+s6], $0xA00, $0x38;
	[tilespmem:$0x10400] =	vst v63  }
0x4e: {  	_ =	swait.ge [sflag:s21], $0xA00  }
0x4f: {  	[sflag:s21] =	ssyncset.done $0x0  }
0x50: {  	[sflag:s21] =	ssyncadd.s32 $0xFFFFF600  }
0x51: {  	[tilespmem:s17], [sflag:$0x1] =	stream.indirect.gather [spmem:s1], $0x20, s6, s16, $0xb8;
	[tilespmem:$0x10400] =	vst v63  }
0x52: {  	_ = 	snop  }
0x53: {  	[tilespmem:s18], [sflag:$0x2] =	stream.indirect.gather [spmem:s1], $0x20, s16, s16, $0xb8;
	[tilespmem:$0x10400] =	vst v63  }
0x54: {  	s19 =	simm.s32 $0x80  }
0x55: {  	[tilespmem:s20], [sflag:$0x3] =	stream.indirect.gather [spmem:s1], $0x20, s19, s16, $0xb8;
	[tilespmem:$0x10400] =	vst v63  }
0x56: {  	s21 =	simm.s32 $0xC0  }
0x57: {  	[tilespmem:s22], [sflag:$0x4] =	stream.indirect.gather [spmem:s1], $0x20, s21, s16, $0xb8;
	[tilespmem:$0x10400] =	vst v63  }
0x58: {  	s23 =	simm.s32 $0x100  }
0x59: {  	[tilespmem:s24], [sflag:$0x5] =	stream.indirect.gather [spmem:s1], $0x20, s23, s16, $0xb8;
	[tilespmem:$0x10400] =	vst v63  }
0x5a: {  	s25 =	simm.s32 $0x140  }
0x5b: {  	[tilespmem:s26], [sflag:$0x6] =	stream.indirect.gather [spmem:s1], $0x20, s25, s16, $0xb8;
	[tilespmem:$0x10400] =	vst v63  }
.LBB2_3:
0x5c: {  	_ =	swait.ge [sflag:s28], $0x800  }
0x5d: {  	s9 =	sshra.s32 s6, $0x2;
	[sflag:s28] =	ssyncset.done $0x0  }
0x5e: {  	p0 =	seq.s32 s6, $0x0;
	s19 =	sadd.s32 $0xA00, s9;
	[sflag:s28] =	ssyncadd.s32 $0xFFFFF800  }
0x5f: {  	[spmem:s3] =	stream.indirect.scatter.add.f32 [tilespmem:s17], [sflag:$0xB], $0x20, s19, s16, $0xb8;
	[tilespmem:$0x10400] =	vst v63  }
0x60: {  	s19 =	simm.s32 @!p0 $0x11  }
0x61: {  	_ =	swait.ge @!p0 [sflag:s19], $0x800  }
0x62: {  	[sflag:s19] =	ssyncset.done @!p0 $0x0  }
0x63: {  	s23 =	sadd.s32 $0x180, s9;
	[sflag:s19] =	ssyncadd.s32 @!p0 $0xFFFFF800  }
0x64: {  	[tilespmem:s29], [sflag:$0x7] =	stream.indirect.gather [spmem:s1], $0x20, s23, s16, $0xb8;
	[tilespmem:$0x10400] =	vst v63  }
0x65: {  	_ =	swait.ge [sflag:s30], $0x800  }
0x66: {  	[sflag:s30] =	ssyncset.done $0x0  }
0x67: {  	s25 =	sadd.s32 $0xA40, s9;
	s19 =	simm.s32 @!p0 $0x12;
	[sflag:s30] =	ssyncadd.s32 $0xFFFFF800  }
0x68: {  	[spmem:s3] =	stream.indirect.scatter.add.f32 [tilespmem:s18], [sflag:$0xC], $0x20, s25, s16, $0xb8;
	[tilespmem:$0x10400] =	vst v63  }
0x69: {  	_ =	swait.ge @!p0 [sflag:s19], $0x800  }
0x6a: {  	[sflag:s19] =	ssyncset.done @!p0 $0x0  }
0x6b: {  	s5 =	sadd.s32 $0x1C0, s9;
	[sflag:s19] =	ssyncadd.s32 @!p0 $0xFFFFF800  }
0x6c: {  	[tilespmem:s31], [sflag:$0x8] =	stream.indirect.gather [spmem:s1], $0x20, s5, s16, $0xb8;
	[tilespmem:$0x10400] =	vst v63  }
0x6d: {  	_ =	swait.ge [sflag:s0], $0x800  }
0x6e: {  	[sflag:s0] =	ssyncset.done $0x0  }
0x6f: {  	s13 =	sadd.s32 $0xA80, s9;
	s19 =	simm.s32 @!p0 $0x13;
	[sflag:s0] =	ssyncadd.s32 $0xFFFFF800  }
0x70: {  	[spmem:s3] =	stream.indirect.scatter.add.f32 [tilespmem:s20], [sflag:$0xD], $0x20, s13, s16, $0xb8;
	[tilespmem:$0x10400] =	vst v63  }
0x71: {  	_ =	swait.ge @!p0 [sflag:s19], $0x800  }
0x72: {  	[sflag:s19] =	ssyncset.done @!p0 $0x0  }
0x73: {  	s21 =	sadd.s32 $0x200, s9;
	[sflag:s19] =	ssyncadd.s32 @!p0 $0xFFFFF800  }
0x74: {  	[tilespmem:s2], [sflag:$0x9] =	stream.indirect.gather [spmem:s1], $0x20, s21, s16, $0xb8;
	[tilespmem:$0x10400] =	vst v63  }
0x75: {  	_ =	swait.ge [sflag:s10], $0x800  }
0x76: {  	[sflag:s10] =	ssyncset.done $0x0  }
0x77: {  	s23 =	sadd.s32 $0xAC0, s9;
	s19 =	simm.s32 @!p0 $0x14;
	[sflag:s10] =	ssyncadd.s32 $0xFFFFF800  }
0x78: {  	[spmem:s3] =	stream.indirect.scatter.add.f32 [tilespmem:s22], [sflag:$0xE], $0x20, s23, s16, $0xb8;
	[tilespmem:$0x10400] =	vst v63  }
0x79: {  	_ =	swait.ge @!p0 [sflag:s19], $0x800  }
0x7a: {  	[sflag:s19] =	ssyncset.done @!p0 $0x0  }
0x7b: {  	s25 =	sadd.s32 $0x240, s9;
	[sflag:s19] =	ssyncadd.s32 @!p0 $0xFFFFF800  }
0x7c: {  	[tilespmem:s11], [sflag:$0xA] =	stream.indirect.gather [spmem:s1], $0x20, s25, s16, $0xb8;
	[tilespmem:$0x10400] =	vst v63  }
0x7d: {  	_ =	swait.ge [sflag:s12], $0x800  }
0x7e: {  	[sflag:s12] =	ssyncset.done $0x0  }
0x7f: {  	s5 =	sadd.s32 $0xB00, s9;
	[sflag:s12] =	ssyncadd.s32 $0xFFFFF800  }
0x80: {  	[spmem:s3] =	stream.indirect.scatter.add.f32 [tilespmem:s24], [sflag:$0xF], $0x20, s5, s16, $0xb8;
	[tilespmem:$0x10400] =	vst v63  }
0x81: {  	_ =	swait.ge [sflag:s7], $0x800  }
0x82: {  	p0 =	seq.s32 s6, $0x1E00;
	[sflag:s7] =	ssyncset.done $0x0  }
0x83: {  	s19 =	simm.s32 @p0 $0x6;
	[sflag:s7] =	ssyncadd.s32 $0xFFFFF800  }
0x84: {  	_ =	swait.ge @p0 [sflag:s19], $0x800  }
0x85: {  	s23 =	sshra.s32 @p0 s6, $0x2;
	s25 =	simm.s32 @p0 $0x40;
	[sflag:s19] =	ssyncset.done @p0 $0x0  }
0x86: {  	s21 =	simm.s32 @p0 $0x3C00;
	[sflag:s19] =	ssyncadd.s32 @p0 $0xFFFFF800;
	s19 =	sadd.s32 @p0 $0xB40, s23  }
0x87: {  	[spmem:s3] =	stream.indirect.scatter.add.f32 @p0 [tilespmem:s21], [sflag:$0x10], $0x20, s19, s25, $0xb8;
	[tilespmem:$0x10400] =	vst v63  }
0x88: {  	s19 =	simm.s32 @p0 $0xC  }
0x89: {  	_ =	swait.ge @p0 [sflag:s19], $0x800  }
0x8a: {  	[sflag:s19] =	ssyncset.done @p0 $0x0  }
0x8b: {  	[sflag:s19] =	ssyncadd.s32 @p0 $0xFFFFF800;
	s19 =	simm.s32 @p0 $0x7  }
0x8c: {  	_ =	swait.ge @p0 [sflag:s19], $0x800  }
0x8d: {  	[sflag:s19] =	ssyncset.done @p0 $0x0  }
0x8e: {  	s21 =	simm.s32 @p0 $0x4400;
	[sflag:s19] =	ssyncadd.s32 @p0 $0xFFFFF800;
	s19 =	sadd.s32 @p0 $0xB80, s23  }
0x8f: {  	[spmem:s3] =	stream.indirect.scatter.add.f32 @p0 [tilespmem:s21], [sflag:$0x11], $0x20, s19, s25, $0xb8;
	[tilespmem:$0x10400] =	vst v63  }
0x90: {  	s19 =	simm.s32 @p0 $0xD  }
0x91: {  	_ =	swait.ge @p0 [sflag:s19], $0x800  }
0x92: {  	[sflag:s19] =	ssyncset.done @p0 $0x0  }
0x93: {  	[sflag:s19] =	ssyncadd.s32 @p0 $0xFFFFF800;
	s19 =	sshra.s32 @!p0 s6, $0x2  }
0x94: {  	s5 =	simm.s32 @!p0 $0x1400;
	s21 =	simm.s32 @!p0 $0x40;
	s13 =	sadd.s32 @!p0 $0x280, s19  }
0x95: {  	[tilespmem:s5], [sflag:$0x1] =	stream.indirect.gather @!p0 [spmem:s1], $0x20, s13, s21, $0xb8;
	[tilespmem:$0x10400] =	vst v63  }
0x96: {  	s5 =	simm.s32 @!p0 $0x6  }
0x97: {  	_ =	swait.ge @!p0 [sflag:s5], $0x800  }
0x98: {  	[sflag:s5] =	ssyncset.done @!p0 $0x0  }
0x99: {  	s13 =	simm.s32 @!p0 $0x3C00;
	[sflag:s5] =	ssyncadd.s32 @!p0 $0xFFFFF800;
	s5 =	sadd.s32 @!p0 $0xB40, s19  }
0x9a: {  	[spmem:s3] =	stream.indirect.scatter.add.f32 @!p0 [tilespmem:s13], [sflag:$0x10], $0x20, s5, s21, $0xb8;
	[tilespmem:$0x10400] =	vst v63  }
0x9b: {  	s5 =	simm.s32 @!p0 $0xC  }
0x9c: {  	_ =	swait.ge @!p0 [sflag:s5], $0x800  }
0x9d: {  	[sflag:s5] =	ssyncset.done @!p0 $0x0  }
0x9e: {  	s13 =	simm.s32 @!p0 $0x1C00;
	[sflag:s5] =	ssyncadd.s32 @!p0 $0xFFFFF800;
	s5 =	sadd.s32 @!p0 $0x2C0, s19  }
0x9f: {  	[tilespmem:s13], [sflag:$0x2] =	stream.indirect.gather @!p0 [spmem:s1], $0x20, s5, s21, $0xb8;
	[tilespmem:$0x10400] =	vst v63  }
0xa0: {  	s5 =	simm.s32 @!p0 $0x7  }
0xa1: {  	_ =	swait.ge @!p0 [sflag:s5], $0x800  }
0xa2: {  	[sflag:s5] =	ssyncset.done @!p0 $0x0  }
0xa3: {  	s13 =	simm.s32 @!p0 $0x4400;
	[sflag:s5] =	ssyncadd.s32 @!p0 $0xFFFFF800;
	s5 =	sadd.s32 @!p0 $0xB80, s19  }
0xa4: {  	[spmem:s3] =	stream.indirect.scatter.add.f32 @!p0 [tilespmem:s13], [sflag:$0x11], $0x20, s5, s21, $0xb8;
	[tilespmem:$0x10400] =	vst v63  }
0xa5: {  	s5 =	simm.s32 @!p0 $0xD  }
0xa6: {  	_ =	swait.ge @!p0 [sflag:s5], $0x800  }
0xa7: {  	[sflag:s5] =	ssyncset.done @!p0 $0x0  }
0xa8: {  	s13 =	simm.s32 @!p0 $0x2400;
	[sflag:s5] =	ssyncadd.s32 @!p0 $0xFFFFF800;
	s5 =	sadd.s32 @!p0 $0x300, s19  }
0xa9: {  	[tilespmem:s13], [sflag:$0x3] =	stream.indirect.gather @!p0 [spmem:s1], $0x20, s5, s21, $0xb8;
	[tilespmem:$0x10400] =	vst v63  }
0xaa: {  	_ =	swait.ge [sflag:s14], $0x800  }
0xab: {  	[sflag:s14] =	ssyncset.done $0x0  }
0xac: {  	s13 =	sadd.s32 $0xBC0, s9;
	[sflag:s14] =	ssyncadd.s32 $0xFFFFF800  }
0xad: {  	[spmem:s3] =	stream.indirect.scatter.add.f32 [tilespmem:s31], [sflag:$0x12], $0x20, s13, s16, $0xb8;
	[tilespmem:$0x10400] =	vst v63  }
0xae: {  	_ =	swait.ge [sflag:s8], $0x800  }
0xaf: {  	[sflag:s8] =	ssyncset.done $0x0  }
0xb0: {  	s5 =	simm.s32 @p0 $0x9;
	[sflag:s8] =	ssyncadd.s32 $0xFFFFF800  }
0xb1: {  	_ =	swait.ge @p0 [sflag:s5], $0x800  }
0xb2: {  	[sflag:s5] =	ssyncset.done @p0 $0x0  }
0xb3: {  	s13 =	simm.s32 @p0 $0x5400;
	[sflag:s5] =	ssyncadd.s32 @p0 $0xFFFFF800;
	s5 =	sadd.s32 @p0 $0xC00, s23  }
0xb4: {  	[spmem:s3] =	stream.indirect.scatter.add.f32 @p0 [tilespmem:s13], [sflag:$0x13], $0x20, s5, s25, $0xb8;
	[tilespmem:$0x10400] =	vst v63  }
0xb5: {  	s5 =	simm.s32 @p0 $0xF  }
0xb6: {  	_ =	swait.ge @p0 [sflag:s5], $0x800  }
0xb7: {  	[sflag:s5] =	ssyncset.done @p0 $0x0  }
0xb8: {  	s13 =	simm.s32 @!p0 $0x2C00;
	[sflag:s5] =	ssyncadd.s32 @p0 $0xFFFFF800;
	s5 =	sadd.s32 @!p0 $0x340, s19  }
0xb9: {  	[tilespmem:s13], [sflag:$0x4] =	stream.indirect.gather @!p0 [spmem:s1], $0x20, s5, s21, $0xb8;
	[tilespmem:$0x10400] =	vst v63  }
0xba: {  	s5 =	simm.s32 @!p0 $0x9  }
0xbb: {  	_ =	swait.ge @!p0 [sflag:s5], $0x800  }
0xbc: {  	[sflag:s5] =	ssyncset.done @!p0 $0x0  }
0xbd: {  	s13 =	simm.s32 @!p0 $0x5400;
	[sflag:s5] =	ssyncadd.s32 @!p0 $0xFFFFF800;
	s5 =	sadd.s32 @!p0 $0xC00, s19  }
0xbe: {  	[spmem:s3] =	stream.indirect.scatter.add.f32 @!p0 [tilespmem:s13], [sflag:$0x13], $0x20, s5, s21, $0xb8;
	[tilespmem:$0x10400] =	vst v63  }
0xbf: {  	s5 =	simm.s32 @!p0 $0xF  }
0xc0: {  	_ =	swait.ge @!p0 [sflag:s5], $0x800  }
0xc1: {  	[sflag:s5] =	ssyncset.done @!p0 $0x0  }
0xc2: {  	s13 =	simm.s32 @!p0 $0x3400;
	[sflag:s5] =	ssyncadd.s32 @!p0 $0xFFFFF800;
	s5 =	sadd.s32 @!p0 $0x380, s19  }
0xc3: {  	[tilespmem:s13], [sflag:$0x5] =	stream.indirect.gather @!p0 [spmem:s1], $0x20, s5, s21, $0xb8;
	[tilespmem:$0x10400] =	vst v63  }
0xc4: {  	_ =	swait.ge [sflag:s4], $0x800  }
0xc5: {  	[sflag:s4] =	ssyncset.done $0x0  }
.Ltmp4:
0xc6: {  	s25 =	sadd.s32 $0xC40, s9;
	[sflag:s4] =	ssyncadd.s32 $0xFFFFF800;
	(pc) =	sbr.rel @p0 .LBB2_5-.Ltmp4, $4  }
0xc7: {  	[spmem:s3] =	stream.indirect.scatter.add.f32 [tilespmem:s11], [sflag:$0x14], $0x20, s25, s16, $0xb8;
	[tilespmem:$0x10400] =	vst v63  }
0xc8: {  	_ =	swait.ge [sflag:s15], $0x800  }
0xc9: {  	[sflag:s15] =	ssyncset.done $0x0  }
0xca: {  	[sflag:s15] =	ssyncadd.s32 $0xFFFFF800  }
.Ltmp5:
0xcb: {  	(pc) =	sbr.rel .LBB2_3-.Ltmp5, $3  }
0xcc: {  	_ =	sdelay $0x1  }
0xcd: {  	s5 =	sadd.s32 $0x3C0, s9;
	s6 =	sadd.s32 $0xA00, s6  }
0xce: {  	[tilespmem:s26], [sflag:$0x6] =	stream.indirect.gather [spmem:s1], $0x20, s5, s16, $0xb8;
	[tilespmem:$0x10400] =	vst v63  }
.LBB2_7:
0xcf: {  	_ =	sfence.sel $0x180000  }
0xd0: {  	[bflag:$0x0] =	sbarrier.arrive $0xFFFF  }
0xd1: {  	_ =	strace $0x90000050  }
0xd2: {  	s0 =	stileid.u32;
	[bflag:$0x2] =	sbarrier.arrive $0xFFFF  }
0xd3: {  	p0 =	sne.s32 s0, $0x0;
	s0 =	rddreg [dreg:$0x3]  }
0xd4: {  	s0 =	sadd.s32 @!p0 $0x100000, s0  }
0xd5: {  	[sflag:s0] =	ssyncadd.tile.s32 @!p0 $0x1;
	_ =	shalt  }
.Lfunc_end2:
_tile_overlayer_lowered:
.L_overlay_start_2:
0xd6: {  	(tag) =	ssettag $0x2  }
0xd7: {  	s0 =	rddreg [dreg:$0x0];
	s2 =	stileid.u32  }
0xd8: {  	s1 =	rddreg [dreg:$0x1];
	p0 =	sne.s32 s2, $0x0  }
0xd9: {  	s3 =	rddreg [dreg:$0x2];
	[bflag:$0x3] =	sbarrier.arrive $0xFFFF;
	s2 =	simm.s32 @!p0 $0x1C15  }
0xda: {  	[timem:s3], [sflag:s2] =	dma.local @!p0 [hbm:s0], s1  }
0xdb: {  	s0 =	simm.s32 @!p0 $0x15  }
0xdc: {  	_ =	swait.ge @!p0 [sflag:s0], s1  }
0xdd: {  	s1 =	ssub.s32 @!p0 $0x0, s1;
	[sflag:s0] =	ssyncset.done @!p0 $0x0  }
0xde: {  	[sflag:s0] =	ssyncadd.s32 @!p0 s1  }
0xdf: {  	[bflag:$0x3] =	sbarrier.arrive $0xFFFF  }
0xe0: {  	_ =	shalt  }

</sc_bundles>
